<compile_context>
chip_gen: v7x
topology: tpu7x:2x2x1
jax: 0.10.2.dev20260603
libtpu: 0.0.44.dev20260713+nightly
codegen_flags: <defaults>
</compile_context>

<pallas_src>
import functools

import jax
import jax.numpy as jnp
from jax import lax
from jax.experimental import pallas as pl
from jax.experimental.pallas import tpu as pltpu
from jax.experimental.pallas import tpu_sc as plsc

_EMB_DIM = 64
_BATCH = 4096
_HIST = 200

_INFO = plsc.get_sparse_core_info()
_NC = _INFO.num_cores
_NS = _INFO.num_subcores
_NW = _NC * _NS
_SLAB = _BATCH // _NW


def _body(idx_hbm, table_hbm, out_hbm, idx_v, rows0, rows1, y0, y1,
          gsem, osem):
    wid = lax.axis_index("s") * _NC + lax.axis_index("c")
    b0 = wid * _SLAB

    iota = jax.lax.iota(jnp.int32, 16)

    def gather_start(l, rows, sb):
        pltpu.async_copy(table_hbm.at[idx_v.at[l]], rows, gsem.at[sb])

    def gather_wait(l, rows, sb):
        pltpu.make_async_copy(table_hbm.at[idx_v.at[l]], rows,
                              gsem.at[sb]).wait()

    def write_start(l, y, sb):
        for ti in range(8):
            pltpu.async_copy(
                y.at[ti, pl.ds(0, 8), pl.ds(0, 128)],
                out_hbm.at[l, ti, wid],
                osem.at[sb],
            )

    def write_wait(l, y, sb):
        for ti in range(8):
            pltpu.make_async_copy(
                y.at[ti, pl.ds(0, 8), pl.ds(0, 128)],
                out_hbm.at[l, ti, wid],
                osem.at[sb],
            ).wait()

    def transpose(rows, y):
        @pl.loop(0, _SLAB, unroll=8)
        def _b(b):
            bvec = jnp.full((16,), 0, jnp.int32) + b
            for ti in range(4):
                dvec = ti * 16 + iota
                v = rows[b, pl.ds(ti * 16, 16)]
                plsc.store_scatter(y, [dvec // 8, dvec % 8, bvec], v)

    pltpu.sync_copy(idx_hbm.at[pl.ds(0, _HIST), pl.ds(b0, _SLAB)], idx_v)

    gather_start(0, rows0, 0)
    gather_start(1, rows1, 1)

    @pl.loop(0, _HIST, step=2)
    def _step(g0):
        for sb, rows, y in ((0, rows0, y0), (1, rows1, y1)):
            l = g0 + sb
            gather_wait(l, rows, sb)

            @pl.when(l >= 2)
            def _():
                write_wait(l - 2, y, sb)

            transpose(rows, y)
            write_start(l, y, sb)

            @pl.when(l + 2 < _HIST)
            def _():
                gather_start(l + 2, rows, sb)

    write_wait(_HIST - 2, y0, 0)
    write_wait(_HIST - 1, y1, 1)


_gather = functools.partial(
    pl.kernel,
    mesh=plsc.VectorSubcoreMesh(core_axis_name="c", subcore_axis_name="s"),
    out_type=jax.ShapeDtypeStruct((_HIST, 8, _NW, 8, 128), jnp.float32),
    scratch_types=[
        pltpu.VMEM((_HIST, _SLAB), jnp.int32),
        pltpu.VMEM((_SLAB, _EMB_DIM), jnp.float32),
        pltpu.VMEM((_SLAB, _EMB_DIM), jnp.float32),
        pltpu.VMEM((8, 8, 129), jnp.float32),
        pltpu.VMEM((8, 8, 129), jnp.float32),
        pltpu.SemaphoreType.DMA((2,)),
        pltpu.SemaphoreType.DMA((2,)),
    ],
    compiler_params=pltpu.CompilerParams(
        use_tc_tiling_on_sc=False, needs_layout_passes=False
    ),
)(_body)


@jax.jit
def kernel(indices, table):
    idx_t = jnp.transpose(indices).astype(jnp.int32)
    out5 = _gather(idx_t, table)
    y = out5.transpose(0, 1, 3, 2, 4).reshape(_HIST, _EMB_DIM, _BATCH)
    return y.transpose(2, 0, 1)

# --- scband reference (transcript-rebuilt; emitter-appended) ---
"""Pipeline reference for scband-block-52501680226628 (READ-ONLY COPY).

The authoritative reference and input builder live on the scoring server;
editing this copy changes nothing except your own understanding.
"""

import jax, jax.numpy as jnp
import numpy as np

VOCAB = 1000000
EMB_DIM = 64
BATCH = 4096
HIST_LEN = 200

def setup_inputs(seed: int = 0) -> dict:
    key = jax.random.key(seed)
    k_idx, k_tab = jax.random.split(key)
    indices = jax.random.randint(k_idx, (BATCH, HIST_LEN), 0, VOCAB, dtype=jnp.int64 if jax.config.read('jax_enable_x64') else jnp.int32)
    table = jax.random.normal(k_tab, (VOCAB, EMB_DIM), dtype=jnp.float32)
    return {"indices": indices, "table": table}

def reference(indices, table):
    # Faithful translation of nn.Embedding lookup: out[b, l] = table[indices[b, l]]
    return jnp.take(table, indices, axis=0)

if __name__ == "__main__":
    import jax
    _d = setup_inputs()
    print(jax.jit(kernel)(*tuple(_d.values())))

</pallas_src>

<mosaic_0001>
#map = affine_map<(d0, d1) -> (0, 0)>
#map1 = affine_map<(d0, d1) -> (0, 0, 0, 0, 0)>
module attributes {stable_mosaic.version = 14 : i64} {
  func.func @_body(%arg0: i32, %arg1: i32, %arg2: memref<200x4096xi32, #tpu.memory_space<hbm>>, %arg3: memref<1000000x64xf32, #tpu.memory_space<hbm>>, %arg4: memref<200x8x32x8x128xf32, #tpu.memory_space<hbm>>, %arg5: memref<200x128xi32, #tpu.memory_space<vmem>>, %arg6: memref<128x64xf32, #tpu.memory_space<vmem>>, %arg7: memref<128x64xf32, #tpu.memory_space<vmem>>, %arg8: memref<8x8x129xf32, #tpu.memory_space<vmem>>, %arg9: memref<8x8x129xf32, #tpu.memory_space<vmem>>, %arg10: memref<2x!tpu.dma_semaphore, #tpu.memory_space<semaphore_mem>>, %arg11: memref<2x!tpu.dma_semaphore, #tpu.memory_space<semaphore_mem>>) attributes {dimension_semantics = [#tpu.dimension_semantics<core_parallel>, #tpu.dimension_semantics<subcore_parallel>], iteration_bounds = array<i64: 2, 16>, scalar_prefetch = 0 : i64, scratch_operands = 7 : i64, tpu.core_type = #tpu.core_type<sc_vector_subcore>, window_params = [{transform_indices = #map}, {transform_indices = #map}, {transform_indices = #map1}]} {
    %mul3A = arith.constant 2 : i32
    %mul3A_0 = arith.muli %arg1, %mul3A : i32
    %add3A = arith.addi %mul3A_0, %arg0 : i32
    %mul3A_1 = arith.constant 128 : i32
    %mul3A_2 = arith.muli %add3A, %mul3A_1 : i32
    %iota3A = tpu.iota {dimensions = array<i32: 0>} : vector<16xi32>
    "tpu.region"() ({
      %run_scoped3A = tpu.sem_alloc : memref<!tpu.dma_semaphore, #tpu.memory_space<semaphore_mem>>
      %dma_start3A_377 = arith.constant 0 : i32
      %dma_start3A_378 = tpu.memref_slice %arg2[%dma_start3A_377, %mul3A_2] : memref<200x4096xi32, #tpu.memory_space<hbm>> -> memref<200x128xi32, #tpu.memory_space<hbm>>
      %dma_start3A_379 = arith.constant 0 : i32
      %dma_start3A_380 = tpu.memref_slice %arg2[%dma_start3A_379, %mul3A_2] : memref<200x4096xi32, #tpu.memory_space<hbm>> -> memref<200x128xi32, #tpu.memory_space<hbm>>
      tpu.enqueue_dma source(%dma_start3A_380 : memref<200x128xi32, #tpu.memory_space<hbm>>) target(%arg5 : memref<200x128xi32, #tpu.memory_space<vmem>>) target_semaphore(%run_scoped3A : memref<!tpu.dma_semaphore, #tpu.memory_space<semaphore_mem>>)
      %dma_wait3A_381 = arith.constant 0 : i32
      %dma_wait3A_382 = tpu.memref_slice %arg2[%dma_wait3A_381, %mul3A_2] : memref<200x4096xi32, #tpu.memory_space<hbm>> -> memref<200x128xi32, #tpu.memory_space<hbm>>
      %dma_wait3A_383 = arith.constant 0 : i32
      %dma_wait3A_384 = tpu.memref_slice %arg2[%dma_wait3A_383, %mul3A_2] : memref<200x4096xi32, #tpu.memory_space<hbm>> -> memref<200x128xi32, #tpu.memory_space<hbm>>
      tpu.wait_dma2 semaphore(%run_scoped3A : memref<!tpu.dma_semaphore, #tpu.memory_space<semaphore_mem>>) src(%dma_wait3A_384 : memref<200x128xi32, #tpu.memory_space<hbm>>) dst(%arg5 : memref<200x128xi32, #tpu.memory_space<vmem>>)
      tpu.yield
    }) : () -> ()
    %dma_start3A = arith.constant 0 : i32
    %dma_start3A_3 = arith.constant 0 : i32
    %dma_start3A_4 = arith.constant 0 : i32
    %dma_start3A_5 = tpu.memref_slice %arg5[%dma_start3A, %dma_start3A_4] : memref<200x128xi32, #tpu.memory_space<vmem>> -> memref<1x128xi32, #tpu.memory_space<vmem>>
    %dma_start3A_6 = tpu.memref_squeeze %dma_start3A_5 : memref<1x128xi32, #tpu.memory_space<vmem>> -> memref<128xi32, #tpu.memory_space<vmem>>
    %dma_start3A_7 = arith.constant 0 : i32
    %dma_start3A_8 = arith.constant 0 : i32
    %dma_start3A_9 = tpu.memref_slice %arg3[%dma_start3A_7, %dma_start3A_8] : memref<1000000x64xf32, #tpu.memory_space<hbm>> -> memref<1000000x64xf32, #tpu.memory_space<hbm>>
    %dma_start3A_10 = tpu.memref_slice %arg10[%dma_start3A_3] : memref<2x!tpu.dma_semaphore, #tpu.memory_space<semaphore_mem>> -> memref<1x!tpu.dma_semaphore, #tpu.memory_space<semaphore_mem>>
    %dma_start3A_11 = tpu.memref_squeeze %dma_start3A_10 : memref<1x!tpu.dma_semaphore, #tpu.memory_space<semaphore_mem>> -> memref<!tpu.dma_semaphore, #tpu.memory_space<semaphore_mem>>
    tpu.enqueue_indirect_dma source(%dma_start3A_9 : memref<1000000x64xf32, #tpu.memory_space<hbm>>) target(%arg6 : memref<128x64xf32, #tpu.memory_space<vmem>>) offsets(%dma_start3A_6 : memref<128xi32, #tpu.memory_space<vmem>>) semaphore(%dma_start3A_11 : memref<!tpu.dma_semaphore, #tpu.memory_space<semaphore_mem>>)
    %dma_start3A_12 = arith.constant 1 : i32
    %dma_start3A_13 = arith.constant 1 : i32
    %dma_start3A_14 = arith.constant 0 : i32
    %dma_start3A_15 = tpu.memref_slice %arg5[%dma_start3A_12, %dma_start3A_14] : memref<200x128xi32, #tpu.memory_space<vmem>> -> memref<1x128xi32, #tpu.memory_space<vmem>>
    %dma_start3A_16 = tpu.memref_squeeze %dma_start3A_15 : memref<1x128xi32, #tpu.memory_space<vmem>> -> memref<128xi32, #tpu.memory_space<vmem>>
    %dma_start3A_17 = arith.constant 0 : i32
    %dma_start3A_18 = arith.constant 0 : i32
    %dma_start3A_19 = tpu.memref_slice %arg3[%dma_start3A_17, %dma_start3A_18] : memref<1000000x64xf32, #tpu.memory_space<hbm>> -> memref<1000000x64xf32, #tpu.memory_space<hbm>>
    %dma_start3A_20 = tpu.memref_slice %arg10[%dma_start3A_13] : memref<2x!tpu.dma_semaphore, #tpu.memory_space<semaphore_mem>> -> memref<1x!tpu.dma_semaphore, #tpu.memory_space<semaphore_mem>>
    %dma_start3A_21 = tpu.memref_squeeze %dma_start3A_20 : memref<1x!tpu.dma_semaphore, #tpu.memory_space<semaphore_mem>> -> memref<!tpu.dma_semaphore, #tpu.memory_space<semaphore_mem>>
    tpu.enqueue_indirect_dma source(%dma_start3A_19 : memref<1000000x64xf32, #tpu.memory_space<hbm>>) target(%arg7 : memref<128x64xf32, #tpu.memory_space<vmem>>) offsets(%dma_start3A_16 : memref<128xi32, #tpu.memory_space<vmem>>) semaphore(%dma_start3A_21 : memref<!tpu.dma_semaphore, #tpu.memory_space<semaphore_mem>>)
    %scan3A = arith.constant 0 : i32
    %scan3A_22 = arith.constant 100 : i32
    %scan3A_23 = arith.addi %scan3A, %scan3A_22 : i32
    %scan3A_24 = arith.constant 1 : i32
    scf.for %scan3A_377 = %scan3A to %scan3A_23 step %scan3A_24  : i32 {
      %mul3A_378 = arith.constant 2 : i32
      %mul3A_379 = arith.muli %scan3A_377, %mul3A_378 : i32
      %add3A_380 = arith.constant 0 : i32
      %add3A_381 = arith.addi %add3A_380, %mul3A_379 : i32
      %add3A_382 = arith.constant 0 : i32
      %add3A_383 = arith.addi %add3A_381, %add3A_382 : i32
      %dma_wait3A_384 = arith.constant 0 : i32
      %dma_wait3A_385 = arith.constant 0 : i32
      %dma_wait3A_386 = tpu.memref_slice %arg5[%add3A_383, %dma_wait3A_385] : memref<200x128xi32, #tpu.memory_space<vmem>> -> memref<1x128xi32, #tpu.memory_space<vmem>>
      %dma_wait3A_387 = tpu.memref_squeeze %dma_wait3A_386 : memref<1x128xi32, #tpu.memory_space<vmem>> -> memref<128xi32, #tpu.memory_space<vmem>>
      %dma_wait3A_388 = arith.constant 0 : i32
      %dma_wait3A_389 = arith.constant 0 : i32
      %dma_wait3A_390 = tpu.memref_slice %arg3[%dma_wait3A_388, %dma_wait3A_389] : memref<1000000x64xf32, #tpu.memory_space<hbm>> -> memref<1000000x64xf32, #tpu.memory_space<hbm>>
      %dma_wait3A_391 = tpu.memref_slice %arg10[%dma_wait3A_384] : memref<2x!tpu.dma_semaphore, #tpu.memory_space<semaphore_mem>> -> memref<1x!tpu.dma_semaphore, #tpu.memory_space<semaphore_mem>>
      %dma_wait3A_392 = tpu.memref_squeeze %dma_wait3A_391 : memref<1x!tpu.dma_semaphore, #tpu.memory_space<semaphore_mem>> -> memref<!tpu.dma_semaphore, #tpu.memory_space<semaphore_mem>>
      tpu.wait_indirect_dma semaphore(%dma_wait3A_392 : memref<!tpu.dma_semaphore, #tpu.memory_space<semaphore_mem>>) src(%dma_wait3A_390 : memref<1000000x64xf32, #tpu.memory_space<hbm>>) dst(%arg6 : memref<128x64xf32, #tpu.memory_space<vmem>>)
      %ge3A = arith.constant 2 : i32
      %ge3A_393 = arith.cmpi sge, %add3A_383, %ge3A : i32
      %convert_element_type3A = arith.extui %ge3A_393 : i1 to i32
      %cond3A = arith.constant 0 : i32
      %cond3A_394 = arith.cmpi ne, %convert_element_type3A, %cond3A : i32
      scf.if %cond3A_394 {
        %sub3A = arith.constant 2 : i32
        %sub3A_770 = arith.subi %add3A_383, %sub3A : i32
        %dma_wait3A_771 = arith.constant 0 : i32
        %dma_wait3A_772 = arith.constant 0 : i32
        %dma_wait3A_773 = arith.constant 0 : i32
        %dma_wait3A_774 = arith.constant 0 : i32
        %dma_wait3A_775 = arith.constant 0 : i32
        %dma_wait3A_776 = tpu.memref_slice %arg8[%dma_wait3A_771, %dma_wait3A_774, %dma_wait3A_775] : memref<8x8x129xf32, #tpu.memory_space<vmem>> -> memref<1x8x128xf32, #tpu.memory_space<vmem>>
        %dma_wait3A_777 = tpu.memref_squeeze %dma_wait3A_776 : memref<1x8x128xf32, #tpu.memory_space<vmem>> -> memref<8x128xf32, #tpu.memory_space<vmem>>
        %dma_wait3A_778 = arith.constant 0 : i32
        %dma_wait3A_779 = arith.constant 0 : i32
        %dma_wait3A_780 = tpu.memref_slice %arg4[%sub3A_770, %dma_wait3A_772, %add3A, %dma_wait3A_778, %dma_wait3A_779] : memref<200x8x32x8x128xf32, #tpu.memory_space<hbm>> -> memref<1x1x1x8x128xf32, #tpu.memory_space<hbm>>
        %dma_wait3A_781 = tpu.memref_squeeze %dma_wait3A_780 : memref<1x1x1x8x128xf32, #tpu.memory_space<hbm>> -> memref<8x128xf32, #tpu.memory_space<hbm>>
        %dma_wait3A_782 = tpu.memref_slice %arg11[%dma_wait3A_773] : memref<2x!tpu.dma_semaphore, #tpu.memory_space<semaphore_mem>> -> memref<1x!tpu.dma_semaphore, #tpu.memory_space<semaphore_mem>>
        %dma_wait3A_783 = tpu.memref_squeeze %dma_wait3A_782 : memref<1x!tpu.dma_semaphore, #tpu.memory_space<semaphore_mem>> -> memref<!tpu.dma_semaphore, #tpu.memory_space<semaphore_mem>>
        %dma_wait3A_784 = arith.constant 0 : i32
        %dma_wait3A_785 = arith.constant 0 : i32
        %dma_wait3A_786 = tpu.memref_slice %arg4[%sub3A_770, %dma_wait3A_772, %add3A, %dma_wait3A_784, %dma_wait3A_785] : memref<200x8x32x8x128xf32, #tpu.memory_space<hbm>> -> memref<1x1x1x8x128xf32, #tpu.memory_space<hbm>>
        %dma_wait3A_787 = tpu.memref_squeeze %dma_wait3A_786 : memref<1x1x1x8x128xf32, #tpu.memory_space<hbm>> -> memref<8x128xf32, #tpu.memory_space<hbm>>
        %dma_wait3A_788 = arith.constant 0 : i32
        %dma_wait3A_789 = arith.constant 0 : i32
        %dma_wait3A_790 = tpu.memref_slice %arg8[%dma_wait3A_771, %dma_wait3A_788, %dma_wait3A_789] : memref<8x8x129xf32, #tpu.memory_space<vmem>> -> memref<1x8x128xf32, #tpu.memory_space<vmem>>
        %dma_wait3A_791 = tpu.memref_squeeze %dma_wait3A_790 : memref<1x8x128xf32, #tpu.memory_space<vmem>> -> memref<8x128xf32, #tpu.memory_space<vmem>>
        tpu.wait_dma2 semaphore(%dma_wait3A_783 : memref<!tpu.dma_semaphore, #tpu.memory_space<semaphore_mem>>) src(%dma_wait3A_791 : memref<8x128xf32, #tpu.memory_space<vmem>>) dst(%dma_wait3A_787 : memref<8x128xf32, #tpu.memory_space<hbm>>)
        %dma_wait3A_792 = arith.constant 1 : i32
        %dma_wait3A_793 = arith.constant 1 : i32
        %dma_wait3A_794 = arith.constant 0 : i32
        %dma_wait3A_795 = arith.constant 0 : i32
        %dma_wait3A_796 = arith.constant 0 : i32
        %dma_wait3A_797 = tpu.memref_slice %arg8[%dma_wait3A_792, %dma_wait3A_795, %dma_wait3A_796] : memref<8x8x129xf32, #tpu.memory_space<vmem>> -> memref<1x8x128xf32, #tpu.memory_space<vmem>>
        %dma_wait3A_798 = tpu.memref_squeeze %dma_wait3A_797 : memref<1x8x128xf32, #tpu.memory_space<vmem>> -> memref<8x128xf32, #tpu.memory_space<vmem>>
        %dma_wait3A_799 = arith.constant 0 : i32
        %dma_wait3A_800 = arith.constant 0 : i32
        %dma_wait3A_801 = tpu.memref_slice %arg4[%sub3A_770, %dma_wait3A_793, %add3A, %dma_wait3A_799, %dma_wait3A_800] : memref<200x8x32x8x128xf32, #tpu.memory_space<hbm>> -> memref<1x1x1x8x128xf32, #tpu.memory_space<hbm>>
        %dma_wait3A_802 = tpu.memref_squeeze %dma_wait3A_801 : memref<1x1x1x8x128xf32, #tpu.memory_space<hbm>> -> memref<8x128xf32, #tpu.memory_space<hbm>>
        %dma_wait3A_803 = tpu.memref_slice %arg11[%dma_wait3A_794] : memref<2x!tpu.dma_semaphore, #tpu.memory_space<semaphore_mem>> -> memref<1x!tpu.dma_semaphore, #tpu.memory_space<semaphore_mem>>
        %dma_wait3A_804 = tpu.memref_squeeze %dma_wait3A_803 : memref<1x!tpu.dma_semaphore, #tpu.memory_space<semaphore_mem>> -> memref<!tpu.dma_semaphore, #tpu.memory_space<semaphore_mem>>
        %dma_wait3A_805 = arith.constant 0 : i32
        %dma_wait3A_806 = arith.constant 0 : i32
        %dma_wait3A_807 = tpu.memref_slice %arg4[%sub3A_770, %dma_wait3A_793, %add3A, %dma_wait3A_805, %dma_wait3A_806] : memref<200x8x32x8x128xf32, #tpu.memory_space<hbm>> -> memref<1x1x1x8x128xf32, #tpu.memory_space<hbm>>
        %dma_wait3A_808 = tpu.memref_squeeze %dma_wait3A_807 : memref<1x1x1x8x128xf32, #tpu.memory_space<hbm>> -> memref<8x128xf32, #tpu.memory_space<hbm>>
        %dma_wait3A_809 = arith.constant 0 : i32
        %dma_wait3A_810 = arith.constant 0 : i32
        %dma_wait3A_811 = tpu.memref_slice %arg8[%dma_wait3A_792, %dma_wait3A_809, %dma_wait3A_810] : memref<8x8x129xf32, #tpu.memory_space<vmem>> -> memref<1x8x128xf32, #tpu.memory_space<vmem>>
        %dma_wait3A_812 = tpu.memref_squeeze %dma_wait3A_811 : memref<1x8x128xf32, #tpu.memory_space<vmem>> -> memref<8x128xf32, #tpu.memory_space<vmem>>
        tpu.wait_dma2 semaphore(%dma_wait3A_804 : memref<!tpu.dma_semaphore, #tpu.memory_space<semaphore_mem>>) src(%dma_wait3A_812 : memref<8x128xf32, #tpu.memory_space<vmem>>) dst(%dma_wait3A_808 : memref<8x128xf32, #tpu.memory_space<hbm>>)
        %dma_wait3A_813 = arith.constant 2 : i32
        %dma_wait3A_814 = arith.constant 2 : i32
        %dma_wait3A_815 = arith.constant 0 : i32
        %dma_wait3A_816 = arith.constant 0 : i32
        %dma_wait3A_817 = arith.constant 0 : i32
        %dma_wait3A_818 = tpu.memref_slice %arg8[%dma_wait3A_813, %dma_wait3A_816, %dma_wait3A_817] : memref<8x8x129xf32, #tpu.memory_space<vmem>> -> memref<1x8x128xf32, #tpu.memory_space<vmem>>
        %dma_wait3A_819 = tpu.memref_squeeze %dma_wait3A_818 : memref<1x8x128xf32, #tpu.memory_space<vmem>> -> memref<8x128xf32, #tpu.memory_space<vmem>>
        %dma_wait3A_820 = arith.constant 0 : i32
        %dma_wait3A_821 = arith.constant 0 : i32
        %dma_wait3A_822 = tpu.memref_slice %arg4[%sub3A_770, %dma_wait3A_814, %add3A, %dma_wait3A_820, %dma_wait3A_821] : memref<200x8x32x8x128xf32, #tpu.memory_space<hbm>> -> memref<1x1x1x8x128xf32, #tpu.memory_space<hbm>>
        %dma_wait3A_823 = tpu.memref_squeeze %dma_wait3A_822 : memref<1x1x1x8x128xf32, #tpu.memory_space<hbm>> -> memref<8x128xf32, #tpu.memory_space<hbm>>
        %dma_wait3A_824 = tpu.memref_slice %arg11[%dma_wait3A_815] : memref<2x!tpu.dma_semaphore, #tpu.memory_space<semaphore_mem>> -> memref<1x!tpu.dma_semaphore, #tpu.memory_space<semaphore_mem>>
        %dma_wait3A_825 = tpu.memref_squeeze %dma_wait3A_824 : memref<1x!tpu.dma_semaphore, #tpu.memory_space<semaphore_mem>> -> memref<!tpu.dma_semaphore, #tpu.memory_space<semaphore_mem>>
        %dma_wait3A_826 = arith.constant 0 : i32
        %dma_wait3A_827 = arith.constant 0 : i32
        %dma_wait3A_828 = tpu.memref_slice %arg4[%sub3A_770, %dma_wait3A_814, %add3A, %dma_wait3A_826, %dma_wait3A_827] : memref<200x8x32x8x128xf32, #tpu.memory_space<hbm>> -> memref<1x1x1x8x128xf32, #tpu.memory_space<hbm>>
        %dma_wait3A_829 = tpu.memref_squeeze %dma_wait3A_828 : memref<1x1x1x8x128xf32, #tpu.memory_space<hbm>> -> memref<8x128xf32, #tpu.memory_space<hbm>>
        %dma_wait3A_830 = arith.constant 0 : i32
        %dma_wait3A_831 = arith.constant 0 : i32
        %dma_wait3A_832 = tpu.memref_slice %arg8[%dma_wait3A_813, %dma_wait3A_830, %dma_wait3A_831] : memref<8x8x129xf32, #tpu.memory_space<vmem>> -> memref<1x8x128xf32, #tpu.memory_space<vmem>>
        %dma_wait3A_833 = tpu.memref_squeeze %dma_wait3A_832 : memref<1x8x128xf32, #tpu.memory_space<vmem>> -> memref<8x128xf32, #tpu.memory_space<vmem>>
        tpu.wait_dma2 semaphore(%dma_wait3A_825 : memref<!tpu.dma_semaphore, #tpu.memory_space<semaphore_mem>>) src(%dma_wait3A_833 : memref<8x128xf32, #tpu.memory_space<vmem>>) dst(%dma_wait3A_829 : memref<8x128xf32, #tpu.memory_space<hbm>>)
        %dma_wait3A_834 = arith.constant 3 : i32
        %dma_wait3A_835 = arith.constant 3 : i32
        %dma_wait3A_836 = arith.constant 0 : i32
        %dma_wait3A_837 = arith.constant 0 : i32
        %dma_wait3A_838 = arith.constant 0 : i32
        %dma_wait3A_839 = tpu.memref_slice %arg8[%dma_wait3A_834, %dma_wait3A_837, %dma_wait3A_838] : memref<8x8x129xf32, #tpu.memory_space<vmem>> -> memref<1x8x128xf32, #tpu.memory_space<vmem>>
        %dma_wait3A_840 = tpu.memref_squeeze %dma_wait3A_839 : memref<1x8x128xf32, #tpu.memory_space<vmem>> -> memref<8x128xf32, #tpu.memory_space<vmem>>
        %dma_wait3A_841 = arith.constant 0 : i32
        %dma_wait3A_842 = arith.constant 0 : i32
        %dma_wait3A_843 = tpu.memref_slice %arg4[%sub3A_770, %dma_wait3A_835, %add3A, %dma_wait3A_841, %dma_wait3A_842] : memref<200x8x32x8x128xf32, #tpu.memory_space<hbm>> -> memref<1x1x1x8x128xf32, #tpu.memory_space<hbm>>
        %dma_wait3A_844 = tpu.memref_squeeze %dma_wait3A_843 : memref<1x1x1x8x128xf32, #tpu.memory_space<hbm>> -> memref<8x128xf32, #tpu.memory_space<hbm>>
        %dma_wait3A_845 = tpu.memref_slice %arg11[%dma_wait3A_836] : memref<2x!tpu.dma_semaphore, #tpu.memory_space<semaphore_mem>> -> memref<1x!tpu.dma_semaphore, #tpu.memory_space<semaphore_mem>>
        %dma_wait3A_846 = tpu.memref_squeeze %dma_wait3A_845 : memref<1x!tpu.dma_semaphore, #tpu.memory_space<semaphore_mem>> -> memref<!tpu.dma_semaphore, #tpu.memory_space<semaphore_mem>>
        %dma_wait3A_847 = arith.constant 0 : i32
        %dma_wait3A_848 = arith.constant 0 : i32
        %dma_wait3A_849 = tpu.memref_slice %arg4[%sub3A_770, %dma_wait3A_835, %add3A, %dma_wait3A_847, %dma_wait3A_848] : memref<200x8x32x8x128xf32, #tpu.memory_space<hbm>> -> memref<1x1x1x8x128xf32, #tpu.memory_space<hbm>>
        %dma_wait3A_850 = tpu.memref_squeeze %dma_wait3A_849 : memref<1x1x1x8x128xf32, #tpu.memory_space<hbm>> -> memref<8x128xf32, #tpu.memory_space<hbm>>
        %dma_wait3A_851 = arith.constant 0 : i32
        %dma_wait3A_852 = arith.constant 0 : i32
        %dma_wait3A_853 = tpu.memref_slice %arg8[%dma_wait3A_834, %dma_wait3A_851, %dma_wait3A_852] : memref<8x8x129xf32, #tpu.memory_space<vmem>> -> memref<1x8x128xf32, #tpu.memory_space<vmem>>
        %dma_wait3A_854 = tpu.memref_squeeze %dma_wait3A_853 : memref<1x8x128xf32, #tpu.memory_space<vmem>> -> memref<8x128xf32, #tpu.memory_space<vmem>>
        tpu.wait_dma2 semaphore(%dma_wait3A_846 : memref<!tpu.dma_semaphore, #tpu.memory_space<semaphore_mem>>) src(%dma_wait3A_854 : memref<8x128xf32, #tpu.memory_space<vmem>>) dst(%dma_wait3A_850 : memref<8x128xf32, #tpu.memory_space<hbm>>)
        %dma_wait3A_855 = arith.constant 4 : i32
        %dma_wait3A_856 = arith.constant 4 : i32
        %dma_wait3A_857 = arith.constant 0 : i32
        %dma_wait3A_858 = arith.constant 0 : i32
        %dma_wait3A_859 = arith.constant 0 : i32
        %dma_wait3A_860 = tpu.memref_slice %arg8[%dma_wait3A_855, %dma_wait3A_858, %dma_wait3A_859] : memref<8x8x129xf32, #tpu.memory_space<vmem>> -> memref<1x8x128xf32, #tpu.memory_space<vmem>>
        %dma_wait3A_861 = tpu.memref_squeeze %dma_wait3A_860 : memref<1x8x128xf32, #tpu.memory_space<vmem>> -> memref<8x128xf32, #tpu.memory_space<vmem>>
        %dma_wait3A_862 = arith.constant 0 : i32
        %dma_wait3A_863 = arith.constant 0 : i32
        %dma_wait3A_864 = tpu.memref_slice %arg4[%sub3A_770, %dma_wait3A_856, %add3A, %dma_wait3A_862, %dma_wait3A_863] : memref<200x8x32x8x128xf32, #tpu.memory_space<hbm>> -> memref<1x1x1x8x128xf32, #tpu.memory_space<hbm>>
        %dma_wait3A_865 = tpu.memref_squeeze %dma_wait3A_864 : memref<1x1x1x8x128xf32, #tpu.memory_space<hbm>> -> memref<8x128xf32, #tpu.memory_space<hbm>>
        %dma_wait3A_866 = tpu.memref_slice %arg11[%dma_wait3A_857] : memref<2x!tpu.dma_semaphore, #tpu.memory_space<semaphore_mem>> -> memref<1x!tpu.dma_semaphore, #tpu.memory_space<semaphore_mem>>
        %dma_wait3A_867 = tpu.memref_squeeze %dma_wait3A_866 : memref<1x!tpu.dma_semaphore, #tpu.memory_space<semaphore_mem>> -> memref<!tpu.dma_semaphore, #tpu.memory_space<semaphore_mem>>
        %dma_wait3A_868 = arith.constant 0 : i32
        %dma_wait3A_869 = arith.constant 0 : i32
        %dma_wait3A_870 = tpu.memref_slice %arg4[%sub3A_770, %dma_wait3A_856, %add3A, %dma_wait3A_868, %dma_wait3A_869] : memref<200x8x32x8x128xf32, #tpu.memory_space<hbm>> -> memref<1x1x1x8x128xf32, #tpu.memory_space<hbm>>
        %dma_wait3A_871 = tpu.memref_squeeze %dma_wait3A_870 : memref<1x1x1x8x128xf32, #tpu.memory_space<hbm>> -> memref<8x128xf32, #tpu.memory_space<hbm>>
        %dma_wait3A_872 = arith.constant 0 : i32
        %dma_wait3A_873 = arith.constant 0 : i32
        %dma_wait3A_874 = tpu.memref_slice %arg8[%dma_wait3A_855, %dma_wait3A_872, %dma_wait3A_873] : memref<8x8x129xf32, #tpu.memory_space<vmem>> -> memref<1x8x128xf32, #tpu.memory_space<vmem>>
        %dma_wait3A_875 = tpu.memref_squeeze %dma_wait3A_874 : memref<1x8x128xf32, #tpu.memory_space<vmem>> -> memref<8x128xf32, #tpu.memory_space<vmem>>
        tpu.wait_dma2 semaphore(%dma_wait3A_867 : memref<!tpu.dma_semaphore, #tpu.memory_space<semaphore_mem>>) src(%dma_wait3A_875 : memref<8x128xf32, #tpu.memory_space<vmem>>) dst(%dma_wait3A_871 : memref<8x128xf32, #tpu.memory_space<hbm>>)
        %dma_wait3A_876 = arith.constant 5 : i32
        %dma_wait3A_877 = arith.constant 5 : i32
        %dma_wait3A_878 = arith.constant 0 : i32
        %dma_wait3A_879 = arith.constant 0 : i32
        %dma_wait3A_880 = arith.constant 0 : i32
        %dma_wait3A_881 = tpu.memref_slice %arg8[%dma_wait3A_876, %dma_wait3A_879, %dma_wait3A_880] : memref<8x8x129xf32, #tpu.memory_space<vmem>> -> memref<1x8x128xf32, #tpu.memory_space<vmem>>
        %dma_wait3A_882 = tpu.memref_squeeze %dma_wait3A_881 : memref<1x8x128xf32, #tpu.memory_space<vmem>> -> memref<8x128xf32, #tpu.memory_space<vmem>>
        %dma_wait3A_883 = arith.constant 0 : i32
        %dma_wait3A_884 = arith.constant 0 : i32
        %dma_wait3A_885 = tpu.memref_slice %arg4[%sub3A_770, %dma_wait3A_877, %add3A, %dma_wait3A_883, %dma_wait3A_884] : memref<200x8x32x8x128xf32, #tpu.memory_space<hbm>> -> memref<1x1x1x8x128xf32, #tpu.memory_space<hbm>>
        %dma_wait3A_886 = tpu.memref_squeeze %dma_wait3A_885 : memref<1x1x1x8x128xf32, #tpu.memory_space<hbm>> -> memref<8x128xf32, #tpu.memory_space<hbm>>
        %dma_wait3A_887 = tpu.memref_slice %arg11[%dma_wait3A_878] : memref<2x!tpu.dma_semaphore, #tpu.memory_space<semaphore_mem>> -> memref<1x!tpu.dma_semaphore, #tpu.memory_space<semaphore_mem>>
        %dma_wait3A_888 = tpu.memref_squeeze %dma_wait3A_887 : memref<1x!tpu.dma_semaphore, #tpu.memory_space<semaphore_mem>> -> memref<!tpu.dma_semaphore, #tpu.memory_space<semaphore_mem>>
        %dma_wait3A_889 = arith.constant 0 : i32
        %dma_wait3A_890 = arith.constant 0 : i32
        %dma_wait3A_891 = tpu.memref_slice %arg4[%sub3A_770, %dma_wait3A_877, %add3A, %dma_wait3A_889, %dma_wait3A_890] : memref<200x8x32x8x128xf32, #tpu.memory_space<hbm>> -> memref<1x1x1x8x128xf32, #tpu.memory_space<hbm>>
        %dma_wait3A_892 = tpu.memref_squeeze %dma_wait3A_891 : memref<1x1x1x8x128xf32, #tpu.memory_space<hbm>> -> memref<8x128xf32, #tpu.memory_space<hbm>>
        %dma_wait3A_893 = arith.constant 0 : i32
        %dma_wait3A_894 = arith.constant 0 : i32
        %dma_wait3A_895 = tpu.memref_slice %arg8[%dma_wait3A_876, %dma_wait3A_893, %dma_wait3A_894] : memref<8x8x129xf32, #tpu.memory_space<vmem>> -> memref<1x8x128xf32, #tpu.memory_space<vmem>>
        %dma_wait3A_896 = tpu.memref_squeeze %dma_wait3A_895 : memref<1x8x128xf32, #tpu.memory_space<vmem>> -> memref<8x128xf32, #tpu.memory_space<vmem>>
        tpu.wait_dma2 semaphore(%dma_wait3A_888 : memref<!tpu.dma_semaphore, #tpu.memory_space<semaphore_mem>>) src(%dma_wait3A_896 : memref<8x128xf32, #tpu.memory_space<vmem>>) dst(%dma_wait3A_892 : memref<8x128xf32, #tpu.memory_space<hbm>>)
        %dma_wait3A_897 = arith.constant 6 : i32
        %dma_wait3A_898 = arith.constant 6 : i32
        %dma_wait3A_899 = arith.constant 0 : i32
        %dma_wait3A_900 = arith.constant 0 : i32
        %dma_wait3A_901 = arith.constant 0 : i32
        %dma_wait3A_902 = tpu.memref_slice %arg8[%dma_wait3A_897, %dma_wait3A_900, %dma_wait3A_901] : memref<8x8x129xf32, #tpu.memory_space<vmem>> -> memref<1x8x128xf32, #tpu.memory_space<vmem>>
        %dma_wait3A_903 = tpu.memref_squeeze %dma_wait3A_902 : memref<1x8x128xf32, #tpu.memory_space<vmem>> -> memref<8x128xf32, #tpu.memory_space<vmem>>
        %dma_wait3A_904 = arith.constant 0 : i32
        %dma_wait3A_905 = arith.constant 0 : i32
        %dma_wait3A_906 = tpu.memref_slice %arg4[%sub3A_770, %dma_wait3A_898, %add3A, %dma_wait3A_904, %dma_wait3A_905] : memref<200x8x32x8x128xf32, #tpu.memory_space<hbm>> -> memref<1x1x1x8x128xf32, #tpu.memory_space<hbm>>
        %dma_wait3A_907 = tpu.memref_squeeze %dma_wait3A_906 : memref<1x1x1x8x128xf32, #tpu.memory_space<hbm>> -> memref<8x128xf32, #tpu.memory_space<hbm>>
        %dma_wait3A_908 = tpu.memref_slice %arg11[%dma_wait3A_899] : memref<2x!tpu.dma_semaphore, #tpu.memory_space<semaphore_mem>> -> memref<1x!tpu.dma_semaphore, #tpu.memory_space<semaphore_mem>>
        %dma_wait3A_909 = tpu.memref_squeeze %dma_wait3A_908 : memref<1x!tpu.dma_semaphore, #tpu.memory_space<semaphore_mem>> -> memref<!tpu.dma_semaphore, #tpu.memory_space<semaphore_mem>>
        %dma_wait3A_910 = arith.constant 0 : i32
        %dma_wait3A_911 = arith.constant 0 : i32
        %dma_wait3A_912 = tpu.memref_slice %arg4[%sub3A_770, %dma_wait3A_898, %add3A, %dma_wait3A_910, %dma_wait3A_911] : memref<200x8x32x8x128xf32, #tpu.memory_space<hbm>> -> memref<1x1x1x8x128xf32, #tpu.memory_space<hbm>>
        %dma_wait3A_913 = tpu.memref_squeeze %dma_wait3A_912 : memref<1x1x1x8x128xf32, #tpu.memory_space<hbm>> -> memref<8x128xf32, #tpu.memory_space<hbm>>
        %dma_wait3A_914 = arith.constant 0 : i32
        %dma_wait3A_915 = arith.constant 0 : i32
        %dma_wait3A_916 = tpu.memref_slice %arg8[%dma_wait3A_897, %dma_wait3A_914, %dma_wait3A_915] : memref<8x8x129xf32, #tpu.memory_space<vmem>> -> memref<1x8x128xf32, #tpu.memory_space<vmem>>
        %dma_wait3A_917 = tpu.memref_squeeze %dma_wait3A_916 : memref<1x8x128xf32, #tpu.memory_space<vmem>> -> memref<8x128xf32, #tpu.memory_space<vmem>>
        tpu.wait_dma2 semaphore(%dma_wait3A_909 : memref<!tpu.dma_semaphore, #tpu.memory_space<semaphore_mem>>) src(%dma_wait3A_917 : memref<8x128xf32, #tpu.memory_space<vmem>>) dst(%dma_wait3A_913 : memref<8x128xf32, #tpu.memory_space<hbm>>)
        %dma_wait3A_918 = arith.constant 7 : i32
        %dma_wait3A_919 = arith.constant 7 : i32
        %dma_wait3A_920 = arith.constant 0 : i32
        %dma_wait3A_921 = arith.constant 0 : i32
        %dma_wait3A_922 = arith.constant 0 : i32
        %dma_wait3A_923 = tpu.memref_slice %arg8[%dma_wait3A_918, %dma_wait3A_921, %dma_wait3A_922] : memref<8x8x129xf32, #tpu.memory_space<vmem>> -> memref<1x8x128xf32, #tpu.memory_space<vmem>>
        %dma_wait3A_924 = tpu.memref_squeeze %dma_wait3A_923 : memref<1x8x128xf32, #tpu.memory_space<vmem>> -> memref<8x128xf32, #tpu.memory_space<vmem>>
        %dma_wait3A_925 = arith.constant 0 : i32
        %dma_wait3A_926 = arith.constant 0 : i32
        %dma_wait3A_927 = tpu.memref_slice %arg4[%sub3A_770, %dma_wait3A_919, %add3A, %dma_wait3A_925, %dma_wait3A_926] : memref<200x8x32x8x128xf32, #tpu.memory_space<hbm>> -> memref<1x1x1x8x128xf32, #tpu.memory_space<hbm>>
        %dma_wait3A_928 = tpu.memref_squeeze %dma_wait3A_927 : memref<1x1x1x8x128xf32, #tpu.memory_space<hbm>> -> memref<8x128xf32, #tpu.memory_space<hbm>>
        %dma_wait3A_929 = tpu.memref_slice %arg11[%dma_wait3A_920] : memref<2x!tpu.dma_semaphore, #tpu.memory_space<semaphore_mem>> -> memref<1x!tpu.dma_semaphore, #tpu.memory_space<semaphore_mem>>
        %dma_wait3A_930 = tpu.memref_squeeze %dma_wait3A_929 : memref<1x!tpu.dma_semaphore, #tpu.memory_space<semaphore_mem>> -> memref<!tpu.dma_semaphore, #tpu.memory_space<semaphore_mem>>
        %dma_wait3A_931 = arith.constant 0 : i32
        %dma_wait3A_932 = arith.constant 0 : i32
        %dma_wait3A_933 = tpu.memref_slice %arg4[%sub3A_770, %dma_wait3A_919, %add3A, %dma_wait3A_931, %dma_wait3A_932] : memref<200x8x32x8x128xf32, #tpu.memory_space<hbm>> -> memref<1x1x1x8x128xf32, #tpu.memory_space<hbm>>
        %dma_wait3A_934 = tpu.memref_squeeze %dma_wait3A_933 : memref<1x1x1x8x128xf32, #tpu.memory_space<hbm>> -> memref<8x128xf32, #tpu.memory_space<hbm>>
        %dma_wait3A_935 = arith.constant 0 : i32
        %dma_wait3A_936 = arith.constant 0 : i32
        %dma_wait3A_937 = tpu.memref_slice %arg8[%dma_wait3A_918, %dma_wait3A_935, %dma_wait3A_936] : memref<8x8x129xf32, #tpu.memory_space<vmem>> -> memref<1x8x128xf32, #tpu.memory_space<vmem>>
        %dma_wait3A_938 = tpu.memref_squeeze %dma_wait3A_937 : memref<1x8x128xf32, #tpu.memory_space<vmem>> -> memref<8x128xf32, #tpu.memory_space<vmem>>
        tpu.wait_dma2 semaphore(%dma_wait3A_930 : memref<!tpu.dma_semaphore, #tpu.memory_space<semaphore_mem>>) src(%dma_wait3A_938 : memref<8x128xf32, #tpu.memory_space<vmem>>) dst(%dma_wait3A_934 : memref<8x128xf32, #tpu.memory_space<hbm>>)
      } else {
      }
      %scan3A_395 = arith.constant 0 : i32
      %scan3A_396 = arith.constant 128 : i32
      %scan3A_397 = arith.addi %scan3A_395, %scan3A_396 : i32
      %scan3A_398 = arith.constant 8 : i32
      scf.for %scan3A_770 = %scan3A_395 to %scan3A_397 step %scan3A_398  : i32 {
        %mul3A_771 = arith.constant 1 : i32
        %mul3A_772 = arith.muli %scan3A_770, %mul3A_771 : i32
        %add3A_773 = arith.constant 0 : i32
        %add3A_774 = arith.addi %add3A_773, %mul3A_772 : i32
        %broadcast_in_dim3A = arith.constant 0 : i32
        %broadcast_in_dim3A_775 = vector.broadcast %broadcast_in_dim3A : i32 to vector<16xi32>
        %add3A_776 = vector.broadcast %add3A_774 : i32 to vector<16xi32>
        %add3A_777 = arith.addi %broadcast_in_dim3A_775, %add3A_776 : vector<16xi32>
        %add3A_778 = arith.constant 0 : i32
        %add3A_779 = vector.broadcast %add3A_778 : i32 to vector<16xi32>
        %add3A_780 = arith.addi %add3A_779, %iota3A : vector<16xi32>
        %get3A = arith.index_cast %add3A_774 : i32 to index
        %get3A_781 = arith.constant 0 : index
        %get3A_782 = tpu.vector_load %arg6[%get3A, %get3A_781] {strides = array<i32>} : memref<128x64xf32, #tpu.memory_space<vmem>>, vector<16xf32>,
        %jit3A = arith.constant 8 : i32
        %div3A = vector.broadcast %jit3A : i32 to vector<16xi32>
        %div3A_783 = arith.divsi %add3A_780, %div3A : vector<16xi32>
        %sign3A = arith.constant 0 : i32
        %sign3A_784 = vector.broadcast %sign3A : i32 to vector<16xi32>
        %sign3A_785 = arith.cmpi sgt, %add3A_780, %sign3A_784 : vector<16xi32>
        %sign3A_786 = arith.extui %sign3A_785 : vector<16xi1> to vector<16xi32>
        %sign3A_787 = arith.constant 0 : i32
        %sign3A_788 = vector.broadcast %sign3A_787 : i32 to vector<16xi32>
        %sign3A_789 = arith.cmpi slt, %add3A_780, %sign3A_788 : vector<16xi32>
        %sign3A_790 = arith.extui %sign3A_789 : vector<16xi1> to vector<16xi32>
        %sign3A_791 = arith.subi %sign3A_786, %sign3A_790 : vector<16xi32>
        %sign3A_792 = arith.constant 0 : i32
        %sign3A_793 = arith.cmpi sgt, %jit3A, %sign3A_792 : i32
        %sign3A_794 = arith.extui %sign3A_793 : i1 to i32
        %sign3A_795 = arith.constant 0 : i32
        %sign3A_796 = arith.cmpi slt, %jit3A, %sign3A_795 : i32
        %sign3A_797 = arith.extui %sign3A_796 : i1 to i32
        %sign3A_798 = arith.subi %sign3A_794, %sign3A_797 : i32
        %ne3A = vector.broadcast %sign3A_798 : i32 to vector<16xi32>
        %ne3A_799 = arith.cmpi ne, %sign3A_791, %ne3A : vector<16xi32>
        %rem3A = vector.broadcast %jit3A : i32 to vector<16xi32>
        %rem3A_800 = arith.remsi %add3A_780, %rem3A : vector<16xi32>
        %ne3A_801 = arith.constant 0 : i32
        %ne3A_802 = vector.broadcast %ne3A_801 : i32 to vector<16xi32>
        %ne3A_803 = arith.cmpi ne, %rem3A_800, %ne3A_802 : vector<16xi32>
        %and3A = arith.andi %ne3A_799, %ne3A_803 : vector<16xi1>
        %sub3A = arith.constant 1 : i32
        %sub3A_804 = vector.broadcast %sub3A : i32 to vector<16xi32>
        %sub3A_805 = arith.subi %div3A_783, %sub3A_804 : vector<16xi32>
        %select_n3A = arith.select %and3A, %sub3A_805, %div3A_783 : vector<16xi1>, vector<16xi32>
        %jit3A_806 = arith.constant 8 : i32
        %eq3A = arith.constant 0 : i32
        %eq3A_807 = arith.cmpi eq, %jit3A_806, %eq3A : i32
        %jit3A_808 = arith.constant 1 : i32
        %select_n3A_809 = arith.select %eq3A_807, %jit3A_808, %jit3A_806 : i32
        %rem3A_810 = vector.broadcast %select_n3A_809 : i32 to vector<16xi32>
        %rem3A_811 = arith.remsi %add3A_780, %rem3A_810 : vector<16xi32>
        %ne3A_812 = arith.constant 0 : i32
        %ne3A_813 = vector.broadcast %ne3A_812 : i32 to vector<16xi32>
        %ne3A_814 = arith.cmpi ne, %rem3A_811, %ne3A_813 : vector<16xi32>
        %lt3A_815 = arith.constant 0 : i32
        %lt3A_816 = vector.broadcast %lt3A_815 : i32 to vector<16xi32>
        %lt3A_817 = arith.cmpi slt, %rem3A_811, %lt3A_816 : vector<16xi32>
        %lt3A_818 = arith.constant 0 : i32
        %lt3A_819 = arith.cmpi slt, %select_n3A_809, %lt3A_818 : i32
        %ne3A_820 = vector.broadcast %lt3A_819 : i1 to vector<16xi1>
        %ne3A_821 = vector.broadcast %ne3A_820 : vector<16xi1> to vector<16xi1>
        %ne3A_822 = arith.xori %lt3A_817, %ne3A_821 : vector<16xi1>
        %and3A_823 = arith.andi %ne3A_822, %ne3A_814 : vector<16xi1>
        %add3A_824 = vector.broadcast %select_n3A_809 : i32 to vector<16xi32>
        %add3A_825 = arith.addi %rem3A_811, %add3A_824 : vector<16xi32>
        %select_n3A_826 = arith.select %and3A_823, %add3A_825, %rem3A_811 : vector<16xi1>, vector<16xi32>
        tpu.vector_store_idx %arg8[%select_n3A, %select_n3A_826, %add3A_777], %get3A_782 : memref<8x8x129xf32, #tpu.memory_space<vmem>>[vector<16xi32>, vector<16xi32>, vector<16xi32>], vector<16xf32>,
        %add3A_827 = arith.constant 16 : i32
        %add3A_828 = vector.broadcast %add3A_827 : i32 to vector<16xi32>
        %add3A_829 = arith.addi %add3A_828, %iota3A : vector<16xi32>
        %get3A_830 = arith.index_cast %add3A_774 : i32 to index
        %get3A_831 = arith.constant 16 : index
        %get3A_832 = tpu.vector_load %arg6[%get3A_830, %get3A_831] {strides = array<i32>} : memref<128x64xf32, #tpu.memory_space<vmem>>, vector<16xf32>,
        %jit3A_833 = arith.constant 8 : i32
        %div3A_834 = vector.broadcast %jit3A_833 : i32 to vector<16xi32>
        %div3A_835 = arith.divsi %add3A_829, %div3A_834 : vector<16xi32>
        %sign3A_836 = arith.constant 0 : i32
        %sign3A_837 = vector.broadcast %sign3A_836 : i32 to vector<16xi32>
        %sign3A_838 = arith.cmpi sgt, %add3A_829, %sign3A_837 : vector<16xi32>
        %sign3A_839 = arith.extui %sign3A_838 : vector<16xi1> to vector<16xi32>
        %sign3A_840 = arith.constant 0 : i32
        %sign3A_841 = vector.broadcast %sign3A_840 : i32 to vector<16xi32>
        %sign3A_842 = arith.cmpi slt, %add3A_829, %sign3A_841 : vector<16xi32>
        %sign3A_843 = arith.extui %sign3A_842 : vector<16xi1> to vector<16xi32>
        %sign3A_844 = arith.subi %sign3A_839, %sign3A_843 : vector<16xi32>
        %sign3A_845 = arith.constant 0 : i32
        %sign3A_846 = arith.cmpi sgt, %jit3A_833, %sign3A_845 : i32
        %sign3A_847 = arith.extui %sign3A_846 : i1 to i32
        %sign3A_848 = arith.constant 0 : i32
        %sign3A_849 = arith.cmpi slt, %jit3A_833, %sign3A_848 : i32
        %sign3A_850 = arith.extui %sign3A_849 : i1 to i32
        %sign3A_851 = arith.subi %sign3A_847, %sign3A_850 : i32
        %ne3A_852 = vector.broadcast %sign3A_851 : i32 to vector<16xi32>
        %ne3A_853 = arith.cmpi ne, %sign3A_844, %ne3A_852 : vector<16xi32>
        %rem3A_854 = vector.broadcast %jit3A_833 : i32 to vector<16xi32>
        %rem3A_855 = arith.remsi %add3A_829, %rem3A_854 : vector<16xi32>
        %ne3A_856 = arith.constant 0 : i32
        %ne3A_857 = vector.broadcast %ne3A_856 : i32 to vector<16xi32>
        %ne3A_858 = arith.cmpi ne, %rem3A_855, %ne3A_857 : vector<16xi32>
        %and3A_859 = arith.andi %ne3A_853, %ne3A_858 : vector<16xi1>
        %sub3A_860 = arith.constant 1 : i32
        %sub3A_861 = vector.broadcast %sub3A_860 : i32 to vector<16xi32>
        %sub3A_862 = arith.subi %div3A_835, %sub3A_861 : vector<16xi32>
        %select_n3A_863 = arith.select %and3A_859, %sub3A_862, %div3A_835 : vector<16xi1>, vector<16xi32>
        %jit3A_864 = arith.constant 8 : i32
        %eq3A_865 = arith.constant 0 : i32
        %eq3A_866 = arith.cmpi eq, %jit3A_864, %eq3A_865 : i32
        %jit3A_867 = arith.constant 1 : i32
        %select_n3A_868 = arith.select %eq3A_866, %jit3A_867, %jit3A_864 : i32
        %rem3A_869 = vector.broadcast %select_n3A_868 : i32 to vector<16xi32>
        %rem3A_870 = arith.remsi %add3A_829, %rem3A_869 : vector<16xi32>
        %ne3A_871 = arith.constant 0 : i32
        %ne3A_872 = vector.broadcast %ne3A_871 : i32 to vector<16xi32>
        %ne3A_873 = arith.cmpi ne, %rem3A_870, %ne3A_872 : vector<16xi32>
        %lt3A_874 = arith.constant 0 : i32
        %lt3A_875 = vector.broadcast %lt3A_874 : i32 to vector<16xi32>
        %lt3A_876 = arith.cmpi slt, %rem3A_870, %lt3A_875 : vector<16xi32>
        %lt3A_877 = arith.constant 0 : i32
        %lt3A_878 = arith.cmpi slt, %select_n3A_868, %lt3A_877 : i32
        %ne3A_879 = vector.broadcast %lt3A_878 : i1 to vector<16xi1>
        %ne3A_880 = vector.broadcast %ne3A_879 : vector<16xi1> to vector<16xi1>
        %ne3A_881 = arith.xori %lt3A_876, %ne3A_880 : vector<16xi1>
        %and3A_882 = arith.andi %ne3A_881, %ne3A_873 : vector<16xi1>
        %add3A_883 = vector.broadcast %select_n3A_868 : i32 to vector<16xi32>
        %add3A_884 = arith.addi %rem3A_870, %add3A_883 : vector<16xi32>
        %select_n3A_885 = arith.select %and3A_882, %add3A_884, %rem3A_870 : vector<16xi1>, vector<16xi32>
        tpu.vector_store_idx %arg8[%select_n3A_863, %select_n3A_885, %add3A_777], %get3A_832 : memref<8x8x129xf32, #tpu.memory_space<vmem>>[vector<16xi32>, vector<16xi32>, vector<16xi32>], vector<16xf32>,
        %add3A_886 = arith.constant 32 : i32
        %add3A_887 = vector.broadcast %add3A_886 : i32 to vector<16xi32>
        %add3A_888 = arith.addi %add3A_887, %iota3A : vector<16xi32>
        %get3A_889 = arith.index_cast %add3A_774 : i32 to index
        %get3A_890 = arith.constant 32 : index
        %get3A_891 = tpu.vector_load %arg6[%get3A_889, %get3A_890] {strides = array<i32>} : memref<128x64xf32, #tpu.memory_space<vmem>>, vector<16xf32>,
        %jit3A_892 = arith.constant 8 : i32
        %div3A_893 = vector.broadcast %jit3A_892 : i32 to vector<16xi32>
        %div3A_894 = arith.divsi %add3A_888, %div3A_893 : vector<16xi32>
        %sign3A_895 = arith.constant 0 : i32
        %sign3A_896 = vector.broadcast %sign3A_895 : i32 to vector<16xi32>
        %sign3A_897 = arith.cmpi sgt, %add3A_888, %sign3A_896 : vector<16xi32>
        %sign3A_898 = arith.extui %sign3A_897 : vector<16xi1> to vector<16xi32>
        %sign3A_899 = arith.constant 0 : i32
        %sign3A_900 = vector.broadcast %sign3A_899 : i32 to vector<16xi32>
        %sign3A_901 = arith.cmpi slt, %add3A_888, %sign3A_900 : vector<16xi32>
        %sign3A_902 = arith.extui %sign3A_901 : vector<16xi1> to vector<16xi32>
        %sign3A_903 = arith.subi %sign3A_898, %sign3A_902 : vector<16xi32>
        %sign3A_904 = arith.constant 0 : i32
        %sign3A_905 = arith.cmpi sgt, %jit3A_892, %sign3A_904 : i32
        %sign3A_906 = arith.extui %sign3A_905 : i1 to i32
        %sign3A_907 = arith.constant 0 : i32
        %sign3A_908 = arith.cmpi slt, %jit3A_892, %sign3A_907 : i32
        %sign3A_909 = arith.extui %sign3A_908 : i1 to i32
        %sign3A_910 = arith.subi %sign3A_906, %sign3A_909 : i32
        %ne3A_911 = vector.broadcast %sign3A_910 : i32 to vector<16xi32>
        %ne3A_912 = arith.cmpi ne, %sign3A_903, %ne3A_911 : vector<16xi32>
        %rem3A_913 = vector.broadcast %jit3A_892 : i32 to vector<16xi32>
        %rem3A_914 = arith.remsi %add3A_888, %rem3A_913 : vector<16xi32>
        %ne3A_915 = arith.constant 0 : i32
        %ne3A_916 = vector.broadcast %ne3A_915 : i32 to vector<16xi32>
        %ne3A_917 = arith.cmpi ne, %rem3A_914, %ne3A_916 : vector<16xi32>
        %and3A_918 = arith.andi %ne3A_912, %ne3A_917 : vector<16xi1>
        %sub3A_919 = arith.constant 1 : i32
        %sub3A_920 = vector.broadcast %sub3A_919 : i32 to vector<16xi32>
        %sub3A_921 = arith.subi %div3A_894, %sub3A_920 : vector<16xi32>
        %select_n3A_922 = arith.select %and3A_918, %sub3A_921, %div3A_894 : vector<16xi1>, vector<16xi32>
        %jit3A_923 = arith.constant 8 : i32
        %eq3A_924 = arith.constant 0 : i32
        %eq3A_925 = arith.cmpi eq, %jit3A_923, %eq3A_924 : i32
        %jit3A_926 = arith.constant 1 : i32
        %select_n3A_927 = arith.select %eq3A_925, %jit3A_926, %jit3A_923 : i32
        %rem3A_928 = vector.broadcast %select_n3A_927 : i32 to vector<16xi32>
        %rem3A_929 = arith.remsi %add3A_888, %rem3A_928 : vector<16xi32>
        %ne3A_930 = arith.constant 0 : i32
        %ne3A_931 = vector.broadcast %ne3A_930 : i32 to vector<16xi32>
        %ne3A_932 = arith.cmpi ne, %rem3A_929, %ne3A_931 : vector<16xi32>
        %lt3A_933 = arith.constant 0 : i32
        %lt3A_934 = vector.broadcast %lt3A_933 : i32 to vector<16xi32>
        %lt3A_935 = arith.cmpi slt, %rem3A_929, %lt3A_934 : vector<16xi32>
        %lt3A_936 = arith.constant 0 : i32
        %lt3A_937 = arith.cmpi slt, %select_n3A_927, %lt3A_936 : i32
        %ne3A_938 = vector.broadcast %lt3A_937 : i1 to vector<16xi1>
        %ne3A_939 = vector.broadcast %ne3A_938 : vector<16xi1> to vector<16xi1>
        %ne3A_940 = arith.xori %lt3A_935, %ne3A_939 : vector<16xi1>
        %and3A_941 = arith.andi %ne3A_940, %ne3A_932 : vector<16xi1>
        %add3A_942 = vector.broadcast %select_n3A_927 : i32 to vector<16xi32>
        %add3A_943 = arith.addi %rem3A_929, %add3A_942 : vector<16xi32>
        %select_n3A_944 = arith.select %and3A_941, %add3A_943, %rem3A_929 : vector<16xi1>, vector<16xi32>
        tpu.vector_store_idx %arg8[%select_n3A_922, %select_n3A_944, %add3A_777], %get3A_891 : memref<8x8x129xf32, #tpu.memory_space<vmem>>[vector<16xi32>, vector<16xi32>, vector<16xi32>], vector<16xf32>,
        %add3A_945 = arith.constant 48 : i32
        %add3A_946 = vector.broadcast %add3A_945 : i32 to vector<16xi32>
        %add3A_947 = arith.addi %add3A_946, %iota3A : vector<16xi32>
        %get3A_948 = arith.index_cast %add3A_774 : i32 to index
        %get3A_949 = arith.constant 48 : index
        %get3A_950 = tpu.vector_load %arg6[%get3A_948, %get3A_949] {strides = array<i32>} : memref<128x64xf32, #tpu.memory_space<vmem>>, vector<16xf32>,
        %jit3A_951 = arith.constant 8 : i32
        %div3A_952 = vector.broadcast %jit3A_951 : i32 to vector<16xi32>
        %div3A_953 = arith.divsi %add3A_947, %div3A_952 : vector<16xi32>
        %sign3A_954 = arith.constant 0 : i32
        %sign3A_955 = vector.broadcast %sign3A_954 : i32 to vector<16xi32>
        %sign3A_956 = arith.cmpi sgt, %add3A_947, %sign3A_955 : vector<16xi32>
        %sign3A_957 = arith.extui %sign3A_956 : vector<16xi1> to vector<16xi32>
        %sign3A_958 = arith.constant 0 : i32
        %sign3A_959 = vector.broadcast %sign3A_958 : i32 to vector<16xi32>
        %sign3A_960 = arith.cmpi slt, %add3A_947, %sign3A_959 : vector<16xi32>
        %sign3A_961 = arith.extui %sign3A_960 : vector<16xi1> to vector<16xi32>
        %sign3A_962 = arith.subi %sign3A_957, %sign3A_961 : vector<16xi32>
        %sign3A_963 = arith.constant 0 : i32
        %sign3A_964 = arith.cmpi sgt, %jit3A_951, %sign3A_963 : i32
        %sign3A_965 = arith.extui %sign3A_964 : i1 to i32
        %sign3A_966 = arith.constant 0 : i32
        %sign3A_967 = arith.cmpi slt, %jit3A_951, %sign3A_966 : i32
        %sign3A_968 = arith.extui %sign3A_967 : i1 to i32
        %sign3A_969 = arith.subi %sign3A_965, %sign3A_968 : i32
        %ne3A_970 = vector.broadcast %sign3A_969 : i32 to vector<16xi32>
        %ne3A_971 = arith.cmpi ne, %sign3A_962, %ne3A_970 : vector<16xi32>
        %rem3A_972 = vector.broadcast %jit3A_951 : i32 to vector<16xi32>
        %rem3A_973 = arith.remsi %add3A_947, %rem3A_972 : vector<16xi32>
        %ne3A_974 = arith.constant 0 : i32
        %ne3A_975 = vector.broadcast %ne3A_974 : i32 to vector<16xi32>
        %ne3A_976 = arith.cmpi ne, %rem3A_973, %ne3A_975 : vector<16xi32>
        %and3A_977 = arith.andi %ne3A_971, %ne3A_976 : vector<16xi1>
        %sub3A_978 = arith.constant 1 : i32
        %sub3A_979 = vector.broadcast %sub3A_978 : i32 to vector<16xi32>
        %sub3A_980 = arith.subi %div3A_953, %sub3A_979 : vector<16xi32>
        %select_n3A_981 = arith.select %and3A_977, %sub3A_980, %div3A_953 : vector<16xi1>, vector<16xi32>
        %jit3A_982 = arith.constant 8 : i32
        %eq3A_983 = arith.constant 0 : i32
        %eq3A_984 = arith.cmpi eq, %jit3A_982, %eq3A_983 : i32
        %jit3A_985 = arith.constant 1 : i32
        %select_n3A_986 = arith.select %eq3A_984, %jit3A_985, %jit3A_982 : i32
        %rem3A_987 = vector.broadcast %select_n3A_986 : i32 to vector<16xi32>
        %rem3A_988 = arith.remsi %add3A_947, %rem3A_987 : vector<16xi32>
        %ne3A_989 = arith.constant 0 : i32
        %ne3A_990 = vector.broadcast %ne3A_989 : i32 to vector<16xi32>
        %ne3A_991 = arith.cmpi ne, %rem3A_988, %ne3A_990 : vector<16xi32>
        %lt3A_992 = arith.constant 0 : i32
        %lt3A_993 = vector.broadcast %lt3A_992 : i32 to vector<16xi32>
        %lt3A_994 = arith.cmpi slt, %rem3A_988, %lt3A_993 : vector<16xi32>
        %lt3A_995 = arith.constant 0 : i32
        %lt3A_996 = arith.cmpi slt, %select_n3A_986, %lt3A_995 : i32
        %ne3A_997 = vector.broadcast %lt3A_996 : i1 to vector<16xi1>
        %ne3A_998 = vector.broadcast %ne3A_997 : vector<16xi1> to vector<16xi1>
        %ne3A_999 = arith.xori %lt3A_994, %ne3A_998 : vector<16xi1>
        %and3A_1000 = arith.andi %ne3A_999, %ne3A_991 : vector<16xi1>
        %add3A_1001 = vector.broadcast %select_n3A_986 : i32 to vector<16xi32>
        %add3A_1002 = arith.addi %rem3A_988, %add3A_1001 : vector<16xi32>
        %select_n3A_1003 = arith.select %and3A_1000, %add3A_1002, %rem3A_988 : vector<16xi1>, vector<16xi32>
        tpu.vector_store_idx %arg8[%select_n3A_981, %select_n3A_1003, %add3A_777], %get3A_950 : memref<8x8x129xf32, #tpu.memory_space<vmem>>[vector<16xi32>, vector<16xi32>, vector<16xi32>], vector<16xf32>,
        %scan3A_1004 = arith.constant 1 : i32
        %scan3A_1005 = arith.addi %scan3A_770, %scan3A_1004 : i32
        %mul3A_1006 = arith.constant 1 : i32
        %mul3A_1007 = arith.muli %scan3A_1005, %mul3A_1006 : i32
        %add3A_1008 = arith.constant 0 : i32
        %add3A_1009 = arith.addi %add3A_1008, %mul3A_1007 : i32
        %broadcast_in_dim3A_1010 = arith.constant 0 : i32
        %broadcast_in_dim3A_1011 = vector.broadcast %broadcast_in_dim3A_1010 : i32 to vector<16xi32>
        %add3A_1012 = vector.broadcast %add3A_1009 : i32 to vector<16xi32>
        %add3A_1013 = arith.addi %broadcast_in_dim3A_1011, %add3A_1012 : vector<16xi32>
        %add3A_1014 = arith.constant 0 : i32
        %add3A_1015 = vector.broadcast %add3A_1014 : i32 to vector<16xi32>
        %add3A_1016 = arith.addi %add3A_1015, %iota3A : vector<16xi32>
        %get3A_1017 = arith.index_cast %add3A_1009 : i32 to index
        %get3A_1018 = arith.constant 0 : index
        %get3A_1019 = tpu.vector_load %arg6[%get3A_1017, %get3A_1018] {strides = array<i32>} : memref<128x64xf32, #tpu.memory_space<vmem>>, vector<16xf32>,
        %jit3A_1020 = arith.constant 8 : i32
        %div3A_1021 = vector.broadcast %jit3A_1020 : i32 to vector<16xi32>
        %div3A_1022 = arith.divsi %add3A_1016, %div3A_1021 : vector<16xi32>
        %sign3A_1023 = arith.constant 0 : i32
        %sign3A_1024 = vector.broadcast %sign3A_1023 : i32 to vector<16xi32>
        %sign3A_1025 = arith.cmpi sgt, %add3A_1016, %sign3A_1024 : vector<16xi32>
        %sign3A_1026 = arith.extui %sign3A_1025 : vector<16xi1> to vector<16xi32>
        %sign3A_1027 = arith.constant 0 : i32
        %sign3A_1028 = vector.broadcast %sign3A_1027 : i32 to vector<16xi32>
        %sign3A_1029 = arith.cmpi slt, %add3A_1016, %sign3A_1028 : vector<16xi32>
        %sign3A_1030 = arith.extui %sign3A_1029 : vector<16xi1> to vector<16xi32>
        %sign3A_1031 = arith.subi %sign3A_1026, %sign3A_1030 : vector<16xi32>
        %sign3A_1032 = arith.constant 0 : i32
        %sign3A_1033 = arith.cmpi sgt, %jit3A_1020, %sign3A_1032 : i32
        %sign3A_1034 = arith.extui %sign3A_1033 : i1 to i32
        %sign3A_1035 = arith.constant 0 : i32
        %sign3A_1036 = arith.cmpi slt, %jit3A_1020, %sign3A_1035 : i32
        %sign3A_1037 = arith.extui %sign3A_1036 : i1 to i32
        %sign3A_1038 = arith.subi %sign3A_1034, %sign3A_1037 : i32
        %ne3A_1039 = vector.broadcast %sign3A_1038 : i32 to vector<16xi32>
        %ne3A_1040 = arith.cmpi ne, %sign3A_1031, %ne3A_1039 : vector<16xi32>
        %rem3A_1041 = vector.broadcast %jit3A_1020 : i32 to vector<16xi32>
        %rem3A_1042 = arith.remsi %add3A_1016, %rem3A_1041 : vector<16xi32>
        %ne3A_1043 = arith.constant 0 : i32
        %ne3A_1044 = vector.broadcast %ne3A_1043 : i32 to vector<16xi32>
        %ne3A_1045 = arith.cmpi ne, %rem3A_1042, %ne3A_1044 : vector<16xi32>
        %and3A_1046 = arith.andi %ne3A_1040, %ne3A_1045 : vector<16xi1>
        %sub3A_1047 = arith.constant 1 : i32
        %sub3A_1048 = vector.broadcast %sub3A_1047 : i32 to vector<16xi32>
        %sub3A_1049 = arith.subi %div3A_1022, %sub3A_1048 : vector<16xi32>
        %select_n3A_1050 = arith.select %and3A_1046, %sub3A_1049, %div3A_1022 : vector<16xi1>, vector<16xi32>
        %jit3A_1051 = arith.constant 8 : i32
        %eq3A_1052 = arith.constant 0 : i32
        %eq3A_1053 = arith.cmpi eq, %jit3A_1051, %eq3A_1052 : i32
        %jit3A_1054 = arith.constant 1 : i32
        %select_n3A_1055 = arith.select %eq3A_1053, %jit3A_1054, %jit3A_1051 : i32
        %rem3A_1056 = vector.broadcast %select_n3A_1055 : i32 to vector<16xi32>
        %rem3A_1057 = arith.remsi %add3A_1016, %rem3A_1056 : vector<16xi32>
        %ne3A_1058 = arith.constant 0 : i32
        %ne3A_1059 = vector.broadcast %ne3A_1058 : i32 to vector<16xi32>
        %ne3A_1060 = arith.cmpi ne, %rem3A_1057, %ne3A_1059 : vector<16xi32>
        %lt3A_1061 = arith.constant 0 : i32
        %lt3A_1062 = vector.broadcast %lt3A_1061 : i32 to vector<16xi32>
        %lt3A_1063 = arith.cmpi slt, %rem3A_1057, %lt3A_1062 : vector<16xi32>
        %lt3A_1064 = arith.constant 0 : i32
        %lt3A_1065 = arith.cmpi slt, %select_n3A_1055, %lt3A_1064 : i32
        %ne3A_1066 = vector.broadcast %lt3A_1065 : i1 to vector<16xi1>
        %ne3A_1067 = vector.broadcast %ne3A_1066 : vector<16xi1> to vector<16xi1>
        %ne3A_1068 = arith.xori %lt3A_1063, %ne3A_1067 : vector<16xi1>
        %and3A_1069 = arith.andi %ne3A_1068, %ne3A_1060 : vector<16xi1>
        %add3A_1070 = vector.broadcast %select_n3A_1055 : i32 to vector<16xi32>
        %add3A_1071 = arith.addi %rem3A_1057, %add3A_1070 : vector<16xi32>
        %select_n3A_1072 = arith.select %and3A_1069, %add3A_1071, %rem3A_1057 : vector<16xi1>, vector<16xi32>
        tpu.vector_store_idx %arg8[%select_n3A_1050, %select_n3A_1072, %add3A_1013], %get3A_1019 : memref<8x8x129xf32, #tpu.memory_space<vmem>>[vector<16xi32>, vector<16xi32>, vector<16xi32>], vector<16xf32>,
        %add3A_1073 = arith.constant 16 : i32
        %add3A_1074 = vector.broadcast %add3A_1073 : i32 to vector<16xi32>
        %add3A_1075 = arith.addi %add3A_1074, %iota3A : vector<16xi32>
        %get3A_1076 = arith.index_cast %add3A_1009 : i32 to index
        %get3A_1077 = arith.constant 16 : index
        %get3A_1078 = tpu.vector_load %arg6[%get3A_1076, %get3A_1077] {strides = array<i32>} : memref<128x64xf32, #tpu.memory_space<vmem>>, vector<16xf32>,
        %jit3A_1079 = arith.constant 8 : i32
        %div3A_1080 = vector.broadcast %jit3A_1079 : i32 to vector<16xi32>
        %div3A_1081 = arith.divsi %add3A_1075, %div3A_1080 : vector<16xi32>
        %sign3A_1082 = arith.constant 0 : i32
        %sign3A_1083 = vector.broadcast %sign3A_1082 : i32 to vector<16xi32>
        %sign3A_1084 = arith.cmpi sgt, %add3A_1075, %sign3A_1083 : vector<16xi32>
        %sign3A_1085 = arith.extui %sign3A_1084 : vector<16xi1> to vector<16xi32>
        %sign3A_1086 = arith.constant 0 : i32
        %sign3A_1087 = vector.broadcast %sign3A_1086 : i32 to vector<16xi32>
        %sign3A_1088 = arith.cmpi slt, %add3A_1075, %sign3A_1087 : vector<16xi32>
        %sign3A_1089 = arith.extui %sign3A_1088 : vector<16xi1> to vector<16xi32>
        %sign3A_1090 = arith.subi %sign3A_1085, %sign3A_1089 : vector<16xi32>
        %sign3A_1091 = arith.constant 0 : i32
        %sign3A_1092 = arith.cmpi sgt, %jit3A_1079, %sign3A_1091 : i32
        %sign3A_1093 = arith.extui %sign3A_1092 : i1 to i32
        %sign3A_1094 = arith.constant 0 : i32
        %sign3A_1095 = arith.cmpi slt, %jit3A_1079, %sign3A_1094 : i32
        %sign3A_1096 = arith.extui %sign3A_1095 : i1 to i32
        %sign3A_1097 = arith.subi %sign3A_1093, %sign3A_1096 : i32
        %ne3A_1098 = vector.broadcast %sign3A_1097 : i32 to vector<16xi32>
        %ne3A_1099 = arith.cmpi ne, %sign3A_1090, %ne3A_1098 : vector<16xi32>
        %rem3A_1100 = vector.broadcast %jit3A_1079 : i32 to vector<16xi32>
        %rem3A_1101 = arith.remsi %add3A_1075, %rem3A_1100 : vector<16xi32>
        %ne3A_1102 = arith.constant 0 : i32
        %ne3A_1103 = vector.broadcast %ne3A_1102 : i32 to vector<16xi32>
        %ne3A_1104 = arith.cmpi ne, %rem3A_1101, %ne3A_1103 : vector<16xi32>
        %and3A_1105 = arith.andi %ne3A_1099, %ne3A_1104 : vector<16xi1>
        %sub3A_1106 = arith.constant 1 : i32
        %sub3A_1107 = vector.broadcast %sub3A_1106 : i32 to vector<16xi32>
        %sub3A_1108 = arith.subi %div3A_1081, %sub3A_1107 : vector<16xi32>
        %select_n3A_1109 = arith.select %and3A_1105, %sub3A_1108, %div3A_1081 : vector<16xi1>, vector<16xi32>
        %jit3A_1110 = arith.constant 8 : i32
        %eq3A_1111 = arith.constant 0 : i32
        %eq3A_1112 = arith.cmpi eq, %jit3A_1110, %eq3A_1111 : i32
        %jit3A_1113 = arith.constant 1 : i32
        %select_n3A_1114 = arith.select %eq3A_1112, %jit3A_1113, %jit3A_1110 : i32
        %rem3A_1115 = vector.broadcast %select_n3A_1114 : i32 to vector<16xi32>
        %rem3A_1116 = arith.remsi %add3A_1075, %rem3A_1115 : vector<16xi32>
        %ne3A_1117 = arith.constant 0 : i32
        %ne3A_1118 = vector.broadcast %ne3A_1117 : i32 to vector<16xi32>
        %ne3A_1119 = arith.cmpi ne, %rem3A_1116, %ne3A_1118 : vector<16xi32>
        %lt3A_1120 = arith.constant 0 : i32
        %lt3A_1121 = vector.broadcast %lt3A_1120 : i32 to vector<16xi32>
        %lt3A_1122 = arith.cmpi slt, %rem3A_1116, %lt3A_1121 : vector<16xi32>
        %lt3A_1123 = arith.constant 0 : i32
        %lt3A_1124 = arith.cmpi slt, %select_n3A_1114, %lt3A_1123 : i32
        %ne3A_1125 = vector.broadcast %lt3A_1124 : i1 to vector<16xi1>
        %ne3A_1126 = vector.broadcast %ne3A_1125 : vector<16xi1> to vector<16xi1>
        %ne3A_1127 = arith.xori %lt3A_1122, %ne3A_1126 : vector<16xi1>
        %and3A_1128 = arith.andi %ne3A_1127, %ne3A_1119 : vector<16xi1>
        %add3A_1129 = vector.broadcast %select_n3A_1114 : i32 to vector<16xi32>
        %add3A_1130 = arith.addi %rem3A_1116, %add3A_1129 : vector<16xi32>
        %select_n3A_1131 = arith.select %and3A_1128, %add3A_1130, %rem3A_1116 : vector<16xi1>, vector<16xi32>
        tpu.vector_store_idx %arg8[%select_n3A_1109, %select_n3A_1131, %add3A_1013], %get3A_1078 : memref<8x8x129xf32, #tpu.memory_space<vmem>>[vector<16xi32>, vector<16xi32>, vector<16xi32>], vector<16xf32>,
        %add3A_1132 = arith.constant 32 : i32
        %add3A_1133 = vector.broadcast %add3A_1132 : i32 to vector<16xi32>
        %add3A_1134 = arith.addi %add3A_1133, %iota3A : vector<16xi32>
        %get3A_1135 = arith.index_cast %add3A_1009 : i32 to index
        %get3A_1136 = arith.constant 32 : index
        %get3A_1137 = tpu.vector_load %arg6[%get3A_1135, %get3A_1136] {strides = array<i32>} : memref<128x64xf32, #tpu.memory_space<vmem>>, vector<16xf32>,
        %jit3A_1138 = arith.constant 8 : i32
        %div3A_1139 = vector.broadcast %jit3A_1138 : i32 to vector<16xi32>
        %div3A_1140 = arith.divsi %add3A_1134, %div3A_1139 : vector<16xi32>
        %sign3A_1141 = arith.constant 0 : i32
        %sign3A_1142 = vector.broadcast %sign3A_1141 : i32 to vector<16xi32>
        %sign3A_1143 = arith.cmpi sgt, %add3A_1134, %sign3A_1142 : vector<16xi32>
        %sign3A_1144 = arith.extui %sign3A_1143 : vector<16xi1> to vector<16xi32>
        %sign3A_1145 = arith.constant 0 : i32
        %sign3A_1146 = vector.broadcast %sign3A_1145 : i32 to vector<16xi32>
        %sign3A_1147 = arith.cmpi slt, %add3A_1134, %sign3A_1146 : vector<16xi32>
        %sign3A_1148 = arith.extui %sign3A_1147 : vector<16xi1> to vector<16xi32>
        %sign3A_1149 = arith.subi %sign3A_1144, %sign3A_1148 : vector<16xi32>
        %sign3A_1150 = arith.constant 0 : i32
        %sign3A_1151 = arith.cmpi sgt, %jit3A_1138, %sign3A_1150 : i32
        %sign3A_1152 = arith.extui %sign3A_1151 : i1 to i32
        %sign3A_1153 = arith.constant 0 : i32
        %sign3A_1154 = arith.cmpi slt, %jit3A_1138, %sign3A_1153 : i32
        %sign3A_1155 = arith.extui %sign3A_1154 : i1 to i32
        %sign3A_1156 = arith.subi %sign3A_1152, %sign3A_1155 : i32
        %ne3A_1157 = vector.broadcast %sign3A_1156 : i32 to vector<16xi32>
        %ne3A_1158 = arith.cmpi ne, %sign3A_1149, %ne3A_1157 : vector<16xi32>
        %rem3A_1159 = vector.broadcast %jit3A_1138 : i32 to vector<16xi32>
        %rem3A_1160 = arith.remsi %add3A_1134, %rem3A_1159 : vector<16xi32>
        %ne3A_1161 = arith.constant 0 : i32
        %ne3A_1162 = vector.broadcast %ne3A_1161 : i32 to vector<16xi32>
        %ne3A_1163 = arith.cmpi ne, %rem3A_1160, %ne3A_1162 : vector<16xi32>
        %and3A_1164 = arith.andi %ne3A_1158, %ne3A_1163 : vector<16xi1>
        %sub3A_1165 = arith.constant 1 : i32
        %sub3A_1166 = vector.broadcast %sub3A_1165 : i32 to vector<16xi32>
        %sub3A_1167 = arith.subi %div3A_1140, %sub3A_1166 : vector<16xi32>
        %select_n3A_1168 = arith.select %and3A_1164, %sub3A_1167, %div3A_1140 : vector<16xi1>, vector<16xi32>
        %jit3A_1169 = arith.constant 8 : i32
        %eq3A_1170 = arith.constant 0 : i32
        %eq3A_1171 = arith.cmpi eq, %jit3A_1169, %eq3A_1170 : i32
        %jit3A_1172 = arith.constant 1 : i32
        %select_n3A_1173 = arith.select %eq3A_1171, %jit3A_1172, %jit3A_1169 : i32
        %rem3A_1174 = vector.broadcast %select_n3A_1173 : i32 to vector<16xi32>
        %rem3A_1175 = arith.remsi %add3A_1134, %rem3A_1174 : vector<16xi32>
        %ne3A_1176 = arith.constant 0 : i32
        %ne3A_1177 = vector.broadcast %ne3A_1176 : i32 to vector<16xi32>
        %ne3A_1178 = arith.cmpi ne, %rem3A_1175, %ne3A_1177 : vector<16xi32>
        %lt3A_1179 = arith.constant 0 : i32
        %lt3A_1180 = vector.broadcast %lt3A_1179 : i32 to vector<16xi32>
        %lt3A_1181 = arith.cmpi slt, %rem3A_1175, %lt3A_1180 : vector<16xi32>
        %lt3A_1182 = arith.constant 0 : i32
        %lt3A_1183 = arith.cmpi slt, %select_n3A_1173, %lt3A_1182 : i32
        %ne3A_1184 = vector.broadcast %lt3A_1183 : i1 to vector<16xi1>
        %ne3A_1185 = vector.broadcast %ne3A_1184 : vector<16xi1> to vector<16xi1>
        %ne3A_1186 = arith.xori %lt3A_1181, %ne3A_1185 : vector<16xi1>
        %and3A_1187 = arith.andi %ne3A_1186, %ne3A_1178 : vector<16xi1>
        %add3A_1188 = vector.broadcast %select_n3A_1173 : i32 to vector<16xi32>
        %add3A_1189 = arith.addi %rem3A_1175, %add3A_1188 : vector<16xi32>
        %select_n3A_1190 = arith.select %and3A_1187, %add3A_1189, %rem3A_1175 : vector<16xi1>, vector<16xi32>
        tpu.vector_store_idx %arg8[%select_n3A_1168, %select_n3A_1190, %add3A_1013], %get3A_1137 : memref<8x8x129xf32, #tpu.memory_space<vmem>>[vector<16xi32>, vector<16xi32>, vector<16xi32>], vector<16xf32>,
        %add3A_1191 = arith.constant 48 : i32
        %add3A_1192 = vector.broadcast %add3A_1191 : i32 to vector<16xi32>
        %add3A_1193 = arith.addi %add3A_1192, %iota3A : vector<16xi32>
        %get3A_1194 = arith.index_cast %add3A_1009 : i32 to index
        %get3A_1195 = arith.constant 48 : index
        %get3A_1196 = tpu.vector_load %arg6[%get3A_1194, %get3A_1195] {strides = array<i32>} : memref<128x64xf32, #tpu.memory_space<vmem>>, vector<16xf32>,
        %jit3A_1197 = arith.constant 8 : i32
        %div3A_1198 = vector.broadcast %jit3A_1197 : i32 to vector<16xi32>
        %div3A_1199 = arith.divsi %add3A_1193, %div3A_1198 : vector<16xi32>
        %sign3A_1200 = arith.constant 0 : i32
        %sign3A_1201 = vector.broadcast %sign3A_1200 : i32 to vector<16xi32>
        %sign3A_1202 = arith.cmpi sgt, %add3A_1193, %sign3A_1201 : vector<16xi32>
        %sign3A_1203 = arith.extui %sign3A_1202 : vector<16xi1> to vector<16xi32>
        %sign3A_1204 = arith.constant 0 : i32
        %sign3A_1205 = vector.broadcast %sign3A_1204 : i32 to vector<16xi32>
        %sign3A_1206 = arith.cmpi slt, %add3A_1193, %sign3A_1205 : vector<16xi32>
        %sign3A_1207 = arith.extui %sign3A_1206 : vector<16xi1> to vector<16xi32>
        %sign3A_1208 = arith.subi %sign3A_1203, %sign3A_1207 : vector<16xi32>
        %sign3A_1209 = arith.constant 0 : i32
        %sign3A_1210 = arith.cmpi sgt, %jit3A_1197, %sign3A_1209 : i32
        %sign3A_1211 = arith.extui %sign3A_1210 : i1 to i32
        %sign3A_1212 = arith.constant 0 : i32
        %sign3A_1213 = arith.cmpi slt, %jit3A_1197, %sign3A_1212 : i32
        %sign3A_1214 = arith.extui %sign3A_1213 : i1 to i32
        %sign3A_1215 = arith.subi %sign3A_1211, %sign3A_1214 : i32
        %ne3A_1216 = vector.broadcast %sign3A_1215 : i32 to vector<16xi32>
        %ne3A_1217 = arith.cmpi ne, %sign3A_1208, %ne3A_1216 : vector<16xi32>
        %rem3A_1218 = vector.broadcast %jit3A_1197 : i32 to vector<16xi32>
        %rem3A_1219 = arith.remsi %add3A_1193, %rem3A_1218 : vector<16xi32>
        %ne3A_1220 = arith.constant 0 : i32
        %ne3A_1221 = vector.broadcast %ne3A_1220 : i32 to vector<16xi32>
        %ne3A_1222 = arith.cmpi ne, %rem3A_1219, %ne3A_1221 : vector<16xi32>
        %and3A_1223 = arith.andi %ne3A_1217, %ne3A_1222 : vector<16xi1>
        %sub3A_1224 = arith.constant 1 : i32
        %sub3A_1225 = vector.broadcast %sub3A_1224 : i32 to vector<16xi32>
        %sub3A_1226 = arith.subi %div3A_1199, %sub3A_1225 : vector<16xi32>
        %select_n3A_1227 = arith.select %and3A_1223, %sub3A_1226, %div3A_1199 : vector<16xi1>, vector<16xi32>
        %jit3A_1228 = arith.constant 8 : i32
        %eq3A_1229 = arith.constant 0 : i32
        %eq3A_1230 = arith.cmpi eq, %jit3A_1228, %eq3A_1229 : i32
        %jit3A_1231 = arith.constant 1 : i32
        %select_n3A_1232 = arith.select %eq3A_1230, %jit3A_1231, %jit3A_1228 : i32
        %rem3A_1233 = vector.broadcast %select_n3A_1232 : i32 to vector<16xi32>
        %rem3A_1234 = arith.remsi %add3A_1193, %rem3A_1233 : vector<16xi32>
        %ne3A_1235 = arith.constant 0 : i32
        %ne3A_1236 = vector.broadcast %ne3A_1235 : i32 to vector<16xi32>
        %ne3A_1237 = arith.cmpi ne, %rem3A_1234, %ne3A_1236 : vector<16xi32>
        %lt3A_1238 = arith.constant 0 : i32
        %lt3A_1239 = vector.broadcast %lt3A_1238 : i32 to vector<16xi32>
        %lt3A_1240 = arith.cmpi slt, %rem3A_1234, %lt3A_1239 : vector<16xi32>
        %lt3A_1241 = arith.constant 0 : i32
        %lt3A_1242 = arith.cmpi slt, %select_n3A_1232, %lt3A_1241 : i32
        %ne3A_1243 = vector.broadcast %lt3A_1242 : i1 to vector<16xi1>
        %ne3A_1244 = vector.broadcast %ne3A_1243 : vector<16xi1> to vector<16xi1>
        %ne3A_1245 = arith.xori %lt3A_1240, %ne3A_1244 : vector<16xi1>
        %and3A_1246 = arith.andi %ne3A_1245, %ne3A_1237 : vector<16xi1>
        %add3A_1247 = vector.broadcast %select_n3A_1232 : i32 to vector<16xi32>
        %add3A_1248 = arith.addi %rem3A_1234, %add3A_1247 : vector<16xi32>
        %select_n3A_1249 = arith.select %and3A_1246, %add3A_1248, %rem3A_1234 : vector<16xi1>, vector<16xi32>
        tpu.vector_store_idx %arg8[%select_n3A_1227, %select_n3A_1249, %add3A_1013], %get3A_1196 : memref<8x8x129xf32, #tpu.memory_space<vmem>>[vector<16xi32>, vector<16xi32>, vector<16xi32>], vector<16xf32>,
        %scan3A_1250 = arith.constant 2 : i32
        %scan3A_1251 = arith.addi %scan3A_770, %scan3A_1250 : i32
        %mul3A_1252 = arith.constant 1 : i32
        %mul3A_1253 = arith.muli %scan3A_1251, %mul3A_1252 : i32
        %add3A_1254 = arith.constant 0 : i32
        %add3A_1255 = arith.addi %add3A_1254, %mul3A_1253 : i32
        %broadcast_in_dim3A_1256 = arith.constant 0 : i32
        %broadcast_in_dim3A_1257 = vector.broadcast %broadcast_in_dim3A_1256 : i32 to vector<16xi32>
        %add3A_1258 = vector.broadcast %add3A_1255 : i32 to vector<16xi32>
        %add3A_1259 = arith.addi %broadcast_in_dim3A_1257, %add3A_1258 : vector<16xi32>
        %add3A_1260 = arith.constant 0 : i32
        %add3A_1261 = vector.broadcast %add3A_1260 : i32 to vector<16xi32>
        %add3A_1262 = arith.addi %add3A_1261, %iota3A : vector<16xi32>
        %get3A_1263 = arith.index_cast %add3A_1255 : i32 to index
        %get3A_1264 = arith.constant 0 : index
        %get3A_1265 = tpu.vector_load %arg6[%get3A_1263, %get3A_1264] {strides = array<i32>} : memref<128x64xf32, #tpu.memory_space<vmem>>, vector<16xf32>,
        %jit3A_1266 = arith.constant 8 : i32
        %div3A_1267 = vector.broadcast %jit3A_1266 : i32 to vector<16xi32>
        %div3A_1268 = arith.divsi %add3A_1262, %div3A_1267 : vector<16xi32>
        %sign3A_1269 = arith.constant 0 : i32
        %sign3A_1270 = vector.broadcast %sign3A_1269 : i32 to vector<16xi32>
        %sign3A_1271 = arith.cmpi sgt, %add3A_1262, %sign3A_1270 : vector<16xi32>
        %sign3A_1272 = arith.extui %sign3A_1271 : vector<16xi1> to vector<16xi32>
        %sign3A_1273 = arith.constant 0 : i32
        %sign3A_1274 = vector.broadcast %sign3A_1273 : i32 to vector<16xi32>
        %sign3A_1275 = arith.cmpi slt, %add3A_1262, %sign3A_1274 : vector<16xi32>
        %sign3A_1276 = arith.extui %sign3A_1275 : vector<16xi1> to vector<16xi32>
        %sign3A_1277 = arith.subi %sign3A_1272, %sign3A_1276 : vector<16xi32>
        %sign3A_1278 = arith.constant 0 : i32
        %sign3A_1279 = arith.cmpi sgt, %jit3A_1266, %sign3A_1278 : i32
        %sign3A_1280 = arith.extui %sign3A_1279 : i1 to i32
        %sign3A_1281 = arith.constant 0 : i32
        %sign3A_1282 = arith.cmpi slt, %jit3A_1266, %sign3A_1281 : i32
        %sign3A_1283 = arith.extui %sign3A_1282 : i1 to i32
        %sign3A_1284 = arith.subi %sign3A_1280, %sign3A_1283 : i32
        %ne3A_1285 = vector.broadcast %sign3A_1284 : i32 to vector<16xi32>
        %ne3A_1286 = arith.cmpi ne, %sign3A_1277, %ne3A_1285 : vector<16xi32>
        %rem3A_1287 = vector.broadcast %jit3A_1266 : i32 to vector<16xi32>
        %rem3A_1288 = arith.remsi %add3A_1262, %rem3A_1287 : vector<16xi32>
        %ne3A_1289 = arith.constant 0 : i32
        %ne3A_1290 = vector.broadcast %ne3A_1289 : i32 to vector<16xi32>
        %ne3A_1291 = arith.cmpi ne, %rem3A_1288, %ne3A_1290 : vector<16xi32>
        %and3A_1292 = arith.andi %ne3A_1286, %ne3A_1291 : vector<16xi1>
        %sub3A_1293 = arith.constant 1 : i32
        %sub3A_1294 = vector.broadcast %sub3A_1293 : i32 to vector<16xi32>
        %sub3A_1295 = arith.subi %div3A_1268, %sub3A_1294 : vector<16xi32>
        %select_n3A_1296 = arith.select %and3A_1292, %sub3A_1295, %div3A_1268 : vector<16xi1>, vector<16xi32>
        %jit3A_1297 = arith.constant 8 : i32
        %eq3A_1298 = arith.constant 0 : i32
        %eq3A_1299 = arith.cmpi eq, %jit3A_1297, %eq3A_1298 : i32
        %jit3A_1300 = arith.constant 1 : i32
        %select_n3A_1301 = arith.select %eq3A_1299, %jit3A_1300, %jit3A_1297 : i32
        %rem3A_1302 = vector.broadcast %select_n3A_1301 : i32 to vector<16xi32>
        %rem3A_1303 = arith.remsi %add3A_1262, %rem3A_1302 : vector<16xi32>
        %ne3A_1304 = arith.constant 0 : i32
        %ne3A_1305 = vector.broadcast %ne3A_1304 : i32 to vector<16xi32>
        %ne3A_1306 = arith.cmpi ne, %rem3A_1303, %ne3A_1305 : vector<16xi32>
        %lt3A_1307 = arith.constant 0 : i32
        %lt3A_1308 = vector.broadcast %lt3A_1307 : i32 to vector<16xi32>
        %lt3A_1309 = arith.cmpi slt, %rem3A_1303, %lt3A_1308 : vector<16xi32>
        %lt3A_1310 = arith.constant 0 : i32
        %lt3A_1311 = arith.cmpi slt, %select_n3A_1301, %lt3A_1310 : i32
        %ne3A_1312 = vector.broadcast %lt3A_1311 : i1 to vector<16xi1>
        %ne3A_1313 = vector.broadcast %ne3A_1312 : vector<16xi1> to vector<16xi1>
        %ne3A_1314 = arith.xori %lt3A_1309, %ne3A_1313 : vector<16xi1>
        %and3A_1315 = arith.andi %ne3A_1314, %ne3A_1306 : vector<16xi1>
        %add3A_1316 = vector.broadcast %select_n3A_1301 : i32 to vector<16xi32>
        %add3A_1317 = arith.addi %rem3A_1303, %add3A_1316 : vector<16xi32>
        %select_n3A_1318 = arith.select %and3A_1315, %add3A_1317, %rem3A_1303 : vector<16xi1>, vector<16xi32>
        tpu.vector_store_idx %arg8[%select_n3A_1296, %select_n3A_1318, %add3A_1259], %get3A_1265 : memref<8x8x129xf32, #tpu.memory_space<vmem>>[vector<16xi32>, vector<16xi32>, vector<16xi32>], vector<16xf32>,
        %add3A_1319 = arith.constant 16 : i32
        %add3A_1320 = vector.broadcast %add3A_1319 : i32 to vector<16xi32>
        %add3A_1321 = arith.addi %add3A_1320, %iota3A : vector<16xi32>
        %get3A_1322 = arith.index_cast %add3A_1255 : i32 to index
        %get3A_1323 = arith.constant 16 : index
        %get3A_1324 = tpu.vector_load %arg6[%get3A_1322, %get3A_1323] {strides = array<i32>} : memref<128x64xf32, #tpu.memory_space<vmem>>, vector<16xf32>,
        %jit3A_1325 = arith.constant 8 : i32
        %div3A_1326 = vector.broadcast %jit3A_1325 : i32 to vector<16xi32>
        %div3A_1327 = arith.divsi %add3A_1321, %div3A_1326 : vector<16xi32>
        %sign3A_1328 = arith.constant 0 : i32
        %sign3A_1329 = vector.broadcast %sign3A_1328 : i32 to vector<16xi32>
        %sign3A_1330 = arith.cmpi sgt, %add3A_1321, %sign3A_1329 : vector<16xi32>
        %sign3A_1331 = arith.extui %sign3A_1330 : vector<16xi1> to vector<16xi32>
        %sign3A_1332 = arith.constant 0 : i32
        %sign3A_1333 = vector.broadcast %sign3A_1332 : i32 to vector<16xi32>
        %sign3A_1334 = arith.cmpi slt, %add3A_1321, %sign3A_1333 : vector<16xi32>
        %sign3A_1335 = arith.extui %sign3A_1334 : vector<16xi1> to vector<16xi32>
        %sign3A_1336 = arith.subi %sign3A_1331, %sign3A_1335 : vector<16xi32>
        %sign3A_1337 = arith.constant 0 : i32
        %sign3A_1338 = arith.cmpi sgt, %jit3A_1325, %sign3A_1337 : i32
        %sign3A_1339 = arith.extui %sign3A_1338 : i1 to i32
        %sign3A_1340 = arith.constant 0 : i32
        %sign3A_1341 = arith.cmpi slt, %jit3A_1325, %sign3A_1340 : i32
        %sign3A_1342 = arith.extui %sign3A_1341 : i1 to i32
        %sign3A_1343 = arith.subi %sign3A_1339, %sign3A_1342 : i32
        %ne3A_1344 = vector.broadcast %sign3A_1343 : i32 to vector<16xi32>
        %ne3A_1345 = arith.cmpi ne, %sign3A_1336, %ne3A_1344 : vector<16xi32>
        %rem3A_1346 = vector.broadcast %jit3A_1325 : i32 to vector<16xi32>
        %rem3A_1347 = arith.remsi %add3A_1321, %rem3A_1346 : vector<16xi32>
        %ne3A_1348 = arith.constant 0 : i32
        %ne3A_1349 = vector.broadcast %ne3A_1348 : i32 to vector<16xi32>
        %ne3A_1350 = arith.cmpi ne, %rem3A_1347, %ne3A_1349 : vector<16xi32>
        %and3A_1351 = arith.andi %ne3A_1345, %ne3A_1350 : vector<16xi1>
        %sub3A_1352 = arith.constant 1 : i32
        %sub3A_1353 = vector.broadcast %sub3A_1352 : i32 to vector<16xi32>
        %sub3A_1354 = arith.subi %div3A_1327, %sub3A_1353 : vector<16xi32>
        %select_n3A_1355 = arith.select %and3A_1351, %sub3A_1354, %div3A_1327 : vector<16xi1>, vector<16xi32>
        %jit3A_1356 = arith.constant 8 : i32
        %eq3A_1357 = arith.constant 0 : i32
        %eq3A_1358 = arith.cmpi eq, %jit3A_1356, %eq3A_1357 : i32
        %jit3A_1359 = arith.constant 1 : i32
        %select_n3A_1360 = arith.select %eq3A_1358, %jit3A_1359, %jit3A_1356 : i32
        %rem3A_1361 = vector.broadcast %select_n3A_1360 : i32 to vector<16xi32>
        %rem3A_1362 = arith.remsi %add3A_1321, %rem3A_1361 : vector<16xi32>
        %ne3A_1363 = arith.constant 0 : i32
        %ne3A_1364 = vector.broadcast %ne3A_1363 : i32 to vector<16xi32>
        %ne3A_1365 = arith.cmpi ne, %rem3A_1362, %ne3A_1364 : vector<16xi32>
        %lt3A_1366 = arith.constant 0 : i32
        %lt3A_1367 = vector.broadcast %lt3A_1366 : i32 to vector<16xi32>
        %lt3A_1368 = arith.cmpi slt, %rem3A_1362, %lt3A_1367 : vector<16xi32>
        %lt3A_1369 = arith.constant 0 : i32
        %lt3A_1370 = arith.cmpi slt, %select_n3A_1360, %lt3A_1369 : i32
        %ne3A_1371 = vector.broadcast %lt3A_1370 : i1 to vector<16xi1>
        %ne3A_1372 = vector.broadcast %ne3A_1371 : vector<16xi1> to vector<16xi1>
        %ne3A_1373 = arith.xori %lt3A_1368, %ne3A_1372 : vector<16xi1>
        %and3A_1374 = arith.andi %ne3A_1373, %ne3A_1365 : vector<16xi1>
        %add3A_1375 = vector.broadcast %select_n3A_1360 : i32 to vector<16xi32>
        %add3A_1376 = arith.addi %rem3A_1362, %add3A_1375 : vector<16xi32>
        %select_n3A_1377 = arith.select %and3A_1374, %add3A_1376, %rem3A_1362 : vector<16xi1>, vector<16xi32>
        tpu.vector_store_idx %arg8[%select_n3A_1355, %select_n3A_1377, %add3A_1259], %get3A_1324 : memref<8x8x129xf32, #tpu.memory_space<vmem>>[vector<16xi32>, vector<16xi32>, vector<16xi32>], vector<16xf32>,
        %add3A_1378 = arith.constant 32 : i32
        %add3A_1379 = vector.broadcast %add3A_1378 : i32 to vector<16xi32>
        %add3A_1380 = arith.addi %add3A_1379, %iota3A : vector<16xi32>
        %get3A_1381 = arith.index_cast %add3A_1255 : i32 to index
        %get3A_1382 = arith.constant 32 : index
        %get3A_1383 = tpu.vector_load %arg6[%get3A_1381, %get3A_1382] {strides = array<i32>} : memref<128x64xf32, #tpu.memory_space<vmem>>, vector<16xf32>,
        %jit3A_1384 = arith.constant 8 : i32
        %div3A_1385 = vector.broadcast %jit3A_1384 : i32 to vector<16xi32>
        %div3A_1386 = arith.divsi %add3A_1380, %div3A_1385 : vector<16xi32>
        %sign3A_1387 = arith.constant 0 : i32
        %sign3A_1388 = vector.broadcast %sign3A_1387 : i32 to vector<16xi32>
        %sign3A_1389 = arith.cmpi sgt, %add3A_1380, %sign3A_1388 : vector<16xi32>
        %sign3A_1390 = arith.extui %sign3A_1389 : vector<16xi1> to vector<16xi32>
        %sign3A_1391 = arith.constant 0 : i32
        %sign3A_1392 = vector.broadcast %sign3A_1391 : i32 to vector<16xi32>
        %sign3A_1393 = arith.cmpi slt, %add3A_1380, %sign3A_1392 : vector<16xi32>
        %sign3A_1394 = arith.extui %sign3A_1393 : vector<16xi1> to vector<16xi32>
        %sign3A_1395 = arith.subi %sign3A_1390, %sign3A_1394 : vector<16xi32>
        %sign3A_1396 = arith.constant 0 : i32
        %sign3A_1397 = arith.cmpi sgt, %jit3A_1384, %sign3A_1396 : i32
        %sign3A_1398 = arith.extui %sign3A_1397 : i1 to i32
        %sign3A_1399 = arith.constant 0 : i32
        %sign3A_1400 = arith.cmpi slt, %jit3A_1384, %sign3A_1399 : i32
        %sign3A_1401 = arith.extui %sign3A_1400 : i1 to i32
        %sign3A_1402 = arith.subi %sign3A_1398, %sign3A_1401 : i32
        %ne3A_1403 = vector.broadcast %sign3A_1402 : i32 to vector<16xi32>
        %ne3A_1404 = arith.cmpi ne, %sign3A_1395, %ne3A_1403 : vector<16xi32>
        %rem3A_1405 = vector.broadcast %jit3A_1384 : i32 to vector<16xi32>
        %rem3A_1406 = arith.remsi %add3A_1380, %rem3A_1405 : vector<16xi32>
        %ne3A_1407 = arith.constant 0 : i32
        %ne3A_1408 = vector.broadcast %ne3A_1407 : i32 to vector<16xi32>
        %ne3A_1409 = arith.cmpi ne, %rem3A_1406, %ne3A_1408 : vector<16xi32>
        %and3A_1410 = arith.andi %ne3A_1404, %ne3A_1409 : vector<16xi1>
        %sub3A_1411 = arith.constant 1 : i32
        %sub3A_1412 = vector.broadcast %sub3A_1411 : i32 to vector<16xi32>
        %sub3A_1413 = arith.subi %div3A_1386, %sub3A_1412 : vector<16xi32>
        %select_n3A_1414 = arith.select %and3A_1410, %sub3A_1413, %div3A_1386 : vector<16xi1>, vector<16xi32>
        %jit3A_1415 = arith.constant 8 : i32
        %eq3A_1416 = arith.constant 0 : i32
        %eq3A_1417 = arith.cmpi eq, %jit3A_1415, %eq3A_1416 : i32
        %jit3A_1418 = arith.constant 1 : i32
        %select_n3A_1419 = arith.select %eq3A_1417, %jit3A_1418, %jit3A_1415 : i32
        %rem3A_1420 = vector.broadcast %select_n3A_1419 : i32 to vector<16xi32>
        %rem3A_1421 = arith.remsi %add3A_1380, %rem3A_1420 : vector<16xi32>
        %ne3A_1422 = arith.constant 0 : i32
        %ne3A_1423 = vector.broadcast %ne3A_1422 : i32 to vector<16xi32>
        %ne3A_1424 = arith.cmpi ne, %rem3A_1421, %ne3A_1423 : vector<16xi32>
        %lt3A_1425 = arith.constant 0 : i32
        %lt3A_1426 = vector.broadcast %lt3A_1425 : i32 to vector<16xi32>
        %lt3A_1427 = arith.cmpi slt, %rem3A_1421, %lt3A_1426 : vector<16xi32>
        %lt3A_1428 = arith.constant 0 : i32
        %lt3A_1429 = arith.cmpi slt, %select_n3A_1419, %lt3A_1428 : i32
        %ne3A_1430 = vector.broadcast %lt3A_1429 : i1 to vector<16xi1>
        %ne3A_1431 = vector.broadcast %ne3A_1430 : vector<16xi1> to vector<16xi1>
        %ne3A_1432 = arith.xori %lt3A_1427, %ne3A_1431 : vector<16xi1>
        %and3A_1433 = arith.andi %ne3A_1432, %ne3A_1424 : vector<16xi1>
        %add3A_1434 = vector.broadcast %select_n3A_1419 : i32 to vector<16xi32>
        %add3A_1435 = arith.addi %rem3A_1421, %add3A_1434 : vector<16xi32>
        %select_n3A_1436 = arith.select %and3A_1433, %add3A_1435, %rem3A_1421 : vector<16xi1>, vector<16xi32>
        tpu.vector_store_idx %arg8[%select_n3A_1414, %select_n3A_1436, %add3A_1259], %get3A_1383 : memref<8x8x129xf32, #tpu.memory_space<vmem>>[vector<16xi32>, vector<16xi32>, vector<16xi32>], vector<16xf32>,
        %add3A_1437 = arith.constant 48 : i32
        %add3A_1438 = vector.broadcast %add3A_1437 : i32 to vector<16xi32>
        %add3A_1439 = arith.addi %add3A_1438, %iota3A : vector<16xi32>
        %get3A_1440 = arith.index_cast %add3A_1255 : i32 to index
        %get3A_1441 = arith.constant 48 : index
        %get3A_1442 = tpu.vector_load %arg6[%get3A_1440, %get3A_1441] {strides = array<i32>} : memref<128x64xf32, #tpu.memory_space<vmem>>, vector<16xf32>,
        %jit3A_1443 = arith.constant 8 : i32
        %div3A_1444 = vector.broadcast %jit3A_1443 : i32 to vector<16xi32>
        %div3A_1445 = arith.divsi %add3A_1439, %div3A_1444 : vector<16xi32>
        %sign3A_1446 = arith.constant 0 : i32
        %sign3A_1447 = vector.broadcast %sign3A_1446 : i32 to vector<16xi32>
        %sign3A_1448 = arith.cmpi sgt, %add3A_1439, %sign3A_1447 : vector<16xi32>
        %sign3A_1449 = arith.extui %sign3A_1448 : vector<16xi1> to vector<16xi32>
        %sign3A_1450 = arith.constant 0 : i32
        %sign3A_1451 = vector.broadcast %sign3A_1450 : i32 to vector<16xi32>
        %sign3A_1452 = arith.cmpi slt, %add3A_1439, %sign3A_1451 : vector<16xi32>
        %sign3A_1453 = arith.extui %sign3A_1452 : vector<16xi1> to vector<16xi32>
        %sign3A_1454 = arith.subi %sign3A_1449, %sign3A_1453 : vector<16xi32>
        %sign3A_1455 = arith.constant 0 : i32
        %sign3A_1456 = arith.cmpi sgt, %jit3A_1443, %sign3A_1455 : i32
        %sign3A_1457 = arith.extui %sign3A_1456 : i1 to i32
        %sign3A_1458 = arith.constant 0 : i32
        %sign3A_1459 = arith.cmpi slt, %jit3A_1443, %sign3A_1458 : i32
        %sign3A_1460 = arith.extui %sign3A_1459 : i1 to i32
        %sign3A_1461 = arith.subi %sign3A_1457, %sign3A_1460 : i32
        %ne3A_1462 = vector.broadcast %sign3A_1461 : i32 to vector<16xi32>
        %ne3A_1463 = arith.cmpi ne, %sign3A_1454, %ne3A_1462 : vector<16xi32>
        %rem3A_1464 = vector.broadcast %jit3A_1443 : i32 to vector<16xi32>
        %rem3A_1465 = arith.remsi %add3A_1439, %rem3A_1464 : vector<16xi32>
        %ne3A_1466 = arith.constant 0 : i32
        %ne3A_1467 = vector.broadcast %ne3A_1466 : i32 to vector<16xi32>
        %ne3A_1468 = arith.cmpi ne, %rem3A_1465, %ne3A_1467 : vector<16xi32>
        %and3A_1469 = arith.andi %ne3A_1463, %ne3A_1468 : vector<16xi1>
        %sub3A_1470 = arith.constant 1 : i32
        %sub3A_1471 = vector.broadcast %sub3A_1470 : i32 to vector<16xi32>
        %sub3A_1472 = arith.subi %div3A_1445, %sub3A_1471 : vector<16xi32>
        %select_n3A_1473 = arith.select %and3A_1469, %sub3A_1472, %div3A_1445 : vector<16xi1>, vector<16xi32>
        %jit3A_1474 = arith.constant 8 : i32
        %eq3A_1475 = arith.constant 0 : i32
        %eq3A_1476 = arith.cmpi eq, %jit3A_1474, %eq3A_1475 : i32
        %jit3A_1477 = arith.constant 1 : i32
        %select_n3A_1478 = arith.select %eq3A_1476, %jit3A_1477, %jit3A_1474 : i32
        %rem3A_1479 = vector.broadcast %select_n3A_1478 : i32 to vector<16xi32>
        %rem3A_1480 = arith.remsi %add3A_1439, %rem3A_1479 : vector<16xi32>
        %ne3A_1481 = arith.constant 0 : i32
        %ne3A_1482 = vector.broadcast %ne3A_1481 : i32 to vector<16xi32>
        %ne3A_1483 = arith.cmpi ne, %rem3A_1480, %ne3A_1482 : vector<16xi32>
        %lt3A_1484 = arith.constant 0 : i32
        %lt3A_1485 = vector.broadcast %lt3A_1484 : i32 to vector<16xi32>
        %lt3A_1486 = arith.cmpi slt, %rem3A_1480, %lt3A_1485 : vector<16xi32>
        %lt3A_1487 = arith.constant 0 : i32
        %lt3A_1488 = arith.cmpi slt, %select_n3A_1478, %lt3A_1487 : i32
        %ne3A_1489 = vector.broadcast %lt3A_1488 : i1 to vector<16xi1>
        %ne3A_1490 = vector.broadcast %ne3A_1489 : vector<16xi1> to vector<16xi1>
        %ne3A_1491 = arith.xori %lt3A_1486, %ne3A_1490 : vector<16xi1>
        %and3A_1492 = arith.andi %ne3A_1491, %ne3A_1483 : vector<16xi1>
        %add3A_1493 = vector.broadcast %select_n3A_1478 : i32 to vector<16xi32>
        %add3A_1494 = arith.addi %rem3A_1480, %add3A_1493 : vector<16xi32>
        %select_n3A_1495 = arith.select %and3A_1492, %add3A_1494, %rem3A_1480 : vector<16xi1>, vector<16xi32>
        tpu.vector_store_idx %arg8[%select_n3A_1473, %select_n3A_1495, %add3A_1259], %get3A_1442 : memref<8x8x129xf32, #tpu.memory_space<vmem>>[vector<16xi32>, vector<16xi32>, vector<16xi32>], vector<16xf32>,
        %scan3A_1496 = arith.constant 3 : i32
        %scan3A_1497 = arith.addi %scan3A_770, %scan3A_1496 : i32
        %mul3A_1498 = arith.constant 1 : i32
        %mul3A_1499 = arith.muli %scan3A_1497, %mul3A_1498 : i32
        %add3A_1500 = arith.constant 0 : i32
        %add3A_1501 = arith.addi %add3A_1500, %mul3A_1499 : i32
        %broadcast_in_dim3A_1502 = arith.constant 0 : i32
        %broadcast_in_dim3A_1503 = vector.broadcast %broadcast_in_dim3A_1502 : i32 to vector<16xi32>
        %add3A_1504 = vector.broadcast %add3A_1501 : i32 to vector<16xi32>
        %add3A_1505 = arith.addi %broadcast_in_dim3A_1503, %add3A_1504 : vector<16xi32>
        %add3A_1506 = arith.constant 0 : i32
        %add3A_1507 = vector.broadcast %add3A_1506 : i32 to vector<16xi32>
        %add3A_1508 = arith.addi %add3A_1507, %iota3A : vector<16xi32>
        %get3A_1509 = arith.index_cast %add3A_1501 : i32 to index
        %get3A_1510 = arith.constant 0 : index
        %get3A_1511 = tpu.vector_load %arg6[%get3A_1509, %get3A_1510] {strides = array<i32>} : memref<128x64xf32, #tpu.memory_space<vmem>>, vector<16xf32>,
        %jit3A_1512 = arith.constant 8 : i32
        %div3A_1513 = vector.broadcast %jit3A_1512 : i32 to vector<16xi32>
        %div3A_1514 = arith.divsi %add3A_1508, %div3A_1513 : vector<16xi32>
        %sign3A_1515 = arith.constant 0 : i32
        %sign3A_1516 = vector.broadcast %sign3A_1515 : i32 to vector<16xi32>
        %sign3A_1517 = arith.cmpi sgt, %add3A_1508, %sign3A_1516 : vector<16xi32>
        %sign3A_1518 = arith.extui %sign3A_1517 : vector<16xi1> to vector<16xi32>
        %sign3A_1519 = arith.constant 0 : i32
        %sign3A_1520 = vector.broadcast %sign3A_1519 : i32 to vector<16xi32>
        %sign3A_1521 = arith.cmpi slt, %add3A_1508, %sign3A_1520 : vector<16xi32>
        %sign3A_1522 = arith.extui %sign3A_1521 : vector<16xi1> to vector<16xi32>
        %sign3A_1523 = arith.subi %sign3A_1518, %sign3A_1522 : vector<16xi32>
        %sign3A_1524 = arith.constant 0 : i32
        %sign3A_1525 = arith.cmpi sgt, %jit3A_1512, %sign3A_1524 : i32
        %sign3A_1526 = arith.extui %sign3A_1525 : i1 to i32
        %sign3A_1527 = arith.constant 0 : i32
        %sign3A_1528 = arith.cmpi slt, %jit3A_1512, %sign3A_1527 : i32
        %sign3A_1529 = arith.extui %sign3A_1528 : i1 to i32
        %sign3A_1530 = arith.subi %sign3A_1526, %sign3A_1529 : i32
        %ne3A_1531 = vector.broadcast %sign3A_1530 : i32 to vector<16xi32>
        %ne3A_1532 = arith.cmpi ne, %sign3A_1523, %ne3A_1531 : vector<16xi32>
        %rem3A_1533 = vector.broadcast %jit3A_1512 : i32 to vector<16xi32>
        %rem3A_1534 = arith.remsi %add3A_1508, %rem3A_1533 : vector<16xi32>
        %ne3A_1535 = arith.constant 0 : i32
        %ne3A_1536 = vector.broadcast %ne3A_1535 : i32 to vector<16xi32>
        %ne3A_1537 = arith.cmpi ne, %rem3A_1534, %ne3A_1536 : vector<16xi32>
        %and3A_1538 = arith.andi %ne3A_1532, %ne3A_1537 : vector<16xi1>
        %sub3A_1539 = arith.constant 1 : i32
        %sub3A_1540 = vector.broadcast %sub3A_1539 : i32 to vector<16xi32>
        %sub3A_1541 = arith.subi %div3A_1514, %sub3A_1540 : vector<16xi32>
        %select_n3A_1542 = arith.select %and3A_1538, %sub3A_1541, %div3A_1514 : vector<16xi1>, vector<16xi32>
        %jit3A_1543 = arith.constant 8 : i32
        %eq3A_1544 = arith.constant 0 : i32
        %eq3A_1545 = arith.cmpi eq, %jit3A_1543, %eq3A_1544 : i32
        %jit3A_1546 = arith.constant 1 : i32
        %select_n3A_1547 = arith.select %eq3A_1545, %jit3A_1546, %jit3A_1543 : i32
        %rem3A_1548 = vector.broadcast %select_n3A_1547 : i32 to vector<16xi32>
        %rem3A_1549 = arith.remsi %add3A_1508, %rem3A_1548 : vector<16xi32>
        %ne3A_1550 = arith.constant 0 : i32
        %ne3A_1551 = vector.broadcast %ne3A_1550 : i32 to vector<16xi32>
        %ne3A_1552 = arith.cmpi ne, %rem3A_1549, %ne3A_1551 : vector<16xi32>
        %lt3A_1553 = arith.constant 0 : i32
        %lt3A_1554 = vector.broadcast %lt3A_1553 : i32 to vector<16xi32>
        %lt3A_1555 = arith.cmpi slt, %rem3A_1549, %lt3A_1554 : vector<16xi32>
        %lt3A_1556 = arith.constant 0 : i32
        %lt3A_1557 = arith.cmpi slt, %select_n3A_1547, %lt3A_1556 : i32
        %ne3A_1558 = vector.broadcast %lt3A_1557 : i1 to vector<16xi1>
        %ne3A_1559 = vector.broadcast %ne3A_1558 : vector<16xi1> to vector<16xi1>
        %ne3A_1560 = arith.xori %lt3A_1555, %ne3A_1559 : vector<16xi1>
        %and3A_1561 = arith.andi %ne3A_1560, %ne3A_1552 : vector<16xi1>
        %add3A_1562 = vector.broadcast %select_n3A_1547 : i32 to vector<16xi32>
        %add3A_1563 = arith.addi %rem3A_1549, %add3A_1562 : vector<16xi32>
        %select_n3A_1564 = arith.select %and3A_1561, %add3A_1563, %rem3A_1549 : vector<16xi1>, vector<16xi32>
        tpu.vector_store_idx %arg8[%select_n3A_1542, %select_n3A_1564, %add3A_1505], %get3A_1511 : memref<8x8x129xf32, #tpu.memory_space<vmem>>[vector<16xi32>, vector<16xi32>, vector<16xi32>], vector<16xf32>,
        %add3A_1565 = arith.constant 16 : i32
        %add3A_1566 = vector.broadcast %add3A_1565 : i32 to vector<16xi32>
        %add3A_1567 = arith.addi %add3A_1566, %iota3A : vector<16xi32>
        %get3A_1568 = arith.index_cast %add3A_1501 : i32 to index
        %get3A_1569 = arith.constant 16 : index
        %get3A_1570 = tpu.vector_load %arg6[%get3A_1568, %get3A_1569] {strides = array<i32>} : memref<128x64xf32, #tpu.memory_space<vmem>>, vector<16xf32>,
        %jit3A_1571 = arith.constant 8 : i32
        %div3A_1572 = vector.broadcast %jit3A_1571 : i32 to vector<16xi32>
        %div3A_1573 = arith.divsi %add3A_1567, %div3A_1572 : vector<16xi32>
        %sign3A_1574 = arith.constant 0 : i32
        %sign3A_1575 = vector.broadcast %sign3A_1574 : i32 to vector<16xi32>
        %sign3A_1576 = arith.cmpi sgt, %add3A_1567, %sign3A_1575 : vector<16xi32>
        %sign3A_1577 = arith.extui %sign3A_1576 : vector<16xi1> to vector<16xi32>
        %sign3A_1578 = arith.constant 0 : i32
        %sign3A_1579 = vector.broadcast %sign3A_1578 : i32 to vector<16xi32>
        %sign3A_1580 = arith.cmpi slt, %add3A_1567, %sign3A_1579 : vector<16xi32>
        %sign3A_1581 = arith.extui %sign3A_1580 : vector<16xi1> to vector<16xi32>
        %sign3A_1582 = arith.subi %sign3A_1577, %sign3A_1581 : vector<16xi32>
        %sign3A_1583 = arith.constant 0 : i32
        %sign3A_1584 = arith.cmpi sgt, %jit3A_1571, %sign3A_1583 : i32
        %sign3A_1585 = arith.extui %sign3A_1584 : i1 to i32
        %sign3A_1586 = arith.constant 0 : i32
        %sign3A_1587 = arith.cmpi slt, %jit3A_1571, %sign3A_1586 : i32
        %sign3A_1588 = arith.extui %sign3A_1587 : i1 to i32
        %sign3A_1589 = arith.subi %sign3A_1585, %sign3A_1588 : i32
        %ne3A_1590 = vector.broadcast %sign3A_1589 : i32 to vector<16xi32>
        %ne3A_1591 = arith.cmpi ne, %sign3A_1582, %ne3A_1590 : vector<16xi32>
        %rem3A_1592 = vector.broadcast %jit3A_1571 : i32 to vector<16xi32>
        %rem3A_1593 = arith.remsi %add3A_1567, %rem3A_1592 : vector<16xi32>
        %ne3A_1594 = arith.constant 0 : i32
        %ne3A_1595 = vector.broadcast %ne3A_1594 : i32 to vector<16xi32>
        %ne3A_1596 = arith.cmpi ne, %rem3A_1593, %ne3A_1595 : vector<16xi32>
        %and3A_1597 = arith.andi %ne3A_1591, %ne3A_1596 : vector<16xi1>
        %sub3A_1598 = arith.constant 1 : i32
        %sub3A_1599 = vector.broadcast %sub3A_1598 : i32 to vector<16xi32>
        %sub3A_1600 = arith.subi %div3A_1573, %sub3A_1599 : vector<16xi32>
        %select_n3A_1601 = arith.select %and3A_1597, %sub3A_1600, %div3A_1573 : vector<16xi1>, vector<16xi32>
        %jit3A_1602 = arith.constant 8 : i32
        %eq3A_1603 = arith.constant 0 : i32
        %eq3A_1604 = arith.cmpi eq, %jit3A_1602, %eq3A_1603 : i32
        %jit3A_1605 = arith.constant 1 : i32
        %select_n3A_1606 = arith.select %eq3A_1604, %jit3A_1605, %jit3A_1602 : i32
        %rem3A_1607 = vector.broadcast %select_n3A_1606 : i32 to vector<16xi32>
        %rem3A_1608 = arith.remsi %add3A_1567, %rem3A_1607 : vector<16xi32>
        %ne3A_1609 = arith.constant 0 : i32
        %ne3A_1610 = vector.broadcast %ne3A_1609 : i32 to vector<16xi32>
        %ne3A_1611 = arith.cmpi ne, %rem3A_1608, %ne3A_1610 : vector<16xi32>
        %lt3A_1612 = arith.constant 0 : i32
        %lt3A_1613 = vector.broadcast %lt3A_1612 : i32 to vector<16xi32>
        %lt3A_1614 = arith.cmpi slt, %rem3A_1608, %lt3A_1613 : vector<16xi32>
        %lt3A_1615 = arith.constant 0 : i32
        %lt3A_1616 = arith.cmpi slt, %select_n3A_1606, %lt3A_1615 : i32
        %ne3A_1617 = vector.broadcast %lt3A_1616 : i1 to vector<16xi1>
        %ne3A_1618 = vector.broadcast %ne3A_1617 : vector<16xi1> to vector<16xi1>
        %ne3A_1619 = arith.xori %lt3A_1614, %ne3A_1618 : vector<16xi1>
        %and3A_1620 = arith.andi %ne3A_1619, %ne3A_1611 : vector<16xi1>
        %add3A_1621 = vector.broadcast %select_n3A_1606 : i32 to vector<16xi32>
        %add3A_1622 = arith.addi %rem3A_1608, %add3A_1621 : vector<16xi32>
        %select_n3A_1623 = arith.select %and3A_1620, %add3A_1622, %rem3A_1608 : vector<16xi1>, vector<16xi32>
        tpu.vector_store_idx %arg8[%select_n3A_1601, %select_n3A_1623, %add3A_1505], %get3A_1570 : memref<8x8x129xf32, #tpu.memory_space<vmem>>[vector<16xi32>, vector<16xi32>, vector<16xi32>], vector<16xf32>,
        %add3A_1624 = arith.constant 32 : i32
        %add3A_1625 = vector.broadcast %add3A_1624 : i32 to vector<16xi32>
        %add3A_1626 = arith.addi %add3A_1625, %iota3A : vector<16xi32>
        %get3A_1627 = arith.index_cast %add3A_1501 : i32 to index
        %get3A_1628 = arith.constant 32 : index
        %get3A_1629 = tpu.vector_load %arg6[%get3A_1627, %get3A_1628] {strides = array<i32>} : memref<128x64xf32, #tpu.memory_space<vmem>>, vector<16xf32>,
        %jit3A_1630 = arith.constant 8 : i32
        %div3A_1631 = vector.broadcast %jit3A_1630 : i32 to vector<16xi32>
        %div3A_1632 = arith.divsi %add3A_1626, %div3A_1631 : vector<16xi32>
        %sign3A_1633 = arith.constant 0 : i32
        %sign3A_1634 = vector.broadcast %sign3A_1633 : i32 to vector<16xi32>
        %sign3A_1635 = arith.cmpi sgt, %add3A_1626, %sign3A_1634 : vector<16xi32>
        %sign3A_1636 = arith.extui %sign3A_1635 : vector<16xi1> to vector<16xi32>
        %sign3A_1637 = arith.constant 0 : i32
        %sign3A_1638 = vector.broadcast %sign3A_1637 : i32 to vector<16xi32>
        %sign3A_1639 = arith.cmpi slt, %add3A_1626, %sign3A_1638 : vector<16xi32>
        %sign3A_1640 = arith.extui %sign3A_1639 : vector<16xi1> to vector<16xi32>
        %sign3A_1641 = arith.subi %sign3A_1636, %sign3A_1640 : vector<16xi32>
        %sign3A_1642 = arith.constant 0 : i32
        %sign3A_1643 = arith.cmpi sgt, %jit3A_1630, %sign3A_1642 : i32
        %sign3A_1644 = arith.extui %sign3A_1643 : i1 to i32
        %sign3A_1645 = arith.constant 0 : i32
        %sign3A_1646 = arith.cmpi slt, %jit3A_1630, %sign3A_1645 : i32
        %sign3A_1647 = arith.extui %sign3A_1646 : i1 to i32
        %sign3A_1648 = arith.subi %sign3A_1644, %sign3A_1647 : i32
        %ne3A_1649 = vector.broadcast %sign3A_1648 : i32 to vector<16xi32>
        %ne3A_1650 = arith.cmpi ne, %sign3A_1641, %ne3A_1649 : vector<16xi32>
        %rem3A_1651 = vector.broadcast %jit3A_1630 : i32 to vector<16xi32>
        %rem3A_1652 = arith.remsi %add3A_1626, %rem3A_1651 : vector<16xi32>
        %ne3A_1653 = arith.constant 0 : i32
        %ne3A_1654 = vector.broadcast %ne3A_1653 : i32 to vector<16xi32>
        %ne3A_1655 = arith.cmpi ne, %rem3A_1652, %ne3A_1654 : vector<16xi32>
        %and3A_1656 = arith.andi %ne3A_1650, %ne3A_1655 : vector<16xi1>
        %sub3A_1657 = arith.constant 1 : i32
        %sub3A_1658 = vector.broadcast %sub3A_1657 : i32 to vector<16xi32>
        %sub3A_1659 = arith.subi %div3A_1632, %sub3A_1658 : vector<16xi32>
        %select_n3A_1660 = arith.select %and3A_1656, %sub3A_1659, %div3A_1632 : vector<16xi1>, vector<16xi32>
        %jit3A_1661 = arith.constant 8 : i32
        %eq3A_1662 = arith.constant 0 : i32
        %eq3A_1663 = arith.cmpi eq, %jit3A_1661, %eq3A_1662 : i32
        %jit3A_1664 = arith.constant 1 : i32
        %select_n3A_1665 = arith.select %eq3A_1663, %jit3A_1664, %jit3A_1661 : i32
        %rem3A_1666 = vector.broadcast %select_n3A_1665 : i32 to vector<16xi32>
        %rem3A_1667 = arith.remsi %add3A_1626, %rem3A_1666 : vector<16xi32>
        %ne3A_1668 = arith.constant 0 : i32
        %ne3A_1669 = vector.broadcast %ne3A_1668 : i32 to vector<16xi32>
        %ne3A_1670 = arith.cmpi ne, %rem3A_1667, %ne3A_1669 : vector<16xi32>
        %lt3A_1671 = arith.constant 0 : i32
        %lt3A_1672 = vector.broadcast %lt3A_1671 : i32 to vector<16xi32>
        %lt3A_1673 = arith.cmpi slt, %rem3A_1667, %lt3A_1672 : vector<16xi32>
        %lt3A_1674 = arith.constant 0 : i32
        %lt3A_1675 = arith.cmpi slt, %select_n3A_1665, %lt3A_1674 : i32
        %ne3A_1676 = vector.broadcast %lt3A_1675 : i1 to vector<16xi1>
        %ne3A_1677 = vector.broadcast %ne3A_1676 : vector<16xi1> to vector<16xi1>
        %ne3A_1678 = arith.xori %lt3A_1673, %ne3A_1677 : vector<16xi1>
        %and3A_1679 = arith.andi %ne3A_1678, %ne3A_1670 : vector<16xi1>
        %add3A_1680 = vector.broadcast %select_n3A_1665 : i32 to vector<16xi32>
        %add3A_1681 = arith.addi %rem3A_1667, %add3A_1680 : vector<16xi32>
        %select_n3A_1682 = arith.select %and3A_1679, %add3A_1681, %rem3A_1667 : vector<16xi1>, vector<16xi32>
        tpu.vector_store_idx %arg8[%select_n3A_1660, %select_n3A_1682, %add3A_1505], %get3A_1629 : memref<8x8x129xf32, #tpu.memory_space<vmem>>[vector<16xi32>, vector<16xi32>, vector<16xi32>], vector<16xf32>,
        %add3A_1683 = arith.constant 48 : i32
        %add3A_1684 = vector.broadcast %add3A_1683 : i32 to vector<16xi32>
        %add3A_1685 = arith.addi %add3A_1684, %iota3A : vector<16xi32>
        %get3A_1686 = arith.index_cast %add3A_1501 : i32 to index
        %get3A_1687 = arith.constant 48 : index
        %get3A_1688 = tpu.vector_load %arg6[%get3A_1686, %get3A_1687] {strides = array<i32>} : memref<128x64xf32, #tpu.memory_space<vmem>>, vector<16xf32>,
        %jit3A_1689 = arith.constant 8 : i32
        %div3A_1690 = vector.broadcast %jit3A_1689 : i32 to vector<16xi32>
        %div3A_1691 = arith.divsi %add3A_1685, %div3A_1690 : vector<16xi32>
        %sign3A_1692 = arith.constant 0 : i32
        %sign3A_1693 = vector.broadcast %sign3A_1692 : i32 to vector<16xi32>
        %sign3A_1694 = arith.cmpi sgt, %add3A_1685, %sign3A_1693 : vector<16xi32>
        %sign3A_1695 = arith.extui %sign3A_1694 : vector<16xi1> to vector<16xi32>
        %sign3A_1696 = arith.constant 0 : i32
        %sign3A_1697 = vector.broadcast %sign3A_1696 : i32 to vector<16xi32>
        %sign3A_1698 = arith.cmpi slt, %add3A_1685, %sign3A_1697 : vector<16xi32>
        %sign3A_1699 = arith.extui %sign3A_1698 : vector<16xi1> to vector<16xi32>
        %sign3A_1700 = arith.subi %sign3A_1695, %sign3A_1699 : vector<16xi32>
        %sign3A_1701 = arith.constant 0 : i32
        %sign3A_1702 = arith.cmpi sgt, %jit3A_1689, %sign3A_1701 : i32
        %sign3A_1703 = arith.extui %sign3A_1702 : i1 to i32
        %sign3A_1704 = arith.constant 0 : i32
        %sign3A_1705 = arith.cmpi slt, %jit3A_1689, %sign3A_1704 : i32
        %sign3A_1706 = arith.extui %sign3A_1705 : i1 to i32
        %sign3A_1707 = arith.subi %sign3A_1703, %sign3A_1706 : i32
        %ne3A_1708 = vector.broadcast %sign3A_1707 : i32 to vector<16xi32>
        %ne3A_1709 = arith.cmpi ne, %sign3A_1700, %ne3A_1708 : vector<16xi32>
        %rem3A_1710 = vector.broadcast %jit3A_1689 : i32 to vector<16xi32>
        %rem3A_1711 = arith.remsi %add3A_1685, %rem3A_1710 : vector<16xi32>
        %ne3A_1712 = arith.constant 0 : i32
        %ne3A_1713 = vector.broadcast %ne3A_1712 : i32 to vector<16xi32>
        %ne3A_1714 = arith.cmpi ne, %rem3A_1711, %ne3A_1713 : vector<16xi32>
        %and3A_1715 = arith.andi %ne3A_1709, %ne3A_1714 : vector<16xi1>
        %sub3A_1716 = arith.constant 1 : i32
        %sub3A_1717 = vector.broadcast %sub3A_1716 : i32 to vector<16xi32>
        %sub3A_1718 = arith.subi %div3A_1691, %sub3A_1717 : vector<16xi32>
        %select_n3A_1719 = arith.select %and3A_1715, %sub3A_1718, %div3A_1691 : vector<16xi1>, vector<16xi32>
        %jit3A_1720 = arith.constant 8 : i32
        %eq3A_1721 = arith.constant 0 : i32
        %eq3A_1722 = arith.cmpi eq, %jit3A_1720, %eq3A_1721 : i32
        %jit3A_1723 = arith.constant 1 : i32
        %select_n3A_1724 = arith.select %eq3A_1722, %jit3A_1723, %jit3A_1720 : i32
        %rem3A_1725 = vector.broadcast %select_n3A_1724 : i32 to vector<16xi32>
        %rem3A_1726 = arith.remsi %add3A_1685, %rem3A_1725 : vector<16xi32>
        %ne3A_1727 = arith.constant 0 : i32
        %ne3A_1728 = vector.broadcast %ne3A_1727 : i32 to vector<16xi32>
        %ne3A_1729 = arith.cmpi ne, %rem3A_1726, %ne3A_1728 : vector<16xi32>
        %lt3A_1730 = arith.constant 0 : i32
        %lt3A_1731 = vector.broadcast %lt3A_1730 : i32 to vector<16xi32>
        %lt3A_1732 = arith.cmpi slt, %rem3A_1726, %lt3A_1731 : vector<16xi32>
        %lt3A_1733 = arith.constant 0 : i32
        %lt3A_1734 = arith.cmpi slt, %select_n3A_1724, %lt3A_1733 : i32
        %ne3A_1735 = vector.broadcast %lt3A_1734 : i1 to vector<16xi1>
        %ne3A_1736 = vector.broadcast %ne3A_1735 : vector<16xi1> to vector<16xi1>
        %ne3A_1737 = arith.xori %lt3A_1732, %ne3A_1736 : vector<16xi1>
        %and3A_1738 = arith.andi %ne3A_1737, %ne3A_1729 : vector<16xi1>
        %add3A_1739 = vector.broadcast %select_n3A_1724 : i32 to vector<16xi32>
        %add3A_1740 = arith.addi %rem3A_1726, %add3A_1739 : vector<16xi32>
        %select_n3A_1741 = arith.select %and3A_1738, %add3A_1740, %rem3A_1726 : vector<16xi1>, vector<16xi32>
        tpu.vector_store_idx %arg8[%select_n3A_1719, %select_n3A_1741, %add3A_1505], %get3A_1688 : memref<8x8x129xf32, #tpu.memory_space<vmem>>[vector<16xi32>, vector<16xi32>, vector<16xi32>], vector<16xf32>,
        %scan3A_1742 = arith.constant 4 : i32
        %scan3A_1743 = arith.addi %scan3A_770, %scan3A_1742 : i32
        %mul3A_1744 = arith.constant 1 : i32
        %mul3A_1745 = arith.muli %scan3A_1743, %mul3A_1744 : i32
        %add3A_1746 = arith.constant 0 : i32
        %add3A_1747 = arith.addi %add3A_1746, %mul3A_1745 : i32
        %broadcast_in_dim3A_1748 = arith.constant 0 : i32
        %broadcast_in_dim3A_1749 = vector.broadcast %broadcast_in_dim3A_1748 : i32 to vector<16xi32>
        %add3A_1750 = vector.broadcast %add3A_1747 : i32 to vector<16xi32>
        %add3A_1751 = arith.addi %broadcast_in_dim3A_1749, %add3A_1750 : vector<16xi32>
        %add3A_1752 = arith.constant 0 : i32
        %add3A_1753 = vector.broadcast %add3A_1752 : i32 to vector<16xi32>
        %add3A_1754 = arith.addi %add3A_1753, %iota3A : vector<16xi32>
        %get3A_1755 = arith.index_cast %add3A_1747 : i32 to index
        %get3A_1756 = arith.constant 0 : index
        %get3A_1757 = tpu.vector_load %arg6[%get3A_1755, %get3A_1756] {strides = array<i32>} : memref<128x64xf32, #tpu.memory_space<vmem>>, vector<16xf32>,
        %jit3A_1758 = arith.constant 8 : i32
        %div3A_1759 = vector.broadcast %jit3A_1758 : i32 to vector<16xi32>
        %div3A_1760 = arith.divsi %add3A_1754, %div3A_1759 : vector<16xi32>
        %sign3A_1761 = arith.constant 0 : i32
        %sign3A_1762 = vector.broadcast %sign3A_1761 : i32 to vector<16xi32>
        %sign3A_1763 = arith.cmpi sgt, %add3A_1754, %sign3A_1762 : vector<16xi32>
        %sign3A_1764 = arith.extui %sign3A_1763 : vector<16xi1> to vector<16xi32>
        %sign3A_1765 = arith.constant 0 : i32
        %sign3A_1766 = vector.broadcast %sign3A_1765 : i32 to vector<16xi32>
        %sign3A_1767 = arith.cmpi slt, %add3A_1754, %sign3A_1766 : vector<16xi32>
        %sign3A_1768 = arith.extui %sign3A_1767 : vector<16xi1> to vector<16xi32>
        %sign3A_1769 = arith.subi %sign3A_1764, %sign3A_1768 : vector<16xi32>
        %sign3A_1770 = arith.constant 0 : i32
        %sign3A_1771 = arith.cmpi sgt, %jit3A_1758, %sign3A_1770 : i32
        %sign3A_1772 = arith.extui %sign3A_1771 : i1 to i32
        %sign3A_1773 = arith.constant 0 : i32
        %sign3A_1774 = arith.cmpi slt, %jit3A_1758, %sign3A_1773 : i32
        %sign3A_1775 = arith.extui %sign3A_1774 : i1 to i32
        %sign3A_1776 = arith.subi %sign3A_1772, %sign3A_1775 : i32
        %ne3A_1777 = vector.broadcast %sign3A_1776 : i32 to vector<16xi32>
        %ne3A_1778 = arith.cmpi ne, %sign3A_1769, %ne3A_1777 : vector<16xi32>
        %rem3A_1779 = vector.broadcast %jit3A_1758 : i32 to vector<16xi32>
        %rem3A_1780 = arith.remsi %add3A_1754, %rem3A_1779 : vector<16xi32>
        %ne3A_1781 = arith.constant 0 : i32
        %ne3A_1782 = vector.broadcast %ne3A_1781 : i32 to vector<16xi32>
        %ne3A_1783 = arith.cmpi ne, %rem3A_1780, %ne3A_1782 : vector<16xi32>
        %and3A_1784 = arith.andi %ne3A_1778, %ne3A_1783 : vector<16xi1>
        %sub3A_1785 = arith.constant 1 : i32
        %sub3A_1786 = vector.broadcast %sub3A_1785 : i32 to vector<16xi32>
        %sub3A_1787 = arith.subi %div3A_1760, %sub3A_1786 : vector<16xi32>
        %select_n3A_1788 = arith.select %and3A_1784, %sub3A_1787, %div3A_1760 : vector<16xi1>, vector<16xi32>
        %jit3A_1789 = arith.constant 8 : i32
        %eq3A_1790 = arith.constant 0 : i32
        %eq3A_1791 = arith.cmpi eq, %jit3A_1789, %eq3A_1790 : i32
        %jit3A_1792 = arith.constant 1 : i32
        %select_n3A_1793 = arith.select %eq3A_1791, %jit3A_1792, %jit3A_1789 : i32
        %rem3A_1794 = vector.broadcast %select_n3A_1793 : i32 to vector<16xi32>
        %rem3A_1795 = arith.remsi %add3A_1754, %rem3A_1794 : vector<16xi32>
        %ne3A_1796 = arith.constant 0 : i32
        %ne3A_1797 = vector.broadcast %ne3A_1796 : i32 to vector<16xi32>
        %ne3A_1798 = arith.cmpi ne, %rem3A_1795, %ne3A_1797 : vector<16xi32>
        %lt3A_1799 = arith.constant 0 : i32
        %lt3A_1800 = vector.broadcast %lt3A_1799 : i32 to vector<16xi32>
        %lt3A_1801 = arith.cmpi slt, %rem3A_1795, %lt3A_1800 : vector<16xi32>
        %lt3A_1802 = arith.constant 0 : i32
        %lt3A_1803 = arith.cmpi slt, %select_n3A_1793, %lt3A_1802 : i32
        %ne3A_1804 = vector.broadcast %lt3A_1803 : i1 to vector<16xi1>
        %ne3A_1805 = vector.broadcast %ne3A_1804 : vector<16xi1> to vector<16xi1>
        %ne3A_1806 = arith.xori %lt3A_1801, %ne3A_1805 : vector<16xi1>
        %and3A_1807 = arith.andi %ne3A_1806, %ne3A_1798 : vector<16xi1>
        %add3A_1808 = vector.broadcast %select_n3A_1793 : i32 to vector<16xi32>
        %add3A_1809 = arith.addi %rem3A_1795, %add3A_1808 : vector<16xi32>
        %select_n3A_1810 = arith.select %and3A_1807, %add3A_1809, %rem3A_1795 : vector<16xi1>, vector<16xi32>
        tpu.vector_store_idx %arg8[%select_n3A_1788, %select_n3A_1810, %add3A_1751], %get3A_1757 : memref<8x8x129xf32, #tpu.memory_space<vmem>>[vector<16xi32>, vector<16xi32>, vector<16xi32>], vector<16xf32>,
        %add3A_1811 = arith.constant 16 : i32
        %add3A_1812 = vector.broadcast %add3A_1811 : i32 to vector<16xi32>
        %add3A_1813 = arith.addi %add3A_1812, %iota3A : vector<16xi32>
        %get3A_1814 = arith.index_cast %add3A_1747 : i32 to index
        %get3A_1815 = arith.constant 16 : index
        %get3A_1816 = tpu.vector_load %arg6[%get3A_1814, %get3A_1815] {strides = array<i32>} : memref<128x64xf32, #tpu.memory_space<vmem>>, vector<16xf32>,
        %jit3A_1817 = arith.constant 8 : i32
        %div3A_1818 = vector.broadcast %jit3A_1817 : i32 to vector<16xi32>
        %div3A_1819 = arith.divsi %add3A_1813, %div3A_1818 : vector<16xi32>
        %sign3A_1820 = arith.constant 0 : i32
        %sign3A_1821 = vector.broadcast %sign3A_1820 : i32 to vector<16xi32>
        %sign3A_1822 = arith.cmpi sgt, %add3A_1813, %sign3A_1821 : vector<16xi32>
        %sign3A_1823 = arith.extui %sign3A_1822 : vector<16xi1> to vector<16xi32>
        %sign3A_1824 = arith.constant 0 : i32
        %sign3A_1825 = vector.broadcast %sign3A_1824 : i32 to vector<16xi32>
        %sign3A_1826 = arith.cmpi slt, %add3A_1813, %sign3A_1825 : vector<16xi32>
        %sign3A_1827 = arith.extui %sign3A_1826 : vector<16xi1> to vector<16xi32>
        %sign3A_1828 = arith.subi %sign3A_1823, %sign3A_1827 : vector<16xi32>
        %sign3A_1829 = arith.constant 0 : i32
        %sign3A_1830 = arith.cmpi sgt, %jit3A_1817, %sign3A_1829 : i32
        %sign3A_1831 = arith.extui %sign3A_1830 : i1 to i32
        %sign3A_1832 = arith.constant 0 : i32
        %sign3A_1833 = arith.cmpi slt, %jit3A_1817, %sign3A_1832 : i32
        %sign3A_1834 = arith.extui %sign3A_1833 : i1 to i32
        %sign3A_1835 = arith.subi %sign3A_1831, %sign3A_1834 : i32
        %ne3A_1836 = vector.broadcast %sign3A_1835 : i32 to vector<16xi32>
        %ne3A_1837 = arith.cmpi ne, %sign3A_1828, %ne3A_1836 : vector<16xi32>
        %rem3A_1838 = vector.broadcast %jit3A_1817 : i32 to vector<16xi32>
        %rem3A_1839 = arith.remsi %add3A_1813, %rem3A_1838 : vector<16xi32>
        %ne3A_1840 = arith.constant 0 : i32
        %ne3A_1841 = vector.broadcast %ne3A_1840 : i32 to vector<16xi32>
        %ne3A_1842 = arith.cmpi ne, %rem3A_1839, %ne3A_1841 : vector<16xi32>
        %and3A_1843 = arith.andi %ne3A_1837, %ne3A_1842 : vector<16xi1>
        %sub3A_1844 = arith.constant 1 : i32
        %sub3A_1845 = vector.broadcast %sub3A_1844 : i32 to vector<16xi32>
        %sub3A_1846 = arith.subi %div3A_1819, %sub3A_1845 : vector<16xi32>
        %select_n3A_1847 = arith.select %and3A_1843, %sub3A_1846, %div3A_1819 : vector<16xi1>, vector<16xi32>
        %jit3A_1848 = arith.constant 8 : i32
        %eq3A_1849 = arith.constant 0 : i32
        %eq3A_1850 = arith.cmpi eq, %jit3A_1848, %eq3A_1849 : i32
        %jit3A_1851 = arith.constant 1 : i32
        %select_n3A_1852 = arith.select %eq3A_1850, %jit3A_1851, %jit3A_1848 : i32
        %rem3A_1853 = vector.broadcast %select_n3A_1852 : i32 to vector<16xi32>
        %rem3A_1854 = arith.remsi %add3A_1813, %rem3A_1853 : vector<16xi32>
        %ne3A_1855 = arith.constant 0 : i32
        %ne3A_1856 = vector.broadcast %ne3A_1855 : i32 to vector<16xi32>
        %ne3A_1857 = arith.cmpi ne, %rem3A_1854, %ne3A_1856 : vector<16xi32>
        %lt3A_1858 = arith.constant 0 : i32
        %lt3A_1859 = vector.broadcast %lt3A_1858 : i32 to vector<16xi32>
        %lt3A_1860 = arith.cmpi slt, %rem3A_1854, %lt3A_1859 : vector<16xi32>
        %lt3A_1861 = arith.constant 0 : i32
        %lt3A_1862 = arith.cmpi slt, %select_n3A_1852, %lt3A_1861 : i32
        %ne3A_1863 = vector.broadcast %lt3A_1862 : i1 to vector<16xi1>
        %ne3A_1864 = vector.broadcast %ne3A_1863 : vector<16xi1> to vector<16xi1>
        %ne3A_1865 = arith.xori %lt3A_1860, %ne3A_1864 : vector<16xi1>
        %and3A_1866 = arith.andi %ne3A_1865, %ne3A_1857 : vector<16xi1>
        %add3A_1867 = vector.broadcast %select_n3A_1852 : i32 to vector<16xi32>
        %add3A_1868 = arith.addi %rem3A_1854, %add3A_1867 : vector<16xi32>
        %select_n3A_1869 = arith.select %and3A_1866, %add3A_1868, %rem3A_1854 : vector<16xi1>, vector<16xi32>
        tpu.vector_store_idx %arg8[%select_n3A_1847, %select_n3A_1869, %add3A_1751], %get3A_1816 : memref<8x8x129xf32, #tpu.memory_space<vmem>>[vector<16xi32>, vector<16xi32>, vector<16xi32>], vector<16xf32>,
        %add3A_1870 = arith.constant 32 : i32
        %add3A_1871 = vector.broadcast %add3A_1870 : i32 to vector<16xi32>
        %add3A_1872 = arith.addi %add3A_1871, %iota3A : vector<16xi32>
        %get3A_1873 = arith.index_cast %add3A_1747 : i32 to index
        %get3A_1874 = arith.constant 32 : index
        %get3A_1875 = tpu.vector_load %arg6[%get3A_1873, %get3A_1874] {strides = array<i32>} : memref<128x64xf32, #tpu.memory_space<vmem>>, vector<16xf32>,
        %jit3A_1876 = arith.constant 8 : i32
        %div3A_1877 = vector.broadcast %jit3A_1876 : i32 to vector<16xi32>
        %div3A_1878 = arith.divsi %add3A_1872, %div3A_1877 : vector<16xi32>
        %sign3A_1879 = arith.constant 0 : i32
        %sign3A_1880 = vector.broadcast %sign3A_1879 : i32 to vector<16xi32>
        %sign3A_1881 = arith.cmpi sgt, %add3A_1872, %sign3A_1880 : vector<16xi32>
        %sign3A_1882 = arith.extui %sign3A_1881 : vector<16xi1> to vector<16xi32>
        %sign3A_1883 = arith.constant 0 : i32
        %sign3A_1884 = vector.broadcast %sign3A_1883 : i32 to vector<16xi32>
        %sign3A_1885 = arith.cmpi slt, %add3A_1872, %sign3A_1884 : vector<16xi32>
        %sign3A_1886 = arith.extui %sign3A_1885 : vector<16xi1> to vector<16xi32>
        %sign3A_1887 = arith.subi %sign3A_1882, %sign3A_1886 : vector<16xi32>
        %sign3A_1888 = arith.constant 0 : i32
        %sign3A_1889 = arith.cmpi sgt, %jit3A_1876, %sign3A_1888 : i32
        %sign3A_1890 = arith.extui %sign3A_1889 : i1 to i32
        %sign3A_1891 = arith.constant 0 : i32
        %sign3A_1892 = arith.cmpi slt, %jit3A_1876, %sign3A_1891 : i32
        %sign3A_1893 = arith.extui %sign3A_1892 : i1 to i32
        %sign3A_1894 = arith.subi %sign3A_1890, %sign3A_1893 : i32
        %ne3A_1895 = vector.broadcast %sign3A_1894 : i32 to vector<16xi32>
        %ne3A_1896 = arith.cmpi ne, %sign3A_1887, %ne3A_1895 : vector<16xi32>
        %rem3A_1897 = vector.broadcast %jit3A_1876 : i32 to vector<16xi32>
        %rem3A_1898 = arith.remsi %add3A_1872, %rem3A_1897 : vector<16xi32>
        %ne3A_1899 = arith.constant 0 : i32
        %ne3A_1900 = vector.broadcast %ne3A_1899 : i32 to vector<16xi32>
        %ne3A_1901 = arith.cmpi ne, %rem3A_1898, %ne3A_1900 : vector<16xi32>
        %and3A_1902 = arith.andi %ne3A_1896, %ne3A_1901 : vector<16xi1>
        %sub3A_1903 = arith.constant 1 : i32
        %sub3A_1904 = vector.broadcast %sub3A_1903 : i32 to vector<16xi32>
        %sub3A_1905 = arith.subi %div3A_1878, %sub3A_1904 : vector<16xi32>
        %select_n3A_1906 = arith.select %and3A_1902, %sub3A_1905, %div3A_1878 : vector<16xi1>, vector<16xi32>
        %jit3A_1907 = arith.constant 8 : i32
        %eq3A_1908 = arith.constant 0 : i32
        %eq3A_1909 = arith.cmpi eq, %jit3A_1907, %eq3A_1908 : i32
        %jit3A_1910 = arith.constant 1 : i32
        %select_n3A_1911 = arith.select %eq3A_1909, %jit3A_1910, %jit3A_1907 : i32
        %rem3A_1912 = vector.broadcast %select_n3A_1911 : i32 to vector<16xi32>
        %rem3A_1913 = arith.remsi %add3A_1872, %rem3A_1912 : vector<16xi32>
        %ne3A_1914 = arith.constant 0 : i32
        %ne3A_1915 = vector.broadcast %ne3A_1914 : i32 to vector<16xi32>
        %ne3A_1916 = arith.cmpi ne, %rem3A_1913, %ne3A_1915 : vector<16xi32>
        %lt3A_1917 = arith.constant 0 : i32
        %lt3A_1918 = vector.broadcast %lt3A_1917 : i32 to vector<16xi32>
        %lt3A_1919 = arith.cmpi slt, %rem3A_1913, %lt3A_1918 : vector<16xi32>
        %lt3A_1920 = arith.constant 0 : i32
        %lt3A_1921 = arith.cmpi slt, %select_n3A_1911, %lt3A_1920 : i32
        %ne3A_1922 = vector.broadcast %lt3A_1921 : i1 to vector<16xi1>
        %ne3A_1923 = vector.broadcast %ne3A_1922 : vector<16xi1> to vector<16xi1>
        %ne3A_1924 = arith.xori %lt3A_1919, %ne3A_1923 : vector<16xi1>
        %and3A_1925 = arith.andi %ne3A_1924, %ne3A_1916 : vector<16xi1>
        %add3A_1926 = vector.broadcast %select_n3A_1911 : i32 to vector<16xi32>
        %add3A_1927 = arith.addi %rem3A_1913, %add3A_1926 : vector<16xi32>
        %select_n3A_1928 = arith.select %and3A_1925, %add3A_1927, %rem3A_1913 : vector<16xi1>, vector<16xi32>
        tpu.vector_store_idx %arg8[%select_n3A_1906, %select_n3A_1928, %add3A_1751], %get3A_1875 : memref<8x8x129xf32, #tpu.memory_space<vmem>>[vector<16xi32>, vector<16xi32>, vector<16xi32>], vector<16xf32>,
        %add3A_1929 = arith.constant 48 : i32
        %add3A_1930 = vector.broadcast %add3A_1929 : i32 to vector<16xi32>
        %add3A_1931 = arith.addi %add3A_1930, %iota3A : vector<16xi32>
        %get3A_1932 = arith.index_cast %add3A_1747 : i32 to index
        %get3A_1933 = arith.constant 48 : index
        %get3A_1934 = tpu.vector_load %arg6[%get3A_1932, %get3A_1933] {strides = array<i32>} : memref<128x64xf32, #tpu.memory_space<vmem>>, vector<16xf32>,
        %jit3A_1935 = arith.constant 8 : i32
        %div3A_1936 = vector.broadcast %jit3A_1935 : i32 to vector<16xi32>
        %div3A_1937 = arith.divsi %add3A_1931, %div3A_1936 : vector<16xi32>
        %sign3A_1938 = arith.constant 0 : i32
        %sign3A_1939 = vector.broadcast %sign3A_1938 : i32 to vector<16xi32>
        %sign3A_1940 = arith.cmpi sgt, %add3A_1931, %sign3A_1939 : vector<16xi32>
        %sign3A_1941 = arith.extui %sign3A_1940 : vector<16xi1> to vector<16xi32>
        %sign3A_1942 = arith.constant 0 : i32
        %sign3A_1943 = vector.broadcast %sign3A_1942 : i32 to vector<16xi32>
        %sign3A_1944 = arith.cmpi slt, %add3A_1931, %sign3A_1943 : vector<16xi32>
        %sign3A_1945 = arith.extui %sign3A_1944 : vector<16xi1> to vector<16xi32>
        %sign3A_1946 = arith.subi %sign3A_1941, %sign3A_1945 : vector<16xi32>
        %sign3A_1947 = arith.constant 0 : i32
        %sign3A_1948 = arith.cmpi sgt, %jit3A_1935, %sign3A_1947 : i32
        %sign3A_1949 = arith.extui %sign3A_1948 : i1 to i32
        %sign3A_1950 = arith.constant 0 : i32
        %sign3A_1951 = arith.cmpi slt, %jit3A_1935, %sign3A_1950 : i32
        %sign3A_1952 = arith.extui %sign3A_1951 : i1 to i32
        %sign3A_1953 = arith.subi %sign3A_1949, %sign3A_1952 : i32
        %ne3A_1954 = vector.broadcast %sign3A_1953 : i32 to vector<16xi32>
        %ne3A_1955 = arith.cmpi ne, %sign3A_1946, %ne3A_1954 : vector<16xi32>
        %rem3A_1956 = vector.broadcast %jit3A_1935 : i32 to vector<16xi32>
        %rem3A_1957 = arith.remsi %add3A_1931, %rem3A_1956 : vector<16xi32>
        %ne3A_1958 = arith.constant 0 : i32
        %ne3A_1959 = vector.broadcast %ne3A_1958 : i32 to vector<16xi32>
        %ne3A_1960 = arith.cmpi ne, %rem3A_1957, %ne3A_1959 : vector<16xi32>
        %and3A_1961 = arith.andi %ne3A_1955, %ne3A_1960 : vector<16xi1>
        %sub3A_1962 = arith.constant 1 : i32
        %sub3A_1963 = vector.broadcast %sub3A_1962 : i32 to vector<16xi32>
        %sub3A_1964 = arith.subi %div3A_1937, %sub3A_1963 : vector<16xi32>
        %select_n3A_1965 = arith.select %and3A_1961, %sub3A_1964, %div3A_1937 : vector<16xi1>, vector<16xi32>
        %jit3A_1966 = arith.constant 8 : i32
        %eq3A_1967 = arith.constant 0 : i32
        %eq3A_1968 = arith.cmpi eq, %jit3A_1966, %eq3A_1967 : i32
        %jit3A_1969 = arith.constant 1 : i32
        %select_n3A_1970 = arith.select %eq3A_1968, %jit3A_1969, %jit3A_1966 : i32
        %rem3A_1971 = vector.broadcast %select_n3A_1970 : i32 to vector<16xi32>
        %rem3A_1972 = arith.remsi %add3A_1931, %rem3A_1971 : vector<16xi32>
        %ne3A_1973 = arith.constant 0 : i32
        %ne3A_1974 = vector.broadcast %ne3A_1973 : i32 to vector<16xi32>
        %ne3A_1975 = arith.cmpi ne, %rem3A_1972, %ne3A_1974 : vector<16xi32>
        %lt3A_1976 = arith.constant 0 : i32
        %lt3A_1977 = vector.broadcast %lt3A_1976 : i32 to vector<16xi32>
        %lt3A_1978 = arith.cmpi slt, %rem3A_1972, %lt3A_1977 : vector<16xi32>
        %lt3A_1979 = arith.constant 0 : i32
        %lt3A_1980 = arith.cmpi slt, %select_n3A_1970, %lt3A_1979 : i32
        %ne3A_1981 = vector.broadcast %lt3A_1980 : i1 to vector<16xi1>
        %ne3A_1982 = vector.broadcast %ne3A_1981 : vector<16xi1> to vector<16xi1>
        %ne3A_1983 = arith.xori %lt3A_1978, %ne3A_1982 : vector<16xi1>
        %and3A_1984 = arith.andi %ne3A_1983, %ne3A_1975 : vector<16xi1>
        %add3A_1985 = vector.broadcast %select_n3A_1970 : i32 to vector<16xi32>
        %add3A_1986 = arith.addi %rem3A_1972, %add3A_1985 : vector<16xi32>
        %select_n3A_1987 = arith.select %and3A_1984, %add3A_1986, %rem3A_1972 : vector<16xi1>, vector<16xi32>
        tpu.vector_store_idx %arg8[%select_n3A_1965, %select_n3A_1987, %add3A_1751], %get3A_1934 : memref<8x8x129xf32, #tpu.memory_space<vmem>>[vector<16xi32>, vector<16xi32>, vector<16xi32>], vector<16xf32>,
        %scan3A_1988 = arith.constant 5 : i32
        %scan3A_1989 = arith.addi %scan3A_770, %scan3A_1988 : i32
        %mul3A_1990 = arith.constant 1 : i32
        %mul3A_1991 = arith.muli %scan3A_1989, %mul3A_1990 : i32
        %add3A_1992 = arith.constant 0 : i32
        %add3A_1993 = arith.addi %add3A_1992, %mul3A_1991 : i32
        %broadcast_in_dim3A_1994 = arith.constant 0 : i32
        %broadcast_in_dim3A_1995 = vector.broadcast %broadcast_in_dim3A_1994 : i32 to vector<16xi32>
        %add3A_1996 = vector.broadcast %add3A_1993 : i32 to vector<16xi32>
        %add3A_1997 = arith.addi %broadcast_in_dim3A_1995, %add3A_1996 : vector<16xi32>
        %add3A_1998 = arith.constant 0 : i32
        %add3A_1999 = vector.broadcast %add3A_1998 : i32 to vector<16xi32>
        %add3A_2000 = arith.addi %add3A_1999, %iota3A : vector<16xi32>
        %get3A_2001 = arith.index_cast %add3A_1993 : i32 to index
        %get3A_2002 = arith.constant 0 : index
        %get3A_2003 = tpu.vector_load %arg6[%get3A_2001, %get3A_2002] {strides = array<i32>} : memref<128x64xf32, #tpu.memory_space<vmem>>, vector<16xf32>,
        %jit3A_2004 = arith.constant 8 : i32
        %div3A_2005 = vector.broadcast %jit3A_2004 : i32 to vector<16xi32>
        %div3A_2006 = arith.divsi %add3A_2000, %div3A_2005 : vector<16xi32>
        %sign3A_2007 = arith.constant 0 : i32
        %sign3A_2008 = vector.broadcast %sign3A_2007 : i32 to vector<16xi32>
        %sign3A_2009 = arith.cmpi sgt, %add3A_2000, %sign3A_2008 : vector<16xi32>
        %sign3A_2010 = arith.extui %sign3A_2009 : vector<16xi1> to vector<16xi32>
        %sign3A_2011 = arith.constant 0 : i32
        %sign3A_2012 = vector.broadcast %sign3A_2011 : i32 to vector<16xi32>
        %sign3A_2013 = arith.cmpi slt, %add3A_2000, %sign3A_2012 : vector<16xi32>
        %sign3A_2014 = arith.extui %sign3A_2013 : vector<16xi1> to vector<16xi32>
        %sign3A_2015 = arith.subi %sign3A_2010, %sign3A_2014 : vector<16xi32>
        %sign3A_2016 = arith.constant 0 : i32
        %sign3A_2017 = arith.cmpi sgt, %jit3A_2004, %sign3A_2016 : i32
        %sign3A_2018 = arith.extui %sign3A_2017 : i1 to i32
        %sign3A_2019 = arith.constant 0 : i32
        %sign3A_2020 = arith.cmpi slt, %jit3A_2004, %sign3A_2019 : i32
        %sign3A_2021 = arith.extui %sign3A_2020 : i1 to i32
        %sign3A_2022 = arith.subi %sign3A_2018, %sign3A_2021 : i32
        %ne3A_2023 = vector.broadcast %sign3A_2022 : i32 to vector<16xi32>
        %ne3A_2024 = arith.cmpi ne, %sign3A_2015, %ne3A_2023 : vector<16xi32>
        %rem3A_2025 = vector.broadcast %jit3A_2004 : i32 to vector<16xi32>
        %rem3A_2026 = arith.remsi %add3A_2000, %rem3A_2025 : vector<16xi32>
        %ne3A_2027 = arith.constant 0 : i32
        %ne3A_2028 = vector.broadcast %ne3A_2027 : i32 to vector<16xi32>
        %ne3A_2029 = arith.cmpi ne, %rem3A_2026, %ne3A_2028 : vector<16xi32>
        %and3A_2030 = arith.andi %ne3A_2024, %ne3A_2029 : vector<16xi1>
        %sub3A_2031 = arith.constant 1 : i32
        %sub3A_2032 = vector.broadcast %sub3A_2031 : i32 to vector<16xi32>
        %sub3A_2033 = arith.subi %div3A_2006, %sub3A_2032 : vector<16xi32>
        %select_n3A_2034 = arith.select %and3A_2030, %sub3A_2033, %div3A_2006 : vector<16xi1>, vector<16xi32>
        %jit3A_2035 = arith.constant 8 : i32
        %eq3A_2036 = arith.constant 0 : i32
        %eq3A_2037 = arith.cmpi eq, %jit3A_2035, %eq3A_2036 : i32
        %jit3A_2038 = arith.constant 1 : i32
        %select_n3A_2039 = arith.select %eq3A_2037, %jit3A_2038, %jit3A_2035 : i32
        %rem3A_2040 = vector.broadcast %select_n3A_2039 : i32 to vector<16xi32>
        %rem3A_2041 = arith.remsi %add3A_2000, %rem3A_2040 : vector<16xi32>
        %ne3A_2042 = arith.constant 0 : i32
        %ne3A_2043 = vector.broadcast %ne3A_2042 : i32 to vector<16xi32>
        %ne3A_2044 = arith.cmpi ne, %rem3A_2041, %ne3A_2043 : vector<16xi32>
        %lt3A_2045 = arith.constant 0 : i32
        %lt3A_2046 = vector.broadcast %lt3A_2045 : i32 to vector<16xi32>
        %lt3A_2047 = arith.cmpi slt, %rem3A_2041, %lt3A_2046 : vector<16xi32>
        %lt3A_2048 = arith.constant 0 : i32
        %lt3A_2049 = arith.cmpi slt, %select_n3A_2039, %lt3A_2048 : i32
        %ne3A_2050 = vector.broadcast %lt3A_2049 : i1 to vector<16xi1>
        %ne3A_2051 = vector.broadcast %ne3A_2050 : vector<16xi1> to vector<16xi1>
        %ne3A_2052 = arith.xori %lt3A_2047, %ne3A_2051 : vector<16xi1>
        %and3A_2053 = arith.andi %ne3A_2052, %ne3A_2044 : vector<16xi1>
        %add3A_2054 = vector.broadcast %select_n3A_2039 : i32 to vector<16xi32>
        %add3A_2055 = arith.addi %rem3A_2041, %add3A_2054 : vector<16xi32>
        %select_n3A_2056 = arith.select %and3A_2053, %add3A_2055, %rem3A_2041 : vector<16xi1>, vector<16xi32>
        tpu.vector_store_idx %arg8[%select_n3A_2034, %select_n3A_2056, %add3A_1997], %get3A_2003 : memref<8x8x129xf32, #tpu.memory_space<vmem>>[vector<16xi32>, vector<16xi32>, vector<16xi32>], vector<16xf32>,
        %add3A_2057 = arith.constant 16 : i32
        %add3A_2058 = vector.broadcast %add3A_2057 : i32 to vector<16xi32>
        %add3A_2059 = arith.addi %add3A_2058, %iota3A : vector<16xi32>
        %get3A_2060 = arith.index_cast %add3A_1993 : i32 to index
        %get3A_2061 = arith.constant 16 : index
        %get3A_2062 = tpu.vector_load %arg6[%get3A_2060, %get3A_2061] {strides = array<i32>} : memref<128x64xf32, #tpu.memory_space<vmem>>, vector<16xf32>,
        %jit3A_2063 = arith.constant 8 : i32
        %div3A_2064 = vector.broadcast %jit3A_2063 : i32 to vector<16xi32>
        %div3A_2065 = arith.divsi %add3A_2059, %div3A_2064 : vector<16xi32>
        %sign3A_2066 = arith.constant 0 : i32
        %sign3A_2067 = vector.broadcast %sign3A_2066 : i32 to vector<16xi32>
        %sign3A_2068 = arith.cmpi sgt, %add3A_2059, %sign3A_2067 : vector<16xi32>
        %sign3A_2069 = arith.extui %sign3A_2068 : vector<16xi1> to vector<16xi32>
        %sign3A_2070 = arith.constant 0 : i32
        %sign3A_2071 = vector.broadcast %sign3A_2070 : i32 to vector<16xi32>
        %sign3A_2072 = arith.cmpi slt, %add3A_2059, %sign3A_2071 : vector<16xi32>
        %sign3A_2073 = arith.extui %sign3A_2072 : vector<16xi1> to vector<16xi32>
        %sign3A_2074 = arith.subi %sign3A_2069, %sign3A_2073 : vector<16xi32>
        %sign3A_2075 = arith.constant 0 : i32
        %sign3A_2076 = arith.cmpi sgt, %jit3A_2063, %sign3A_2075 : i32
        %sign3A_2077 = arith.extui %sign3A_2076 : i1 to i32
        %sign3A_2078 = arith.constant 0 : i32
        %sign3A_2079 = arith.cmpi slt, %jit3A_2063, %sign3A_2078 : i32
        %sign3A_2080 = arith.extui %sign3A_2079 : i1 to i32
        %sign3A_2081 = arith.subi %sign3A_2077, %sign3A_2080 : i32
        %ne3A_2082 = vector.broadcast %sign3A_2081 : i32 to vector<16xi32>
        %ne3A_2083 = arith.cmpi ne, %sign3A_2074, %ne3A_2082 : vector<16xi32>
        %rem3A_2084 = vector.broadcast %jit3A_2063 : i32 to vector<16xi32>
        %rem3A_2085 = arith.remsi %add3A_2059, %rem3A_2084 : vector<16xi32>
        %ne3A_2086 = arith.constant 0 : i32
        %ne3A_2087 = vector.broadcast %ne3A_2086 : i32 to vector<16xi32>
        %ne3A_2088 = arith.cmpi ne, %rem3A_2085, %ne3A_2087 : vector<16xi32>
        %and3A_2089 = arith.andi %ne3A_2083, %ne3A_2088 : vector<16xi1>
        %sub3A_2090 = arith.constant 1 : i32
        %sub3A_2091 = vector.broadcast %sub3A_2090 : i32 to vector<16xi32>
        %sub3A_2092 = arith.subi %div3A_2065, %sub3A_2091 : vector<16xi32>
        %select_n3A_2093 = arith.select %and3A_2089, %sub3A_2092, %div3A_2065 : vector<16xi1>, vector<16xi32>
        %jit3A_2094 = arith.constant 8 : i32
        %eq3A_2095 = arith.constant 0 : i32
        %eq3A_2096 = arith.cmpi eq, %jit3A_2094, %eq3A_2095 : i32
        %jit3A_2097 = arith.constant 1 : i32
        %select_n3A_2098 = arith.select %eq3A_2096, %jit3A_2097, %jit3A_2094 : i32
        %rem3A_2099 = vector.broadcast %select_n3A_2098 : i32 to vector<16xi32>
        %rem3A_2100 = arith.remsi %add3A_2059, %rem3A_2099 : vector<16xi32>
        %ne3A_2101 = arith.constant 0 : i32
        %ne3A_2102 = vector.broadcast %ne3A_2101 : i32 to vector<16xi32>
        %ne3A_2103 = arith.cmpi ne, %rem3A_2100, %ne3A_2102 : vector<16xi32>
        %lt3A_2104 = arith.constant 0 : i32
        %lt3A_2105 = vector.broadcast %lt3A_2104 : i32 to vector<16xi32>
        %lt3A_2106 = arith.cmpi slt, %rem3A_2100, %lt3A_2105 : vector<16xi32>
        %lt3A_2107 = arith.constant 0 : i32
        %lt3A_2108 = arith.cmpi slt, %select_n3A_2098, %lt3A_2107 : i32
        %ne3A_2109 = vector.broadcast %lt3A_2108 : i1 to vector<16xi1>
        %ne3A_2110 = vector.broadcast %ne3A_2109 : vector<16xi1> to vector<16xi1>
        %ne3A_2111 = arith.xori %lt3A_2106, %ne3A_2110 : vector<16xi1>
        %and3A_2112 = arith.andi %ne3A_2111, %ne3A_2103 : vector<16xi1>
        %add3A_2113 = vector.broadcast %select_n3A_2098 : i32 to vector<16xi32>
        %add3A_2114 = arith.addi %rem3A_2100, %add3A_2113 : vector<16xi32>
        %select_n3A_2115 = arith.select %and3A_2112, %add3A_2114, %rem3A_2100 : vector<16xi1>, vector<16xi32>
        tpu.vector_store_idx %arg8[%select_n3A_2093, %select_n3A_2115, %add3A_1997], %get3A_2062 : memref<8x8x129xf32, #tpu.memory_space<vmem>>[vector<16xi32>, vector<16xi32>, vector<16xi32>], vector<16xf32>,
        %add3A_2116 = arith.constant 32 : i32
        %add3A_2117 = vector.broadcast %add3A_2116 : i32 to vector<16xi32>
        %add3A_2118 = arith.addi %add3A_2117, %iota3A : vector<16xi32>
        %get3A_2119 = arith.index_cast %add3A_1993 : i32 to index
        %get3A_2120 = arith.constant 32 : index
        %get3A_2121 = tpu.vector_load %arg6[%get3A_2119, %get3A_2120] {strides = array<i32>} : memref<128x64xf32, #tpu.memory_space<vmem>>, vector<16xf32>,
        %jit3A_2122 = arith.constant 8 : i32
        %div3A_2123 = vector.broadcast %jit3A_2122 : i32 to vector<16xi32>
        %div3A_2124 = arith.divsi %add3A_2118, %div3A_2123 : vector<16xi32>
        %sign3A_2125 = arith.constant 0 : i32
        %sign3A_2126 = vector.broadcast %sign3A_2125 : i32 to vector<16xi32>
        %sign3A_2127 = arith.cmpi sgt, %add3A_2118, %sign3A_2126 : vector<16xi32>
        %sign3A_2128 = arith.extui %sign3A_2127 : vector<16xi1> to vector<16xi32>
        %sign3A_2129 = arith.constant 0 : i32
        %sign3A_2130 = vector.broadcast %sign3A_2129 : i32 to vector<16xi32>
        %sign3A_2131 = arith.cmpi slt, %add3A_2118, %sign3A_2130 : vector<16xi32>
        %sign3A_2132 = arith.extui %sign3A_2131 : vector<16xi1> to vector<16xi32>
        %sign3A_2133 = arith.subi %sign3A_2128, %sign3A_2132 : vector<16xi32>
        %sign3A_2134 = arith.constant 0 : i32
        %sign3A_2135 = arith.cmpi sgt, %jit3A_2122, %sign3A_2134 : i32
        %sign3A_2136 = arith.extui %sign3A_2135 : i1 to i32
        %sign3A_2137 = arith.constant 0 : i32
        %sign3A_2138 = arith.cmpi slt, %jit3A_2122, %sign3A_2137 : i32
        %sign3A_2139 = arith.extui %sign3A_2138 : i1 to i32
        %sign3A_2140 = arith.subi %sign3A_2136, %sign3A_2139 : i32
        %ne3A_2141 = vector.broadcast %sign3A_2140 : i32 to vector<16xi32>
        %ne3A_2142 = arith.cmpi ne, %sign3A_2133, %ne3A_2141 : vector<16xi32>
        %rem3A_2143 = vector.broadcast %jit3A_2122 : i32 to vector<16xi32>
        %rem3A_2144 = arith.remsi %add3A_2118, %rem3A_2143 : vector<16xi32>
        %ne3A_2145 = arith.constant 0 : i32
        %ne3A_2146 = vector.broadcast %ne3A_2145 : i32 to vector<16xi32>
        %ne3A_2147 = arith.cmpi ne, %rem3A_2144, %ne3A_2146 : vector<16xi32>
        %and3A_2148 = arith.andi %ne3A_2142, %ne3A_2147 : vector<16xi1>
        %sub3A_2149 = arith.constant 1 : i32
        %sub3A_2150 = vector.broadcast %sub3A_2149 : i32 to vector<16xi32>
        %sub3A_2151 = arith.subi %div3A_2124, %sub3A_2150 : vector<16xi32>
        %select_n3A_2152 = arith.select %and3A_2148, %sub3A_2151, %div3A_2124 : vector<16xi1>, vector<16xi32>
        %jit3A_2153 = arith.constant 8 : i32
        %eq3A_2154 = arith.constant 0 : i32
        %eq3A_2155 = arith.cmpi eq, %jit3A_2153, %eq3A_2154 : i32
        %jit3A_2156 = arith.constant 1 : i32
        %select_n3A_2157 = arith.select %eq3A_2155, %jit3A_2156, %jit3A_2153 : i32
        %rem3A_2158 = vector.broadcast %select_n3A_2157 : i32 to vector<16xi32>
        %rem3A_2159 = arith.remsi %add3A_2118, %rem3A_2158 : vector<16xi32>
        %ne3A_2160 = arith.constant 0 : i32
        %ne3A_2161 = vector.broadcast %ne3A_2160 : i32 to vector<16xi32>
        %ne3A_2162 = arith.cmpi ne, %rem3A_2159, %ne3A_2161 : vector<16xi32>
        %lt3A_2163 = arith.constant 0 : i32
        %lt3A_2164 = vector.broadcast %lt3A_2163 : i32 to vector<16xi32>
        %lt3A_2165 = arith.cmpi slt, %rem3A_2159, %lt3A_2164 : vector<16xi32>
        %lt3A_2166 = arith.constant 0 : i32
        %lt3A_2167 = arith.cmpi slt, %select_n3A_2157, %lt3A_2166 : i32
        %ne3A_2168 = vector.broadcast %lt3A_2167 : i1 to vector<16xi1>
        %ne3A_2169 = vector.broadcast %ne3A_2168 : vector<16xi1> to vector<16xi1>
        %ne3A_2170 = arith.xori %lt3A_2165, %ne3A_2169 : vector<16xi1>
        %and3A_2171 = arith.andi %ne3A_2170, %ne3A_2162 : vector<16xi1>
        %add3A_2172 = vector.broadcast %select_n3A_2157 : i32 to vector<16xi32>
        %add3A_2173 = arith.addi %rem3A_2159, %add3A_2172 : vector<16xi32>
        %select_n3A_2174 = arith.select %and3A_2171, %add3A_2173, %rem3A_2159 : vector<16xi1>, vector<16xi32>
        tpu.vector_store_idx %arg8[%select_n3A_2152, %select_n3A_2174, %add3A_1997], %get3A_2121 : memref<8x8x129xf32, #tpu.memory_space<vmem>>[vector<16xi32>, vector<16xi32>, vector<16xi32>], vector<16xf32>,
        %add3A_2175 = arith.constant 48 : i32
        %add3A_2176 = vector.broadcast %add3A_2175 : i32 to vector<16xi32>
        %add3A_2177 = arith.addi %add3A_2176, %iota3A : vector<16xi32>
        %get3A_2178 = arith.index_cast %add3A_1993 : i32 to index
        %get3A_2179 = arith.constant 48 : index
        %get3A_2180 = tpu.vector_load %arg6[%get3A_2178, %get3A_2179] {strides = array<i32>} : memref<128x64xf32, #tpu.memory_space<vmem>>, vector<16xf32>,
        %jit3A_2181 = arith.constant 8 : i32
        %div3A_2182 = vector.broadcast %jit3A_2181 : i32 to vector<16xi32>
        %div3A_2183 = arith.divsi %add3A_2177, %div3A_2182 : vector<16xi32>
        %sign3A_2184 = arith.constant 0 : i32
        %sign3A_2185 = vector.broadcast %sign3A_2184 : i32 to vector<16xi32>
        %sign3A_2186 = arith.cmpi sgt, %add3A_2177, %sign3A_2185 : vector<16xi32>
        %sign3A_2187 = arith.extui %sign3A_2186 : vector<16xi1> to vector<16xi32>
        %sign3A_2188 = arith.constant 0 : i32
        %sign3A_2189 = vector.broadcast %sign3A_2188 : i32 to vector<16xi32>
        %sign3A_2190 = arith.cmpi slt, %add3A_2177, %sign3A_2189 : vector<16xi32>
        %sign3A_2191 = arith.extui %sign3A_2190 : vector<16xi1> to vector<16xi32>
        %sign3A_2192 = arith.subi %sign3A_2187, %sign3A_2191 : vector<16xi32>
        %sign3A_2193 = arith.constant 0 : i32
        %sign3A_2194 = arith.cmpi sgt, %jit3A_2181, %sign3A_2193 : i32
        %sign3A_2195 = arith.extui %sign3A_2194 : i1 to i32
        %sign3A_2196 = arith.constant 0 : i32
        %sign3A_2197 = arith.cmpi slt, %jit3A_2181, %sign3A_2196 : i32
        %sign3A_2198 = arith.extui %sign3A_2197 : i1 to i32
        %sign3A_2199 = arith.subi %sign3A_2195, %sign3A_2198 : i32
        %ne3A_2200 = vector.broadcast %sign3A_2199 : i32 to vector<16xi32>
        %ne3A_2201 = arith.cmpi ne, %sign3A_2192, %ne3A_2200 : vector<16xi32>
        %rem3A_2202 = vector.broadcast %jit3A_2181 : i32 to vector<16xi32>
        %rem3A_2203 = arith.remsi %add3A_2177, %rem3A_2202 : vector<16xi32>
        %ne3A_2204 = arith.constant 0 : i32
        %ne3A_2205 = vector.broadcast %ne3A_2204 : i32 to vector<16xi32>
        %ne3A_2206 = arith.cmpi ne, %rem3A_2203, %ne3A_2205 : vector<16xi32>
        %and3A_2207 = arith.andi %ne3A_2201, %ne3A_2206 : vector<16xi1>
        %sub3A_2208 = arith.constant 1 : i32
        %sub3A_2209 = vector.broadcast %sub3A_2208 : i32 to vector<16xi32>
        %sub3A_2210 = arith.subi %div3A_2183, %sub3A_2209 : vector<16xi32>
        %select_n3A_2211 = arith.select %and3A_2207, %sub3A_2210, %div3A_2183 : vector<16xi1>, vector<16xi32>
        %jit3A_2212 = arith.constant 8 : i32
        %eq3A_2213 = arith.constant 0 : i32
        %eq3A_2214 = arith.cmpi eq, %jit3A_2212, %eq3A_2213 : i32
        %jit3A_2215 = arith.constant 1 : i32
        %select_n3A_2216 = arith.select %eq3A_2214, %jit3A_2215, %jit3A_2212 : i32
        %rem3A_2217 = vector.broadcast %select_n3A_2216 : i32 to vector<16xi32>
        %rem3A_2218 = arith.remsi %add3A_2177, %rem3A_2217 : vector<16xi32>
        %ne3A_2219 = arith.constant 0 : i32
        %ne3A_2220 = vector.broadcast %ne3A_2219 : i32 to vector<16xi32>
        %ne3A_2221 = arith.cmpi ne, %rem3A_2218, %ne3A_2220 : vector<16xi32>
        %lt3A_2222 = arith.constant 0 : i32
        %lt3A_2223 = vector.broadcast %lt3A_2222 : i32 to vector<16xi32>
        %lt3A_2224 = arith.cmpi slt, %rem3A_2218, %lt3A_2223 : vector<16xi32>
        %lt3A_2225 = arith.constant 0 : i32
        %lt3A_2226 = arith.cmpi slt, %select_n3A_2216, %lt3A_2225 : i32
        %ne3A_2227 = vector.broadcast %lt3A_2226 : i1 to vector<16xi1>
        %ne3A_2228 = vector.broadcast %ne3A_2227 : vector<16xi1> to vector<16xi1>
        %ne3A_2229 = arith.xori %lt3A_2224, %ne3A_2228 : vector<16xi1>
        %and3A_2230 = arith.andi %ne3A_2229, %ne3A_2221 : vector<16xi1>
        %add3A_2231 = vector.broadcast %select_n3A_2216 : i32 to vector<16xi32>
        %add3A_2232 = arith.addi %rem3A_2218, %add3A_2231 : vector<16xi32>
        %select_n3A_2233 = arith.select %and3A_2230, %add3A_2232, %rem3A_2218 : vector<16xi1>, vector<16xi32>
        tpu.vector_store_idx %arg8[%select_n3A_2211, %select_n3A_2233, %add3A_1997], %get3A_2180 : memref<8x8x129xf32, #tpu.memory_space<vmem>>[vector<16xi32>, vector<16xi32>, vector<16xi32>], vector<16xf32>,
        %scan3A_2234 = arith.constant 6 : i32
        %scan3A_2235 = arith.addi %scan3A_770, %scan3A_2234 : i32
        %mul3A_2236 = arith.constant 1 : i32
        %mul3A_2237 = arith.muli %scan3A_2235, %mul3A_2236 : i32
        %add3A_2238 = arith.constant 0 : i32
        %add3A_2239 = arith.addi %add3A_2238, %mul3A_2237 : i32
        %broadcast_in_dim3A_2240 = arith.constant 0 : i32
        %broadcast_in_dim3A_2241 = vector.broadcast %broadcast_in_dim3A_2240 : i32 to vector<16xi32>
        %add3A_2242 = vector.broadcast %add3A_2239 : i32 to vector<16xi32>
        %add3A_2243 = arith.addi %broadcast_in_dim3A_2241, %add3A_2242 : vector<16xi32>
        %add3A_2244 = arith.constant 0 : i32
        %add3A_2245 = vector.broadcast %add3A_2244 : i32 to vector<16xi32>
        %add3A_2246 = arith.addi %add3A_2245, %iota3A : vector<16xi32>
        %get3A_2247 = arith.index_cast %add3A_2239 : i32 to index
        %get3A_2248 = arith.constant 0 : index
        %get3A_2249 = tpu.vector_load %arg6[%get3A_2247, %get3A_2248] {strides = array<i32>} : memref<128x64xf32, #tpu.memory_space<vmem>>, vector<16xf32>,
        %jit3A_2250 = arith.constant 8 : i32
        %div3A_2251 = vector.broadcast %jit3A_2250 : i32 to vector<16xi32>
        %div3A_2252 = arith.divsi %add3A_2246, %div3A_2251 : vector<16xi32>
        %sign3A_2253 = arith.constant 0 : i32
        %sign3A_2254 = vector.broadcast %sign3A_2253 : i32 to vector<16xi32>
        %sign3A_2255 = arith.cmpi sgt, %add3A_2246, %sign3A_2254 : vector<16xi32>
        %sign3A_2256 = arith.extui %sign3A_2255 : vector<16xi1> to vector<16xi32>
        %sign3A_2257 = arith.constant 0 : i32
        %sign3A_2258 = vector.broadcast %sign3A_2257 : i32 to vector<16xi32>
        %sign3A_2259 = arith.cmpi slt, %add3A_2246, %sign3A_2258 : vector<16xi32>
        %sign3A_2260 = arith.extui %sign3A_2259 : vector<16xi1> to vector<16xi32>
        %sign3A_2261 = arith.subi %sign3A_2256, %sign3A_2260 : vector<16xi32>
        %sign3A_2262 = arith.constant 0 : i32
        %sign3A_2263 = arith.cmpi sgt, %jit3A_2250, %sign3A_2262 : i32
        %sign3A_2264 = arith.extui %sign3A_2263 : i1 to i32
        %sign3A_2265 = arith.constant 0 : i32
        %sign3A_2266 = arith.cmpi slt, %jit3A_2250, %sign3A_2265 : i32
        %sign3A_2267 = arith.extui %sign3A_2266 : i1 to i32
        %sign3A_2268 = arith.subi %sign3A_2264, %sign3A_2267 : i32
        %ne3A_2269 = vector.broadcast %sign3A_2268 : i32 to vector<16xi32>
        %ne3A_2270 = arith.cmpi ne, %sign3A_2261, %ne3A_2269 : vector<16xi32>
        %rem3A_2271 = vector.broadcast %jit3A_2250 : i32 to vector<16xi32>
        %rem3A_2272 = arith.remsi %add3A_2246, %rem3A_2271 : vector<16xi32>
        %ne3A_2273 = arith.constant 0 : i32
        %ne3A_2274 = vector.broadcast %ne3A_2273 : i32 to vector<16xi32>
        %ne3A_2275 = arith.cmpi ne, %rem3A_2272, %ne3A_2274 : vector<16xi32>
        %and3A_2276 = arith.andi %ne3A_2270, %ne3A_2275 : vector<16xi1>
        %sub3A_2277 = arith.constant 1 : i32
        %sub3A_2278 = vector.broadcast %sub3A_2277 : i32 to vector<16xi32>
        %sub3A_2279 = arith.subi %div3A_2252, %sub3A_2278 : vector<16xi32>
        %select_n3A_2280 = arith.select %and3A_2276, %sub3A_2279, %div3A_2252 : vector<16xi1>, vector<16xi32>
        %jit3A_2281 = arith.constant 8 : i32
        %eq3A_2282 = arith.constant 0 : i32
        %eq3A_2283 = arith.cmpi eq, %jit3A_2281, %eq3A_2282 : i32
        %jit3A_2284 = arith.constant 1 : i32
        %select_n3A_2285 = arith.select %eq3A_2283, %jit3A_2284, %jit3A_2281 : i32
        %rem3A_2286 = vector.broadcast %select_n3A_2285 : i32 to vector<16xi32>
        %rem3A_2287 = arith.remsi %add3A_2246, %rem3A_2286 : vector<16xi32>
        %ne3A_2288 = arith.constant 0 : i32
        %ne3A_2289 = vector.broadcast %ne3A_2288 : i32 to vector<16xi32>
        %ne3A_2290 = arith.cmpi ne, %rem3A_2287, %ne3A_2289 : vector<16xi32>
        %lt3A_2291 = arith.constant 0 : i32
        %lt3A_2292 = vector.broadcast %lt3A_2291 : i32 to vector<16xi32>
        %lt3A_2293 = arith.cmpi slt, %rem3A_2287, %lt3A_2292 : vector<16xi32>
        %lt3A_2294 = arith.constant 0 : i32
        %lt3A_2295 = arith.cmpi slt, %select_n3A_2285, %lt3A_2294 : i32
        %ne3A_2296 = vector.broadcast %lt3A_2295 : i1 to vector<16xi1>
        %ne3A_2297 = vector.broadcast %ne3A_2296 : vector<16xi1> to vector<16xi1>
        %ne3A_2298 = arith.xori %lt3A_2293, %ne3A_2297 : vector<16xi1>
        %and3A_2299 = arith.andi %ne3A_2298, %ne3A_2290 : vector<16xi1>
        %add3A_2300 = vector.broadcast %select_n3A_2285 : i32 to vector<16xi32>
        %add3A_2301 = arith.addi %rem3A_2287, %add3A_2300 : vector<16xi32>
        %select_n3A_2302 = arith.select %and3A_2299, %add3A_2301, %rem3A_2287 : vector<16xi1>, vector<16xi32>
        tpu.vector_store_idx %arg8[%select_n3A_2280, %select_n3A_2302, %add3A_2243], %get3A_2249 : memref<8x8x129xf32, #tpu.memory_space<vmem>>[vector<16xi32>, vector<16xi32>, vector<16xi32>], vector<16xf32>,
        %add3A_2303 = arith.constant 16 : i32
        %add3A_2304 = vector.broadcast %add3A_2303 : i32 to vector<16xi32>
        %add3A_2305 = arith.addi %add3A_2304, %iota3A : vector<16xi32>
        %get3A_2306 = arith.index_cast %add3A_2239 : i32 to index
        %get3A_2307 = arith.constant 16 : index
        %get3A_2308 = tpu.vector_load %arg6[%get3A_2306, %get3A_2307] {strides = array<i32>} : memref<128x64xf32, #tpu.memory_space<vmem>>, vector<16xf32>,
        %jit3A_2309 = arith.constant 8 : i32
        %div3A_2310 = vector.broadcast %jit3A_2309 : i32 to vector<16xi32>
        %div3A_2311 = arith.divsi %add3A_2305, %div3A_2310 : vector<16xi32>
        %sign3A_2312 = arith.constant 0 : i32
        %sign3A_2313 = vector.broadcast %sign3A_2312 : i32 to vector<16xi32>
        %sign3A_2314 = arith.cmpi sgt, %add3A_2305, %sign3A_2313 : vector<16xi32>
        %sign3A_2315 = arith.extui %sign3A_2314 : vector<16xi1> to vector<16xi32>
        %sign3A_2316 = arith.constant 0 : i32
        %sign3A_2317 = vector.broadcast %sign3A_2316 : i32 to vector<16xi32>
        %sign3A_2318 = arith.cmpi slt, %add3A_2305, %sign3A_2317 : vector<16xi32>
        %sign3A_2319 = arith.extui %sign3A_2318 : vector<16xi1> to vector<16xi32>
        %sign3A_2320 = arith.subi %sign3A_2315, %sign3A_2319 : vector<16xi32>
        %sign3A_2321 = arith.constant 0 : i32
        %sign3A_2322 = arith.cmpi sgt, %jit3A_2309, %sign3A_2321 : i32
        %sign3A_2323 = arith.extui %sign3A_2322 : i1 to i32
        %sign3A_2324 = arith.constant 0 : i32
        %sign3A_2325 = arith.cmpi slt, %jit3A_2309, %sign3A_2324 : i32
        %sign3A_2326 = arith.extui %sign3A_2325 : i1 to i32
        %sign3A_2327 = arith.subi %sign3A_2323, %sign3A_2326 : i32
        %ne3A_2328 = vector.broadcast %sign3A_2327 : i32 to vector<16xi32>
        %ne3A_2329 = arith.cmpi ne, %sign3A_2320, %ne3A_2328 : vector<16xi32>
        %rem3A_2330 = vector.broadcast %jit3A_2309 : i32 to vector<16xi32>
        %rem3A_2331 = arith.remsi %add3A_2305, %rem3A_2330 : vector<16xi32>
        %ne3A_2332 = arith.constant 0 : i32
        %ne3A_2333 = vector.broadcast %ne3A_2332 : i32 to vector<16xi32>
        %ne3A_2334 = arith.cmpi ne, %rem3A_2331, %ne3A_2333 : vector<16xi32>
        %and3A_2335 = arith.andi %ne3A_2329, %ne3A_2334 : vector<16xi1>
        %sub3A_2336 = arith.constant 1 : i32
        %sub3A_2337 = vector.broadcast %sub3A_2336 : i32 to vector<16xi32>
        %sub3A_2338 = arith.subi %div3A_2311, %sub3A_2337 : vector<16xi32>
        %select_n3A_2339 = arith.select %and3A_2335, %sub3A_2338, %div3A_2311 : vector<16xi1>, vector<16xi32>
        %jit3A_2340 = arith.constant 8 : i32
        %eq3A_2341 = arith.constant 0 : i32
        %eq3A_2342 = arith.cmpi eq, %jit3A_2340, %eq3A_2341 : i32
        %jit3A_2343 = arith.constant 1 : i32
        %select_n3A_2344 = arith.select %eq3A_2342, %jit3A_2343, %jit3A_2340 : i32
        %rem3A_2345 = vector.broadcast %select_n3A_2344 : i32 to vector<16xi32>
        %rem3A_2346 = arith.remsi %add3A_2305, %rem3A_2345 : vector<16xi32>
        %ne3A_2347 = arith.constant 0 : i32
        %ne3A_2348 = vector.broadcast %ne3A_2347 : i32 to vector<16xi32>
        %ne3A_2349 = arith.cmpi ne, %rem3A_2346, %ne3A_2348 : vector<16xi32>
        %lt3A_2350 = arith.constant 0 : i32
        %lt3A_2351 = vector.broadcast %lt3A_2350 : i32 to vector<16xi32>
        %lt3A_2352 = arith.cmpi slt, %rem3A_2346, %lt3A_2351 : vector<16xi32>
        %lt3A_2353 = arith.constant 0 : i32
        %lt3A_2354 = arith.cmpi slt, %select_n3A_2344, %lt3A_2353 : i32
        %ne3A_2355 = vector.broadcast %lt3A_2354 : i1 to vector<16xi1>
        %ne3A_2356 = vector.broadcast %ne3A_2355 : vector<16xi1> to vector<16xi1>
        %ne3A_2357 = arith.xori %lt3A_2352, %ne3A_2356 : vector<16xi1>
        %and3A_2358 = arith.andi %ne3A_2357, %ne3A_2349 : vector<16xi1>
        %add3A_2359 = vector.broadcast %select_n3A_2344 : i32 to vector<16xi32>
        %add3A_2360 = arith.addi %rem3A_2346, %add3A_2359 : vector<16xi32>
        %select_n3A_2361 = arith.select %and3A_2358, %add3A_2360, %rem3A_2346 : vector<16xi1>, vector<16xi32>
        tpu.vector_store_idx %arg8[%select_n3A_2339, %select_n3A_2361, %add3A_2243], %get3A_2308 : memref<8x8x129xf32, #tpu.memory_space<vmem>>[vector<16xi32>, vector<16xi32>, vector<16xi32>], vector<16xf32>,
        %add3A_2362 = arith.constant 32 : i32
        %add3A_2363 = vector.broadcast %add3A_2362 : i32 to vector<16xi32>
        %add3A_2364 = arith.addi %add3A_2363, %iota3A : vector<16xi32>
        %get3A_2365 = arith.index_cast %add3A_2239 : i32 to index
        %get3A_2366 = arith.constant 32 : index
        %get3A_2367 = tpu.vector_load %arg6[%get3A_2365, %get3A_2366] {strides = array<i32>} : memref<128x64xf32, #tpu.memory_space<vmem>>, vector<16xf32>,
        %jit3A_2368 = arith.constant 8 : i32
        %div3A_2369 = vector.broadcast %jit3A_2368 : i32 to vector<16xi32>
        %div3A_2370 = arith.divsi %add3A_2364, %div3A_2369 : vector<16xi32>
        %sign3A_2371 = arith.constant 0 : i32
        %sign3A_2372 = vector.broadcast %sign3A_2371 : i32 to vector<16xi32>
        %sign3A_2373 = arith.cmpi sgt, %add3A_2364, %sign3A_2372 : vector<16xi32>
        %sign3A_2374 = arith.extui %sign3A_2373 : vector<16xi1> to vector<16xi32>
        %sign3A_2375 = arith.constant 0 : i32
        %sign3A_2376 = vector.broadcast %sign3A_2375 : i32 to vector<16xi32>
        %sign3A_2377 = arith.cmpi slt, %add3A_2364, %sign3A_2376 : vector<16xi32>
        %sign3A_2378 = arith.extui %sign3A_2377 : vector<16xi1> to vector<16xi32>
        %sign3A_2379 = arith.subi %sign3A_2374, %sign3A_2378 : vector<16xi32>
        %sign3A_2380 = arith.constant 0 : i32
        %sign3A_2381 = arith.cmpi sgt, %jit3A_2368, %sign3A_2380 : i32
        %sign3A_2382 = arith.extui %sign3A_2381 : i1 to i32
        %sign3A_2383 = arith.constant 0 : i32
        %sign3A_2384 = arith.cmpi slt, %jit3A_2368, %sign3A_2383 : i32
        %sign3A_2385 = arith.extui %sign3A_2384 : i1 to i32
        %sign3A_2386 = arith.subi %sign3A_2382, %sign3A_2385 : i32
        %ne3A_2387 = vector.broadcast %sign3A_2386 : i32 to vector<16xi32>
        %ne3A_2388 = arith.cmpi ne, %sign3A_2379, %ne3A_2387 : vector<16xi32>
        %rem3A_2389 = vector.broadcast %jit3A_2368 : i32 to vector<16xi32>
        %rem3A_2390 = arith.remsi %add3A_2364, %rem3A_2389 : vector<16xi32>
        %ne3A_2391 = arith.constant 0 : i32
        %ne3A_2392 = vector.broadcast %ne3A_2391 : i32 to vector<16xi32>
        %ne3A_2393 = arith.cmpi ne, %rem3A_2390, %ne3A_2392 : vector<16xi32>
        %and3A_2394 = arith.andi %ne3A_2388, %ne3A_2393 : vector<16xi1>
        %sub3A_2395 = arith.constant 1 : i32
        %sub3A_2396 = vector.broadcast %sub3A_2395 : i32 to vector<16xi32>
        %sub3A_2397 = arith.subi %div3A_2370, %sub3A_2396 : vector<16xi32>
        %select_n3A_2398 = arith.select %and3A_2394, %sub3A_2397, %div3A_2370 : vector<16xi1>, vector<16xi32>
        %jit3A_2399 = arith.constant 8 : i32
        %eq3A_2400 = arith.constant 0 : i32
        %eq3A_2401 = arith.cmpi eq, %jit3A_2399, %eq3A_2400 : i32
        %jit3A_2402 = arith.constant 1 : i32
        %select_n3A_2403 = arith.select %eq3A_2401, %jit3A_2402, %jit3A_2399 : i32
        %rem3A_2404 = vector.broadcast %select_n3A_2403 : i32 to vector<16xi32>
        %rem3A_2405 = arith.remsi %add3A_2364, %rem3A_2404 : vector<16xi32>
        %ne3A_2406 = arith.constant 0 : i32
        %ne3A_2407 = vector.broadcast %ne3A_2406 : i32 to vector<16xi32>
        %ne3A_2408 = arith.cmpi ne, %rem3A_2405, %ne3A_2407 : vector<16xi32>
        %lt3A_2409 = arith.constant 0 : i32
        %lt3A_2410 = vector.broadcast %lt3A_2409 : i32 to vector<16xi32>
        %lt3A_2411 = arith.cmpi slt, %rem3A_2405, %lt3A_2410 : vector<16xi32>
        %lt3A_2412 = arith.constant 0 : i32
        %lt3A_2413 = arith.cmpi slt, %select_n3A_2403, %lt3A_2412 : i32
        %ne3A_2414 = vector.broadcast %lt3A_2413 : i1 to vector<16xi1>
        %ne3A_2415 = vector.broadcast %ne3A_2414 : vector<16xi1> to vector<16xi1>
        %ne3A_2416 = arith.xori %lt3A_2411, %ne3A_2415 : vector<16xi1>
        %and3A_2417 = arith.andi %ne3A_2416, %ne3A_2408 : vector<16xi1>
        %add3A_2418 = vector.broadcast %select_n3A_2403 : i32 to vector<16xi32>
        %add3A_2419 = arith.addi %rem3A_2405, %add3A_2418 : vector<16xi32>
        %select_n3A_2420 = arith.select %and3A_2417, %add3A_2419, %rem3A_2405 : vector<16xi1>, vector<16xi32>
        tpu.vector_store_idx %arg8[%select_n3A_2398, %select_n3A_2420, %add3A_2243], %get3A_2367 : memref<8x8x129xf32, #tpu.memory_space<vmem>>[vector<16xi32>, vector<16xi32>, vector<16xi32>], vector<16xf32>,
        %add3A_2421 = arith.constant 48 : i32
        %add3A_2422 = vector.broadcast %add3A_2421 : i32 to vector<16xi32>
        %add3A_2423 = arith.addi %add3A_2422, %iota3A : vector<16xi32>
        %get3A_2424 = arith.index_cast %add3A_2239 : i32 to index
        %get3A_2425 = arith.constant 48 : index
        %get3A_2426 = tpu.vector_load %arg6[%get3A_2424, %get3A_2425] {strides = array<i32>} : memref<128x64xf32, #tpu.memory_space<vmem>>, vector<16xf32>,
        %jit3A_2427 = arith.constant 8 : i32
        %div3A_2428 = vector.broadcast %jit3A_2427 : i32 to vector<16xi32>
        %div3A_2429 = arith.divsi %add3A_2423, %div3A_2428 : vector<16xi32>
        %sign3A_2430 = arith.constant 0 : i32
        %sign3A_2431 = vector.broadcast %sign3A_2430 : i32 to vector<16xi32>
        %sign3A_2432 = arith.cmpi sgt, %add3A_2423, %sign3A_2431 : vector<16xi32>
        %sign3A_2433 = arith.extui %sign3A_2432 : vector<16xi1> to vector<16xi32>
        %sign3A_2434 = arith.constant 0 : i32
        %sign3A_2435 = vector.broadcast %sign3A_2434 : i32 to vector<16xi32>
        %sign3A_2436 = arith.cmpi slt, %add3A_2423, %sign3A_2435 : vector<16xi32>
        %sign3A_2437 = arith.extui %sign3A_2436 : vector<16xi1> to vector<16xi32>
        %sign3A_2438 = arith.subi %sign3A_2433, %sign3A_2437 : vector<16xi32>
        %sign3A_2439 = arith.constant 0 : i32
        %sign3A_2440 = arith.cmpi sgt, %jit3A_2427, %sign3A_2439 : i32
        %sign3A_2441 = arith.extui %sign3A_2440 : i1 to i32
        %sign3A_2442 = arith.constant 0 : i32
        %sign3A_2443 = arith.cmpi slt, %jit3A_2427, %sign3A_2442 : i32
        %sign3A_2444 = arith.extui %sign3A_2443 : i1 to i32
        %sign3A_2445 = arith.subi %sign3A_2441, %sign3A_2444 : i32
        %ne3A_2446 = vector.broadcast %sign3A_2445 : i32 to vector<16xi32>
        %ne3A_2447 = arith.cmpi ne, %sign3A_2438, %ne3A_2446 : vector<16xi32>
        %rem3A_2448 = vector.broadcast %jit3A_2427 : i32 to vector<16xi32>
        %rem3A_2449 = arith.remsi %add3A_2423, %rem3A_2448 : vector<16xi32>
        %ne3A_2450 = arith.constant 0 : i32
        %ne3A_2451 = vector.broadcast %ne3A_2450 : i32 to vector<16xi32>
        %ne3A_2452 = arith.cmpi ne, %rem3A_2449, %ne3A_2451 : vector<16xi32>
        %and3A_2453 = arith.andi %ne3A_2447, %ne3A_2452 : vector<16xi1>
        %sub3A_2454 = arith.constant 1 : i32
        %sub3A_2455 = vector.broadcast %sub3A_2454 : i32 to vector<16xi32>
        %sub3A_2456 = arith.subi %div3A_2429, %sub3A_2455 : vector<16xi32>
        %select_n3A_2457 = arith.select %and3A_2453, %sub3A_2456, %div3A_2429 : vector<16xi1>, vector<16xi32>
        %jit3A_2458 = arith.constant 8 : i32
        %eq3A_2459 = arith.constant 0 : i32
        %eq3A_2460 = arith.cmpi eq, %jit3A_2458, %eq3A_2459 : i32
        %jit3A_2461 = arith.constant 1 : i32
        %select_n3A_2462 = arith.select %eq3A_2460, %jit3A_2461, %jit3A_2458 : i32
        %rem3A_2463 = vector.broadcast %select_n3A_2462 : i32 to vector<16xi32>
        %rem3A_2464 = arith.remsi %add3A_2423, %rem3A_2463 : vector<16xi32>
        %ne3A_2465 = arith.constant 0 : i32
        %ne3A_2466 = vector.broadcast %ne3A_2465 : i32 to vector<16xi32>
        %ne3A_2467 = arith.cmpi ne, %rem3A_2464, %ne3A_2466 : vector<16xi32>
        %lt3A_2468 = arith.constant 0 : i32
        %lt3A_2469 = vector.broadcast %lt3A_2468 : i32 to vector<16xi32>
        %lt3A_2470 = arith.cmpi slt, %rem3A_2464, %lt3A_2469 : vector<16xi32>
        %lt3A_2471 = arith.constant 0 : i32
        %lt3A_2472 = arith.cmpi slt, %select_n3A_2462, %lt3A_2471 : i32
        %ne3A_2473 = vector.broadcast %lt3A_2472 : i1 to vector<16xi1>
        %ne3A_2474 = vector.broadcast %ne3A_2473 : vector<16xi1> to vector<16xi1>
        %ne3A_2475 = arith.xori %lt3A_2470, %ne3A_2474 : vector<16xi1>
        %and3A_2476 = arith.andi %ne3A_2475, %ne3A_2467 : vector<16xi1>
        %add3A_2477 = vector.broadcast %select_n3A_2462 : i32 to vector<16xi32>
        %add3A_2478 = arith.addi %rem3A_2464, %add3A_2477 : vector<16xi32>
        %select_n3A_2479 = arith.select %and3A_2476, %add3A_2478, %rem3A_2464 : vector<16xi1>, vector<16xi32>
        tpu.vector_store_idx %arg8[%select_n3A_2457, %select_n3A_2479, %add3A_2243], %get3A_2426 : memref<8x8x129xf32, #tpu.memory_space<vmem>>[vector<16xi32>, vector<16xi32>, vector<16xi32>], vector<16xf32>,
        %scan3A_2480 = arith.constant 7 : i32
        %scan3A_2481 = arith.addi %scan3A_770, %scan3A_2480 : i32
        %mul3A_2482 = arith.constant 1 : i32
        %mul3A_2483 = arith.muli %scan3A_2481, %mul3A_2482 : i32
        %add3A_2484 = arith.constant 0 : i32
        %add3A_2485 = arith.addi %add3A_2484, %mul3A_2483 : i32
        %broadcast_in_dim3A_2486 = arith.constant 0 : i32
        %broadcast_in_dim3A_2487 = vector.broadcast %broadcast_in_dim3A_2486 : i32 to vector<16xi32>
        %add3A_2488 = vector.broadcast %add3A_2485 : i32 to vector<16xi32>
        %add3A_2489 = arith.addi %broadcast_in_dim3A_2487, %add3A_2488 : vector<16xi32>
        %add3A_2490 = arith.constant 0 : i32
        %add3A_2491 = vector.broadcast %add3A_2490 : i32 to vector<16xi32>
        %add3A_2492 = arith.addi %add3A_2491, %iota3A : vector<16xi32>
        %get3A_2493 = arith.index_cast %add3A_2485 : i32 to index
        %get3A_2494 = arith.constant 0 : index
        %get3A_2495 = tpu.vector_load %arg6[%get3A_2493, %get3A_2494] {strides = array<i32>} : memref<128x64xf32, #tpu.memory_space<vmem>>, vector<16xf32>,
        %jit3A_2496 = arith.constant 8 : i32
        %div3A_2497 = vector.broadcast %jit3A_2496 : i32 to vector<16xi32>
        %div3A_2498 = arith.divsi %add3A_2492, %div3A_2497 : vector<16xi32>
        %sign3A_2499 = arith.constant 0 : i32
        %sign3A_2500 = vector.broadcast %sign3A_2499 : i32 to vector<16xi32>
        %sign3A_2501 = arith.cmpi sgt, %add3A_2492, %sign3A_2500 : vector<16xi32>
        %sign3A_2502 = arith.extui %sign3A_2501 : vector<16xi1> to vector<16xi32>
        %sign3A_2503 = arith.constant 0 : i32
        %sign3A_2504 = vector.broadcast %sign3A_2503 : i32 to vector<16xi32>
        %sign3A_2505 = arith.cmpi slt, %add3A_2492, %sign3A_2504 : vector<16xi32>
        %sign3A_2506 = arith.extui %sign3A_2505 : vector<16xi1> to vector<16xi32>
        %sign3A_2507 = arith.subi %sign3A_2502, %sign3A_2506 : vector<16xi32>
        %sign3A_2508 = arith.constant 0 : i32
        %sign3A_2509 = arith.cmpi sgt, %jit3A_2496, %sign3A_2508 : i32
        %sign3A_2510 = arith.extui %sign3A_2509 : i1 to i32
        %sign3A_2511 = arith.constant 0 : i32
        %sign3A_2512 = arith.cmpi slt, %jit3A_2496, %sign3A_2511 : i32
        %sign3A_2513 = arith.extui %sign3A_2512 : i1 to i32
        %sign3A_2514 = arith.subi %sign3A_2510, %sign3A_2513 : i32
        %ne3A_2515 = vector.broadcast %sign3A_2514 : i32 to vector<16xi32>
        %ne3A_2516 = arith.cmpi ne, %sign3A_2507, %ne3A_2515 : vector<16xi32>
        %rem3A_2517 = vector.broadcast %jit3A_2496 : i32 to vector<16xi32>
        %rem3A_2518 = arith.remsi %add3A_2492, %rem3A_2517 : vector<16xi32>
        %ne3A_2519 = arith.constant 0 : i32
        %ne3A_2520 = vector.broadcast %ne3A_2519 : i32 to vector<16xi32>
        %ne3A_2521 = arith.cmpi ne, %rem3A_2518, %ne3A_2520 : vector<16xi32>
        %and3A_2522 = arith.andi %ne3A_2516, %ne3A_2521 : vector<16xi1>
        %sub3A_2523 = arith.constant 1 : i32
        %sub3A_2524 = vector.broadcast %sub3A_2523 : i32 to vector<16xi32>
        %sub3A_2525 = arith.subi %div3A_2498, %sub3A_2524 : vector<16xi32>
        %select_n3A_2526 = arith.select %and3A_2522, %sub3A_2525, %div3A_2498 : vector<16xi1>, vector<16xi32>
        %jit3A_2527 = arith.constant 8 : i32
        %eq3A_2528 = arith.constant 0 : i32
        %eq3A_2529 = arith.cmpi eq, %jit3A_2527, %eq3A_2528 : i32
        %jit3A_2530 = arith.constant 1 : i32
        %select_n3A_2531 = arith.select %eq3A_2529, %jit3A_2530, %jit3A_2527 : i32
        %rem3A_2532 = vector.broadcast %select_n3A_2531 : i32 to vector<16xi32>
        %rem3A_2533 = arith.remsi %add3A_2492, %rem3A_2532 : vector<16xi32>
        %ne3A_2534 = arith.constant 0 : i32
        %ne3A_2535 = vector.broadcast %ne3A_2534 : i32 to vector<16xi32>
        %ne3A_2536 = arith.cmpi ne, %rem3A_2533, %ne3A_2535 : vector<16xi32>
        %lt3A_2537 = arith.constant 0 : i32
        %lt3A_2538 = vector.broadcast %lt3A_2537 : i32 to vector<16xi32>
        %lt3A_2539 = arith.cmpi slt, %rem3A_2533, %lt3A_2538 : vector<16xi32>
        %lt3A_2540 = arith.constant 0 : i32
        %lt3A_2541 = arith.cmpi slt, %select_n3A_2531, %lt3A_2540 : i32
        %ne3A_2542 = vector.broadcast %lt3A_2541 : i1 to vector<16xi1>
        %ne3A_2543 = vector.broadcast %ne3A_2542 : vector<16xi1> to vector<16xi1>
        %ne3A_2544 = arith.xori %lt3A_2539, %ne3A_2543 : vector<16xi1>
        %and3A_2545 = arith.andi %ne3A_2544, %ne3A_2536 : vector<16xi1>
        %add3A_2546 = vector.broadcast %select_n3A_2531 : i32 to vector<16xi32>
        %add3A_2547 = arith.addi %rem3A_2533, %add3A_2546 : vector<16xi32>
        %select_n3A_2548 = arith.select %and3A_2545, %add3A_2547, %rem3A_2533 : vector<16xi1>, vector<16xi32>
        tpu.vector_store_idx %arg8[%select_n3A_2526, %select_n3A_2548, %add3A_2489], %get3A_2495 : memref<8x8x129xf32, #tpu.memory_space<vmem>>[vector<16xi32>, vector<16xi32>, vector<16xi32>], vector<16xf32>,
        %add3A_2549 = arith.constant 16 : i32
        %add3A_2550 = vector.broadcast %add3A_2549 : i32 to vector<16xi32>
        %add3A_2551 = arith.addi %add3A_2550, %iota3A : vector<16xi32>
        %get3A_2552 = arith.index_cast %add3A_2485 : i32 to index
        %get3A_2553 = arith.constant 16 : index
        %get3A_2554 = tpu.vector_load %arg6[%get3A_2552, %get3A_2553] {strides = array<i32>} : memref<128x64xf32, #tpu.memory_space<vmem>>, vector<16xf32>,
        %jit3A_2555 = arith.constant 8 : i32
        %div3A_2556 = vector.broadcast %jit3A_2555 : i32 to vector<16xi32>
        %div3A_2557 = arith.divsi %add3A_2551, %div3A_2556 : vector<16xi32>
        %sign3A_2558 = arith.constant 0 : i32
        %sign3A_2559 = vector.broadcast %sign3A_2558 : i32 to vector<16xi32>
        %sign3A_2560 = arith.cmpi sgt, %add3A_2551, %sign3A_2559 : vector<16xi32>
        %sign3A_2561 = arith.extui %sign3A_2560 : vector<16xi1> to vector<16xi32>
        %sign3A_2562 = arith.constant 0 : i32
        %sign3A_2563 = vector.broadcast %sign3A_2562 : i32 to vector<16xi32>
        %sign3A_2564 = arith.cmpi slt, %add3A_2551, %sign3A_2563 : vector<16xi32>
        %sign3A_2565 = arith.extui %sign3A_2564 : vector<16xi1> to vector<16xi32>
        %sign3A_2566 = arith.subi %sign3A_2561, %sign3A_2565 : vector<16xi32>
        %sign3A_2567 = arith.constant 0 : i32
        %sign3A_2568 = arith.cmpi sgt, %jit3A_2555, %sign3A_2567 : i32
        %sign3A_2569 = arith.extui %sign3A_2568 : i1 to i32
        %sign3A_2570 = arith.constant 0 : i32
        %sign3A_2571 = arith.cmpi slt, %jit3A_2555, %sign3A_2570 : i32
        %sign3A_2572 = arith.extui %sign3A_2571 : i1 to i32
        %sign3A_2573 = arith.subi %sign3A_2569, %sign3A_2572 : i32
        %ne3A_2574 = vector.broadcast %sign3A_2573 : i32 to vector<16xi32>
        %ne3A_2575 = arith.cmpi ne, %sign3A_2566, %ne3A_2574 : vector<16xi32>
        %rem3A_2576 = vector.broadcast %jit3A_2555 : i32 to vector<16xi32>
        %rem3A_2577 = arith.remsi %add3A_2551, %rem3A_2576 : vector<16xi32>
        %ne3A_2578 = arith.constant 0 : i32
        %ne3A_2579 = vector.broadcast %ne3A_2578 : i32 to vector<16xi32>
        %ne3A_2580 = arith.cmpi ne, %rem3A_2577, %ne3A_2579 : vector<16xi32>
        %and3A_2581 = arith.andi %ne3A_2575, %ne3A_2580 : vector<16xi1>
        %sub3A_2582 = arith.constant 1 : i32
        %sub3A_2583 = vector.broadcast %sub3A_2582 : i32 to vector<16xi32>
        %sub3A_2584 = arith.subi %div3A_2557, %sub3A_2583 : vector<16xi32>
        %select_n3A_2585 = arith.select %and3A_2581, %sub3A_2584, %div3A_2557 : vector<16xi1>, vector<16xi32>
        %jit3A_2586 = arith.constant 8 : i32
        %eq3A_2587 = arith.constant 0 : i32
        %eq3A_2588 = arith.cmpi eq, %jit3A_2586, %eq3A_2587 : i32
        %jit3A_2589 = arith.constant 1 : i32
        %select_n3A_2590 = arith.select %eq3A_2588, %jit3A_2589, %jit3A_2586 : i32
        %rem3A_2591 = vector.broadcast %select_n3A_2590 : i32 to vector<16xi32>
        %rem3A_2592 = arith.remsi %add3A_2551, %rem3A_2591 : vector<16xi32>
        %ne3A_2593 = arith.constant 0 : i32
        %ne3A_2594 = vector.broadcast %ne3A_2593 : i32 to vector<16xi32>
        %ne3A_2595 = arith.cmpi ne, %rem3A_2592, %ne3A_2594 : vector<16xi32>
        %lt3A_2596 = arith.constant 0 : i32
        %lt3A_2597 = vector.broadcast %lt3A_2596 : i32 to vector<16xi32>
        %lt3A_2598 = arith.cmpi slt, %rem3A_2592, %lt3A_2597 : vector<16xi32>
        %lt3A_2599 = arith.constant 0 : i32
        %lt3A_2600 = arith.cmpi slt, %select_n3A_2590, %lt3A_2599 : i32
        %ne3A_2601 = vector.broadcast %lt3A_2600 : i1 to vector<16xi1>
        %ne3A_2602 = vector.broadcast %ne3A_2601 : vector<16xi1> to vector<16xi1>
        %ne3A_2603 = arith.xori %lt3A_2598, %ne3A_2602 : vector<16xi1>
        %and3A_2604 = arith.andi %ne3A_2603, %ne3A_2595 : vector<16xi1>
        %add3A_2605 = vector.broadcast %select_n3A_2590 : i32 to vector<16xi32>
        %add3A_2606 = arith.addi %rem3A_2592, %add3A_2605 : vector<16xi32>
        %select_n3A_2607 = arith.select %and3A_2604, %add3A_2606, %rem3A_2592 : vector<16xi1>, vector<16xi32>
        tpu.vector_store_idx %arg8[%select_n3A_2585, %select_n3A_2607, %add3A_2489], %get3A_2554 : memref<8x8x129xf32, #tpu.memory_space<vmem>>[vector<16xi32>, vector<16xi32>, vector<16xi32>], vector<16xf32>,
        %add3A_2608 = arith.constant 32 : i32
        %add3A_2609 = vector.broadcast %add3A_2608 : i32 to vector<16xi32>
        %add3A_2610 = arith.addi %add3A_2609, %iota3A : vector<16xi32>
        %get3A_2611 = arith.index_cast %add3A_2485 : i32 to index
        %get3A_2612 = arith.constant 32 : index
        %get3A_2613 = tpu.vector_load %arg6[%get3A_2611, %get3A_2612] {strides = array<i32>} : memref<128x64xf32, #tpu.memory_space<vmem>>, vector<16xf32>,
        %jit3A_2614 = arith.constant 8 : i32
        %div3A_2615 = vector.broadcast %jit3A_2614 : i32 to vector<16xi32>
        %div3A_2616 = arith.divsi %add3A_2610, %div3A_2615 : vector<16xi32>
        %sign3A_2617 = arith.constant 0 : i32
        %sign3A_2618 = vector.broadcast %sign3A_2617 : i32 to vector<16xi32>
        %sign3A_2619 = arith.cmpi sgt, %add3A_2610, %sign3A_2618 : vector<16xi32>
        %sign3A_2620 = arith.extui %sign3A_2619 : vector<16xi1> to vector<16xi32>
        %sign3A_2621 = arith.constant 0 : i32
        %sign3A_2622 = vector.broadcast %sign3A_2621 : i32 to vector<16xi32>
        %sign3A_2623 = arith.cmpi slt, %add3A_2610, %sign3A_2622 : vector<16xi32>
        %sign3A_2624 = arith.extui %sign3A_2623 : vector<16xi1> to vector<16xi32>
        %sign3A_2625 = arith.subi %sign3A_2620, %sign3A_2624 : vector<16xi32>
        %sign3A_2626 = arith.constant 0 : i32
        %sign3A_2627 = arith.cmpi sgt, %jit3A_2614, %sign3A_2626 : i32
        %sign3A_2628 = arith.extui %sign3A_2627 : i1 to i32
        %sign3A_2629 = arith.constant 0 : i32
        %sign3A_2630 = arith.cmpi slt, %jit3A_2614, %sign3A_2629 : i32
        %sign3A_2631 = arith.extui %sign3A_2630 : i1 to i32
        %sign3A_2632 = arith.subi %sign3A_2628, %sign3A_2631 : i32
        %ne3A_2633 = vector.broadcast %sign3A_2632 : i32 to vector<16xi32>
        %ne3A_2634 = arith.cmpi ne, %sign3A_2625, %ne3A_2633 : vector<16xi32>
        %rem3A_2635 = vector.broadcast %jit3A_2614 : i32 to vector<16xi32>
        %rem3A_2636 = arith.remsi %add3A_2610, %rem3A_2635 : vector<16xi32>
        %ne3A_2637 = arith.constant 0 : i32
        %ne3A_2638 = vector.broadcast %ne3A_2637 : i32 to vector<16xi32>
        %ne3A_2639 = arith.cmpi ne, %rem3A_2636, %ne3A_2638 : vector<16xi32>
        %and3A_2640 = arith.andi %ne3A_2634, %ne3A_2639 : vector<16xi1>
        %sub3A_2641 = arith.constant 1 : i32
        %sub3A_2642 = vector.broadcast %sub3A_2641 : i32 to vector<16xi32>
        %sub3A_2643 = arith.subi %div3A_2616, %sub3A_2642 : vector<16xi32>
        %select_n3A_2644 = arith.select %and3A_2640, %sub3A_2643, %div3A_2616 : vector<16xi1>, vector<16xi32>
        %jit3A_2645 = arith.constant 8 : i32
        %eq3A_2646 = arith.constant 0 : i32
        %eq3A_2647 = arith.cmpi eq, %jit3A_2645, %eq3A_2646 : i32
        %jit3A_2648 = arith.constant 1 : i32
        %select_n3A_2649 = arith.select %eq3A_2647, %jit3A_2648, %jit3A_2645 : i32
        %rem3A_2650 = vector.broadcast %select_n3A_2649 : i32 to vector<16xi32>
        %rem3A_2651 = arith.remsi %add3A_2610, %rem3A_2650 : vector<16xi32>
        %ne3A_2652 = arith.constant 0 : i32
        %ne3A_2653 = vector.broadcast %ne3A_2652 : i32 to vector<16xi32>
        %ne3A_2654 = arith.cmpi ne, %rem3A_2651, %ne3A_2653 : vector<16xi32>
        %lt3A_2655 = arith.constant 0 : i32
        %lt3A_2656 = vector.broadcast %lt3A_2655 : i32 to vector<16xi32>
        %lt3A_2657 = arith.cmpi slt, %rem3A_2651, %lt3A_2656 : vector<16xi32>
        %lt3A_2658 = arith.constant 0 : i32
        %lt3A_2659 = arith.cmpi slt, %select_n3A_2649, %lt3A_2658 : i32
        %ne3A_2660 = vector.broadcast %lt3A_2659 : i1 to vector<16xi1>
        %ne3A_2661 = vector.broadcast %ne3A_2660 : vector<16xi1> to vector<16xi1>
        %ne3A_2662 = arith.xori %lt3A_2657, %ne3A_2661 : vector<16xi1>
        %and3A_2663 = arith.andi %ne3A_2662, %ne3A_2654 : vector<16xi1>
        %add3A_2664 = vector.broadcast %select_n3A_2649 : i32 to vector<16xi32>
        %add3A_2665 = arith.addi %rem3A_2651, %add3A_2664 : vector<16xi32>
        %select_n3A_2666 = arith.select %and3A_2663, %add3A_2665, %rem3A_2651 : vector<16xi1>, vector<16xi32>
        tpu.vector_store_idx %arg8[%select_n3A_2644, %select_n3A_2666, %add3A_2489], %get3A_2613 : memref<8x8x129xf32, #tpu.memory_space<vmem>>[vector<16xi32>, vector<16xi32>, vector<16xi32>], vector<16xf32>,
        %add3A_2667 = arith.constant 48 : i32
        %add3A_2668 = vector.broadcast %add3A_2667 : i32 to vector<16xi32>
        %add3A_2669 = arith.addi %add3A_2668, %iota3A : vector<16xi32>
        %get3A_2670 = arith.index_cast %add3A_2485 : i32 to index
        %get3A_2671 = arith.constant 48 : index
        %get3A_2672 = tpu.vector_load %arg6[%get3A_2670, %get3A_2671] {strides = array<i32>} : memref<128x64xf32, #tpu.memory_space<vmem>>, vector<16xf32>,
        %jit3A_2673 = arith.constant 8 : i32
        %div3A_2674 = vector.broadcast %jit3A_2673 : i32 to vector<16xi32>
        %div3A_2675 = arith.divsi %add3A_2669, %div3A_2674 : vector<16xi32>
        %sign3A_2676 = arith.constant 0 : i32
        %sign3A_2677 = vector.broadcast %sign3A_2676 : i32 to vector<16xi32>
        %sign3A_2678 = arith.cmpi sgt, %add3A_2669, %sign3A_2677 : vector<16xi32>
        %sign3A_2679 = arith.extui %sign3A_2678 : vector<16xi1> to vector<16xi32>
        %sign3A_2680 = arith.constant 0 : i32
        %sign3A_2681 = vector.broadcast %sign3A_2680 : i32 to vector<16xi32>
        %sign3A_2682 = arith.cmpi slt, %add3A_2669, %sign3A_2681 : vector<16xi32>
        %sign3A_2683 = arith.extui %sign3A_2682 : vector<16xi1> to vector<16xi32>
        %sign3A_2684 = arith.subi %sign3A_2679, %sign3A_2683 : vector<16xi32>
        %sign3A_2685 = arith.constant 0 : i32
        %sign3A_2686 = arith.cmpi sgt, %jit3A_2673, %sign3A_2685 : i32
        %sign3A_2687 = arith.extui %sign3A_2686 : i1 to i32
        %sign3A_2688 = arith.constant 0 : i32
        %sign3A_2689 = arith.cmpi slt, %jit3A_2673, %sign3A_2688 : i32
        %sign3A_2690 = arith.extui %sign3A_2689 : i1 to i32
        %sign3A_2691 = arith.subi %sign3A_2687, %sign3A_2690 : i32
        %ne3A_2692 = vector.broadcast %sign3A_2691 : i32 to vector<16xi32>
        %ne3A_2693 = arith.cmpi ne, %sign3A_2684, %ne3A_2692 : vector<16xi32>
        %rem3A_2694 = vector.broadcast %jit3A_2673 : i32 to vector<16xi32>
        %rem3A_2695 = arith.remsi %add3A_2669, %rem3A_2694 : vector<16xi32>
        %ne3A_2696 = arith.constant 0 : i32
        %ne3A_2697 = vector.broadcast %ne3A_2696 : i32 to vector<16xi32>
        %ne3A_2698 = arith.cmpi ne, %rem3A_2695, %ne3A_2697 : vector<16xi32>
        %and3A_2699 = arith.andi %ne3A_2693, %ne3A_2698 : vector<16xi1>
        %sub3A_2700 = arith.constant 1 : i32
        %sub3A_2701 = vector.broadcast %sub3A_2700 : i32 to vector<16xi32>
        %sub3A_2702 = arith.subi %div3A_2675, %sub3A_2701 : vector<16xi32>
        %select_n3A_2703 = arith.select %and3A_2699, %sub3A_2702, %div3A_2675 : vector<16xi1>, vector<16xi32>
        %jit3A_2704 = arith.constant 8 : i32
        %eq3A_2705 = arith.constant 0 : i32
        %eq3A_2706 = arith.cmpi eq, %jit3A_2704, %eq3A_2705 : i32
        %jit3A_2707 = arith.constant 1 : i32
        %select_n3A_2708 = arith.select %eq3A_2706, %jit3A_2707, %jit3A_2704 : i32
        %rem3A_2709 = vector.broadcast %select_n3A_2708 : i32 to vector<16xi32>
        %rem3A_2710 = arith.remsi %add3A_2669, %rem3A_2709 : vector<16xi32>
        %ne3A_2711 = arith.constant 0 : i32
        %ne3A_2712 = vector.broadcast %ne3A_2711 : i32 to vector<16xi32>
        %ne3A_2713 = arith.cmpi ne, %rem3A_2710, %ne3A_2712 : vector<16xi32>
        %lt3A_2714 = arith.constant 0 : i32
        %lt3A_2715 = vector.broadcast %lt3A_2714 : i32 to vector<16xi32>
        %lt3A_2716 = arith.cmpi slt, %rem3A_2710, %lt3A_2715 : vector<16xi32>
        %lt3A_2717 = arith.constant 0 : i32
        %lt3A_2718 = arith.cmpi slt, %select_n3A_2708, %lt3A_2717 : i32
        %ne3A_2719 = vector.broadcast %lt3A_2718 : i1 to vector<16xi1>
        %ne3A_2720 = vector.broadcast %ne3A_2719 : vector<16xi1> to vector<16xi1>
        %ne3A_2721 = arith.xori %lt3A_2716, %ne3A_2720 : vector<16xi1>
        %and3A_2722 = arith.andi %ne3A_2721, %ne3A_2713 : vector<16xi1>
        %add3A_2723 = vector.broadcast %select_n3A_2708 : i32 to vector<16xi32>
        %add3A_2724 = arith.addi %rem3A_2710, %add3A_2723 : vector<16xi32>
        %select_n3A_2725 = arith.select %and3A_2722, %add3A_2724, %rem3A_2710 : vector<16xi1>, vector<16xi32>
        tpu.vector_store_idx %arg8[%select_n3A_2703, %select_n3A_2725, %add3A_2489], %get3A_2672 : memref<8x8x129xf32, #tpu.memory_space<vmem>>[vector<16xi32>, vector<16xi32>, vector<16xi32>], vector<16xf32>,
      }
      %scan3A_399 = arith.constant 128 : i32
      %dma_start3A_400 = arith.constant 0 : i32
      %dma_start3A_401 = arith.constant 0 : i32
      %dma_start3A_402 = arith.constant 0 : i32
      %dma_start3A_403 = arith.constant 0 : i32
      %dma_start3A_404 = arith.constant 0 : i32
      %dma_start3A_405 = tpu.memref_slice %arg8[%dma_start3A_400, %dma_start3A_403, %dma_start3A_404] : memref<8x8x129xf32, #tpu.memory_space<vmem>> -> memref<1x8x128xf32, #tpu.memory_space<vmem>>
      %dma_start3A_406 = tpu.memref_squeeze %dma_start3A_405 : memref<1x8x128xf32, #tpu.memory_space<vmem>> -> memref<8x128xf32, #tpu.memory_space<vmem>>
      %dma_start3A_407 = arith.constant 0 : i32
      %dma_start3A_408 = arith.constant 0 : i32
      %dma_start3A_409 = tpu.memref_slice %arg4[%add3A_383, %dma_start3A_401, %add3A, %dma_start3A_407, %dma_start3A_408] : memref<200x8x32x8x128xf32, #tpu.memory_space<hbm>> -> memref<1x1x1x8x128xf32, #tpu.memory_space<hbm>>
      %dma_start3A_410 = tpu.memref_squeeze %dma_start3A_409 : memref<1x1x1x8x128xf32, #tpu.memory_space<hbm>> -> memref<8x128xf32, #tpu.memory_space<hbm>>
      %dma_start3A_411 = tpu.memref_slice %arg11[%dma_start3A_402] : memref<2x!tpu.dma_semaphore, #tpu.memory_space<semaphore_mem>> -> memref<1x!tpu.dma_semaphore, #tpu.memory_space<semaphore_mem>>
      %dma_start3A_412 = tpu.memref_squeeze %dma_start3A_411 : memref<1x!tpu.dma_semaphore, #tpu.memory_space<semaphore_mem>> -> memref<!tpu.dma_semaphore, #tpu.memory_space<semaphore_mem>>
      %dma_start3A_413 = arith.constant 0 : i32
      %dma_start3A_414 = arith.constant 0 : i32
      %dma_start3A_415 = tpu.memref_slice %arg4[%add3A_383, %dma_start3A_401, %add3A, %dma_start3A_413, %dma_start3A_414] : memref<200x8x32x8x128xf32, #tpu.memory_space<hbm>> -> memref<1x1x1x8x128xf32, #tpu.memory_space<hbm>>
      %dma_start3A_416 = tpu.memref_squeeze %dma_start3A_415 : memref<1x1x1x8x128xf32, #tpu.memory_space<hbm>> -> memref<8x128xf32, #tpu.memory_space<hbm>>
      %dma_start3A_417 = arith.constant 0 : i32
      %dma_start3A_418 = arith.constant 0 : i32
      %dma_start3A_419 = tpu.memref_slice %arg8[%dma_start3A_400, %dma_start3A_417, %dma_start3A_418] : memref<8x8x129xf32, #tpu.memory_space<vmem>> -> memref<1x8x128xf32, #tpu.memory_space<vmem>>
      %dma_start3A_420 = tpu.memref_squeeze %dma_start3A_419 : memref<1x8x128xf32, #tpu.memory_space<vmem>> -> memref<8x128xf32, #tpu.memory_space<vmem>>
      tpu.enqueue_dma source(%dma_start3A_420 : memref<8x128xf32, #tpu.memory_space<vmem>>) target(%dma_start3A_416 : memref<8x128xf32, #tpu.memory_space<hbm>>) target_semaphore(%dma_start3A_412 : memref<!tpu.dma_semaphore, #tpu.memory_space<semaphore_mem>>)
      %dma_start3A_421 = arith.constant 1 : i32
      %dma_start3A_422 = arith.constant 1 : i32
      %dma_start3A_423 = arith.constant 0 : i32
      %dma_start3A_424 = arith.constant 0 : i32
      %dma_start3A_425 = arith.constant 0 : i32
      %dma_start3A_426 = tpu.memref_slice %arg8[%dma_start3A_421, %dma_start3A_424, %dma_start3A_425] : memref<8x8x129xf32, #tpu.memory_space<vmem>> -> memref<1x8x128xf32, #tpu.memory_space<vmem>>
      %dma_start3A_427 = tpu.memref_squeeze %dma_start3A_426 : memref<1x8x128xf32, #tpu.memory_space<vmem>> -> memref<8x128xf32, #tpu.memory_space<vmem>>
      %dma_start3A_428 = arith.constant 0 : i32
      %dma_start3A_429 = arith.constant 0 : i32
      %dma_start3A_430 = tpu.memref_slice %arg4[%add3A_383, %dma_start3A_422, %add3A, %dma_start3A_428, %dma_start3A_429] : memref<200x8x32x8x128xf32, #tpu.memory_space<hbm>> -> memref<1x1x1x8x128xf32, #tpu.memory_space<hbm>>
      %dma_start3A_431 = tpu.memref_squeeze %dma_start3A_430 : memref<1x1x1x8x128xf32, #tpu.memory_space<hbm>> -> memref<8x128xf32, #tpu.memory_space<hbm>>
      %dma_start3A_432 = tpu.memref_slice %arg11[%dma_start3A_423] : memref<2x!tpu.dma_semaphore, #tpu.memory_space<semaphore_mem>> -> memref<1x!tpu.dma_semaphore, #tpu.memory_space<semaphore_mem>>
      %dma_start3A_433 = tpu.memref_squeeze %dma_start3A_432 : memref<1x!tpu.dma_semaphore, #tpu.memory_space<semaphore_mem>> -> memref<!tpu.dma_semaphore, #tpu.memory_space<semaphore_mem>>
      %dma_start3A_434 = arith.constant 0 : i32
      %dma_start3A_435 = arith.constant 0 : i32
      %dma_start3A_436 = tpu.memref_slice %arg4[%add3A_383, %dma_start3A_422, %add3A, %dma_start3A_434, %dma_start3A_435] : memref<200x8x32x8x128xf32, #tpu.memory_space<hbm>> -> memref<1x1x1x8x128xf32, #tpu.memory_space<hbm>>
      %dma_start3A_437 = tpu.memref_squeeze %dma_start3A_436 : memref<1x1x1x8x128xf32, #tpu.memory_space<hbm>> -> memref<8x128xf32, #tpu.memory_space<hbm>>
      %dma_start3A_438 = arith.constant 0 : i32
      %dma_start3A_439 = arith.constant 0 : i32
      %dma_start3A_440 = tpu.memref_slice %arg8[%dma_start3A_421, %dma_start3A_438, %dma_start3A_439] : memref<8x8x129xf32, #tpu.memory_space<vmem>> -> memref<1x8x128xf32, #tpu.memory_space<vmem>>
      %dma_start3A_441 = tpu.memref_squeeze %dma_start3A_440 : memref<1x8x128xf32, #tpu.memory_space<vmem>> -> memref<8x128xf32, #tpu.memory_space<vmem>>
      tpu.enqueue_dma source(%dma_start3A_441 : memref<8x128xf32, #tpu.memory_space<vmem>>) target(%dma_start3A_437 : memref<8x128xf32, #tpu.memory_space<hbm>>) target_semaphore(%dma_start3A_433 : memref<!tpu.dma_semaphore, #tpu.memory_space<semaphore_mem>>)
      %dma_start3A_442 = arith.constant 2 : i32
      %dma_start3A_443 = arith.constant 2 : i32
      %dma_start3A_444 = arith.constant 0 : i32
      %dma_start3A_445 = arith.constant 0 : i32
      %dma_start3A_446 = arith.constant 0 : i32
      %dma_start3A_447 = tpu.memref_slice %arg8[%dma_start3A_442, %dma_start3A_445, %dma_start3A_446] : memref<8x8x129xf32, #tpu.memory_space<vmem>> -> memref<1x8x128xf32, #tpu.memory_space<vmem>>
      %dma_start3A_448 = tpu.memref_squeeze %dma_start3A_447 : memref<1x8x128xf32, #tpu.memory_space<vmem>> -> memref<8x128xf32, #tpu.memory_space<vmem>>
      %dma_start3A_449 = arith.constant 0 : i32
      %dma_start3A_450 = arith.constant 0 : i32
      %dma_start3A_451 = tpu.memref_slice %arg4[%add3A_383, %dma_start3A_443, %add3A, %dma_start3A_449, %dma_start3A_450] : memref<200x8x32x8x128xf32, #tpu.memory_space<hbm>> -> memref<1x1x1x8x128xf32, #tpu.memory_space<hbm>>
      %dma_start3A_452 = tpu.memref_squeeze %dma_start3A_451 : memref<1x1x1x8x128xf32, #tpu.memory_space<hbm>> -> memref<8x128xf32, #tpu.memory_space<hbm>>
      %dma_start3A_453 = tpu.memref_slice %arg11[%dma_start3A_444] : memref<2x!tpu.dma_semaphore, #tpu.memory_space<semaphore_mem>> -> memref<1x!tpu.dma_semaphore, #tpu.memory_space<semaphore_mem>>
      %dma_start3A_454 = tpu.memref_squeeze %dma_start3A_453 : memref<1x!tpu.dma_semaphore, #tpu.memory_space<semaphore_mem>> -> memref<!tpu.dma_semaphore, #tpu.memory_space<semaphore_mem>>
      %dma_start3A_455 = arith.constant 0 : i32
      %dma_start3A_456 = arith.constant 0 : i32
      %dma_start3A_457 = tpu.memref_slice %arg4[%add3A_383, %dma_start3A_443, %add3A, %dma_start3A_455, %dma_start3A_456] : memref<200x8x32x8x128xf32, #tpu.memory_space<hbm>> -> memref<1x1x1x8x128xf32, #tpu.memory_space<hbm>>
      %dma_start3A_458 = tpu.memref_squeeze %dma_start3A_457 : memref<1x1x1x8x128xf32, #tpu.memory_space<hbm>> -> memref<8x128xf32, #tpu.memory_space<hbm>>
      %dma_start3A_459 = arith.constant 0 : i32
      %dma_start3A_460 = arith.constant 0 : i32
      %dma_start3A_461 = tpu.memref_slice %arg8[%dma_start3A_442, %dma_start3A_459, %dma_start3A_460] : memref<8x8x129xf32, #tpu.memory_space<vmem>> -> memref<1x8x128xf32, #tpu.memory_space<vmem>>
      %dma_start3A_462 = tpu.memref_squeeze %dma_start3A_461 : memref<1x8x128xf32, #tpu.memory_space<vmem>> -> memref<8x128xf32, #tpu.memory_space<vmem>>
      tpu.enqueue_dma source(%dma_start3A_462 : memref<8x128xf32, #tpu.memory_space<vmem>>) target(%dma_start3A_458 : memref<8x128xf32, #tpu.memory_space<hbm>>) target_semaphore(%dma_start3A_454 : memref<!tpu.dma_semaphore, #tpu.memory_space<semaphore_mem>>)
      %dma_start3A_463 = arith.constant 3 : i32
      %dma_start3A_464 = arith.constant 3 : i32
      %dma_start3A_465 = arith.constant 0 : i32
      %dma_start3A_466 = arith.constant 0 : i32
      %dma_start3A_467 = arith.constant 0 : i32
      %dma_start3A_468 = tpu.memref_slice %arg8[%dma_start3A_463, %dma_start3A_466, %dma_start3A_467] : memref<8x8x129xf32, #tpu.memory_space<vmem>> -> memref<1x8x128xf32, #tpu.memory_space<vmem>>
      %dma_start3A_469 = tpu.memref_squeeze %dma_start3A_468 : memref<1x8x128xf32, #tpu.memory_space<vmem>> -> memref<8x128xf32, #tpu.memory_space<vmem>>
      %dma_start3A_470 = arith.constant 0 : i32
      %dma_start3A_471 = arith.constant 0 : i32
      %dma_start3A_472 = tpu.memref_slice %arg4[%add3A_383, %dma_start3A_464, %add3A, %dma_start3A_470, %dma_start3A_471] : memref<200x8x32x8x128xf32, #tpu.memory_space<hbm>> -> memref<1x1x1x8x128xf32, #tpu.memory_space<hbm>>
      %dma_start3A_473 = tpu.memref_squeeze %dma_start3A_472 : memref<1x1x1x8x128xf32, #tpu.memory_space<hbm>> -> memref<8x128xf32, #tpu.memory_space<hbm>>
      %dma_start3A_474 = tpu.memref_slice %arg11[%dma_start3A_465] : memref<2x!tpu.dma_semaphore, #tpu.memory_space<semaphore_mem>> -> memref<1x!tpu.dma_semaphore, #tpu.memory_space<semaphore_mem>>
      %dma_start3A_475 = tpu.memref_squeeze %dma_start3A_474 : memref<1x!tpu.dma_semaphore, #tpu.memory_space<semaphore_mem>> -> memref<!tpu.dma_semaphore, #tpu.memory_space<semaphore_mem>>
      %dma_start3A_476 = arith.constant 0 : i32
      %dma_start3A_477 = arith.constant 0 : i32
      %dma_start3A_478 = tpu.memref_slice %arg4[%add3A_383, %dma_start3A_464, %add3A, %dma_start3A_476, %dma_start3A_477] : memref<200x8x32x8x128xf32, #tpu.memory_space<hbm>> -> memref<1x1x1x8x128xf32, #tpu.memory_space<hbm>>
      %dma_start3A_479 = tpu.memref_squeeze %dma_start3A_478 : memref<1x1x1x8x128xf32, #tpu.memory_space<hbm>> -> memref<8x128xf32, #tpu.memory_space<hbm>>
      %dma_start3A_480 = arith.constant 0 : i32
      %dma_start3A_481 = arith.constant 0 : i32
      %dma_start3A_482 = tpu.memref_slice %arg8[%dma_start3A_463, %dma_start3A_480, %dma_start3A_481] : memref<8x8x129xf32, #tpu.memory_space<vmem>> -> memref<1x8x128xf32, #tpu.memory_space<vmem>>
      %dma_start3A_483 = tpu.memref_squeeze %dma_start3A_482 : memref<1x8x128xf32, #tpu.memory_space<vmem>> -> memref<8x128xf32, #tpu.memory_space<vmem>>
      tpu.enqueue_dma source(%dma_start3A_483 : memref<8x128xf32, #tpu.memory_space<vmem>>) target(%dma_start3A_479 : memref<8x128xf32, #tpu.memory_space<hbm>>) target_semaphore(%dma_start3A_475 : memref<!tpu.dma_semaphore, #tpu.memory_space<semaphore_mem>>)
      %dma_start3A_484 = arith.constant 4 : i32
      %dma_start3A_485 = arith.constant 4 : i32
      %dma_start3A_486 = arith.constant 0 : i32
      %dma_start3A_487 = arith.constant 0 : i32
      %dma_start3A_488 = arith.constant 0 : i32
      %dma_start3A_489 = tpu.memref_slice %arg8[%dma_start3A_484, %dma_start3A_487, %dma_start3A_488] : memref<8x8x129xf32, #tpu.memory_space<vmem>> -> memref<1x8x128xf32, #tpu.memory_space<vmem>>
      %dma_start3A_490 = tpu.memref_squeeze %dma_start3A_489 : memref<1x8x128xf32, #tpu.memory_space<vmem>> -> memref<8x128xf32, #tpu.memory_space<vmem>>
      %dma_start3A_491 = arith.constant 0 : i32
      %dma_start3A_492 = arith.constant 0 : i32
      %dma_start3A_493 = tpu.memref_slice %arg4[%add3A_383, %dma_start3A_485, %add3A, %dma_start3A_491, %dma_start3A_492] : memref<200x8x32x8x128xf32, #tpu.memory_space<hbm>> -> memref<1x1x1x8x128xf32, #tpu.memory_space<hbm>>
      %dma_start3A_494 = tpu.memref_squeeze %dma_start3A_493 : memref<1x1x1x8x128xf32, #tpu.memory_space<hbm>> -> memref<8x128xf32, #tpu.memory_space<hbm>>
      %dma_start3A_495 = tpu.memref_slice %arg11[%dma_start3A_486] : memref<2x!tpu.dma_semaphore, #tpu.memory_space<semaphore_mem>> -> memref<1x!tpu.dma_semaphore, #tpu.memory_space<semaphore_mem>>
      %dma_start3A_496 = tpu.memref_squeeze %dma_start3A_495 : memref<1x!tpu.dma_semaphore, #tpu.memory_space<semaphore_mem>> -> memref<!tpu.dma_semaphore, #tpu.memory_space<semaphore_mem>>
      %dma_start3A_497 = arith.constant 0 : i32
      %dma_start3A_498 = arith.constant 0 : i32
      %dma_start3A_499 = tpu.memref_slice %arg4[%add3A_383, %dma_start3A_485, %add3A, %dma_start3A_497, %dma_start3A_498] : memref<200x8x32x8x128xf32, #tpu.memory_space<hbm>> -> memref<1x1x1x8x128xf32, #tpu.memory_space<hbm>>
      %dma_start3A_500 = tpu.memref_squeeze %dma_start3A_499 : memref<1x1x1x8x128xf32, #tpu.memory_space<hbm>> -> memref<8x128xf32, #tpu.memory_space<hbm>>
      %dma_start3A_501 = arith.constant 0 : i32
      %dma_start3A_502 = arith.constant 0 : i32
      %dma_start3A_503 = tpu.memref_slice %arg8[%dma_start3A_484, %dma_start3A_501, %dma_start3A_502] : memref<8x8x129xf32, #tpu.memory_space<vmem>> -> memref<1x8x128xf32, #tpu.memory_space<vmem>>
      %dma_start3A_504 = tpu.memref_squeeze %dma_start3A_503 : memref<1x8x128xf32, #tpu.memory_space<vmem>> -> memref<8x128xf32, #tpu.memory_space<vmem>>
      tpu.enqueue_dma source(%dma_start3A_504 : memref<8x128xf32, #tpu.memory_space<vmem>>) target(%dma_start3A_500 : memref<8x128xf32, #tpu.memory_space<hbm>>) target_semaphore(%dma_start3A_496 : memref<!tpu.dma_semaphore, #tpu.memory_space<semaphore_mem>>)
      %dma_start3A_505 = arith.constant 5 : i32
      %dma_start3A_506 = arith.constant 5 : i32
      %dma_start3A_507 = arith.constant 0 : i32
      %dma_start3A_508 = arith.constant 0 : i32
      %dma_start3A_509 = arith.constant 0 : i32
      %dma_start3A_510 = tpu.memref_slice %arg8[%dma_start3A_505, %dma_start3A_508, %dma_start3A_509] : memref<8x8x129xf32, #tpu.memory_space<vmem>> -> memref<1x8x128xf32, #tpu.memory_space<vmem>>
      %dma_start3A_511 = tpu.memref_squeeze %dma_start3A_510 : memref<1x8x128xf32, #tpu.memory_space<vmem>> -> memref<8x128xf32, #tpu.memory_space<vmem>>
      %dma_start3A_512 = arith.constant 0 : i32
      %dma_start3A_513 = arith.constant 0 : i32
      %dma_start3A_514 = tpu.memref_slice %arg4[%add3A_383, %dma_start3A_506, %add3A, %dma_start3A_512, %dma_start3A_513] : memref<200x8x32x8x128xf32, #tpu.memory_space<hbm>> -> memref<1x1x1x8x128xf32, #tpu.memory_space<hbm>>
      %dma_start3A_515 = tpu.memref_squeeze %dma_start3A_514 : memref<1x1x1x8x128xf32, #tpu.memory_space<hbm>> -> memref<8x128xf32, #tpu.memory_space<hbm>>
      %dma_start3A_516 = tpu.memref_slice %arg11[%dma_start3A_507] : memref<2x!tpu.dma_semaphore, #tpu.memory_space<semaphore_mem>> -> memref<1x!tpu.dma_semaphore, #tpu.memory_space<semaphore_mem>>
      %dma_start3A_517 = tpu.memref_squeeze %dma_start3A_516 : memref<1x!tpu.dma_semaphore, #tpu.memory_space<semaphore_mem>> -> memref<!tpu.dma_semaphore, #tpu.memory_space<semaphore_mem>>
      %dma_start3A_518 = arith.constant 0 : i32
      %dma_start3A_519 = arith.constant 0 : i32
      %dma_start3A_520 = tpu.memref_slice %arg4[%add3A_383, %dma_start3A_506, %add3A, %dma_start3A_518, %dma_start3A_519] : memref<200x8x32x8x128xf32, #tpu.memory_space<hbm>> -> memref<1x1x1x8x128xf32, #tpu.memory_space<hbm>>
      %dma_start3A_521 = tpu.memref_squeeze %dma_start3A_520 : memref<1x1x1x8x128xf32, #tpu.memory_space<hbm>> -> memref<8x128xf32, #tpu.memory_space<hbm>>
      %dma_start3A_522 = arith.constant 0 : i32
      %dma_start3A_523 = arith.constant 0 : i32
      %dma_start3A_524 = tpu.memref_slice %arg8[%dma_start3A_505, %dma_start3A_522, %dma_start3A_523] : memref<8x8x129xf32, #tpu.memory_space<vmem>> -> memref<1x8x128xf32, #tpu.memory_space<vmem>>
      %dma_start3A_525 = tpu.memref_squeeze %dma_start3A_524 : memref<1x8x128xf32, #tpu.memory_space<vmem>> -> memref<8x128xf32, #tpu.memory_space<vmem>>
      tpu.enqueue_dma source(%dma_start3A_525 : memref<8x128xf32, #tpu.memory_space<vmem>>) target(%dma_start3A_521 : memref<8x128xf32, #tpu.memory_space<hbm>>) target_semaphore(%dma_start3A_517 : memref<!tpu.dma_semaphore, #tpu.memory_space<semaphore_mem>>)
      %dma_start3A_526 = arith.constant 6 : i32
      %dma_start3A_527 = arith.constant 6 : i32
      %dma_start3A_528 = arith.constant 0 : i32
      %dma_start3A_529 = arith.constant 0 : i32
      %dma_start3A_530 = arith.constant 0 : i32
      %dma_start3A_531 = tpu.memref_slice %arg8[%dma_start3A_526, %dma_start3A_529, %dma_start3A_530] : memref<8x8x129xf32, #tpu.memory_space<vmem>> -> memref<1x8x128xf32, #tpu.memory_space<vmem>>
      %dma_start3A_532 = tpu.memref_squeeze %dma_start3A_531 : memref<1x8x128xf32, #tpu.memory_space<vmem>> -> memref<8x128xf32, #tpu.memory_space<vmem>>
      %dma_start3A_533 = arith.constant 0 : i32
      %dma_start3A_534 = arith.constant 0 : i32
      %dma_start3A_535 = tpu.memref_slice %arg4[%add3A_383, %dma_start3A_527, %add3A, %dma_start3A_533, %dma_start3A_534] : memref<200x8x32x8x128xf32, #tpu.memory_space<hbm>> -> memref<1x1x1x8x128xf32, #tpu.memory_space<hbm>>
      %dma_start3A_536 = tpu.memref_squeeze %dma_start3A_535 : memref<1x1x1x8x128xf32, #tpu.memory_space<hbm>> -> memref<8x128xf32, #tpu.memory_space<hbm>>
      %dma_start3A_537 = tpu.memref_slice %arg11[%dma_start3A_528] : memref<2x!tpu.dma_semaphore, #tpu.memory_space<semaphore_mem>> -> memref<1x!tpu.dma_semaphore, #tpu.memory_space<semaphore_mem>>
      %dma_start3A_538 = tpu.memref_squeeze %dma_start3A_537 : memref<1x!tpu.dma_semaphore, #tpu.memory_space<semaphore_mem>> -> memref<!tpu.dma_semaphore, #tpu.memory_space<semaphore_mem>>
      %dma_start3A_539 = arith.constant 0 : i32
      %dma_start3A_540 = arith.constant 0 : i32
      %dma_start3A_541 = tpu.memref_slice %arg4[%add3A_383, %dma_start3A_527, %add3A, %dma_start3A_539, %dma_start3A_540] : memref<200x8x32x8x128xf32, #tpu.memory_space<hbm>> -> memref<1x1x1x8x128xf32, #tpu.memory_space<hbm>>
      %dma_start3A_542 = tpu.memref_squeeze %dma_start3A_541 : memref<1x1x1x8x128xf32, #tpu.memory_space<hbm>> -> memref<8x128xf32, #tpu.memory_space<hbm>>
      %dma_start3A_543 = arith.constant 0 : i32
      %dma_start3A_544 = arith.constant 0 : i32
      %dma_start3A_545 = tpu.memref_slice %arg8[%dma_start3A_526, %dma_start3A_543, %dma_start3A_544] : memref<8x8x129xf32, #tpu.memory_space<vmem>> -> memref<1x8x128xf32, #tpu.memory_space<vmem>>
      %dma_start3A_546 = tpu.memref_squeeze %dma_start3A_545 : memref<1x8x128xf32, #tpu.memory_space<vmem>> -> memref<8x128xf32, #tpu.memory_space<vmem>>
      tpu.enqueue_dma source(%dma_start3A_546 : memref<8x128xf32, #tpu.memory_space<vmem>>) target(%dma_start3A_542 : memref<8x128xf32, #tpu.memory_space<hbm>>) target_semaphore(%dma_start3A_538 : memref<!tpu.dma_semaphore, #tpu.memory_space<semaphore_mem>>)
      %dma_start3A_547 = arith.constant 7 : i32
      %dma_start3A_548 = arith.constant 7 : i32
      %dma_start3A_549 = arith.constant 0 : i32
      %dma_start3A_550 = arith.constant 0 : i32
      %dma_start3A_551 = arith.constant 0 : i32
      %dma_start3A_552 = tpu.memref_slice %arg8[%dma_start3A_547, %dma_start3A_550, %dma_start3A_551] : memref<8x8x129xf32, #tpu.memory_space<vmem>> -> memref<1x8x128xf32, #tpu.memory_space<vmem>>
      %dma_start3A_553 = tpu.memref_squeeze %dma_start3A_552 : memref<1x8x128xf32, #tpu.memory_space<vmem>> -> memref<8x128xf32, #tpu.memory_space<vmem>>
      %dma_start3A_554 = arith.constant 0 : i32
      %dma_start3A_555 = arith.constant 0 : i32
      %dma_start3A_556 = tpu.memref_slice %arg4[%add3A_383, %dma_start3A_548, %add3A, %dma_start3A_554, %dma_start3A_555] : memref<200x8x32x8x128xf32, #tpu.memory_space<hbm>> -> memref<1x1x1x8x128xf32, #tpu.memory_space<hbm>>
      %dma_start3A_557 = tpu.memref_squeeze %dma_start3A_556 : memref<1x1x1x8x128xf32, #tpu.memory_space<hbm>> -> memref<8x128xf32, #tpu.memory_space<hbm>>
      %dma_start3A_558 = tpu.memref_slice %arg11[%dma_start3A_549] : memref<2x!tpu.dma_semaphore, #tpu.memory_space<semaphore_mem>> -> memref<1x!tpu.dma_semaphore, #tpu.memory_space<semaphore_mem>>
      %dma_start3A_559 = tpu.memref_squeeze %dma_start3A_558 : memref<1x!tpu.dma_semaphore, #tpu.memory_space<semaphore_mem>> -> memref<!tpu.dma_semaphore, #tpu.memory_space<semaphore_mem>>
      %dma_start3A_560 = arith.constant 0 : i32
      %dma_start3A_561 = arith.constant 0 : i32
      %dma_start3A_562 = tpu.memref_slice %arg4[%add3A_383, %dma_start3A_548, %add3A, %dma_start3A_560, %dma_start3A_561] : memref<200x8x32x8x128xf32, #tpu.memory_space<hbm>> -> memref<1x1x1x8x128xf32, #tpu.memory_space<hbm>>
      %dma_start3A_563 = tpu.memref_squeeze %dma_start3A_562 : memref<1x1x1x8x128xf32, #tpu.memory_space<hbm>> -> memref<8x128xf32, #tpu.memory_space<hbm>>
      %dma_start3A_564 = arith.constant 0 : i32
      %dma_start3A_565 = arith.constant 0 : i32
      %dma_start3A_566 = tpu.memref_slice %arg8[%dma_start3A_547, %dma_start3A_564, %dma_start3A_565] : memref<8x8x129xf32, #tpu.memory_space<vmem>> -> memref<1x8x128xf32, #tpu.memory_space<vmem>>
      %dma_start3A_567 = tpu.memref_squeeze %dma_start3A_566 : memref<1x8x128xf32, #tpu.memory_space<vmem>> -> memref<8x128xf32, #tpu.memory_space<vmem>>
      tpu.enqueue_dma source(%dma_start3A_567 : memref<8x128xf32, #tpu.memory_space<vmem>>) target(%dma_start3A_563 : memref<8x128xf32, #tpu.memory_space<hbm>>) target_semaphore(%dma_start3A_559 : memref<!tpu.dma_semaphore, #tpu.memory_space<semaphore_mem>>)
      %add3A_568 = arith.constant 2 : i32
      %add3A_569 = arith.addi %add3A_383, %add3A_568 : i32
      %lt3A = arith.constant 200 : i32
      %lt3A_570 = arith.cmpi slt, %add3A_569, %lt3A : i32
      %convert_element_type3A_571 = arith.extui %lt3A_570 : i1 to i32
      %cond3A_572 = arith.constant 0 : i32
      %cond3A_573 = arith.cmpi ne, %convert_element_type3A_571, %cond3A_572 : i32
      scf.if %cond3A_573 {
        %add3A_770 = arith.constant 2 : i32
        %add3A_771 = arith.addi %add3A_383, %add3A_770 : i32
        %dma_start3A_772 = arith.constant 0 : i32
        %dma_start3A_773 = arith.constant 0 : i32
        %dma_start3A_774 = tpu.memref_slice %arg5[%add3A_771, %dma_start3A_773] : memref<200x128xi32, #tpu.memory_space<vmem>> -> memref<1x128xi32, #tpu.memory_space<vmem>>
        %dma_start3A_775 = tpu.memref_squeeze %dma_start3A_774 : memref<1x128xi32, #tpu.memory_space<vmem>> -> memref<128xi32, #tpu.memory_space<vmem>>
        %dma_start3A_776 = arith.constant 0 : i32
        %dma_start3A_777 = arith.constant 0 : i32
        %dma_start3A_778 = tpu.memref_slice %arg3[%dma_start3A_776, %dma_start3A_777] : memref<1000000x64xf32, #tpu.memory_space<hbm>> -> memref<1000000x64xf32, #tpu.memory_space<hbm>>
        %dma_start3A_779 = tpu.memref_slice %arg10[%dma_start3A_772] : memref<2x!tpu.dma_semaphore, #tpu.memory_space<semaphore_mem>> -> memref<1x!tpu.dma_semaphore, #tpu.memory_space<semaphore_mem>>
        %dma_start3A_780 = tpu.memref_squeeze %dma_start3A_779 : memref<1x!tpu.dma_semaphore, #tpu.memory_space<semaphore_mem>> -> memref<!tpu.dma_semaphore, #tpu.memory_space<semaphore_mem>>
        tpu.enqueue_indirect_dma source(%dma_start3A_778 : memref<1000000x64xf32, #tpu.memory_space<hbm>>) target(%arg6 : memref<128x64xf32, #tpu.memory_space<vmem>>) offsets(%dma_start3A_775 : memref<128xi32, #tpu.memory_space<vmem>>) semaphore(%dma_start3A_780 : memref<!tpu.dma_semaphore, #tpu.memory_space<semaphore_mem>>)
      } else {
      }
      %add3A_574 = arith.constant 1 : i32
      %add3A_575 = arith.addi %add3A_381, %add3A_574 : i32
      %dma_wait3A_576 = arith.constant 1 : i32
      %dma_wait3A_577 = arith.constant 0 : i32
      %dma_wait3A_578 = tpu.memref_slice %arg5[%add3A_575, %dma_wait3A_577] : memref<200x128xi32, #tpu.memory_space<vmem>> -> memref<1x128xi32, #tpu.memory_space<vmem>>
      %dma_wait3A_579 = tpu.memref_squeeze %dma_wait3A_578 : memref<1x128xi32, #tpu.memory_space<vmem>> -> memref<128xi32, #tpu.memory_space<vmem>>
      %dma_wait3A_580 = arith.constant 0 : i32
      %dma_wait3A_581 = arith.constant 0 : i32
      %dma_wait3A_582 = tpu.memref_slice %arg3[%dma_wait3A_580, %dma_wait3A_581] : memref<1000000x64xf32, #tpu.memory_space<hbm>> -> memref<1000000x64xf32, #tpu.memory_space<hbm>>
      %dma_wait3A_583 = tpu.memref_slice %arg10[%dma_wait3A_576] : memref<2x!tpu.dma_semaphore, #tpu.memory_space<semaphore_mem>> -> memref<1x!tpu.dma_semaphore, #tpu.memory_space<semaphore_mem>>
      %dma_wait3A_584 = tpu.memref_squeeze %dma_wait3A_583 : memref<1x!tpu.dma_semaphore, #tpu.memory_space<semaphore_mem>> -> memref<!tpu.dma_semaphore, #tpu.memory_space<semaphore_mem>>
      tpu.wait_indirect_dma semaphore(%dma_wait3A_584 : memref<!tpu.dma_semaphore, #tpu.memory_space<semaphore_mem>>) src(%dma_wait3A_582 : memref<1000000x64xf32, #tpu.memory_space<hbm>>) dst(%arg7 : memref<128x64xf32, #tpu.memory_space<vmem>>)
      %ge3A_585 = arith.constant 2 : i32
      %ge3A_586 = arith.cmpi sge, %add3A_575, %ge3A_585 : i32
      %convert_element_type3A_587 = arith.extui %ge3A_586 : i1 to i32
      %cond3A_588 = arith.constant 0 : i32
      %cond3A_589 = arith.cmpi ne, %convert_element_type3A_587, %cond3A_588 : i32
      scf.if %cond3A_589 {
        %sub3A = arith.constant 2 : i32
        %sub3A_770 = arith.subi %add3A_575, %sub3A : i32
        %dma_wait3A_771 = arith.constant 0 : i32
        %dma_wait3A_772 = arith.constant 0 : i32
        %dma_wait3A_773 = arith.constant 1 : i32
        %dma_wait3A_774 = arith.constant 0 : i32
        %dma_wait3A_775 = arith.constant 0 : i32
        %dma_wait3A_776 = tpu.memref_slice %arg9[%dma_wait3A_771, %dma_wait3A_774, %dma_wait3A_775] : memref<8x8x129xf32, #tpu.memory_space<vmem>> -> memref<1x8x128xf32, #tpu.memory_space<vmem>>
        %dma_wait3A_777 = tpu.memref_squeeze %dma_wait3A_776 : memref<1x8x128xf32, #tpu.memory_space<vmem>> -> memref<8x128xf32, #tpu.memory_space<vmem>>
        %dma_wait3A_778 = arith.constant 0 : i32
        %dma_wait3A_779 = arith.constant 0 : i32
        %dma_wait3A_780 = tpu.memref_slice %arg4[%sub3A_770, %dma_wait3A_772, %add3A, %dma_wait3A_778, %dma_wait3A_779] : memref<200x8x32x8x128xf32, #tpu.memory_space<hbm>> -> memref<1x1x1x8x128xf32, #tpu.memory_space<hbm>>
        %dma_wait3A_781 = tpu.memref_squeeze %dma_wait3A_780 : memref<1x1x1x8x128xf32, #tpu.memory_space<hbm>> -> memref<8x128xf32, #tpu.memory_space<hbm>>
        %dma_wait3A_782 = tpu.memref_slice %arg11[%dma_wait3A_773] : memref<2x!tpu.dma_semaphore, #tpu.memory_space<semaphore_mem>> -> memref<1x!tpu.dma_semaphore, #tpu.memory_space<semaphore_mem>>
        %dma_wait3A_783 = tpu.memref_squeeze %dma_wait3A_782 : memref<1x!tpu.dma_semaphore, #tpu.memory_space<semaphore_mem>> -> memref<!tpu.dma_semaphore, #tpu.memory_space<semaphore_mem>>
        %dma_wait3A_784 = arith.constant 0 : i32
        %dma_wait3A_785 = arith.constant 0 : i32
        %dma_wait3A_786 = tpu.memref_slice %arg4[%sub3A_770, %dma_wait3A_772, %add3A, %dma_wait3A_784, %dma_wait3A_785] : memref<200x8x32x8x128xf32, #tpu.memory_space<hbm>> -> memref<1x1x1x8x128xf32, #tpu.memory_space<hbm>>
        %dma_wait3A_787 = tpu.memref_squeeze %dma_wait3A_786 : memref<1x1x1x8x128xf32, #tpu.memory_space<hbm>> -> memref<8x128xf32, #tpu.memory_space<hbm>>
        %dma_wait3A_788 = arith.constant 0 : i32
        %dma_wait3A_789 = arith.constant 0 : i32
        %dma_wait3A_790 = tpu.memref_slice %arg9[%dma_wait3A_771, %dma_wait3A_788, %dma_wait3A_789] : memref<8x8x129xf32, #tpu.memory_space<vmem>> -> memref<1x8x128xf32, #tpu.memory_space<vmem>>
        %dma_wait3A_791 = tpu.memref_squeeze %dma_wait3A_790 : memref<1x8x128xf32, #tpu.memory_space<vmem>> -> memref<8x128xf32, #tpu.memory_space<vmem>>
        tpu.wait_dma2 semaphore(%dma_wait3A_783 : memref<!tpu.dma_semaphore, #tpu.memory_space<semaphore_mem>>) src(%dma_wait3A_791 : memref<8x128xf32, #tpu.memory_space<vmem>>) dst(%dma_wait3A_787 : memref<8x128xf32, #tpu.memory_space<hbm>>)
        %dma_wait3A_792 = arith.constant 1 : i32
        %dma_wait3A_793 = arith.constant 1 : i32
        %dma_wait3A_794 = arith.constant 1 : i32
        %dma_wait3A_795 = arith.constant 0 : i32
        %dma_wait3A_796 = arith.constant 0 : i32
        %dma_wait3A_797 = tpu.memref_slice %arg9[%dma_wait3A_792, %dma_wait3A_795, %dma_wait3A_796] : memref<8x8x129xf32, #tpu.memory_space<vmem>> -> memref<1x8x128xf32, #tpu.memory_space<vmem>>
        %dma_wait3A_798 = tpu.memref_squeeze %dma_wait3A_797 : memref<1x8x128xf32, #tpu.memory_space<vmem>> -> memref<8x128xf32, #tpu.memory_space<vmem>>
        %dma_wait3A_799 = arith.constant 0 : i32
        %dma_wait3A_800 = arith.constant 0 : i32
        %dma_wait3A_801 = tpu.memref_slice %arg4[%sub3A_770, %dma_wait3A_793, %add3A, %dma_wait3A_799, %dma_wait3A_800] : memref<200x8x32x8x128xf32, #tpu.memory_space<hbm>> -> memref<1x1x1x8x128xf32, #tpu.memory_space<hbm>>
        %dma_wait3A_802 = tpu.memref_squeeze %dma_wait3A_801 : memref<1x1x1x8x128xf32, #tpu.memory_space<hbm>> -> memref<8x128xf32, #tpu.memory_space<hbm>>
        %dma_wait3A_803 = tpu.memref_slice %arg11[%dma_wait3A_794] : memref<2x!tpu.dma_semaphore, #tpu.memory_space<semaphore_mem>> -> memref<1x!tpu.dma_semaphore, #tpu.memory_space<semaphore_mem>>
        %dma_wait3A_804 = tpu.memref_squeeze %dma_wait3A_803 : memref<1x!tpu.dma_semaphore, #tpu.memory_space<semaphore_mem>> -> memref<!tpu.dma_semaphore, #tpu.memory_space<semaphore_mem>>
        %dma_wait3A_805 = arith.constant 0 : i32
        %dma_wait3A_806 = arith.constant 0 : i32
        %dma_wait3A_807 = tpu.memref_slice %arg4[%sub3A_770, %dma_wait3A_793, %add3A, %dma_wait3A_805, %dma_wait3A_806] : memref<200x8x32x8x128xf32, #tpu.memory_space<hbm>> -> memref<1x1x1x8x128xf32, #tpu.memory_space<hbm>>
        %dma_wait3A_808 = tpu.memref_squeeze %dma_wait3A_807 : memref<1x1x1x8x128xf32, #tpu.memory_space<hbm>> -> memref<8x128xf32, #tpu.memory_space<hbm>>
        %dma_wait3A_809 = arith.constant 0 : i32
        %dma_wait3A_810 = arith.constant 0 : i32
        %dma_wait3A_811 = tpu.memref_slice %arg9[%dma_wait3A_792, %dma_wait3A_809, %dma_wait3A_810] : memref<8x8x129xf32, #tpu.memory_space<vmem>> -> memref<1x8x128xf32, #tpu.memory_space<vmem>>
        %dma_wait3A_812 = tpu.memref_squeeze %dma_wait3A_811 : memref<1x8x128xf32, #tpu.memory_space<vmem>> -> memref<8x128xf32, #tpu.memory_space<vmem>>
        tpu.wait_dma2 semaphore(%dma_wait3A_804 : memref<!tpu.dma_semaphore, #tpu.memory_space<semaphore_mem>>) src(%dma_wait3A_812 : memref<8x128xf32, #tpu.memory_space<vmem>>) dst(%dma_wait3A_808 : memref<8x128xf32, #tpu.memory_space<hbm>>)
        %dma_wait3A_813 = arith.constant 2 : i32
        %dma_wait3A_814 = arith.constant 2 : i32
        %dma_wait3A_815 = arith.constant 1 : i32
        %dma_wait3A_816 = arith.constant 0 : i32
        %dma_wait3A_817 = arith.constant 0 : i32
        %dma_wait3A_818 = tpu.memref_slice %arg9[%dma_wait3A_813, %dma_wait3A_816, %dma_wait3A_817] : memref<8x8x129xf32, #tpu.memory_space<vmem>> -> memref<1x8x128xf32, #tpu.memory_space<vmem>>
        %dma_wait3A_819 = tpu.memref_squeeze %dma_wait3A_818 : memref<1x8x128xf32, #tpu.memory_space<vmem>> -> memref<8x128xf32, #tpu.memory_space<vmem>>
        %dma_wait3A_820 = arith.constant 0 : i32
        %dma_wait3A_821 = arith.constant 0 : i32
        %dma_wait3A_822 = tpu.memref_slice %arg4[%sub3A_770, %dma_wait3A_814, %add3A, %dma_wait3A_820, %dma_wait3A_821] : memref<200x8x32x8x128xf32, #tpu.memory_space<hbm>> -> memref<1x1x1x8x128xf32, #tpu.memory_space<hbm>>
        %dma_wait3A_823 = tpu.memref_squeeze %dma_wait3A_822 : memref<1x1x1x8x128xf32, #tpu.memory_space<hbm>> -> memref<8x128xf32, #tpu.memory_space<hbm>>
        %dma_wait3A_824 = tpu.memref_slice %arg11[%dma_wait3A_815] : memref<2x!tpu.dma_semaphore, #tpu.memory_space<semaphore_mem>> -> memref<1x!tpu.dma_semaphore, #tpu.memory_space<semaphore_mem>>
        %dma_wait3A_825 = tpu.memref_squeeze %dma_wait3A_824 : memref<1x!tpu.dma_semaphore, #tpu.memory_space<semaphore_mem>> -> memref<!tpu.dma_semaphore, #tpu.memory_space<semaphore_mem>>
        %dma_wait3A_826 = arith.constant 0 : i32
        %dma_wait3A_827 = arith.constant 0 : i32
        %dma_wait3A_828 = tpu.memref_slice %arg4[%sub3A_770, %dma_wait3A_814, %add3A, %dma_wait3A_826, %dma_wait3A_827] : memref<200x8x32x8x128xf32, #tpu.memory_space<hbm>> -> memref<1x1x1x8x128xf32, #tpu.memory_space<hbm>>
        %dma_wait3A_829 = tpu.memref_squeeze %dma_wait3A_828 : memref<1x1x1x8x128xf32, #tpu.memory_space<hbm>> -> memref<8x128xf32, #tpu.memory_space<hbm>>
        %dma_wait3A_830 = arith.constant 0 : i32
        %dma_wait3A_831 = arith.constant 0 : i32
        %dma_wait3A_832 = tpu.memref_slice %arg9[%dma_wait3A_813, %dma_wait3A_830, %dma_wait3A_831] : memref<8x8x129xf32, #tpu.memory_space<vmem>> -> memref<1x8x128xf32, #tpu.memory_space<vmem>>
        %dma_wait3A_833 = tpu.memref_squeeze %dma_wait3A_832 : memref<1x8x128xf32, #tpu.memory_space<vmem>> -> memref<8x128xf32, #tpu.memory_space<vmem>>
        tpu.wait_dma2 semaphore(%dma_wait3A_825 : memref<!tpu.dma_semaphore, #tpu.memory_space<semaphore_mem>>) src(%dma_wait3A_833 : memref<8x128xf32, #tpu.memory_space<vmem>>) dst(%dma_wait3A_829 : memref<8x128xf32, #tpu.memory_space<hbm>>)
        %dma_wait3A_834 = arith.constant 3 : i32
        %dma_wait3A_835 = arith.constant 3 : i32
        %dma_wait3A_836 = arith.constant 1 : i32
        %dma_wait3A_837 = arith.constant 0 : i32
        %dma_wait3A_838 = arith.constant 0 : i32
        %dma_wait3A_839 = tpu.memref_slice %arg9[%dma_wait3A_834, %dma_wait3A_837, %dma_wait3A_838] : memref<8x8x129xf32, #tpu.memory_space<vmem>> -> memref<1x8x128xf32, #tpu.memory_space<vmem>>
        %dma_wait3A_840 = tpu.memref_squeeze %dma_wait3A_839 : memref<1x8x128xf32, #tpu.memory_space<vmem>> -> memref<8x128xf32, #tpu.memory_space<vmem>>
        %dma_wait3A_841 = arith.constant 0 : i32
        %dma_wait3A_842 = arith.constant 0 : i32
        %dma_wait3A_843 = tpu.memref_slice %arg4[%sub3A_770, %dma_wait3A_835, %add3A, %dma_wait3A_841, %dma_wait3A_842] : memref<200x8x32x8x128xf32, #tpu.memory_space<hbm>> -> memref<1x1x1x8x128xf32, #tpu.memory_space<hbm>>
        %dma_wait3A_844 = tpu.memref_squeeze %dma_wait3A_843 : memref<1x1x1x8x128xf32, #tpu.memory_space<hbm>> -> memref<8x128xf32, #tpu.memory_space<hbm>>
        %dma_wait3A_845 = tpu.memref_slice %arg11[%dma_wait3A_836] : memref<2x!tpu.dma_semaphore, #tpu.memory_space<semaphore_mem>> -> memref<1x!tpu.dma_semaphore, #tpu.memory_space<semaphore_mem>>
        %dma_wait3A_846 = tpu.memref_squeeze %dma_wait3A_845 : memref<1x!tpu.dma_semaphore, #tpu.memory_space<semaphore_mem>> -> memref<!tpu.dma_semaphore, #tpu.memory_space<semaphore_mem>>
        %dma_wait3A_847 = arith.constant 0 : i32
        %dma_wait3A_848 = arith.constant 0 : i32
        %dma_wait3A_849 = tpu.memref_slice %arg4[%sub3A_770, %dma_wait3A_835, %add3A, %dma_wait3A_847, %dma_wait3A_848] : memref<200x8x32x8x128xf32, #tpu.memory_space<hbm>> -> memref<1x1x1x8x128xf32, #tpu.memory_space<hbm>>
        %dma_wait3A_850 = tpu.memref_squeeze %dma_wait3A_849 : memref<1x1x1x8x128xf32, #tpu.memory_space<hbm>> -> memref<8x128xf32, #tpu.memory_space<hbm>>
        %dma_wait3A_851 = arith.constant 0 : i32
        %dma_wait3A_852 = arith.constant 0 : i32
        %dma_wait3A_853 = tpu.memref_slice %arg9[%dma_wait3A_834, %dma_wait3A_851, %dma_wait3A_852] : memref<8x8x129xf32, #tpu.memory_space<vmem>> -> memref<1x8x128xf32, #tpu.memory_space<vmem>>
        %dma_wait3A_854 = tpu.memref_squeeze %dma_wait3A_853 : memref<1x8x128xf32, #tpu.memory_space<vmem>> -> memref<8x128xf32, #tpu.memory_space<vmem>>
        tpu.wait_dma2 semaphore(%dma_wait3A_846 : memref<!tpu.dma_semaphore, #tpu.memory_space<semaphore_mem>>) src(%dma_wait3A_854 : memref<8x128xf32, #tpu.memory_space<vmem>>) dst(%dma_wait3A_850 : memref<8x128xf32, #tpu.memory_space<hbm>>)
        %dma_wait3A_855 = arith.constant 4 : i32
        %dma_wait3A_856 = arith.constant 4 : i32
        %dma_wait3A_857 = arith.constant 1 : i32
        %dma_wait3A_858 = arith.constant 0 : i32
        %dma_wait3A_859 = arith.constant 0 : i32
        %dma_wait3A_860 = tpu.memref_slice %arg9[%dma_wait3A_855, %dma_wait3A_858, %dma_wait3A_859] : memref<8x8x129xf32, #tpu.memory_space<vmem>> -> memref<1x8x128xf32, #tpu.memory_space<vmem>>
        %dma_wait3A_861 = tpu.memref_squeeze %dma_wait3A_860 : memref<1x8x128xf32, #tpu.memory_space<vmem>> -> memref<8x128xf32, #tpu.memory_space<vmem>>
        %dma_wait3A_862 = arith.constant 0 : i32
        %dma_wait3A_863 = arith.constant 0 : i32
        %dma_wait3A_864 = tpu.memref_slice %arg4[%sub3A_770, %dma_wait3A_856, %add3A, %dma_wait3A_862, %dma_wait3A_863] : memref<200x8x32x8x128xf32, #tpu.memory_space<hbm>> -> memref<1x1x1x8x128xf32, #tpu.memory_space<hbm>>
        %dma_wait3A_865 = tpu.memref_squeeze %dma_wait3A_864 : memref<1x1x1x8x128xf32, #tpu.memory_space<hbm>> -> memref<8x128xf32, #tpu.memory_space<hbm>>
        %dma_wait3A_866 = tpu.memref_slice %arg11[%dma_wait3A_857] : memref<2x!tpu.dma_semaphore, #tpu.memory_space<semaphore_mem>> -> memref<1x!tpu.dma_semaphore, #tpu.memory_space<semaphore_mem>>
        %dma_wait3A_867 = tpu.memref_squeeze %dma_wait3A_866 : memref<1x!tpu.dma_semaphore, #tpu.memory_space<semaphore_mem>> -> memref<!tpu.dma_semaphore, #tpu.memory_space<semaphore_mem>>
        %dma_wait3A_868 = arith.constant 0 : i32
        %dma_wait3A_869 = arith.constant 0 : i32
        %dma_wait3A_870 = tpu.memref_slice %arg4[%sub3A_770, %dma_wait3A_856, %add3A, %dma_wait3A_868, %dma_wait3A_869] : memref<200x8x32x8x128xf32, #tpu.memory_space<hbm>> -> memref<1x1x1x8x128xf32, #tpu.memory_space<hbm>>
        %dma_wait3A_871 = tpu.memref_squeeze %dma_wait3A_870 : memref<1x1x1x8x128xf32, #tpu.memory_space<hbm>> -> memref<8x128xf32, #tpu.memory_space<hbm>>
        %dma_wait3A_872 = arith.constant 0 : i32
        %dma_wait3A_873 = arith.constant 0 : i32
        %dma_wait3A_874 = tpu.memref_slice %arg9[%dma_wait3A_855, %dma_wait3A_872, %dma_wait3A_873] : memref<8x8x129xf32, #tpu.memory_space<vmem>> -> memref<1x8x128xf32, #tpu.memory_space<vmem>>
        %dma_wait3A_875 = tpu.memref_squeeze %dma_wait3A_874 : memref<1x8x128xf32, #tpu.memory_space<vmem>> -> memref<8x128xf32, #tpu.memory_space<vmem>>
        tpu.wait_dma2 semaphore(%dma_wait3A_867 : memref<!tpu.dma_semaphore, #tpu.memory_space<semaphore_mem>>) src(%dma_wait3A_875 : memref<8x128xf32, #tpu.memory_space<vmem>>) dst(%dma_wait3A_871 : memref<8x128xf32, #tpu.memory_space<hbm>>)
        %dma_wait3A_876 = arith.constant 5 : i32
        %dma_wait3A_877 = arith.constant 5 : i32
        %dma_wait3A_878 = arith.constant 1 : i32
        %dma_wait3A_879 = arith.constant 0 : i32
        %dma_wait3A_880 = arith.constant 0 : i32
        %dma_wait3A_881 = tpu.memref_slice %arg9[%dma_wait3A_876, %dma_wait3A_879, %dma_wait3A_880] : memref<8x8x129xf32, #tpu.memory_space<vmem>> -> memref<1x8x128xf32, #tpu.memory_space<vmem>>
        %dma_wait3A_882 = tpu.memref_squeeze %dma_wait3A_881 : memref<1x8x128xf32, #tpu.memory_space<vmem>> -> memref<8x128xf32, #tpu.memory_space<vmem>>
        %dma_wait3A_883 = arith.constant 0 : i32
        %dma_wait3A_884 = arith.constant 0 : i32
        %dma_wait3A_885 = tpu.memref_slice %arg4[%sub3A_770, %dma_wait3A_877, %add3A, %dma_wait3A_883, %dma_wait3A_884] : memref<200x8x32x8x128xf32, #tpu.memory_space<hbm>> -> memref<1x1x1x8x128xf32, #tpu.memory_space<hbm>>
        %dma_wait3A_886 = tpu.memref_squeeze %dma_wait3A_885 : memref<1x1x1x8x128xf32, #tpu.memory_space<hbm>> -> memref<8x128xf32, #tpu.memory_space<hbm>>
        %dma_wait3A_887 = tpu.memref_slice %arg11[%dma_wait3A_878] : memref<2x!tpu.dma_semaphore, #tpu.memory_space<semaphore_mem>> -> memref<1x!tpu.dma_semaphore, #tpu.memory_space<semaphore_mem>>
        %dma_wait3A_888 = tpu.memref_squeeze %dma_wait3A_887 : memref<1x!tpu.dma_semaphore, #tpu.memory_space<semaphore_mem>> -> memref<!tpu.dma_semaphore, #tpu.memory_space<semaphore_mem>>
        %dma_wait3A_889 = arith.constant 0 : i32
        %dma_wait3A_890 = arith.constant 0 : i32
        %dma_wait3A_891 = tpu.memref_slice %arg4[%sub3A_770, %dma_wait3A_877, %add3A, %dma_wait3A_889, %dma_wait3A_890] : memref<200x8x32x8x128xf32, #tpu.memory_space<hbm>> -> memref<1x1x1x8x128xf32, #tpu.memory_space<hbm>>
        %dma_wait3A_892 = tpu.memref_squeeze %dma_wait3A_891 : memref<1x1x1x8x128xf32, #tpu.memory_space<hbm>> -> memref<8x128xf32, #tpu.memory_space<hbm>>
        %dma_wait3A_893 = arith.constant 0 : i32
        %dma_wait3A_894 = arith.constant 0 : i32
        %dma_wait3A_895 = tpu.memref_slice %arg9[%dma_wait3A_876, %dma_wait3A_893, %dma_wait3A_894] : memref<8x8x129xf32, #tpu.memory_space<vmem>> -> memref<1x8x128xf32, #tpu.memory_space<vmem>>
        %dma_wait3A_896 = tpu.memref_squeeze %dma_wait3A_895 : memref<1x8x128xf32, #tpu.memory_space<vmem>> -> memref<8x128xf32, #tpu.memory_space<vmem>>
        tpu.wait_dma2 semaphore(%dma_wait3A_888 : memref<!tpu.dma_semaphore, #tpu.memory_space<semaphore_mem>>) src(%dma_wait3A_896 : memref<8x128xf32, #tpu.memory_space<vmem>>) dst(%dma_wait3A_892 : memref<8x128xf32, #tpu.memory_space<hbm>>)
        %dma_wait3A_897 = arith.constant 6 : i32
        %dma_wait3A_898 = arith.constant 6 : i32
        %dma_wait3A_899 = arith.constant 1 : i32
        %dma_wait3A_900 = arith.constant 0 : i32
        %dma_wait3A_901 = arith.constant 0 : i32
        %dma_wait3A_902 = tpu.memref_slice %arg9[%dma_wait3A_897, %dma_wait3A_900, %dma_wait3A_901] : memref<8x8x129xf32, #tpu.memory_space<vmem>> -> memref<1x8x128xf32, #tpu.memory_space<vmem>>
        %dma_wait3A_903 = tpu.memref_squeeze %dma_wait3A_902 : memref<1x8x128xf32, #tpu.memory_space<vmem>> -> memref<8x128xf32, #tpu.memory_space<vmem>>
        %dma_wait3A_904 = arith.constant 0 : i32
        %dma_wait3A_905 = arith.constant 0 : i32
        %dma_wait3A_906 = tpu.memref_slice %arg4[%sub3A_770, %dma_wait3A_898, %add3A, %dma_wait3A_904, %dma_wait3A_905] : memref<200x8x32x8x128xf32, #tpu.memory_space<hbm>> -> memref<1x1x1x8x128xf32, #tpu.memory_space<hbm>>
        %dma_wait3A_907 = tpu.memref_squeeze %dma_wait3A_906 : memref<1x1x1x8x128xf32, #tpu.memory_space<hbm>> -> memref<8x128xf32, #tpu.memory_space<hbm>>
        %dma_wait3A_908 = tpu.memref_slice %arg11[%dma_wait3A_899] : memref<2x!tpu.dma_semaphore, #tpu.memory_space<semaphore_mem>> -> memref<1x!tpu.dma_semaphore, #tpu.memory_space<semaphore_mem>>
        %dma_wait3A_909 = tpu.memref_squeeze %dma_wait3A_908 : memref<1x!tpu.dma_semaphore, #tpu.memory_space<semaphore_mem>> -> memref<!tpu.dma_semaphore, #tpu.memory_space<semaphore_mem>>
        %dma_wait3A_910 = arith.constant 0 : i32
        %dma_wait3A_911 = arith.constant 0 : i32
        %dma_wait3A_912 = tpu.memref_slice %arg4[%sub3A_770, %dma_wait3A_898, %add3A, %dma_wait3A_910, %dma_wait3A_911] : memref<200x8x32x8x128xf32, #tpu.memory_space<hbm>> -> memref<1x1x1x8x128xf32, #tpu.memory_space<hbm>>
        %dma_wait3A_913 = tpu.memref_squeeze %dma_wait3A_912 : memref<1x1x1x8x128xf32, #tpu.memory_space<hbm>> -> memref<8x128xf32, #tpu.memory_space<hbm>>
        %dma_wait3A_914 = arith.constant 0 : i32
        %dma_wait3A_915 = arith.constant 0 : i32
        %dma_wait3A_916 = tpu.memref_slice %arg9[%dma_wait3A_897, %dma_wait3A_914, %dma_wait3A_915] : memref<8x8x129xf32, #tpu.memory_space<vmem>> -> memref<1x8x128xf32, #tpu.memory_space<vmem>>
        %dma_wait3A_917 = tpu.memref_squeeze %dma_wait3A_916 : memref<1x8x128xf32, #tpu.memory_space<vmem>> -> memref<8x128xf32, #tpu.memory_space<vmem>>
        tpu.wait_dma2 semaphore(%dma_wait3A_909 : memref<!tpu.dma_semaphore, #tpu.memory_space<semaphore_mem>>) src(%dma_wait3A_917 : memref<8x128xf32, #tpu.memory_space<vmem>>) dst(%dma_wait3A_913 : memref<8x128xf32, #tpu.memory_space<hbm>>)
        %dma_wait3A_918 = arith.constant 7 : i32
        %dma_wait3A_919 = arith.constant 7 : i32
        %dma_wait3A_920 = arith.constant 1 : i32
        %dma_wait3A_921 = arith.constant 0 : i32
        %dma_wait3A_922 = arith.constant 0 : i32
        %dma_wait3A_923 = tpu.memref_slice %arg9[%dma_wait3A_918, %dma_wait3A_921, %dma_wait3A_922] : memref<8x8x129xf32, #tpu.memory_space<vmem>> -> memref<1x8x128xf32, #tpu.memory_space<vmem>>
        %dma_wait3A_924 = tpu.memref_squeeze %dma_wait3A_923 : memref<1x8x128xf32, #tpu.memory_space<vmem>> -> memref<8x128xf32, #tpu.memory_space<vmem>>
        %dma_wait3A_925 = arith.constant 0 : i32
        %dma_wait3A_926 = arith.constant 0 : i32
        %dma_wait3A_927 = tpu.memref_slice %arg4[%sub3A_770, %dma_wait3A_919, %add3A, %dma_wait3A_925, %dma_wait3A_926] : memref<200x8x32x8x128xf32, #tpu.memory_space<hbm>> -> memref<1x1x1x8x128xf32, #tpu.memory_space<hbm>>
        %dma_wait3A_928 = tpu.memref_squeeze %dma_wait3A_927 : memref<1x1x1x8x128xf32, #tpu.memory_space<hbm>> -> memref<8x128xf32, #tpu.memory_space<hbm>>
        %dma_wait3A_929 = tpu.memref_slice %arg11[%dma_wait3A_920] : memref<2x!tpu.dma_semaphore, #tpu.memory_space<semaphore_mem>> -> memref<1x!tpu.dma_semaphore, #tpu.memory_space<semaphore_mem>>
        %dma_wait3A_930 = tpu.memref_squeeze %dma_wait3A_929 : memref<1x!tpu.dma_semaphore, #tpu.memory_space<semaphore_mem>> -> memref<!tpu.dma_semaphore, #tpu.memory_space<semaphore_mem>>
        %dma_wait3A_931 = arith.constant 0 : i32
        %dma_wait3A_932 = arith.constant 0 : i32
        %dma_wait3A_933 = tpu.memref_slice %arg4[%sub3A_770, %dma_wait3A_919, %add3A, %dma_wait3A_931, %dma_wait3A_932] : memref<200x8x32x8x128xf32, #tpu.memory_space<hbm>> -> memref<1x1x1x8x128xf32, #tpu.memory_space<hbm>>
        %dma_wait3A_934 = tpu.memref_squeeze %dma_wait3A_933 : memref<1x1x1x8x128xf32, #tpu.memory_space<hbm>> -> memref<8x128xf32, #tpu.memory_space<hbm>>
        %dma_wait3A_935 = arith.constant 0 : i32
        %dma_wait3A_936 = arith.constant 0 : i32
        %dma_wait3A_937 = tpu.memref_slice %arg9[%dma_wait3A_918, %dma_wait3A_935, %dma_wait3A_936] : memref<8x8x129xf32, #tpu.memory_space<vmem>> -> memref<1x8x128xf32, #tpu.memory_space<vmem>>
        %dma_wait3A_938 = tpu.memref_squeeze %dma_wait3A_937 : memref<1x8x128xf32, #tpu.memory_space<vmem>> -> memref<8x128xf32, #tpu.memory_space<vmem>>
        tpu.wait_dma2 semaphore(%dma_wait3A_930 : memref<!tpu.dma_semaphore, #tpu.memory_space<semaphore_mem>>) src(%dma_wait3A_938 : memref<8x128xf32, #tpu.memory_space<vmem>>) dst(%dma_wait3A_934 : memref<8x128xf32, #tpu.memory_space<hbm>>)
      } else {
      }
      %scan3A_590 = arith.constant 0 : i32
      %scan3A_591 = arith.constant 128 : i32
      %scan3A_592 = arith.addi %scan3A_590, %scan3A_591 : i32
      %scan3A_593 = arith.constant 8 : i32
      scf.for %scan3A_770 = %scan3A_590 to %scan3A_592 step %scan3A_593  : i32 {
        %mul3A_771 = arith.constant 1 : i32
        %mul3A_772 = arith.muli %scan3A_770, %mul3A_771 : i32
        %add3A_773 = arith.constant 0 : i32
        %add3A_774 = arith.addi %add3A_773, %mul3A_772 : i32
        %broadcast_in_dim3A = arith.constant 0 : i32
        %broadcast_in_dim3A_775 = vector.broadcast %broadcast_in_dim3A : i32 to vector<16xi32>
        %add3A_776 = vector.broadcast %add3A_774 : i32 to vector<16xi32>
        %add3A_777 = arith.addi %broadcast_in_dim3A_775, %add3A_776 : vector<16xi32>
        %add3A_778 = arith.constant 0 : i32
        %add3A_779 = vector.broadcast %add3A_778 : i32 to vector<16xi32>
        %add3A_780 = arith.addi %add3A_779, %iota3A : vector<16xi32>
        %get3A = arith.index_cast %add3A_774 : i32 to index
        %get3A_781 = arith.constant 0 : index
        %get3A_782 = tpu.vector_load %arg7[%get3A, %get3A_781] {strides = array<i32>} : memref<128x64xf32, #tpu.memory_space<vmem>>, vector<16xf32>,
        %jit3A = arith.constant 8 : i32
        %div3A = vector.broadcast %jit3A : i32 to vector<16xi32>
        %div3A_783 = arith.divsi %add3A_780, %div3A : vector<16xi32>
        %sign3A = arith.constant 0 : i32
        %sign3A_784 = vector.broadcast %sign3A : i32 to vector<16xi32>
        %sign3A_785 = arith.cmpi sgt, %add3A_780, %sign3A_784 : vector<16xi32>
        %sign3A_786 = arith.extui %sign3A_785 : vector<16xi1> to vector<16xi32>
        %sign3A_787 = arith.constant 0 : i32
        %sign3A_788 = vector.broadcast %sign3A_787 : i32 to vector<16xi32>
        %sign3A_789 = arith.cmpi slt, %add3A_780, %sign3A_788 : vector<16xi32>
        %sign3A_790 = arith.extui %sign3A_789 : vector<16xi1> to vector<16xi32>
        %sign3A_791 = arith.subi %sign3A_786, %sign3A_790 : vector<16xi32>
        %sign3A_792 = arith.constant 0 : i32
        %sign3A_793 = arith.cmpi sgt, %jit3A, %sign3A_792 : i32
        %sign3A_794 = arith.extui %sign3A_793 : i1 to i32
        %sign3A_795 = arith.constant 0 : i32
        %sign3A_796 = arith.cmpi slt, %jit3A, %sign3A_795 : i32
        %sign3A_797 = arith.extui %sign3A_796 : i1 to i32
        %sign3A_798 = arith.subi %sign3A_794, %sign3A_797 : i32
        %ne3A = vector.broadcast %sign3A_798 : i32 to vector<16xi32>
        %ne3A_799 = arith.cmpi ne, %sign3A_791, %ne3A : vector<16xi32>
        %rem3A = vector.broadcast %jit3A : i32 to vector<16xi32>
        %rem3A_800 = arith.remsi %add3A_780, %rem3A : vector<16xi32>
        %ne3A_801 = arith.constant 0 : i32
        %ne3A_802 = vector.broadcast %ne3A_801 : i32 to vector<16xi32>
        %ne3A_803 = arith.cmpi ne, %rem3A_800, %ne3A_802 : vector<16xi32>
        %and3A = arith.andi %ne3A_799, %ne3A_803 : vector<16xi1>
        %sub3A = arith.constant 1 : i32
        %sub3A_804 = vector.broadcast %sub3A : i32 to vector<16xi32>
        %sub3A_805 = arith.subi %div3A_783, %sub3A_804 : vector<16xi32>
        %select_n3A = arith.select %and3A, %sub3A_805, %div3A_783 : vector<16xi1>, vector<16xi32>
        %jit3A_806 = arith.constant 8 : i32
        %eq3A = arith.constant 0 : i32
        %eq3A_807 = arith.cmpi eq, %jit3A_806, %eq3A : i32
        %jit3A_808 = arith.constant 1 : i32
        %select_n3A_809 = arith.select %eq3A_807, %jit3A_808, %jit3A_806 : i32
        %rem3A_810 = vector.broadcast %select_n3A_809 : i32 to vector<16xi32>
        %rem3A_811 = arith.remsi %add3A_780, %rem3A_810 : vector<16xi32>
        %ne3A_812 = arith.constant 0 : i32
        %ne3A_813 = vector.broadcast %ne3A_812 : i32 to vector<16xi32>
        %ne3A_814 = arith.cmpi ne, %rem3A_811, %ne3A_813 : vector<16xi32>
        %lt3A_815 = arith.constant 0 : i32
        %lt3A_816 = vector.broadcast %lt3A_815 : i32 to vector<16xi32>
        %lt3A_817 = arith.cmpi slt, %rem3A_811, %lt3A_816 : vector<16xi32>
        %lt3A_818 = arith.constant 0 : i32
        %lt3A_819 = arith.cmpi slt, %select_n3A_809, %lt3A_818 : i32
        %ne3A_820 = vector.broadcast %lt3A_819 : i1 to vector<16xi1>
        %ne3A_821 = vector.broadcast %ne3A_820 : vector<16xi1> to vector<16xi1>
        %ne3A_822 = arith.xori %lt3A_817, %ne3A_821 : vector<16xi1>
        %and3A_823 = arith.andi %ne3A_822, %ne3A_814 : vector<16xi1>
        %add3A_824 = vector.broadcast %select_n3A_809 : i32 to vector<16xi32>
        %add3A_825 = arith.addi %rem3A_811, %add3A_824 : vector<16xi32>
        %select_n3A_826 = arith.select %and3A_823, %add3A_825, %rem3A_811 : vector<16xi1>, vector<16xi32>
        tpu.vector_store_idx %arg9[%select_n3A, %select_n3A_826, %add3A_777], %get3A_782 : memref<8x8x129xf32, #tpu.memory_space<vmem>>[vector<16xi32>, vector<16xi32>, vector<16xi32>], vector<16xf32>,
        %add3A_827 = arith.constant 16 : i32
        %add3A_828 = vector.broadcast %add3A_827 : i32 to vector<16xi32>
        %add3A_829 = arith.addi %add3A_828, %iota3A : vector<16xi32>
        %get3A_830 = arith.index_cast %add3A_774 : i32 to index
        %get3A_831 = arith.constant 16 : index
        %get3A_832 = tpu.vector_load %arg7[%get3A_830, %get3A_831] {strides = array<i32>} : memref<128x64xf32, #tpu.memory_space<vmem>>, vector<16xf32>,
        %jit3A_833 = arith.constant 8 : i32
        %div3A_834 = vector.broadcast %jit3A_833 : i32 to vector<16xi32>
        %div3A_835 = arith.divsi %add3A_829, %div3A_834 : vector<16xi32>
        %sign3A_836 = arith.constant 0 : i32
        %sign3A_837 = vector.broadcast %sign3A_836 : i32 to vector<16xi32>
        %sign3A_838 = arith.cmpi sgt, %add3A_829, %sign3A_837 : vector<16xi32>
        %sign3A_839 = arith.extui %sign3A_838 : vector<16xi1> to vector<16xi32>
        %sign3A_840 = arith.constant 0 : i32
        %sign3A_841 = vector.broadcast %sign3A_840 : i32 to vector<16xi32>
        %sign3A_842 = arith.cmpi slt, %add3A_829, %sign3A_841 : vector<16xi32>
        %sign3A_843 = arith.extui %sign3A_842 : vector<16xi1> to vector<16xi32>
        %sign3A_844 = arith.subi %sign3A_839, %sign3A_843 : vector<16xi32>
        %sign3A_845 = arith.constant 0 : i32
        %sign3A_846 = arith.cmpi sgt, %jit3A_833, %sign3A_845 : i32
        %sign3A_847 = arith.extui %sign3A_846 : i1 to i32
        %sign3A_848 = arith.constant 0 : i32
        %sign3A_849 = arith.cmpi slt, %jit3A_833, %sign3A_848 : i32
        %sign3A_850 = arith.extui %sign3A_849 : i1 to i32
        %sign3A_851 = arith.subi %sign3A_847, %sign3A_850 : i32
        %ne3A_852 = vector.broadcast %sign3A_851 : i32 to vector<16xi32>
        %ne3A_853 = arith.cmpi ne, %sign3A_844, %ne3A_852 : vector<16xi32>
        %rem3A_854 = vector.broadcast %jit3A_833 : i32 to vector<16xi32>
        %rem3A_855 = arith.remsi %add3A_829, %rem3A_854 : vector<16xi32>
        %ne3A_856 = arith.constant 0 : i32
        %ne3A_857 = vector.broadcast %ne3A_856 : i32 to vector<16xi32>
        %ne3A_858 = arith.cmpi ne, %rem3A_855, %ne3A_857 : vector<16xi32>
        %and3A_859 = arith.andi %ne3A_853, %ne3A_858 : vector<16xi1>
        %sub3A_860 = arith.constant 1 : i32
        %sub3A_861 = vector.broadcast %sub3A_860 : i32 to vector<16xi32>
        %sub3A_862 = arith.subi %div3A_835, %sub3A_861 : vector<16xi32>
        %select_n3A_863 = arith.select %and3A_859, %sub3A_862, %div3A_835 : vector<16xi1>, vector<16xi32>
        %jit3A_864 = arith.constant 8 : i32
        %eq3A_865 = arith.constant 0 : i32
        %eq3A_866 = arith.cmpi eq, %jit3A_864, %eq3A_865 : i32
        %jit3A_867 = arith.constant 1 : i32
        %select_n3A_868 = arith.select %eq3A_866, %jit3A_867, %jit3A_864 : i32
        %rem3A_869 = vector.broadcast %select_n3A_868 : i32 to vector<16xi32>
        %rem3A_870 = arith.remsi %add3A_829, %rem3A_869 : vector<16xi32>
        %ne3A_871 = arith.constant 0 : i32
        %ne3A_872 = vector.broadcast %ne3A_871 : i32 to vector<16xi32>
        %ne3A_873 = arith.cmpi ne, %rem3A_870, %ne3A_872 : vector<16xi32>
        %lt3A_874 = arith.constant 0 : i32
        %lt3A_875 = vector.broadcast %lt3A_874 : i32 to vector<16xi32>
        %lt3A_876 = arith.cmpi slt, %rem3A_870, %lt3A_875 : vector<16xi32>
        %lt3A_877 = arith.constant 0 : i32
        %lt3A_878 = arith.cmpi slt, %select_n3A_868, %lt3A_877 : i32
        %ne3A_879 = vector.broadcast %lt3A_878 : i1 to vector<16xi1>
        %ne3A_880 = vector.broadcast %ne3A_879 : vector<16xi1> to vector<16xi1>
        %ne3A_881 = arith.xori %lt3A_876, %ne3A_880 : vector<16xi1>
        %and3A_882 = arith.andi %ne3A_881, %ne3A_873 : vector<16xi1>
        %add3A_883 = vector.broadcast %select_n3A_868 : i32 to vector<16xi32>
        %add3A_884 = arith.addi %rem3A_870, %add3A_883 : vector<16xi32>
        %select_n3A_885 = arith.select %and3A_882, %add3A_884, %rem3A_870 : vector<16xi1>, vector<16xi32>
        tpu.vector_store_idx %arg9[%select_n3A_863, %select_n3A_885, %add3A_777], %get3A_832 : memref<8x8x129xf32, #tpu.memory_space<vmem>>[vector<16xi32>, vector<16xi32>, vector<16xi32>], vector<16xf32>,
        %add3A_886 = arith.constant 32 : i32
        %add3A_887 = vector.broadcast %add3A_886 : i32 to vector<16xi32>
        %add3A_888 = arith.addi %add3A_887, %iota3A : vector<16xi32>
        %get3A_889 = arith.index_cast %add3A_774 : i32 to index
        %get3A_890 = arith.constant 32 : index
        %get3A_891 = tpu.vector_load %arg7[%get3A_889, %get3A_890] {strides = array<i32>} : memref<128x64xf32, #tpu.memory_space<vmem>>, vector<16xf32>,
        %jit3A_892 = arith.constant 8 : i32
        %div3A_893 = vector.broadcast %jit3A_892 : i32 to vector<16xi32>
        %div3A_894 = arith.divsi %add3A_888, %div3A_893 : vector<16xi32>
        %sign3A_895 = arith.constant 0 : i32
        %sign3A_896 = vector.broadcast %sign3A_895 : i32 to vector<16xi32>
        %sign3A_897 = arith.cmpi sgt, %add3A_888, %sign3A_896 : vector<16xi32>
        %sign3A_898 = arith.extui %sign3A_897 : vector<16xi1> to vector<16xi32>
        %sign3A_899 = arith.constant 0 : i32
        %sign3A_900 = vector.broadcast %sign3A_899 : i32 to vector<16xi32>
        %sign3A_901 = arith.cmpi slt, %add3A_888, %sign3A_900 : vector<16xi32>
        %sign3A_902 = arith.extui %sign3A_901 : vector<16xi1> to vector<16xi32>
        %sign3A_903 = arith.subi %sign3A_898, %sign3A_902 : vector<16xi32>
        %sign3A_904 = arith.constant 0 : i32
        %sign3A_905 = arith.cmpi sgt, %jit3A_892, %sign3A_904 : i32
        %sign3A_906 = arith.extui %sign3A_905 : i1 to i32
        %sign3A_907 = arith.constant 0 : i32
        %sign3A_908 = arith.cmpi slt, %jit3A_892, %sign3A_907 : i32
        %sign3A_909 = arith.extui %sign3A_908 : i1 to i32
        %sign3A_910 = arith.subi %sign3A_906, %sign3A_909 : i32
        %ne3A_911 = vector.broadcast %sign3A_910 : i32 to vector<16xi32>
        %ne3A_912 = arith.cmpi ne, %sign3A_903, %ne3A_911 : vector<16xi32>
        %rem3A_913 = vector.broadcast %jit3A_892 : i32 to vector<16xi32>
        %rem3A_914 = arith.remsi %add3A_888, %rem3A_913 : vector<16xi32>
        %ne3A_915 = arith.constant 0 : i32
        %ne3A_916 = vector.broadcast %ne3A_915 : i32 to vector<16xi32>
        %ne3A_917 = arith.cmpi ne, %rem3A_914, %ne3A_916 : vector<16xi32>
        %and3A_918 = arith.andi %ne3A_912, %ne3A_917 : vector<16xi1>
        %sub3A_919 = arith.constant 1 : i32
        %sub3A_920 = vector.broadcast %sub3A_919 : i32 to vector<16xi32>
        %sub3A_921 = arith.subi %div3A_894, %sub3A_920 : vector<16xi32>
        %select_n3A_922 = arith.select %and3A_918, %sub3A_921, %div3A_894 : vector<16xi1>, vector<16xi32>
        %jit3A_923 = arith.constant 8 : i32
        %eq3A_924 = arith.constant 0 : i32
        %eq3A_925 = arith.cmpi eq, %jit3A_923, %eq3A_924 : i32
        %jit3A_926 = arith.constant 1 : i32
        %select_n3A_927 = arith.select %eq3A_925, %jit3A_926, %jit3A_923 : i32
        %rem3A_928 = vector.broadcast %select_n3A_927 : i32 to vector<16xi32>
        %rem3A_929 = arith.remsi %add3A_888, %rem3A_928 : vector<16xi32>
        %ne3A_930 = arith.constant 0 : i32
        %ne3A_931 = vector.broadcast %ne3A_930 : i32 to vector<16xi32>
        %ne3A_932 = arith.cmpi ne, %rem3A_929, %ne3A_931 : vector<16xi32>
        %lt3A_933 = arith.constant 0 : i32
        %lt3A_934 = vector.broadcast %lt3A_933 : i32 to vector<16xi32>
        %lt3A_935 = arith.cmpi slt, %rem3A_929, %lt3A_934 : vector<16xi32>
        %lt3A_936 = arith.constant 0 : i32
        %lt3A_937 = arith.cmpi slt, %select_n3A_927, %lt3A_936 : i32
        %ne3A_938 = vector.broadcast %lt3A_937 : i1 to vector<16xi1>
        %ne3A_939 = vector.broadcast %ne3A_938 : vector<16xi1> to vector<16xi1>
        %ne3A_940 = arith.xori %lt3A_935, %ne3A_939 : vector<16xi1>
        %and3A_941 = arith.andi %ne3A_940, %ne3A_932 : vector<16xi1>
        %add3A_942 = vector.broadcast %select_n3A_927 : i32 to vector<16xi32>
        %add3A_943 = arith.addi %rem3A_929, %add3A_942 : vector<16xi32>
        %select_n3A_944 = arith.select %and3A_941, %add3A_943, %rem3A_929 : vector<16xi1>, vector<16xi32>
        tpu.vector_store_idx %arg9[%select_n3A_922, %select_n3A_944, %add3A_777], %get3A_891 : memref<8x8x129xf32, #tpu.memory_space<vmem>>[vector<16xi32>, vector<16xi32>, vector<16xi32>], vector<16xf32>,
        %add3A_945 = arith.constant 48 : i32
        %add3A_946 = vector.broadcast %add3A_945 : i32 to vector<16xi32>
        %add3A_947 = arith.addi %add3A_946, %iota3A : vector<16xi32>
        %get3A_948 = arith.index_cast %add3A_774 : i32 to index
        %get3A_949 = arith.constant 48 : index
        %get3A_950 = tpu.vector_load %arg7[%get3A_948, %get3A_949] {strides = array<i32>} : memref<128x64xf32, #tpu.memory_space<vmem>>, vector<16xf32>,
        %jit3A_951 = arith.constant 8 : i32
        %div3A_952 = vector.broadcast %jit3A_951 : i32 to vector<16xi32>
        %div3A_953 = arith.divsi %add3A_947, %div3A_952 : vector<16xi32>
        %sign3A_954 = arith.constant 0 : i32
        %sign3A_955 = vector.broadcast %sign3A_954 : i32 to vector<16xi32>
        %sign3A_956 = arith.cmpi sgt, %add3A_947, %sign3A_955 : vector<16xi32>
        %sign3A_957 = arith.extui %sign3A_956 : vector<16xi1> to vector<16xi32>
        %sign3A_958 = arith.constant 0 : i32
        %sign3A_959 = vector.broadcast %sign3A_958 : i32 to vector<16xi32>
        %sign3A_960 = arith.cmpi slt, %add3A_947, %sign3A_959 : vector<16xi32>
        %sign3A_961 = arith.extui %sign3A_960 : vector<16xi1> to vector<16xi32>
        %sign3A_962 = arith.subi %sign3A_957, %sign3A_961 : vector<16xi32>
        %sign3A_963 = arith.constant 0 : i32
        %sign3A_964 = arith.cmpi sgt, %jit3A_951, %sign3A_963 : i32
        %sign3A_965 = arith.extui %sign3A_964 : i1 to i32
        %sign3A_966 = arith.constant 0 : i32
        %sign3A_967 = arith.cmpi slt, %jit3A_951, %sign3A_966 : i32
        %sign3A_968 = arith.extui %sign3A_967 : i1 to i32
        %sign3A_969 = arith.subi %sign3A_965, %sign3A_968 : i32
        %ne3A_970 = vector.broadcast %sign3A_969 : i32 to vector<16xi32>
        %ne3A_971 = arith.cmpi ne, %sign3A_962, %ne3A_970 : vector<16xi32>
        %rem3A_972 = vector.broadcast %jit3A_951 : i32 to vector<16xi32>
        %rem3A_973 = arith.remsi %add3A_947, %rem3A_972 : vector<16xi32>
        %ne3A_974 = arith.constant 0 : i32
        %ne3A_975 = vector.broadcast %ne3A_974 : i32 to vector<16xi32>
        %ne3A_976 = arith.cmpi ne, %rem3A_973, %ne3A_975 : vector<16xi32>
        %and3A_977 = arith.andi %ne3A_971, %ne3A_976 : vector<16xi1>
        %sub3A_978 = arith.constant 1 : i32
        %sub3A_979 = vector.broadcast %sub3A_978 : i32 to vector<16xi32>
        %sub3A_980 = arith.subi %div3A_953, %sub3A_979 : vector<16xi32>
        %select_n3A_981 = arith.select %and3A_977, %sub3A_980, %div3A_953 : vector<16xi1>, vector<16xi32>
        %jit3A_982 = arith.constant 8 : i32
        %eq3A_983 = arith.constant 0 : i32
        %eq3A_984 = arith.cmpi eq, %jit3A_982, %eq3A_983 : i32
        %jit3A_985 = arith.constant 1 : i32
        %select_n3A_986 = arith.select %eq3A_984, %jit3A_985, %jit3A_982 : i32
        %rem3A_987 = vector.broadcast %select_n3A_986 : i32 to vector<16xi32>
        %rem3A_988 = arith.remsi %add3A_947, %rem3A_987 : vector<16xi32>
        %ne3A_989 = arith.constant 0 : i32
        %ne3A_990 = vector.broadcast %ne3A_989 : i32 to vector<16xi32>
        %ne3A_991 = arith.cmpi ne, %rem3A_988, %ne3A_990 : vector<16xi32>
        %lt3A_992 = arith.constant 0 : i32
        %lt3A_993 = vector.broadcast %lt3A_992 : i32 to vector<16xi32>
        %lt3A_994 = arith.cmpi slt, %rem3A_988, %lt3A_993 : vector<16xi32>
        %lt3A_995 = arith.constant 0 : i32
        %lt3A_996 = arith.cmpi slt, %select_n3A_986, %lt3A_995 : i32
        %ne3A_997 = vector.broadcast %lt3A_996 : i1 to vector<16xi1>
        %ne3A_998 = vector.broadcast %ne3A_997 : vector<16xi1> to vector<16xi1>
        %ne3A_999 = arith.xori %lt3A_994, %ne3A_998 : vector<16xi1>
        %and3A_1000 = arith.andi %ne3A_999, %ne3A_991 : vector<16xi1>
        %add3A_1001 = vector.broadcast %select_n3A_986 : i32 to vector<16xi32>
        %add3A_1002 = arith.addi %rem3A_988, %add3A_1001 : vector<16xi32>
        %select_n3A_1003 = arith.select %and3A_1000, %add3A_1002, %rem3A_988 : vector<16xi1>, vector<16xi32>
        tpu.vector_store_idx %arg9[%select_n3A_981, %select_n3A_1003, %add3A_777], %get3A_950 : memref<8x8x129xf32, #tpu.memory_space<vmem>>[vector<16xi32>, vector<16xi32>, vector<16xi32>], vector<16xf32>,
        %scan3A_1004 = arith.constant 1 : i32
        %scan3A_1005 = arith.addi %scan3A_770, %scan3A_1004 : i32
        %mul3A_1006 = arith.constant 1 : i32
        %mul3A_1007 = arith.muli %scan3A_1005, %mul3A_1006 : i32
        %add3A_1008 = arith.constant 0 : i32
        %add3A_1009 = arith.addi %add3A_1008, %mul3A_1007 : i32
        %broadcast_in_dim3A_1010 = arith.constant 0 : i32
        %broadcast_in_dim3A_1011 = vector.broadcast %broadcast_in_dim3A_1010 : i32 to vector<16xi32>
        %add3A_1012 = vector.broadcast %add3A_1009 : i32 to vector<16xi32>
        %add3A_1013 = arith.addi %broadcast_in_dim3A_1011, %add3A_1012 : vector<16xi32>
        %add3A_1014 = arith.constant 0 : i32
        %add3A_1015 = vector.broadcast %add3A_1014 : i32 to vector<16xi32>
        %add3A_1016 = arith.addi %add3A_1015, %iota3A : vector<16xi32>
        %get3A_1017 = arith.index_cast %add3A_1009 : i32 to index
        %get3A_1018 = arith.constant 0 : index
        %get3A_1019 = tpu.vector_load %arg7[%get3A_1017, %get3A_1018] {strides = array<i32>} : memref<128x64xf32, #tpu.memory_space<vmem>>, vector<16xf32>,
        %jit3A_1020 = arith.constant 8 : i32
        %div3A_1021 = vector.broadcast %jit3A_1020 : i32 to vector<16xi32>
        %div3A_1022 = arith.divsi %add3A_1016, %div3A_1021 : vector<16xi32>
        %sign3A_1023 = arith.constant 0 : i32
        %sign3A_1024 = vector.broadcast %sign3A_1023 : i32 to vector<16xi32>
        %sign3A_1025 = arith.cmpi sgt, %add3A_1016, %sign3A_1024 : vector<16xi32>
        %sign3A_1026 = arith.extui %sign3A_1025 : vector<16xi1> to vector<16xi32>
        %sign3A_1027 = arith.constant 0 : i32
        %sign3A_1028 = vector.broadcast %sign3A_1027 : i32 to vector<16xi32>
        %sign3A_1029 = arith.cmpi slt, %add3A_1016, %sign3A_1028 : vector<16xi32>
        %sign3A_1030 = arith.extui %sign3A_1029 : vector<16xi1> to vector<16xi32>
        %sign3A_1031 = arith.subi %sign3A_1026, %sign3A_1030 : vector<16xi32>
        %sign3A_1032 = arith.constant 0 : i32
        %sign3A_1033 = arith.cmpi sgt, %jit3A_1020, %sign3A_1032 : i32
        %sign3A_1034 = arith.extui %sign3A_1033 : i1 to i32
        %sign3A_1035 = arith.constant 0 : i32
        %sign3A_1036 = arith.cmpi slt, %jit3A_1020, %sign3A_1035 : i32
        %sign3A_1037 = arith.extui %sign3A_1036 : i1 to i32
        %sign3A_1038 = arith.subi %sign3A_1034, %sign3A_1037 : i32
        %ne3A_1039 = vector.broadcast %sign3A_1038 : i32 to vector<16xi32>
        %ne3A_1040 = arith.cmpi ne, %sign3A_1031, %ne3A_1039 : vector<16xi32>
        %rem3A_1041 = vector.broadcast %jit3A_1020 : i32 to vector<16xi32>
        %rem3A_1042 = arith.remsi %add3A_1016, %rem3A_1041 : vector<16xi32>
        %ne3A_1043 = arith.constant 0 : i32
        %ne3A_1044 = vector.broadcast %ne3A_1043 : i32 to vector<16xi32>
        %ne3A_1045 = arith.cmpi ne, %rem3A_1042, %ne3A_1044 : vector<16xi32>
        %and3A_1046 = arith.andi %ne3A_1040, %ne3A_1045 : vector<16xi1>
        %sub3A_1047 = arith.constant 1 : i32
        %sub3A_1048 = vector.broadcast %sub3A_1047 : i32 to vector<16xi32>
        %sub3A_1049 = arith.subi %div3A_1022, %sub3A_1048 : vector<16xi32>
        %select_n3A_1050 = arith.select %and3A_1046, %sub3A_1049, %div3A_1022 : vector<16xi1>, vector<16xi32>
        %jit3A_1051 = arith.constant 8 : i32
        %eq3A_1052 = arith.constant 0 : i32
        %eq3A_1053 = arith.cmpi eq, %jit3A_1051, %eq3A_1052 : i32
        %jit3A_1054 = arith.constant 1 : i32
        %select_n3A_1055 = arith.select %eq3A_1053, %jit3A_1054, %jit3A_1051 : i32
        %rem3A_1056 = vector.broadcast %select_n3A_1055 : i32 to vector<16xi32>
        %rem3A_1057 = arith.remsi %add3A_1016, %rem3A_1056 : vector<16xi32>
        %ne3A_1058 = arith.constant 0 : i32
        %ne3A_1059 = vector.broadcast %ne3A_1058 : i32 to vector<16xi32>
        %ne3A_1060 = arith.cmpi ne, %rem3A_1057, %ne3A_1059 : vector<16xi32>
        %lt3A_1061 = arith.constant 0 : i32
        %lt3A_1062 = vector.broadcast %lt3A_1061 : i32 to vector<16xi32>
        %lt3A_1063 = arith.cmpi slt, %rem3A_1057, %lt3A_1062 : vector<16xi32>
        %lt3A_1064 = arith.constant 0 : i32
        %lt3A_1065 = arith.cmpi slt, %select_n3A_1055, %lt3A_1064 : i32
        %ne3A_1066 = vector.broadcast %lt3A_1065 : i1 to vector<16xi1>
        %ne3A_1067 = vector.broadcast %ne3A_1066 : vector<16xi1> to vector<16xi1>
        %ne3A_1068 = arith.xori %lt3A_1063, %ne3A_1067 : vector<16xi1>
        %and3A_1069 = arith.andi %ne3A_1068, %ne3A_1060 : vector<16xi1>
        %add3A_1070 = vector.broadcast %select_n3A_1055 : i32 to vector<16xi32>
        %add3A_1071 = arith.addi %rem3A_1057, %add3A_1070 : vector<16xi32>
        %select_n3A_1072 = arith.select %and3A_1069, %add3A_1071, %rem3A_1057 : vector<16xi1>, vector<16xi32>
        tpu.vector_store_idx %arg9[%select_n3A_1050, %select_n3A_1072, %add3A_1013], %get3A_1019 : memref<8x8x129xf32, #tpu.memory_space<vmem>>[vector<16xi32>, vector<16xi32>, vector<16xi32>], vector<16xf32>,
        %add3A_1073 = arith.constant 16 : i32
        %add3A_1074 = vector.broadcast %add3A_1073 : i32 to vector<16xi32>
        %add3A_1075 = arith.addi %add3A_1074, %iota3A : vector<16xi32>
        %get3A_1076 = arith.index_cast %add3A_1009 : i32 to index
        %get3A_1077 = arith.constant 16 : index
        %get3A_1078 = tpu.vector_load %arg7[%get3A_1076, %get3A_1077] {strides = array<i32>} : memref<128x64xf32, #tpu.memory_space<vmem>>, vector<16xf32>,
        %jit3A_1079 = arith.constant 8 : i32
        %div3A_1080 = vector.broadcast %jit3A_1079 : i32 to vector<16xi32>
        %div3A_1081 = arith.divsi %add3A_1075, %div3A_1080 : vector<16xi32>
        %sign3A_1082 = arith.constant 0 : i32
        %sign3A_1083 = vector.broadcast %sign3A_1082 : i32 to vector<16xi32>
        %sign3A_1084 = arith.cmpi sgt, %add3A_1075, %sign3A_1083 : vector<16xi32>
        %sign3A_1085 = arith.extui %sign3A_1084 : vector<16xi1> to vector<16xi32>
        %sign3A_1086 = arith.constant 0 : i32
        %sign3A_1087 = vector.broadcast %sign3A_1086 : i32 to vector<16xi32>
        %sign3A_1088 = arith.cmpi slt, %add3A_1075, %sign3A_1087 : vector<16xi32>
        %sign3A_1089 = arith.extui %sign3A_1088 : vector<16xi1> to vector<16xi32>
        %sign3A_1090 = arith.subi %sign3A_1085, %sign3A_1089 : vector<16xi32>
        %sign3A_1091 = arith.constant 0 : i32
        %sign3A_1092 = arith.cmpi sgt, %jit3A_1079, %sign3A_1091 : i32
        %sign3A_1093 = arith.extui %sign3A_1092 : i1 to i32
        %sign3A_1094 = arith.constant 0 : i32
        %sign3A_1095 = arith.cmpi slt, %jit3A_1079, %sign3A_1094 : i32
        %sign3A_1096 = arith.extui %sign3A_1095 : i1 to i32
        %sign3A_1097 = arith.subi %sign3A_1093, %sign3A_1096 : i32
        %ne3A_1098 = vector.broadcast %sign3A_1097 : i32 to vector<16xi32>
        %ne3A_1099 = arith.cmpi ne, %sign3A_1090, %ne3A_1098 : vector<16xi32>
        %rem3A_1100 = vector.broadcast %jit3A_1079 : i32 to vector<16xi32>
        %rem3A_1101 = arith.remsi %add3A_1075, %rem3A_1100 : vector<16xi32>
        %ne3A_1102 = arith.constant 0 : i32
        %ne3A_1103 = vector.broadcast %ne3A_1102 : i32 to vector<16xi32>
        %ne3A_1104 = arith.cmpi ne, %rem3A_1101, %ne3A_1103 : vector<16xi32>
        %and3A_1105 = arith.andi %ne3A_1099, %ne3A_1104 : vector<16xi1>
        %sub3A_1106 = arith.constant 1 : i32
        %sub3A_1107 = vector.broadcast %sub3A_1106 : i32 to vector<16xi32>
        %sub3A_1108 = arith.subi %div3A_1081, %sub3A_1107 : vector<16xi32>
        %select_n3A_1109 = arith.select %and3A_1105, %sub3A_1108, %div3A_1081 : vector<16xi1>, vector<16xi32>
        %jit3A_1110 = arith.constant 8 : i32
        %eq3A_1111 = arith.constant 0 : i32
        %eq3A_1112 = arith.cmpi eq, %jit3A_1110, %eq3A_1111 : i32
        %jit3A_1113 = arith.constant 1 : i32
        %select_n3A_1114 = arith.select %eq3A_1112, %jit3A_1113, %jit3A_1110 : i32
        %rem3A_1115 = vector.broadcast %select_n3A_1114 : i32 to vector<16xi32>
        %rem3A_1116 = arith.remsi %add3A_1075, %rem3A_1115 : vector<16xi32>
        %ne3A_1117 = arith.constant 0 : i32
        %ne3A_1118 = vector.broadcast %ne3A_1117 : i32 to vector<16xi32>
        %ne3A_1119 = arith.cmpi ne, %rem3A_1116, %ne3A_1118 : vector<16xi32>
        %lt3A_1120 = arith.constant 0 : i32
        %lt3A_1121 = vector.broadcast %lt3A_1120 : i32 to vector<16xi32>
        %lt3A_1122 = arith.cmpi slt, %rem3A_1116, %lt3A_1121 : vector<16xi32>
        %lt3A_1123 = arith.constant 0 : i32
        %lt3A_1124 = arith.cmpi slt, %select_n3A_1114, %lt3A_1123 : i32
        %ne3A_1125 = vector.broadcast %lt3A_1124 : i1 to vector<16xi1>
        %ne3A_1126 = vector.broadcast %ne3A_1125 : vector<16xi1> to vector<16xi1>
        %ne3A_1127 = arith.xori %lt3A_1122, %ne3A_1126 : vector<16xi1>
        %and3A_1128 = arith.andi %ne3A_1127, %ne3A_1119 : vector<16xi1>
        %add3A_1129 = vector.broadcast %select_n3A_1114 : i32 to vector<16xi32>
        %add3A_1130 = arith.addi %rem3A_1116, %add3A_1129 : vector<16xi32>
        %select_n3A_1131 = arith.select %and3A_1128, %add3A_1130, %rem3A_1116 : vector<16xi1>, vector<16xi32>
        tpu.vector_store_idx %arg9[%select_n3A_1109, %select_n3A_1131, %add3A_1013], %get3A_1078 : memref<8x8x129xf32, #tpu.memory_space<vmem>>[vector<16xi32>, vector<16xi32>, vector<16xi32>], vector<16xf32>,
        %add3A_1132 = arith.constant 32 : i32
        %add3A_1133 = vector.broadcast %add3A_1132 : i32 to vector<16xi32>
        %add3A_1134 = arith.addi %add3A_1133, %iota3A : vector<16xi32>
        %get3A_1135 = arith.index_cast %add3A_1009 : i32 to index
        %get3A_1136 = arith.constant 32 : index
        %get3A_1137 = tpu.vector_load %arg7[%get3A_1135, %get3A_1136] {strides = array<i32>} : memref<128x64xf32, #tpu.memory_space<vmem>>, vector<16xf32>,
        %jit3A_1138 = arith.constant 8 : i32
        %div3A_1139 = vector.broadcast %jit3A_1138 : i32 to vector<16xi32>
        %div3A_1140 = arith.divsi %add3A_1134, %div3A_1139 : vector<16xi32>
        %sign3A_1141 = arith.constant 0 : i32
        %sign3A_1142 = vector.broadcast %sign3A_1141 : i32 to vector<16xi32>
        %sign3A_1143 = arith.cmpi sgt, %add3A_1134, %sign3A_1142 : vector<16xi32>
        %sign3A_1144 = arith.extui %sign3A_1143 : vector<16xi1> to vector<16xi32>
        %sign3A_1145 = arith.constant 0 : i32
        %sign3A_1146 = vector.broadcast %sign3A_1145 : i32 to vector<16xi32>
        %sign3A_1147 = arith.cmpi slt, %add3A_1134, %sign3A_1146 : vector<16xi32>
        %sign3A_1148 = arith.extui %sign3A_1147 : vector<16xi1> to vector<16xi32>
        %sign3A_1149 = arith.subi %sign3A_1144, %sign3A_1148 : vector<16xi32>
        %sign3A_1150 = arith.constant 0 : i32
        %sign3A_1151 = arith.cmpi sgt, %jit3A_1138, %sign3A_1150 : i32
        %sign3A_1152 = arith.extui %sign3A_1151 : i1 to i32
        %sign3A_1153 = arith.constant 0 : i32
        %sign3A_1154 = arith.cmpi slt, %jit3A_1138, %sign3A_1153 : i32
        %sign3A_1155 = arith.extui %sign3A_1154 : i1 to i32
        %sign3A_1156 = arith.subi %sign3A_1152, %sign3A_1155 : i32
        %ne3A_1157 = vector.broadcast %sign3A_1156 : i32 to vector<16xi32>
        %ne3A_1158 = arith.cmpi ne, %sign3A_1149, %ne3A_1157 : vector<16xi32>
        %rem3A_1159 = vector.broadcast %jit3A_1138 : i32 to vector<16xi32>
        %rem3A_1160 = arith.remsi %add3A_1134, %rem3A_1159 : vector<16xi32>
        %ne3A_1161 = arith.constant 0 : i32
        %ne3A_1162 = vector.broadcast %ne3A_1161 : i32 to vector<16xi32>
        %ne3A_1163 = arith.cmpi ne, %rem3A_1160, %ne3A_1162 : vector<16xi32>
        %and3A_1164 = arith.andi %ne3A_1158, %ne3A_1163 : vector<16xi1>
        %sub3A_1165 = arith.constant 1 : i32
        %sub3A_1166 = vector.broadcast %sub3A_1165 : i32 to vector<16xi32>
        %sub3A_1167 = arith.subi %div3A_1140, %sub3A_1166 : vector<16xi32>
        %select_n3A_1168 = arith.select %and3A_1164, %sub3A_1167, %div3A_1140 : vector<16xi1>, vector<16xi32>
        %jit3A_1169 = arith.constant 8 : i32
        %eq3A_1170 = arith.constant 0 : i32
        %eq3A_1171 = arith.cmpi eq, %jit3A_1169, %eq3A_1170 : i32
        %jit3A_1172 = arith.constant 1 : i32
        %select_n3A_1173 = arith.select %eq3A_1171, %jit3A_1172, %jit3A_1169 : i32
        %rem3A_1174 = vector.broadcast %select_n3A_1173 : i32 to vector<16xi32>
        %rem3A_1175 = arith.remsi %add3A_1134, %rem3A_1174 : vector<16xi32>
        %ne3A_1176 = arith.constant 0 : i32
        %ne3A_1177 = vector.broadcast %ne3A_1176 : i32 to vector<16xi32>
        %ne3A_1178 = arith.cmpi ne, %rem3A_1175, %ne3A_1177 : vector<16xi32>
        %lt3A_1179 = arith.constant 0 : i32
        %lt3A_1180 = vector.broadcast %lt3A_1179 : i32 to vector<16xi32>
        %lt3A_1181 = arith.cmpi slt, %rem3A_1175, %lt3A_1180 : vector<16xi32>
        %lt3A_1182 = arith.constant 0 : i32
        %lt3A_1183 = arith.cmpi slt, %select_n3A_1173, %lt3A_1182 : i32
        %ne3A_1184 = vector.broadcast %lt3A_1183 : i1 to vector<16xi1>
        %ne3A_1185 = vector.broadcast %ne3A_1184 : vector<16xi1> to vector<16xi1>
        %ne3A_1186 = arith.xori %lt3A_1181, %ne3A_1185 : vector<16xi1>
        %and3A_1187 = arith.andi %ne3A_1186, %ne3A_1178 : vector<16xi1>
        %add3A_1188 = vector.broadcast %select_n3A_1173 : i32 to vector<16xi32>
        %add3A_1189 = arith.addi %rem3A_1175, %add3A_1188 : vector<16xi32>
        %select_n3A_1190 = arith.select %and3A_1187, %add3A_1189, %rem3A_1175 : vector<16xi1>, vector<16xi32>
        tpu.vector_store_idx %arg9[%select_n3A_1168, %select_n3A_1190, %add3A_1013], %get3A_1137 : memref<8x8x129xf32, #tpu.memory_space<vmem>>[vector<16xi32>, vector<16xi32>, vector<16xi32>], vector<16xf32>,
        %add3A_1191 = arith.constant 48 : i32
        %add3A_1192 = vector.broadcast %add3A_1191 : i32 to vector<16xi32>
        %add3A_1193 = arith.addi %add3A_1192, %iota3A : vector<16xi32>
        %get3A_1194 = arith.index_cast %add3A_1009 : i32 to index
        %get3A_1195 = arith.constant 48 : index
        %get3A_1196 = tpu.vector_load %arg7[%get3A_1194, %get3A_1195] {strides = array<i32>} : memref<128x64xf32, #tpu.memory_space<vmem>>, vector<16xf32>,
        %jit3A_1197 = arith.constant 8 : i32
        %div3A_1198 = vector.broadcast %jit3A_1197 : i32 to vector<16xi32>
        %div3A_1199 = arith.divsi %add3A_1193, %div3A_1198 : vector<16xi32>
        %sign3A_1200 = arith.constant 0 : i32
        %sign3A_1201 = vector.broadcast %sign3A_1200 : i32 to vector<16xi32>
        %sign3A_1202 = arith.cmpi sgt, %add3A_1193, %sign3A_1201 : vector<16xi32>
        %sign3A_1203 = arith.extui %sign3A_1202 : vector<16xi1> to vector<16xi32>
        %sign3A_1204 = arith.constant 0 : i32
        %sign3A_1205 = vector.broadcast %sign3A_1204 : i32 to vector<16xi32>
        %sign3A_1206 = arith.cmpi slt, %add3A_1193, %sign3A_1205 : vector<16xi32>
        %sign3A_1207 = arith.extui %sign3A_1206 : vector<16xi1> to vector<16xi32>
        %sign3A_1208 = arith.subi %sign3A_1203, %sign3A_1207 : vector<16xi32>
        %sign3A_1209 = arith.constant 0 : i32
        %sign3A_1210 = arith.cmpi sgt, %jit3A_1197, %sign3A_1209 : i32
        %sign3A_1211 = arith.extui %sign3A_1210 : i1 to i32
        %sign3A_1212 = arith.constant 0 : i32
        %sign3A_1213 = arith.cmpi slt, %jit3A_1197, %sign3A_1212 : i32
        %sign3A_1214 = arith.extui %sign3A_1213 : i1 to i32
        %sign3A_1215 = arith.subi %sign3A_1211, %sign3A_1214 : i32
        %ne3A_1216 = vector.broadcast %sign3A_1215 : i32 to vector<16xi32>
        %ne3A_1217 = arith.cmpi ne, %sign3A_1208, %ne3A_1216 : vector<16xi32>
        %rem3A_1218 = vector.broadcast %jit3A_1197 : i32 to vector<16xi32>
        %rem3A_1219 = arith.remsi %add3A_1193, %rem3A_1218 : vector<16xi32>
        %ne3A_1220 = arith.constant 0 : i32
        %ne3A_1221 = vector.broadcast %ne3A_1220 : i32 to vector<16xi32>
        %ne3A_1222 = arith.cmpi ne, %rem3A_1219, %ne3A_1221 : vector<16xi32>
        %and3A_1223 = arith.andi %ne3A_1217, %ne3A_1222 : vector<16xi1>
        %sub3A_1224 = arith.constant 1 : i32
        %sub3A_1225 = vector.broadcast %sub3A_1224 : i32 to vector<16xi32>
        %sub3A_1226 = arith.subi %div3A_1199, %sub3A_1225 : vector<16xi32>
        %select_n3A_1227 = arith.select %and3A_1223, %sub3A_1226, %div3A_1199 : vector<16xi1>, vector<16xi32>
        %jit3A_1228 = arith.constant 8 : i32
        %eq3A_1229 = arith.constant 0 : i32
        %eq3A_1230 = arith.cmpi eq, %jit3A_1228, %eq3A_1229 : i32
        %jit3A_1231 = arith.constant 1 : i32
        %select_n3A_1232 = arith.select %eq3A_1230, %jit3A_1231, %jit3A_1228 : i32
        %rem3A_1233 = vector.broadcast %select_n3A_1232 : i32 to vector<16xi32>
        %rem3A_1234 = arith.remsi %add3A_1193, %rem3A_1233 : vector<16xi32>
        %ne3A_1235 = arith.constant 0 : i32
        %ne3A_1236 = vector.broadcast %ne3A_1235 : i32 to vector<16xi32>
        %ne3A_1237 = arith.cmpi ne, %rem3A_1234, %ne3A_1236 : vector<16xi32>
        %lt3A_1238 = arith.constant 0 : i32
        %lt3A_1239 = vector.broadcast %lt3A_1238 : i32 to vector<16xi32>
        %lt3A_1240 = arith.cmpi slt, %rem3A_1234, %lt3A_1239 : vector<16xi32>
        %lt3A_1241 = arith.constant 0 : i32
        %lt3A_1242 = arith.cmpi slt, %select_n3A_1232, %lt3A_1241 : i32
        %ne3A_1243 = vector.broadcast %lt3A_1242 : i1 to vector<16xi1>
        %ne3A_1244 = vector.broadcast %ne3A_1243 : vector<16xi1> to vector<16xi1>
        %ne3A_1245 = arith.xori %lt3A_1240, %ne3A_1244 : vector<16xi1>
        %and3A_1246 = arith.andi %ne3A_1245, %ne3A_1237 : vector<16xi1>
        %add3A_1247 = vector.broadcast %select_n3A_1232 : i32 to vector<16xi32>
        %add3A_1248 = arith.addi %rem3A_1234, %add3A_1247 : vector<16xi32>
        %select_n3A_1249 = arith.select %and3A_1246, %add3A_1248, %rem3A_1234 : vector<16xi1>, vector<16xi32>
        tpu.vector_store_idx %arg9[%select_n3A_1227, %select_n3A_1249, %add3A_1013], %get3A_1196 : memref<8x8x129xf32, #tpu.memory_space<vmem>>[vector<16xi32>, vector<16xi32>, vector<16xi32>], vector<16xf32>,
        %scan3A_1250 = arith.constant 2 : i32
        %scan3A_1251 = arith.addi %scan3A_770, %scan3A_1250 : i32
        %mul3A_1252 = arith.constant 1 : i32
        %mul3A_1253 = arith.muli %scan3A_1251, %mul3A_1252 : i32
        %add3A_1254 = arith.constant 0 : i32
        %add3A_1255 = arith.addi %add3A_1254, %mul3A_1253 : i32
        %broadcast_in_dim3A_1256 = arith.constant 0 : i32
        %broadcast_in_dim3A_1257 = vector.broadcast %broadcast_in_dim3A_1256 : i32 to vector<16xi32>
        %add3A_1258 = vector.broadcast %add3A_1255 : i32 to vector<16xi32>
        %add3A_1259 = arith.addi %broadcast_in_dim3A_1257, %add3A_1258 : vector<16xi32>
        %add3A_1260 = arith.constant 0 : i32
        %add3A_1261 = vector.broadcast %add3A_1260 : i32 to vector<16xi32>
        %add3A_1262 = arith.addi %add3A_1261, %iota3A : vector<16xi32>
        %get3A_1263 = arith.index_cast %add3A_1255 : i32 to index
        %get3A_1264 = arith.constant 0 : index
        %get3A_1265 = tpu.vector_load %arg7[%get3A_1263, %get3A_1264] {strides = array<i32>} : memref<128x64xf32, #tpu.memory_space<vmem>>, vector<16xf32>,
        %jit3A_1266 = arith.constant 8 : i32
        %div3A_1267 = vector.broadcast %jit3A_1266 : i32 to vector<16xi32>
        %div3A_1268 = arith.divsi %add3A_1262, %div3A_1267 : vector<16xi32>
        %sign3A_1269 = arith.constant 0 : i32
        %sign3A_1270 = vector.broadcast %sign3A_1269 : i32 to vector<16xi32>
        %sign3A_1271 = arith.cmpi sgt, %add3A_1262, %sign3A_1270 : vector<16xi32>
        %sign3A_1272 = arith.extui %sign3A_1271 : vector<16xi1> to vector<16xi32>
        %sign3A_1273 = arith.constant 0 : i32
        %sign3A_1274 = vector.broadcast %sign3A_1273 : i32 to vector<16xi32>
        %sign3A_1275 = arith.cmpi slt, %add3A_1262, %sign3A_1274 : vector<16xi32>
        %sign3A_1276 = arith.extui %sign3A_1275 : vector<16xi1> to vector<16xi32>
        %sign3A_1277 = arith.subi %sign3A_1272, %sign3A_1276 : vector<16xi32>
        %sign3A_1278 = arith.constant 0 : i32
        %sign3A_1279 = arith.cmpi sgt, %jit3A_1266, %sign3A_1278 : i32
        %sign3A_1280 = arith.extui %sign3A_1279 : i1 to i32
        %sign3A_1281 = arith.constant 0 : i32
        %sign3A_1282 = arith.cmpi slt, %jit3A_1266, %sign3A_1281 : i32
        %sign3A_1283 = arith.extui %sign3A_1282 : i1 to i32
        %sign3A_1284 = arith.subi %sign3A_1280, %sign3A_1283 : i32
        %ne3A_1285 = vector.broadcast %sign3A_1284 : i32 to vector<16xi32>
        %ne3A_1286 = arith.cmpi ne, %sign3A_1277, %ne3A_1285 : vector<16xi32>
        %rem3A_1287 = vector.broadcast %jit3A_1266 : i32 to vector<16xi32>
        %rem3A_1288 = arith.remsi %add3A_1262, %rem3A_1287 : vector<16xi32>
        %ne3A_1289 = arith.constant 0 : i32
        %ne3A_1290 = vector.broadcast %ne3A_1289 : i32 to vector<16xi32>
        %ne3A_1291 = arith.cmpi ne, %rem3A_1288, %ne3A_1290 : vector<16xi32>
        %and3A_1292 = arith.andi %ne3A_1286, %ne3A_1291 : vector<16xi1>
        %sub3A_1293 = arith.constant 1 : i32
        %sub3A_1294 = vector.broadcast %sub3A_1293 : i32 to vector<16xi32>
        %sub3A_1295 = arith.subi %div3A_1268, %sub3A_1294 : vector<16xi32>
        %select_n3A_1296 = arith.select %and3A_1292, %sub3A_1295, %div3A_1268 : vector<16xi1>, vector<16xi32>
        %jit3A_1297 = arith.constant 8 : i32
        %eq3A_1298 = arith.constant 0 : i32
        %eq3A_1299 = arith.cmpi eq, %jit3A_1297, %eq3A_1298 : i32
        %jit3A_1300 = arith.constant 1 : i32
        %select_n3A_1301 = arith.select %eq3A_1299, %jit3A_1300, %jit3A_1297 : i32
        %rem3A_1302 = vector.broadcast %select_n3A_1301 : i32 to vector<16xi32>
        %rem3A_1303 = arith.remsi %add3A_1262, %rem3A_1302 : vector<16xi32>
        %ne3A_1304 = arith.constant 0 : i32
        %ne3A_1305 = vector.broadcast %ne3A_1304 : i32 to vector<16xi32>
        %ne3A_1306 = arith.cmpi ne, %rem3A_1303, %ne3A_1305 : vector<16xi32>
        %lt3A_1307 = arith.constant 0 : i32
        %lt3A_1308 = vector.broadcast %lt3A_1307 : i32 to vector<16xi32>
        %lt3A_1309 = arith.cmpi slt, %rem3A_1303, %lt3A_1308 : vector<16xi32>
        %lt3A_1310 = arith.constant 0 : i32
        %lt3A_1311 = arith.cmpi slt, %select_n3A_1301, %lt3A_1310 : i32
        %ne3A_1312 = vector.broadcast %lt3A_1311 : i1 to vector<16xi1>
        %ne3A_1313 = vector.broadcast %ne3A_1312 : vector<16xi1> to vector<16xi1>
        %ne3A_1314 = arith.xori %lt3A_1309, %ne3A_1313 : vector<16xi1>
        %and3A_1315 = arith.andi %ne3A_1314, %ne3A_1306 : vector<16xi1>
        %add3A_1316 = vector.broadcast %select_n3A_1301 : i32 to vector<16xi32>
        %add3A_1317 = arith.addi %rem3A_1303, %add3A_1316 : vector<16xi32>
        %select_n3A_1318 = arith.select %and3A_1315, %add3A_1317, %rem3A_1303 : vector<16xi1>, vector<16xi32>
        tpu.vector_store_idx %arg9[%select_n3A_1296, %select_n3A_1318, %add3A_1259], %get3A_1265 : memref<8x8x129xf32, #tpu.memory_space<vmem>>[vector<16xi32>, vector<16xi32>, vector<16xi32>], vector<16xf32>,
        %add3A_1319 = arith.constant 16 : i32
        %add3A_1320 = vector.broadcast %add3A_1319 : i32 to vector<16xi32>
        %add3A_1321 = arith.addi %add3A_1320, %iota3A : vector<16xi32>
        %get3A_1322 = arith.index_cast %add3A_1255 : i32 to index
        %get3A_1323 = arith.constant 16 : index
        %get3A_1324 = tpu.vector_load %arg7[%get3A_1322, %get3A_1323] {strides = array<i32>} : memref<128x64xf32, #tpu.memory_space<vmem>>, vector<16xf32>,
        %jit3A_1325 = arith.constant 8 : i32
        %div3A_1326 = vector.broadcast %jit3A_1325 : i32 to vector<16xi32>
        %div3A_1327 = arith.divsi %add3A_1321, %div3A_1326 : vector<16xi32>
        %sign3A_1328 = arith.constant 0 : i32
        %sign3A_1329 = vector.broadcast %sign3A_1328 : i32 to vector<16xi32>
        %sign3A_1330 = arith.cmpi sgt, %add3A_1321, %sign3A_1329 : vector<16xi32>
        %sign3A_1331 = arith.extui %sign3A_1330 : vector<16xi1> to vector<16xi32>
        %sign3A_1332 = arith.constant 0 : i32
        %sign3A_1333 = vector.broadcast %sign3A_1332 : i32 to vector<16xi32>
        %sign3A_1334 = arith.cmpi slt, %add3A_1321, %sign3A_1333 : vector<16xi32>
        %sign3A_1335 = arith.extui %sign3A_1334 : vector<16xi1> to vector<16xi32>
        %sign3A_1336 = arith.subi %sign3A_1331, %sign3A_1335 : vector<16xi32>
        %sign3A_1337 = arith.constant 0 : i32
        %sign3A_1338 = arith.cmpi sgt, %jit3A_1325, %sign3A_1337 : i32
        %sign3A_1339 = arith.extui %sign3A_1338 : i1 to i32
        %sign3A_1340 = arith.constant 0 : i32
        %sign3A_1341 = arith.cmpi slt, %jit3A_1325, %sign3A_1340 : i32
        %sign3A_1342 = arith.extui %sign3A_1341 : i1 to i32
        %sign3A_1343 = arith.subi %sign3A_1339, %sign3A_1342 : i32
        %ne3A_1344 = vector.broadcast %sign3A_1343 : i32 to vector<16xi32>
        %ne3A_1345 = arith.cmpi ne, %sign3A_1336, %ne3A_1344 : vector<16xi32>
        %rem3A_1346 = vector.broadcast %jit3A_1325 : i32 to vector<16xi32>
        %rem3A_1347 = arith.remsi %add3A_1321, %rem3A_1346 : vector<16xi32>
        %ne3A_1348 = arith.constant 0 : i32
        %ne3A_1349 = vector.broadcast %ne3A_1348 : i32 to vector<16xi32>
        %ne3A_1350 = arith.cmpi ne, %rem3A_1347, %ne3A_1349 : vector<16xi32>
        %and3A_1351 = arith.andi %ne3A_1345, %ne3A_1350 : vector<16xi1>
        %sub3A_1352 = arith.constant 1 : i32
        %sub3A_1353 = vector.broadcast %sub3A_1352 : i32 to vector<16xi32>
        %sub3A_1354 = arith.subi %div3A_1327, %sub3A_1353 : vector<16xi32>
        %select_n3A_1355 = arith.select %and3A_1351, %sub3A_1354, %div3A_1327 : vector<16xi1>, vector<16xi32>
        %jit3A_1356 = arith.constant 8 : i32
        %eq3A_1357 = arith.constant 0 : i32
        %eq3A_1358 = arith.cmpi eq, %jit3A_1356, %eq3A_1357 : i32
        %jit3A_1359 = arith.constant 1 : i32
        %select_n3A_1360 = arith.select %eq3A_1358, %jit3A_1359, %jit3A_1356 : i32
        %rem3A_1361 = vector.broadcast %select_n3A_1360 : i32 to vector<16xi32>
        %rem3A_1362 = arith.remsi %add3A_1321, %rem3A_1361 : vector<16xi32>
        %ne3A_1363 = arith.constant 0 : i32
        %ne3A_1364 = vector.broadcast %ne3A_1363 : i32 to vector<16xi32>
        %ne3A_1365 = arith.cmpi ne, %rem3A_1362, %ne3A_1364 : vector<16xi32>
        %lt3A_1366 = arith.constant 0 : i32
        %lt3A_1367 = vector.broadcast %lt3A_1366 : i32 to vector<16xi32>
        %lt3A_1368 = arith.cmpi slt, %rem3A_1362, %lt3A_1367 : vector<16xi32>
        %lt3A_1369 = arith.constant 0 : i32
        %lt3A_1370 = arith.cmpi slt, %select_n3A_1360, %lt3A_1369 : i32
        %ne3A_1371 = vector.broadcast %lt3A_1370 : i1 to vector<16xi1>
        %ne3A_1372 = vector.broadcast %ne3A_1371 : vector<16xi1> to vector<16xi1>
        %ne3A_1373 = arith.xori %lt3A_1368, %ne3A_1372 : vector<16xi1>
        %and3A_1374 = arith.andi %ne3A_1373, %ne3A_1365 : vector<16xi1>
        %add3A_1375 = vector.broadcast %select_n3A_1360 : i32 to vector<16xi32>
        %add3A_1376 = arith.addi %rem3A_1362, %add3A_1375 : vector<16xi32>
        %select_n3A_1377 = arith.select %and3A_1374, %add3A_1376, %rem3A_1362 : vector<16xi1>, vector<16xi32>
        tpu.vector_store_idx %arg9[%select_n3A_1355, %select_n3A_1377, %add3A_1259], %get3A_1324 : memref<8x8x129xf32, #tpu.memory_space<vmem>>[vector<16xi32>, vector<16xi32>, vector<16xi32>], vector<16xf32>,
        %add3A_1378 = arith.constant 32 : i32
        %add3A_1379 = vector.broadcast %add3A_1378 : i32 to vector<16xi32>
        %add3A_1380 = arith.addi %add3A_1379, %iota3A : vector<16xi32>
        %get3A_1381 = arith.index_cast %add3A_1255 : i32 to index
        %get3A_1382 = arith.constant 32 : index
        %get3A_1383 = tpu.vector_load %arg7[%get3A_1381, %get3A_1382] {strides = array<i32>} : memref<128x64xf32, #tpu.memory_space<vmem>>, vector<16xf32>,
        %jit3A_1384 = arith.constant 8 : i32
        %div3A_1385 = vector.broadcast %jit3A_1384 : i32 to vector<16xi32>
        %div3A_1386 = arith.divsi %add3A_1380, %div3A_1385 : vector<16xi32>
        %sign3A_1387 = arith.constant 0 : i32
        %sign3A_1388 = vector.broadcast %sign3A_1387 : i32 to vector<16xi32>
        %sign3A_1389 = arith.cmpi sgt, %add3A_1380, %sign3A_1388 : vector<16xi32>
        %sign3A_1390 = arith.extui %sign3A_1389 : vector<16xi1> to vector<16xi32>
        %sign3A_1391 = arith.constant 0 : i32
        %sign3A_1392 = vector.broadcast %sign3A_1391 : i32 to vector<16xi32>
        %sign3A_1393 = arith.cmpi slt, %add3A_1380, %sign3A_1392 : vector<16xi32>
        %sign3A_1394 = arith.extui %sign3A_1393 : vector<16xi1> to vector<16xi32>
        %sign3A_1395 = arith.subi %sign3A_1390, %sign3A_1394 : vector<16xi32>
        %sign3A_1396 = arith.constant 0 : i32
        %sign3A_1397 = arith.cmpi sgt, %jit3A_1384, %sign3A_1396 : i32
        %sign3A_1398 = arith.extui %sign3A_1397 : i1 to i32
        %sign3A_1399 = arith.constant 0 : i32
        %sign3A_1400 = arith.cmpi slt, %jit3A_1384, %sign3A_1399 : i32
        %sign3A_1401 = arith.extui %sign3A_1400 : i1 to i32
        %sign3A_1402 = arith.subi %sign3A_1398, %sign3A_1401 : i32
        %ne3A_1403 = vector.broadcast %sign3A_1402 : i32 to vector<16xi32>
        %ne3A_1404 = arith.cmpi ne, %sign3A_1395, %ne3A_1403 : vector<16xi32>
        %rem3A_1405 = vector.broadcast %jit3A_1384 : i32 to vector<16xi32>
        %rem3A_1406 = arith.remsi %add3A_1380, %rem3A_1405 : vector<16xi32>
        %ne3A_1407 = arith.constant 0 : i32
        %ne3A_1408 = vector.broadcast %ne3A_1407 : i32 to vector<16xi32>
        %ne3A_1409 = arith.cmpi ne, %rem3A_1406, %ne3A_1408 : vector<16xi32>
        %and3A_1410 = arith.andi %ne3A_1404, %ne3A_1409 : vector<16xi1>
        %sub3A_1411 = arith.constant 1 : i32
        %sub3A_1412 = vector.broadcast %sub3A_1411 : i32 to vector<16xi32>
        %sub3A_1413 = arith.subi %div3A_1386, %sub3A_1412 : vector<16xi32>
        %select_n3A_1414 = arith.select %and3A_1410, %sub3A_1413, %div3A_1386 : vector<16xi1>, vector<16xi32>
        %jit3A_1415 = arith.constant 8 : i32
        %eq3A_1416 = arith.constant 0 : i32
        %eq3A_1417 = arith.cmpi eq, %jit3A_1415, %eq3A_1416 : i32
        %jit3A_1418 = arith.constant 1 : i32
        %select_n3A_1419 = arith.select %eq3A_1417, %jit3A_1418, %jit3A_1415 : i32
        %rem3A_1420 = vector.broadcast %select_n3A_1419 : i32 to vector<16xi32>
        %rem3A_1421 = arith.remsi %add3A_1380, %rem3A_1420 : vector<16xi32>
        %ne3A_1422 = arith.constant 0 : i32
        %ne3A_1423 = vector.broadcast %ne3A_1422 : i32 to vector<16xi32>
        %ne3A_1424 = arith.cmpi ne, %rem3A_1421, %ne3A_1423 : vector<16xi32>
        %lt3A_1425 = arith.constant 0 : i32
        %lt3A_1426 = vector.broadcast %lt3A_1425 : i32 to vector<16xi32>
        %lt3A_1427 = arith.cmpi slt, %rem3A_1421, %lt3A_1426 : vector<16xi32>
        %lt3A_1428 = arith.constant 0 : i32
        %lt3A_1429 = arith.cmpi slt, %select_n3A_1419, %lt3A_1428 : i32
        %ne3A_1430 = vector.broadcast %lt3A_1429 : i1 to vector<16xi1>
        %ne3A_1431 = vector.broadcast %ne3A_1430 : vector<16xi1> to vector<16xi1>
        %ne3A_1432 = arith.xori %lt3A_1427, %ne3A_1431 : vector<16xi1>
        %and3A_1433 = arith.andi %ne3A_1432, %ne3A_1424 : vector<16xi1>
        %add3A_1434 = vector.broadcast %select_n3A_1419 : i32 to vector<16xi32>
        %add3A_1435 = arith.addi %rem3A_1421, %add3A_1434 : vector<16xi32>
        %select_n3A_1436 = arith.select %and3A_1433, %add3A_1435, %rem3A_1421 : vector<16xi1>, vector<16xi32>
        tpu.vector_store_idx %arg9[%select_n3A_1414, %select_n3A_1436, %add3A_1259], %get3A_1383 : memref<8x8x129xf32, #tpu.memory_space<vmem>>[vector<16xi32>, vector<16xi32>, vector<16xi32>], vector<16xf32>,
        %add3A_1437 = arith.constant 48 : i32
        %add3A_1438 = vector.broadcast %add3A_1437 : i32 to vector<16xi32>
        %add3A_1439 = arith.addi %add3A_1438, %iota3A : vector<16xi32>
        %get3A_1440 = arith.index_cast %add3A_1255 : i32 to index
        %get3A_1441 = arith.constant 48 : index
        %get3A_1442 = tpu.vector_load %arg7[%get3A_1440, %get3A_1441] {strides = array<i32>} : memref<128x64xf32, #tpu.memory_space<vmem>>, vector<16xf32>,
        %jit3A_1443 = arith.constant 8 : i32
        %div3A_1444 = vector.broadcast %jit3A_1443 : i32 to vector<16xi32>
        %div3A_1445 = arith.divsi %add3A_1439, %div3A_1444 : vector<16xi32>
        %sign3A_1446 = arith.constant 0 : i32
        %sign3A_1447 = vector.broadcast %sign3A_1446 : i32 to vector<16xi32>
        %sign3A_1448 = arith.cmpi sgt, %add3A_1439, %sign3A_1447 : vector<16xi32>
        %sign3A_1449 = arith.extui %sign3A_1448 : vector<16xi1> to vector<16xi32>
        %sign3A_1450 = arith.constant 0 : i32
        %sign3A_1451 = vector.broadcast %sign3A_1450 : i32 to vector<16xi32>
        %sign3A_1452 = arith.cmpi slt, %add3A_1439, %sign3A_1451 : vector<16xi32>
        %sign3A_1453 = arith.extui %sign3A_1452 : vector<16xi1> to vector<16xi32>
        %sign3A_1454 = arith.subi %sign3A_1449, %sign3A_1453 : vector<16xi32>
        %sign3A_1455 = arith.constant 0 : i32
        %sign3A_1456 = arith.cmpi sgt, %jit3A_1443, %sign3A_1455 : i32
        %sign3A_1457 = arith.extui %sign3A_1456 : i1 to i32
        %sign3A_1458 = arith.constant 0 : i32
        %sign3A_1459 = arith.cmpi slt, %jit3A_1443, %sign3A_1458 : i32
        %sign3A_1460 = arith.extui %sign3A_1459 : i1 to i32
        %sign3A_1461 = arith.subi %sign3A_1457, %sign3A_1460 : i32
        %ne3A_1462 = vector.broadcast %sign3A_1461 : i32 to vector<16xi32>
        %ne3A_1463 = arith.cmpi ne, %sign3A_1454, %ne3A_1462 : vector<16xi32>
        %rem3A_1464 = vector.broadcast %jit3A_1443 : i32 to vector<16xi32>
        %rem3A_1465 = arith.remsi %add3A_1439, %rem3A_1464 : vector<16xi32>
        %ne3A_1466 = arith.constant 0 : i32
        %ne3A_1467 = vector.broadcast %ne3A_1466 : i32 to vector<16xi32>
        %ne3A_1468 = arith.cmpi ne, %rem3A_1465, %ne3A_1467 : vector<16xi32>
        %and3A_1469 = arith.andi %ne3A_1463, %ne3A_1468 : vector<16xi1>
        %sub3A_1470 = arith.constant 1 : i32
        %sub3A_1471 = vector.broadcast %sub3A_1470 : i32 to vector<16xi32>
        %sub3A_1472 = arith.subi %div3A_1445, %sub3A_1471 : vector<16xi32>
        %select_n3A_1473 = arith.select %and3A_1469, %sub3A_1472, %div3A_1445 : vector<16xi1>, vector<16xi32>
        %jit3A_1474 = arith.constant 8 : i32
        %eq3A_1475 = arith.constant 0 : i32
        %eq3A_1476 = arith.cmpi eq, %jit3A_1474, %eq3A_1475 : i32
        %jit3A_1477 = arith.constant 1 : i32
        %select_n3A_1478 = arith.select %eq3A_1476, %jit3A_1477, %jit3A_1474 : i32
        %rem3A_1479 = vector.broadcast %select_n3A_1478 : i32 to vector<16xi32>
        %rem3A_1480 = arith.remsi %add3A_1439, %rem3A_1479 : vector<16xi32>
        %ne3A_1481 = arith.constant 0 : i32
        %ne3A_1482 = vector.broadcast %ne3A_1481 : i32 to vector<16xi32>
        %ne3A_1483 = arith.cmpi ne, %rem3A_1480, %ne3A_1482 : vector<16xi32>
        %lt3A_1484 = arith.constant 0 : i32
        %lt3A_1485 = vector.broadcast %lt3A_1484 : i32 to vector<16xi32>
        %lt3A_1486 = arith.cmpi slt, %rem3A_1480, %lt3A_1485 : vector<16xi32>
        %lt3A_1487 = arith.constant 0 : i32
        %lt3A_1488 = arith.cmpi slt, %select_n3A_1478, %lt3A_1487 : i32
        %ne3A_1489 = vector.broadcast %lt3A_1488 : i1 to vector<16xi1>
        %ne3A_1490 = vector.broadcast %ne3A_1489 : vector<16xi1> to vector<16xi1>
        %ne3A_1491 = arith.xori %lt3A_1486, %ne3A_1490 : vector<16xi1>
        %and3A_1492 = arith.andi %ne3A_1491, %ne3A_1483 : vector<16xi1>
        %add3A_1493 = vector.broadcast %select_n3A_1478 : i32 to vector<16xi32>
        %add3A_1494 = arith.addi %rem3A_1480, %add3A_1493 : vector<16xi32>
        %select_n3A_1495 = arith.select %and3A_1492, %add3A_1494, %rem3A_1480 : vector<16xi1>, vector<16xi32>
        tpu.vector_store_idx %arg9[%select_n3A_1473, %select_n3A_1495, %add3A_1259], %get3A_1442 : memref<8x8x129xf32, #tpu.memory_space<vmem>>[vector<16xi32>, vector<16xi32>, vector<16xi32>], vector<16xf32>,
        %scan3A_1496 = arith.constant 3 : i32
        %scan3A_1497 = arith.addi %scan3A_770, %scan3A_1496 : i32
        %mul3A_1498 = arith.constant 1 : i32
        %mul3A_1499 = arith.muli %scan3A_1497, %mul3A_1498 : i32
        %add3A_1500 = arith.constant 0 : i32
        %add3A_1501 = arith.addi %add3A_1500, %mul3A_1499 : i32
        %broadcast_in_dim3A_1502 = arith.constant 0 : i32
        %broadcast_in_dim3A_1503 = vector.broadcast %broadcast_in_dim3A_1502 : i32 to vector<16xi32>
        %add3A_1504 = vector.broadcast %add3A_1501 : i32 to vector<16xi32>
        %add3A_1505 = arith.addi %broadcast_in_dim3A_1503, %add3A_1504 : vector<16xi32>
        %add3A_1506 = arith.constant 0 : i32
        %add3A_1507 = vector.broadcast %add3A_1506 : i32 to vector<16xi32>
        %add3A_1508 = arith.addi %add3A_1507, %iota3A : vector<16xi32>
        %get3A_1509 = arith.index_cast %add3A_1501 : i32 to index
        %get3A_1510 = arith.constant 0 : index
        %get3A_1511 = tpu.vector_load %arg7[%get3A_1509, %get3A_1510] {strides = array<i32>} : memref<128x64xf32, #tpu.memory_space<vmem>>, vector<16xf32>,
        %jit3A_1512 = arith.constant 8 : i32
        %div3A_1513 = vector.broadcast %jit3A_1512 : i32 to vector<16xi32>
        %div3A_1514 = arith.divsi %add3A_1508, %div3A_1513 : vector<16xi32>
        %sign3A_1515 = arith.constant 0 : i32
        %sign3A_1516 = vector.broadcast %sign3A_1515 : i32 to vector<16xi32>
        %sign3A_1517 = arith.cmpi sgt, %add3A_1508, %sign3A_1516 : vector<16xi32>
        %sign3A_1518 = arith.extui %sign3A_1517 : vector<16xi1> to vector<16xi32>
        %sign3A_1519 = arith.constant 0 : i32
        %sign3A_1520 = vector.broadcast %sign3A_1519 : i32 to vector<16xi32>
        %sign3A_1521 = arith.cmpi slt, %add3A_1508, %sign3A_1520 : vector<16xi32>
        %sign3A_1522 = arith.extui %sign3A_1521 : vector<16xi1> to vector<16xi32>
        %sign3A_1523 = arith.subi %sign3A_1518, %sign3A_1522 : vector<16xi32>
        %sign3A_1524 = arith.constant 0 : i32
        %sign3A_1525 = arith.cmpi sgt, %jit3A_1512, %sign3A_1524 : i32
        %sign3A_1526 = arith.extui %sign3A_1525 : i1 to i32
        %sign3A_1527 = arith.constant 0 : i32
        %sign3A_1528 = arith.cmpi slt, %jit3A_1512, %sign3A_1527 : i32
        %sign3A_1529 = arith.extui %sign3A_1528 : i1 to i32
        %sign3A_1530 = arith.subi %sign3A_1526, %sign3A_1529 : i32
        %ne3A_1531 = vector.broadcast %sign3A_1530 : i32 to vector<16xi32>
        %ne3A_1532 = arith.cmpi ne, %sign3A_1523, %ne3A_1531 : vector<16xi32>
        %rem3A_1533 = vector.broadcast %jit3A_1512 : i32 to vector<16xi32>
        %rem3A_1534 = arith.remsi %add3A_1508, %rem3A_1533 : vector<16xi32>
        %ne3A_1535 = arith.constant 0 : i32
        %ne3A_1536 = vector.broadcast %ne3A_1535 : i32 to vector<16xi32>
        %ne3A_1537 = arith.cmpi ne, %rem3A_1534, %ne3A_1536 : vector<16xi32>
        %and3A_1538 = arith.andi %ne3A_1532, %ne3A_1537 : vector<16xi1>
        %sub3A_1539 = arith.constant 1 : i32
        %sub3A_1540 = vector.broadcast %sub3A_1539 : i32 to vector<16xi32>
        %sub3A_1541 = arith.subi %div3A_1514, %sub3A_1540 : vector<16xi32>
        %select_n3A_1542 = arith.select %and3A_1538, %sub3A_1541, %div3A_1514 : vector<16xi1>, vector<16xi32>
        %jit3A_1543 = arith.constant 8 : i32
        %eq3A_1544 = arith.constant 0 : i32
        %eq3A_1545 = arith.cmpi eq, %jit3A_1543, %eq3A_1544 : i32
        %jit3A_1546 = arith.constant 1 : i32
        %select_n3A_1547 = arith.select %eq3A_1545, %jit3A_1546, %jit3A_1543 : i32
        %rem3A_1548 = vector.broadcast %select_n3A_1547 : i32 to vector<16xi32>
        %rem3A_1549 = arith.remsi %add3A_1508, %rem3A_1548 : vector<16xi32>
        %ne3A_1550 = arith.constant 0 : i32
        %ne3A_1551 = vector.broadcast %ne3A_1550 : i32 to vector<16xi32>
        %ne3A_1552 = arith.cmpi ne, %rem3A_1549, %ne3A_1551 : vector<16xi32>
        %lt3A_1553 = arith.constant 0 : i32
        %lt3A_1554 = vector.broadcast %lt3A_1553 : i32 to vector<16xi32>
        %lt3A_1555 = arith.cmpi slt, %rem3A_1549, %lt3A_1554 : vector<16xi32>
        %lt3A_1556 = arith.constant 0 : i32
        %lt3A_1557 = arith.cmpi slt, %select_n3A_1547, %lt3A_1556 : i32
        %ne3A_1558 = vector.broadcast %lt3A_1557 : i1 to vector<16xi1>
        %ne3A_1559 = vector.broadcast %ne3A_1558 : vector<16xi1> to vector<16xi1>
        %ne3A_1560 = arith.xori %lt3A_1555, %ne3A_1559 : vector<16xi1>
        %and3A_1561 = arith.andi %ne3A_1560, %ne3A_1552 : vector<16xi1>
        %add3A_1562 = vector.broadcast %select_n3A_1547 : i32 to vector<16xi32>
        %add3A_1563 = arith.addi %rem3A_1549, %add3A_1562 : vector<16xi32>
        %select_n3A_1564 = arith.select %and3A_1561, %add3A_1563, %rem3A_1549 : vector<16xi1>, vector<16xi32>
        tpu.vector_store_idx %arg9[%select_n3A_1542, %select_n3A_1564, %add3A_1505], %get3A_1511 : memref<8x8x129xf32, #tpu.memory_space<vmem>>[vector<16xi32>, vector<16xi32>, vector<16xi32>], vector<16xf32>,
        %add3A_1565 = arith.constant 16 : i32
        %add3A_1566 = vector.broadcast %add3A_1565 : i32 to vector<16xi32>
        %add3A_1567 = arith.addi %add3A_1566, %iota3A : vector<16xi32>
        %get3A_1568 = arith.index_cast %add3A_1501 : i32 to index
        %get3A_1569 = arith.constant 16 : index
        %get3A_1570 = tpu.vector_load %arg7[%get3A_1568, %get3A_1569] {strides = array<i32>} : memref<128x64xf32, #tpu.memory_space<vmem>>, vector<16xf32>,
        %jit3A_1571 = arith.constant 8 : i32
        %div3A_1572 = vector.broadcast %jit3A_1571 : i32 to vector<16xi32>
        %div3A_1573 = arith.divsi %add3A_1567, %div3A_1572 : vector<16xi32>
        %sign3A_1574 = arith.constant 0 : i32
        %sign3A_1575 = vector.broadcast %sign3A_1574 : i32 to vector<16xi32>
        %sign3A_1576 = arith.cmpi sgt, %add3A_1567, %sign3A_1575 : vector<16xi32>
        %sign3A_1577 = arith.extui %sign3A_1576 : vector<16xi1> to vector<16xi32>
        %sign3A_1578 = arith.constant 0 : i32
        %sign3A_1579 = vector.broadcast %sign3A_1578 : i32 to vector<16xi32>
        %sign3A_1580 = arith.cmpi slt, %add3A_1567, %sign3A_1579 : vector<16xi32>
        %sign3A_1581 = arith.extui %sign3A_1580 : vector<16xi1> to vector<16xi32>
        %sign3A_1582 = arith.subi %sign3A_1577, %sign3A_1581 : vector<16xi32>
        %sign3A_1583 = arith.constant 0 : i32
        %sign3A_1584 = arith.cmpi sgt, %jit3A_1571, %sign3A_1583 : i32
        %sign3A_1585 = arith.extui %sign3A_1584 : i1 to i32
        %sign3A_1586 = arith.constant 0 : i32
        %sign3A_1587 = arith.cmpi slt, %jit3A_1571, %sign3A_1586 : i32
        %sign3A_1588 = arith.extui %sign3A_1587 : i1 to i32
        %sign3A_1589 = arith.subi %sign3A_1585, %sign3A_1588 : i32
        %ne3A_1590 = vector.broadcast %sign3A_1589 : i32 to vector<16xi32>
        %ne3A_1591 = arith.cmpi ne, %sign3A_1582, %ne3A_1590 : vector<16xi32>
        %rem3A_1592 = vector.broadcast %jit3A_1571 : i32 to vector<16xi32>
        %rem3A_1593 = arith.remsi %add3A_1567, %rem3A_1592 : vector<16xi32>
        %ne3A_1594 = arith.constant 0 : i32
        %ne3A_1595 = vector.broadcast %ne3A_1594 : i32 to vector<16xi32>
        %ne3A_1596 = arith.cmpi ne, %rem3A_1593, %ne3A_1595 : vector<16xi32>
        %and3A_1597 = arith.andi %ne3A_1591, %ne3A_1596 : vector<16xi1>
        %sub3A_1598 = arith.constant 1 : i32
        %sub3A_1599 = vector.broadcast %sub3A_1598 : i32 to vector<16xi32>
        %sub3A_1600 = arith.subi %div3A_1573, %sub3A_1599 : vector<16xi32>
        %select_n3A_1601 = arith.select %and3A_1597, %sub3A_1600, %div3A_1573 : vector<16xi1>, vector<16xi32>
        %jit3A_1602 = arith.constant 8 : i32
        %eq3A_1603 = arith.constant 0 : i32
        %eq3A_1604 = arith.cmpi eq, %jit3A_1602, %eq3A_1603 : i32
        %jit3A_1605 = arith.constant 1 : i32
        %select_n3A_1606 = arith.select %eq3A_1604, %jit3A_1605, %jit3A_1602 : i32
        %rem3A_1607 = vector.broadcast %select_n3A_1606 : i32 to vector<16xi32>
        %rem3A_1608 = arith.remsi %add3A_1567, %rem3A_1607 : vector<16xi32>
        %ne3A_1609 = arith.constant 0 : i32
        %ne3A_1610 = vector.broadcast %ne3A_1609 : i32 to vector<16xi32>
        %ne3A_1611 = arith.cmpi ne, %rem3A_1608, %ne3A_1610 : vector<16xi32>
        %lt3A_1612 = arith.constant 0 : i32
        %lt3A_1613 = vector.broadcast %lt3A_1612 : i32 to vector<16xi32>
        %lt3A_1614 = arith.cmpi slt, %rem3A_1608, %lt3A_1613 : vector<16xi32>
        %lt3A_1615 = arith.constant 0 : i32
        %lt3A_1616 = arith.cmpi slt, %select_n3A_1606, %lt3A_1615 : i32
        %ne3A_1617 = vector.broadcast %lt3A_1616 : i1 to vector<16xi1>
        %ne3A_1618 = vector.broadcast %ne3A_1617 : vector<16xi1> to vector<16xi1>
        %ne3A_1619 = arith.xori %lt3A_1614, %ne3A_1618 : vector<16xi1>
        %and3A_1620 = arith.andi %ne3A_1619, %ne3A_1611 : vector<16xi1>
        %add3A_1621 = vector.broadcast %select_n3A_1606 : i32 to vector<16xi32>
        %add3A_1622 = arith.addi %rem3A_1608, %add3A_1621 : vector<16xi32>
        %select_n3A_1623 = arith.select %and3A_1620, %add3A_1622, %rem3A_1608 : vector<16xi1>, vector<16xi32>
        tpu.vector_store_idx %arg9[%select_n3A_1601, %select_n3A_1623, %add3A_1505], %get3A_1570 : memref<8x8x129xf32, #tpu.memory_space<vmem>>[vector<16xi32>, vector<16xi32>, vector<16xi32>], vector<16xf32>,
        %add3A_1624 = arith.constant 32 : i32
        %add3A_1625 = vector.broadcast %add3A_1624 : i32 to vector<16xi32>
        %add3A_1626 = arith.addi %add3A_1625, %iota3A : vector<16xi32>
        %get3A_1627 = arith.index_cast %add3A_1501 : i32 to index
        %get3A_1628 = arith.constant 32 : index
        %get3A_1629 = tpu.vector_load %arg7[%get3A_1627, %get3A_1628] {strides = array<i32>} : memref<128x64xf32, #tpu.memory_space<vmem>>, vector<16xf32>,
        %jit3A_1630 = arith.constant 8 : i32
        %div3A_1631 = vector.broadcast %jit3A_1630 : i32 to vector<16xi32>
        %div3A_1632 = arith.divsi %add3A_1626, %div3A_1631 : vector<16xi32>
        %sign3A_1633 = arith.constant 0 : i32
        %sign3A_1634 = vector.broadcast %sign3A_1633 : i32 to vector<16xi32>
        %sign3A_1635 = arith.cmpi sgt, %add3A_1626, %sign3A_1634 : vector<16xi32>
        %sign3A_1636 = arith.extui %sign3A_1635 : vector<16xi1> to vector<16xi32>
        %sign3A_1637 = arith.constant 0 : i32
        %sign3A_1638 = vector.broadcast %sign3A_1637 : i32 to vector<16xi32>
        %sign3A_1639 = arith.cmpi slt, %add3A_1626, %sign3A_1638 : vector<16xi32>
        %sign3A_1640 = arith.extui %sign3A_1639 : vector<16xi1> to vector<16xi32>
        %sign3A_1641 = arith.subi %sign3A_1636, %sign3A_1640 : vector<16xi32>
        %sign3A_1642 = arith.constant 0 : i32
        %sign3A_1643 = arith.cmpi sgt, %jit3A_1630, %sign3A_1642 : i32
        %sign3A_1644 = arith.extui %sign3A_1643 : i1 to i32
        %sign3A_1645 = arith.constant 0 : i32
        %sign3A_1646 = arith.cmpi slt, %jit3A_1630, %sign3A_1645 : i32
        %sign3A_1647 = arith.extui %sign3A_1646 : i1 to i32
        %sign3A_1648 = arith.subi %sign3A_1644, %sign3A_1647 : i32
        %ne3A_1649 = vector.broadcast %sign3A_1648 : i32 to vector<16xi32>
        %ne3A_1650 = arith.cmpi ne, %sign3A_1641, %ne3A_1649 : vector<16xi32>
        %rem3A_1651 = vector.broadcast %jit3A_1630 : i32 to vector<16xi32>
        %rem3A_1652 = arith.remsi %add3A_1626, %rem3A_1651 : vector<16xi32>
        %ne3A_1653 = arith.constant 0 : i32
        %ne3A_1654 = vector.broadcast %ne3A_1653 : i32 to vector<16xi32>
        %ne3A_1655 = arith.cmpi ne, %rem3A_1652, %ne3A_1654 : vector<16xi32>
        %and3A_1656 = arith.andi %ne3A_1650, %ne3A_1655 : vector<16xi1>
        %sub3A_1657 = arith.constant 1 : i32
        %sub3A_1658 = vector.broadcast %sub3A_1657 : i32 to vector<16xi32>
        %sub3A_1659 = arith.subi %div3A_1632, %sub3A_1658 : vector<16xi32>
        %select_n3A_1660 = arith.select %and3A_1656, %sub3A_1659, %div3A_1632 : vector<16xi1>, vector<16xi32>
        %jit3A_1661 = arith.constant 8 : i32
        %eq3A_1662 = arith.constant 0 : i32
        %eq3A_1663 = arith.cmpi eq, %jit3A_1661, %eq3A_1662 : i32
        %jit3A_1664 = arith.constant 1 : i32
        %select_n3A_1665 = arith.select %eq3A_1663, %jit3A_1664, %jit3A_1661 : i32
        %rem3A_1666 = vector.broadcast %select_n3A_1665 : i32 to vector<16xi32>
        %rem3A_1667 = arith.remsi %add3A_1626, %rem3A_1666 : vector<16xi32>
        %ne3A_1668 = arith.constant 0 : i32
        %ne3A_1669 = vector.broadcast %ne3A_1668 : i32 to vector<16xi32>
        %ne3A_1670 = arith.cmpi ne, %rem3A_1667, %ne3A_1669 : vector<16xi32>
        %lt3A_1671 = arith.constant 0 : i32
        %lt3A_1672 = vector.broadcast %lt3A_1671 : i32 to vector<16xi32>
        %lt3A_1673 = arith.cmpi slt, %rem3A_1667, %lt3A_1672 : vector<16xi32>
        %lt3A_1674 = arith.constant 0 : i32
        %lt3A_1675 = arith.cmpi slt, %select_n3A_1665, %lt3A_1674 : i32
        %ne3A_1676 = vector.broadcast %lt3A_1675 : i1 to vector<16xi1>
        %ne3A_1677 = vector.broadcast %ne3A_1676 : vector<16xi1> to vector<16xi1>
        %ne3A_1678 = arith.xori %lt3A_1673, %ne3A_1677 : vector<16xi1>
        %and3A_1679 = arith.andi %ne3A_1678, %ne3A_1670 : vector<16xi1>
        %add3A_1680 = vector.broadcast %select_n3A_1665 : i32 to vector<16xi32>
        %add3A_1681 = arith.addi %rem3A_1667, %add3A_1680 : vector<16xi32>
        %select_n3A_1682 = arith.select %and3A_1679, %add3A_1681, %rem3A_1667 : vector<16xi1>, vector<16xi32>
        tpu.vector_store_idx %arg9[%select_n3A_1660, %select_n3A_1682, %add3A_1505], %get3A_1629 : memref<8x8x129xf32, #tpu.memory_space<vmem>>[vector<16xi32>, vector<16xi32>, vector<16xi32>], vector<16xf32>,
        %add3A_1683 = arith.constant 48 : i32
        %add3A_1684 = vector.broadcast %add3A_1683 : i32 to vector<16xi32>
        %add3A_1685 = arith.addi %add3A_1684, %iota3A : vector<16xi32>
        %get3A_1686 = arith.index_cast %add3A_1501 : i32 to index
        %get3A_1687 = arith.constant 48 : index
        %get3A_1688 = tpu.vector_load %arg7[%get3A_1686, %get3A_1687] {strides = array<i32>} : memref<128x64xf32, #tpu.memory_space<vmem>>, vector<16xf32>,
        %jit3A_1689 = arith.constant 8 : i32
        %div3A_1690 = vector.broadcast %jit3A_1689 : i32 to vector<16xi32>
        %div3A_1691 = arith.divsi %add3A_1685, %div3A_1690 : vector<16xi32>
        %sign3A_1692 = arith.constant 0 : i32
        %sign3A_1693 = vector.broadcast %sign3A_1692 : i32 to vector<16xi32>
        %sign3A_1694 = arith.cmpi sgt, %add3A_1685, %sign3A_1693 : vector<16xi32>
        %sign3A_1695 = arith.extui %sign3A_1694 : vector<16xi1> to vector<16xi32>
        %sign3A_1696 = arith.constant 0 : i32
        %sign3A_1697 = vector.broadcast %sign3A_1696 : i32 to vector<16xi32>
        %sign3A_1698 = arith.cmpi slt, %add3A_1685, %sign3A_1697 : vector<16xi32>
        %sign3A_1699 = arith.extui %sign3A_1698 : vector<16xi1> to vector<16xi32>
        %sign3A_1700 = arith.subi %sign3A_1695, %sign3A_1699 : vector<16xi32>
        %sign3A_1701 = arith.constant 0 : i32
        %sign3A_1702 = arith.cmpi sgt, %jit3A_1689, %sign3A_1701 : i32
        %sign3A_1703 = arith.extui %sign3A_1702 : i1 to i32
        %sign3A_1704 = arith.constant 0 : i32
        %sign3A_1705 = arith.cmpi slt, %jit3A_1689, %sign3A_1704 : i32
        %sign3A_1706 = arith.extui %sign3A_1705 : i1 to i32
        %sign3A_1707 = arith.subi %sign3A_1703, %sign3A_1706 : i32
        %ne3A_1708 = vector.broadcast %sign3A_1707 : i32 to vector<16xi32>
        %ne3A_1709 = arith.cmpi ne, %sign3A_1700, %ne3A_1708 : vector<16xi32>
        %rem3A_1710 = vector.broadcast %jit3A_1689 : i32 to vector<16xi32>
        %rem3A_1711 = arith.remsi %add3A_1685, %rem3A_1710 : vector<16xi32>
        %ne3A_1712 = arith.constant 0 : i32
        %ne3A_1713 = vector.broadcast %ne3A_1712 : i32 to vector<16xi32>
        %ne3A_1714 = arith.cmpi ne, %rem3A_1711, %ne3A_1713 : vector<16xi32>
        %and3A_1715 = arith.andi %ne3A_1709, %ne3A_1714 : vector<16xi1>
        %sub3A_1716 = arith.constant 1 : i32
        %sub3A_1717 = vector.broadcast %sub3A_1716 : i32 to vector<16xi32>
        %sub3A_1718 = arith.subi %div3A_1691, %sub3A_1717 : vector<16xi32>
        %select_n3A_1719 = arith.select %and3A_1715, %sub3A_1718, %div3A_1691 : vector<16xi1>, vector<16xi32>
        %jit3A_1720 = arith.constant 8 : i32
        %eq3A_1721 = arith.constant 0 : i32
        %eq3A_1722 = arith.cmpi eq, %jit3A_1720, %eq3A_1721 : i32
        %jit3A_1723 = arith.constant 1 : i32
        %select_n3A_1724 = arith.select %eq3A_1722, %jit3A_1723, %jit3A_1720 : i32
        %rem3A_1725 = vector.broadcast %select_n3A_1724 : i32 to vector<16xi32>
        %rem3A_1726 = arith.remsi %add3A_1685, %rem3A_1725 : vector<16xi32>
        %ne3A_1727 = arith.constant 0 : i32
        %ne3A_1728 = vector.broadcast %ne3A_1727 : i32 to vector<16xi32>
        %ne3A_1729 = arith.cmpi ne, %rem3A_1726, %ne3A_1728 : vector<16xi32>
        %lt3A_1730 = arith.constant 0 : i32
        %lt3A_1731 = vector.broadcast %lt3A_1730 : i32 to vector<16xi32>
        %lt3A_1732 = arith.cmpi slt, %rem3A_1726, %lt3A_1731 : vector<16xi32>
        %lt3A_1733 = arith.constant 0 : i32
        %lt3A_1734 = arith.cmpi slt, %select_n3A_1724, %lt3A_1733 : i32
        %ne3A_1735 = vector.broadcast %lt3A_1734 : i1 to vector<16xi1>
        %ne3A_1736 = vector.broadcast %ne3A_1735 : vector<16xi1> to vector<16xi1>
        %ne3A_1737 = arith.xori %lt3A_1732, %ne3A_1736 : vector<16xi1>
        %and3A_1738 = arith.andi %ne3A_1737, %ne3A_1729 : vector<16xi1>
        %add3A_1739 = vector.broadcast %select_n3A_1724 : i32 to vector<16xi32>
        %add3A_1740 = arith.addi %rem3A_1726, %add3A_1739 : vector<16xi32>
        %select_n3A_1741 = arith.select %and3A_1738, %add3A_1740, %rem3A_1726 : vector<16xi1>, vector<16xi32>
        tpu.vector_store_idx %arg9[%select_n3A_1719, %select_n3A_1741, %add3A_1505], %get3A_1688 : memref<8x8x129xf32, #tpu.memory_space<vmem>>[vector<16xi32>, vector<16xi32>, vector<16xi32>], vector<16xf32>,
        %scan3A_1742 = arith.constant 4 : i32
        %scan3A_1743 = arith.addi %scan3A_770, %scan3A_1742 : i32
        %mul3A_1744 = arith.constant 1 : i32
        %mul3A_1745 = arith.muli %scan3A_1743, %mul3A_1744 : i32
        %add3A_1746 = arith.constant 0 : i32
        %add3A_1747 = arith.addi %add3A_1746, %mul3A_1745 : i32
        %broadcast_in_dim3A_1748 = arith.constant 0 : i32
        %broadcast_in_dim3A_1749 = vector.broadcast %broadcast_in_dim3A_1748 : i32 to vector<16xi32>
        %add3A_1750 = vector.broadcast %add3A_1747 : i32 to vector<16xi32>
        %add3A_1751 = arith.addi %broadcast_in_dim3A_1749, %add3A_1750 : vector<16xi32>
        %add3A_1752 = arith.constant 0 : i32
        %add3A_1753 = vector.broadcast %add3A_1752 : i32 to vector<16xi32>
        %add3A_1754 = arith.addi %add3A_1753, %iota3A : vector<16xi32>
        %get3A_1755 = arith.index_cast %add3A_1747 : i32 to index
        %get3A_1756 = arith.constant 0 : index
        %get3A_1757 = tpu.vector_load %arg7[%get3A_1755, %get3A_1756] {strides = array<i32>} : memref<128x64xf32, #tpu.memory_space<vmem>>, vector<16xf32>,
        %jit3A_1758 = arith.constant 8 : i32
        %div3A_1759 = vector.broadcast %jit3A_1758 : i32 to vector<16xi32>
        %div3A_1760 = arith.divsi %add3A_1754, %div3A_1759 : vector<16xi32>
        %sign3A_1761 = arith.constant 0 : i32
        %sign3A_1762 = vector.broadcast %sign3A_1761 : i32 to vector<16xi32>
        %sign3A_1763 = arith.cmpi sgt, %add3A_1754, %sign3A_1762 : vector<16xi32>
        %sign3A_1764 = arith.extui %sign3A_1763 : vector<16xi1> to vector<16xi32>
        %sign3A_1765 = arith.constant 0 : i32
        %sign3A_1766 = vector.broadcast %sign3A_1765 : i32 to vector<16xi32>
        %sign3A_1767 = arith.cmpi slt, %add3A_1754, %sign3A_1766 : vector<16xi32>
        %sign3A_1768 = arith.extui %sign3A_1767 : vector<16xi1> to vector<16xi32>
        %sign3A_1769 = arith.subi %sign3A_1764, %sign3A_1768 : vector<16xi32>
        %sign3A_1770 = arith.constant 0 : i32
        %sign3A_1771 = arith.cmpi sgt, %jit3A_1758, %sign3A_1770 : i32
        %sign3A_1772 = arith.extui %sign3A_1771 : i1 to i32
        %sign3A_1773 = arith.constant 0 : i32
        %sign3A_1774 = arith.cmpi slt, %jit3A_1758, %sign3A_1773 : i32
        %sign3A_1775 = arith.extui %sign3A_1774 : i1 to i32
        %sign3A_1776 = arith.subi %sign3A_1772, %sign3A_1775 : i32
        %ne3A_1777 = vector.broadcast %sign3A_1776 : i32 to vector<16xi32>
        %ne3A_1778 = arith.cmpi ne, %sign3A_1769, %ne3A_1777 : vector<16xi32>
        %rem3A_1779 = vector.broadcast %jit3A_1758 : i32 to vector<16xi32>
        %rem3A_1780 = arith.remsi %add3A_1754, %rem3A_1779 : vector<16xi32>
        %ne3A_1781 = arith.constant 0 : i32
        %ne3A_1782 = vector.broadcast %ne3A_1781 : i32 to vector<16xi32>
        %ne3A_1783 = arith.cmpi ne, %rem3A_1780, %ne3A_1782 : vector<16xi32>
        %and3A_1784 = arith.andi %ne3A_1778, %ne3A_1783 : vector<16xi1>
        %sub3A_1785 = arith.constant 1 : i32
        %sub3A_1786 = vector.broadcast %sub3A_1785 : i32 to vector<16xi32>
        %sub3A_1787 = arith.subi %div3A_1760, %sub3A_1786 : vector<16xi32>
        %select_n3A_1788 = arith.select %and3A_1784, %sub3A_1787, %div3A_1760 : vector<16xi1>, vector<16xi32>
        %jit3A_1789 = arith.constant 8 : i32
        %eq3A_1790 = arith.constant 0 : i32
        %eq3A_1791 = arith.cmpi eq, %jit3A_1789, %eq3A_1790 : i32
        %jit3A_1792 = arith.constant 1 : i32
        %select_n3A_1793 = arith.select %eq3A_1791, %jit3A_1792, %jit3A_1789 : i32
        %rem3A_1794 = vector.broadcast %select_n3A_1793 : i32 to vector<16xi32>
        %rem3A_1795 = arith.remsi %add3A_1754, %rem3A_1794 : vector<16xi32>
        %ne3A_1796 = arith.constant 0 : i32
        %ne3A_1797 = vector.broadcast %ne3A_1796 : i32 to vector<16xi32>
        %ne3A_1798 = arith.cmpi ne, %rem3A_1795, %ne3A_1797 : vector<16xi32>
        %lt3A_1799 = arith.constant 0 : i32
        %lt3A_1800 = vector.broadcast %lt3A_1799 : i32 to vector<16xi32>
        %lt3A_1801 = arith.cmpi slt, %rem3A_1795, %lt3A_1800 : vector<16xi32>
        %lt3A_1802 = arith.constant 0 : i32
        %lt3A_1803 = arith.cmpi slt, %select_n3A_1793, %lt3A_1802 : i32
        %ne3A_1804 = vector.broadcast %lt3A_1803 : i1 to vector<16xi1>
        %ne3A_1805 = vector.broadcast %ne3A_1804 : vector<16xi1> to vector<16xi1>
        %ne3A_1806 = arith.xori %lt3A_1801, %ne3A_1805 : vector<16xi1>
        %and3A_1807 = arith.andi %ne3A_1806, %ne3A_1798 : vector<16xi1>
        %add3A_1808 = vector.broadcast %select_n3A_1793 : i32 to vector<16xi32>
        %add3A_1809 = arith.addi %rem3A_1795, %add3A_1808 : vector<16xi32>
        %select_n3A_1810 = arith.select %and3A_1807, %add3A_1809, %rem3A_1795 : vector<16xi1>, vector<16xi32>
        tpu.vector_store_idx %arg9[%select_n3A_1788, %select_n3A_1810, %add3A_1751], %get3A_1757 : memref<8x8x129xf32, #tpu.memory_space<vmem>>[vector<16xi32>, vector<16xi32>, vector<16xi32>], vector<16xf32>,
        %add3A_1811 = arith.constant 16 : i32
        %add3A_1812 = vector.broadcast %add3A_1811 : i32 to vector<16xi32>
        %add3A_1813 = arith.addi %add3A_1812, %iota3A : vector<16xi32>
        %get3A_1814 = arith.index_cast %add3A_1747 : i32 to index
        %get3A_1815 = arith.constant 16 : index
        %get3A_1816 = tpu.vector_load %arg7[%get3A_1814, %get3A_1815] {strides = array<i32>} : memref<128x64xf32, #tpu.memory_space<vmem>>, vector<16xf32>,
        %jit3A_1817 = arith.constant 8 : i32
        %div3A_1818 = vector.broadcast %jit3A_1817 : i32 to vector<16xi32>
        %div3A_1819 = arith.divsi %add3A_1813, %div3A_1818 : vector<16xi32>
        %sign3A_1820 = arith.constant 0 : i32
        %sign3A_1821 = vector.broadcast %sign3A_1820 : i32 to vector<16xi32>
        %sign3A_1822 = arith.cmpi sgt, %add3A_1813, %sign3A_1821 : vector<16xi32>
        %sign3A_1823 = arith.extui %sign3A_1822 : vector<16xi1> to vector<16xi32>
        %sign3A_1824 = arith.constant 0 : i32
        %sign3A_1825 = vector.broadcast %sign3A_1824 : i32 to vector<16xi32>
        %sign3A_1826 = arith.cmpi slt, %add3A_1813, %sign3A_1825 : vector<16xi32>
        %sign3A_1827 = arith.extui %sign3A_1826 : vector<16xi1> to vector<16xi32>
        %sign3A_1828 = arith.subi %sign3A_1823, %sign3A_1827 : vector<16xi32>
        %sign3A_1829 = arith.constant 0 : i32
        %sign3A_1830 = arith.cmpi sgt, %jit3A_1817, %sign3A_1829 : i32
        %sign3A_1831 = arith.extui %sign3A_1830 : i1 to i32
        %sign3A_1832 = arith.constant 0 : i32
        %sign3A_1833 = arith.cmpi slt, %jit3A_1817, %sign3A_1832 : i32
        %sign3A_1834 = arith.extui %sign3A_1833 : i1 to i32
        %sign3A_1835 = arith.subi %sign3A_1831, %sign3A_1834 : i32
        %ne3A_1836 = vector.broadcast %sign3A_1835 : i32 to vector<16xi32>
        %ne3A_1837 = arith.cmpi ne, %sign3A_1828, %ne3A_1836 : vector<16xi32>
        %rem3A_1838 = vector.broadcast %jit3A_1817 : i32 to vector<16xi32>
        %rem3A_1839 = arith.remsi %add3A_1813, %rem3A_1838 : vector<16xi32>
        %ne3A_1840 = arith.constant 0 : i32
        %ne3A_1841 = vector.broadcast %ne3A_1840 : i32 to vector<16xi32>
        %ne3A_1842 = arith.cmpi ne, %rem3A_1839, %ne3A_1841 : vector<16xi32>
        %and3A_1843 = arith.andi %ne3A_1837, %ne3A_1842 : vector<16xi1>
        %sub3A_1844 = arith.constant 1 : i32
        %sub3A_1845 = vector.broadcast %sub3A_1844 : i32 to vector<16xi32>
        %sub3A_1846 = arith.subi %div3A_1819, %sub3A_1845 : vector<16xi32>
        %select_n3A_1847 = arith.select %and3A_1843, %sub3A_1846, %div3A_1819 : vector<16xi1>, vector<16xi32>
        %jit3A_1848 = arith.constant 8 : i32
        %eq3A_1849 = arith.constant 0 : i32
        %eq3A_1850 = arith.cmpi eq, %jit3A_1848, %eq3A_1849 : i32
        %jit3A_1851 = arith.constant 1 : i32
        %select_n3A_1852 = arith.select %eq3A_1850, %jit3A_1851, %jit3A_1848 : i32
        %rem3A_1853 = vector.broadcast %select_n3A_1852 : i32 to vector<16xi32>
        %rem3A_1854 = arith.remsi %add3A_1813, %rem3A_1853 : vector<16xi32>
        %ne3A_1855 = arith.constant 0 : i32
        %ne3A_1856 = vector.broadcast %ne3A_1855 : i32 to vector<16xi32>
        %ne3A_1857 = arith.cmpi ne, %rem3A_1854, %ne3A_1856 : vector<16xi32>
        %lt3A_1858 = arith.constant 0 : i32
        %lt3A_1859 = vector.broadcast %lt3A_1858 : i32 to vector<16xi32>
        %lt3A_1860 = arith.cmpi slt, %rem3A_1854, %lt3A_1859 : vector<16xi32>
        %lt3A_1861 = arith.constant 0 : i32
        %lt3A_1862 = arith.cmpi slt, %select_n3A_1852, %lt3A_1861 : i32
        %ne3A_1863 = vector.broadcast %lt3A_1862 : i1 to vector<16xi1>
        %ne3A_1864 = vector.broadcast %ne3A_1863 : vector<16xi1> to vector<16xi1>
        %ne3A_1865 = arith.xori %lt3A_1860, %ne3A_1864 : vector<16xi1>
        %and3A_1866 = arith.andi %ne3A_1865, %ne3A_1857 : vector<16xi1>
        %add3A_1867 = vector.broadcast %select_n3A_1852 : i32 to vector<16xi32>
        %add3A_1868 = arith.addi %rem3A_1854, %add3A_1867 : vector<16xi32>
        %select_n3A_1869 = arith.select %and3A_1866, %add3A_1868, %rem3A_1854 : vector<16xi1>, vector<16xi32>
        tpu.vector_store_idx %arg9[%select_n3A_1847, %select_n3A_1869, %add3A_1751], %get3A_1816 : memref<8x8x129xf32, #tpu.memory_space<vmem>>[vector<16xi32>, vector<16xi32>, vector<16xi32>], vector<16xf32>,
        %add3A_1870 = arith.constant 32 : i32
        %add3A_1871 = vector.broadcast %add3A_1870 : i32 to vector<16xi32>
        %add3A_1872 = arith.addi %add3A_1871, %iota3A : vector<16xi32>
        %get3A_1873 = arith.index_cast %add3A_1747 : i32 to index
        %get3A_1874 = arith.constant 32 : index
        %get3A_1875 = tpu.vector_load %arg7[%get3A_1873, %get3A_1874] {strides = array<i32>} : memref<128x64xf32, #tpu.memory_space<vmem>>, vector<16xf32>,
        %jit3A_1876 = arith.constant 8 : i32
        %div3A_1877 = vector.broadcast %jit3A_1876 : i32 to vector<16xi32>
        %div3A_1878 = arith.divsi %add3A_1872, %div3A_1877 : vector<16xi32>
        %sign3A_1879 = arith.constant 0 : i32
        %sign3A_1880 = vector.broadcast %sign3A_1879 : i32 to vector<16xi32>
        %sign3A_1881 = arith.cmpi sgt, %add3A_1872, %sign3A_1880 : vector<16xi32>
        %sign3A_1882 = arith.extui %sign3A_1881 : vector<16xi1> to vector<16xi32>
        %sign3A_1883 = arith.constant 0 : i32
        %sign3A_1884 = vector.broadcast %sign3A_1883 : i32 to vector<16xi32>
        %sign3A_1885 = arith.cmpi slt, %add3A_1872, %sign3A_1884 : vector<16xi32>
        %sign3A_1886 = arith.extui %sign3A_1885 : vector<16xi1> to vector<16xi32>
        %sign3A_1887 = arith.subi %sign3A_1882, %sign3A_1886 : vector<16xi32>
        %sign3A_1888 = arith.constant 0 : i32
        %sign3A_1889 = arith.cmpi sgt, %jit3A_1876, %sign3A_1888 : i32
        %sign3A_1890 = arith.extui %sign3A_1889 : i1 to i32
        %sign3A_1891 = arith.constant 0 : i32
        %sign3A_1892 = arith.cmpi slt, %jit3A_1876, %sign3A_1891 : i32
        %sign3A_1893 = arith.extui %sign3A_1892 : i1 to i32
        %sign3A_1894 = arith.subi %sign3A_1890, %sign3A_1893 : i32
        %ne3A_1895 = vector.broadcast %sign3A_1894 : i32 to vector<16xi32>
        %ne3A_1896 = arith.cmpi ne, %sign3A_1887, %ne3A_1895 : vector<16xi32>
        %rem3A_1897 = vector.broadcast %jit3A_1876 : i32 to vector<16xi32>
        %rem3A_1898 = arith.remsi %add3A_1872, %rem3A_1897 : vector<16xi32>
        %ne3A_1899 = arith.constant 0 : i32
        %ne3A_1900 = vector.broadcast %ne3A_1899 : i32 to vector<16xi32>
        %ne3A_1901 = arith.cmpi ne, %rem3A_1898, %ne3A_1900 : vector<16xi32>
        %and3A_1902 = arith.andi %ne3A_1896, %ne3A_1901 : vector<16xi1>
        %sub3A_1903 = arith.constant 1 : i32
        %sub3A_1904 = vector.broadcast %sub3A_1903 : i32 to vector<16xi32>
        %sub3A_1905 = arith.subi %div3A_1878, %sub3A_1904 : vector<16xi32>
        %select_n3A_1906 = arith.select %and3A_1902, %sub3A_1905, %div3A_1878 : vector<16xi1>, vector<16xi32>
        %jit3A_1907 = arith.constant 8 : i32
        %eq3A_1908 = arith.constant 0 : i32
        %eq3A_1909 = arith.cmpi eq, %jit3A_1907, %eq3A_1908 : i32
        %jit3A_1910 = arith.constant 1 : i32
        %select_n3A_1911 = arith.select %eq3A_1909, %jit3A_1910, %jit3A_1907 : i32
        %rem3A_1912 = vector.broadcast %select_n3A_1911 : i32 to vector<16xi32>
        %rem3A_1913 = arith.remsi %add3A_1872, %rem3A_1912 : vector<16xi32>
        %ne3A_1914 = arith.constant 0 : i32
        %ne3A_1915 = vector.broadcast %ne3A_1914 : i32 to vector<16xi32>
        %ne3A_1916 = arith.cmpi ne, %rem3A_1913, %ne3A_1915 : vector<16xi32>
        %lt3A_1917 = arith.constant 0 : i32
        %lt3A_1918 = vector.broadcast %lt3A_1917 : i32 to vector<16xi32>
        %lt3A_1919 = arith.cmpi slt, %rem3A_1913, %lt3A_1918 : vector<16xi32>
        %lt3A_1920 = arith.constant 0 : i32
        %lt3A_1921 = arith.cmpi slt, %select_n3A_1911, %lt3A_1920 : i32
        %ne3A_1922 = vector.broadcast %lt3A_1921 : i1 to vector<16xi1>
        %ne3A_1923 = vector.broadcast %ne3A_1922 : vector<16xi1> to vector<16xi1>
        %ne3A_1924 = arith.xori %lt3A_1919, %ne3A_1923 : vector<16xi1>
        %and3A_1925 = arith.andi %ne3A_1924, %ne3A_1916 : vector<16xi1>
        %add3A_1926 = vector.broadcast %select_n3A_1911 : i32 to vector<16xi32>
        %add3A_1927 = arith.addi %rem3A_1913, %add3A_1926 : vector<16xi32>
        %select_n3A_1928 = arith.select %and3A_1925, %add3A_1927, %rem3A_1913 : vector<16xi1>, vector<16xi32>
        tpu.vector_store_idx %arg9[%select_n3A_1906, %select_n3A_1928, %add3A_1751], %get3A_1875 : memref<8x8x129xf32, #tpu.memory_space<vmem>>[vector<16xi32>, vector<16xi32>, vector<16xi32>], vector<16xf32>,
        %add3A_1929 = arith.constant 48 : i32
        %add3A_1930 = vector.broadcast %add3A_1929 : i32 to vector<16xi32>
        %add3A_1931 = arith.addi %add3A_1930, %iota3A : vector<16xi32>
        %get3A_1932 = arith.index_cast %add3A_1747 : i32 to index
        %get3A_1933 = arith.constant 48 : index
        %get3A_1934 = tpu.vector_load %arg7[%get3A_1932, %get3A_1933] {strides = array<i32>} : memref<128x64xf32, #tpu.memory_space<vmem>>, vector<16xf32>,
        %jit3A_1935 = arith.constant 8 : i32
        %div3A_1936 = vector.broadcast %jit3A_1935 : i32 to vector<16xi32>
        %div3A_1937 = arith.divsi %add3A_1931, %div3A_1936 : vector<16xi32>
        %sign3A_1938 = arith.constant 0 : i32
        %sign3A_1939 = vector.broadcast %sign3A_1938 : i32 to vector<16xi32>
        %sign3A_1940 = arith.cmpi sgt, %add3A_1931, %sign3A_1939 : vector<16xi32>
        %sign3A_1941 = arith.extui %sign3A_1940 : vector<16xi1> to vector<16xi32>
        %sign3A_1942 = arith.constant 0 : i32
        %sign3A_1943 = vector.broadcast %sign3A_1942 : i32 to vector<16xi32>
        %sign3A_1944 = arith.cmpi slt, %add3A_1931, %sign3A_1943 : vector<16xi32>
        %sign3A_1945 = arith.extui %sign3A_1944 : vector<16xi1> to vector<16xi32>
        %sign3A_1946 = arith.subi %sign3A_1941, %sign3A_1945 : vector<16xi32>
        %sign3A_1947 = arith.constant 0 : i32
        %sign3A_1948 = arith.cmpi sgt, %jit3A_1935, %sign3A_1947 : i32
        %sign3A_1949 = arith.extui %sign3A_1948 : i1 to i32
        %sign3A_1950 = arith.constant 0 : i32
        %sign3A_1951 = arith.cmpi slt, %jit3A_1935, %sign3A_1950 : i32
        %sign3A_1952 = arith.extui %sign3A_1951 : i1 to i32
        %sign3A_1953 = arith.subi %sign3A_1949, %sign3A_1952 : i32
        %ne3A_1954 = vector.broadcast %sign3A_1953 : i32 to vector<16xi32>
        %ne3A_1955 = arith.cmpi ne, %sign3A_1946, %ne3A_1954 : vector<16xi32>
        %rem3A_1956 = vector.broadcast %jit3A_1935 : i32 to vector<16xi32>
        %rem3A_1957 = arith.remsi %add3A_1931, %rem3A_1956 : vector<16xi32>
        %ne3A_1958 = arith.constant 0 : i32
        %ne3A_1959 = vector.broadcast %ne3A_1958 : i32 to vector<16xi32>
        %ne3A_1960 = arith.cmpi ne, %rem3A_1957, %ne3A_1959 : vector<16xi32>
        %and3A_1961 = arith.andi %ne3A_1955, %ne3A_1960 : vector<16xi1>
        %sub3A_1962 = arith.constant 1 : i32
        %sub3A_1963 = vector.broadcast %sub3A_1962 : i32 to vector<16xi32>
        %sub3A_1964 = arith.subi %div3A_1937, %sub3A_1963 : vector<16xi32>
        %select_n3A_1965 = arith.select %and3A_1961, %sub3A_1964, %div3A_1937 : vector<16xi1>, vector<16xi32>
        %jit3A_1966 = arith.constant 8 : i32
        %eq3A_1967 = arith.constant 0 : i32
        %eq3A_1968 = arith.cmpi eq, %jit3A_1966, %eq3A_1967 : i32
        %jit3A_1969 = arith.constant 1 : i32
        %select_n3A_1970 = arith.select %eq3A_1968, %jit3A_1969, %jit3A_1966 : i32
        %rem3A_1971 = vector.broadcast %select_n3A_1970 : i32 to vector<16xi32>
        %rem3A_1972 = arith.remsi %add3A_1931, %rem3A_1971 : vector<16xi32>
        %ne3A_1973 = arith.constant 0 : i32
        %ne3A_1974 = vector.broadcast %ne3A_1973 : i32 to vector<16xi32>
        %ne3A_1975 = arith.cmpi ne, %rem3A_1972, %ne3A_1974 : vector<16xi32>
        %lt3A_1976 = arith.constant 0 : i32
        %lt3A_1977 = vector.broadcast %lt3A_1976 : i32 to vector<16xi32>
        %lt3A_1978 = arith.cmpi slt, %rem3A_1972, %lt3A_1977 : vector<16xi32>
        %lt3A_1979 = arith.constant 0 : i32
        %lt3A_1980 = arith.cmpi slt, %select_n3A_1970, %lt3A_1979 : i32
        %ne3A_1981 = vector.broadcast %lt3A_1980 : i1 to vector<16xi1>
        %ne3A_1982 = vector.broadcast %ne3A_1981 : vector<16xi1> to vector<16xi1>
        %ne3A_1983 = arith.xori %lt3A_1978, %ne3A_1982 : vector<16xi1>
        %and3A_1984 = arith.andi %ne3A_1983, %ne3A_1975 : vector<16xi1>
        %add3A_1985 = vector.broadcast %select_n3A_1970 : i32 to vector<16xi32>
        %add3A_1986 = arith.addi %rem3A_1972, %add3A_1985 : vector<16xi32>
        %select_n3A_1987 = arith.select %and3A_1984, %add3A_1986, %rem3A_1972 : vector<16xi1>, vector<16xi32>
        tpu.vector_store_idx %arg9[%select_n3A_1965, %select_n3A_1987, %add3A_1751], %get3A_1934 : memref<8x8x129xf32, #tpu.memory_space<vmem>>[vector<16xi32>, vector<16xi32>, vector<16xi32>], vector<16xf32>,
        %scan3A_1988 = arith.constant 5 : i32
        %scan3A_1989 = arith.addi %scan3A_770, %scan3A_1988 : i32
        %mul3A_1990 = arith.constant 1 : i32
        %mul3A_1991 = arith.muli %scan3A_1989, %mul3A_1990 : i32
        %add3A_1992 = arith.constant 0 : i32
        %add3A_1993 = arith.addi %add3A_1992, %mul3A_1991 : i32
        %broadcast_in_dim3A_1994 = arith.constant 0 : i32
        %broadcast_in_dim3A_1995 = vector.broadcast %broadcast_in_dim3A_1994 : i32 to vector<16xi32>
        %add3A_1996 = vector.broadcast %add3A_1993 : i32 to vector<16xi32>
        %add3A_1997 = arith.addi %broadcast_in_dim3A_1995, %add3A_1996 : vector<16xi32>
        %add3A_1998 = arith.constant 0 : i32
        %add3A_1999 = vector.broadcast %add3A_1998 : i32 to vector<16xi32>
        %add3A_2000 = arith.addi %add3A_1999, %iota3A : vector<16xi32>
        %get3A_2001 = arith.index_cast %add3A_1993 : i32 to index
        %get3A_2002 = arith.constant 0 : index
        %get3A_2003 = tpu.vector_load %arg7[%get3A_2001, %get3A_2002] {strides = array<i32>} : memref<128x64xf32, #tpu.memory_space<vmem>>, vector<16xf32>,
        %jit3A_2004 = arith.constant 8 : i32
        %div3A_2005 = vector.broadcast %jit3A_2004 : i32 to vector<16xi32>
        %div3A_2006 = arith.divsi %add3A_2000, %div3A_2005 : vector<16xi32>
        %sign3A_2007 = arith.constant 0 : i32
        %sign3A_2008 = vector.broadcast %sign3A_2007 : i32 to vector<16xi32>
        %sign3A_2009 = arith.cmpi sgt, %add3A_2000, %sign3A_2008 : vector<16xi32>
        %sign3A_2010 = arith.extui %sign3A_2009 : vector<16xi1> to vector<16xi32>
        %sign3A_2011 = arith.constant 0 : i32
        %sign3A_2012 = vector.broadcast %sign3A_2011 : i32 to vector<16xi32>
        %sign3A_2013 = arith.cmpi slt, %add3A_2000, %sign3A_2012 : vector<16xi32>
        %sign3A_2014 = arith.extui %sign3A_2013 : vector<16xi1> to vector<16xi32>
        %sign3A_2015 = arith.subi %sign3A_2010, %sign3A_2014 : vector<16xi32>
        %sign3A_2016 = arith.constant 0 : i32
        %sign3A_2017 = arith.cmpi sgt, %jit3A_2004, %sign3A_2016 : i32
        %sign3A_2018 = arith.extui %sign3A_2017 : i1 to i32
        %sign3A_2019 = arith.constant 0 : i32
        %sign3A_2020 = arith.cmpi slt, %jit3A_2004, %sign3A_2019 : i32
        %sign3A_2021 = arith.extui %sign3A_2020 : i1 to i32
        %sign3A_2022 = arith.subi %sign3A_2018, %sign3A_2021 : i32
        %ne3A_2023 = vector.broadcast %sign3A_2022 : i32 to vector<16xi32>
        %ne3A_2024 = arith.cmpi ne, %sign3A_2015, %ne3A_2023 : vector<16xi32>
        %rem3A_2025 = vector.broadcast %jit3A_2004 : i32 to vector<16xi32>
        %rem3A_2026 = arith.remsi %add3A_2000, %rem3A_2025 : vector<16xi32>
        %ne3A_2027 = arith.constant 0 : i32
        %ne3A_2028 = vector.broadcast %ne3A_2027 : i32 to vector<16xi32>
        %ne3A_2029 = arith.cmpi ne, %rem3A_2026, %ne3A_2028 : vector<16xi32>
        %and3A_2030 = arith.andi %ne3A_2024, %ne3A_2029 : vector<16xi1>
        %sub3A_2031 = arith.constant 1 : i32
        %sub3A_2032 = vector.broadcast %sub3A_2031 : i32 to vector<16xi32>
        %sub3A_2033 = arith.subi %div3A_2006, %sub3A_2032 : vector<16xi32>
        %select_n3A_2034 = arith.select %and3A_2030, %sub3A_2033, %div3A_2006 : vector<16xi1>, vector<16xi32>
        %jit3A_2035 = arith.constant 8 : i32
        %eq3A_2036 = arith.constant 0 : i32
        %eq3A_2037 = arith.cmpi eq, %jit3A_2035, %eq3A_2036 : i32
        %jit3A_2038 = arith.constant 1 : i32
        %select_n3A_2039 = arith.select %eq3A_2037, %jit3A_2038, %jit3A_2035 : i32
        %rem3A_2040 = vector.broadcast %select_n3A_2039 : i32 to vector<16xi32>
        %rem3A_2041 = arith.remsi %add3A_2000, %rem3A_2040 : vector<16xi32>
        %ne3A_2042 = arith.constant 0 : i32
        %ne3A_2043 = vector.broadcast %ne3A_2042 : i32 to vector<16xi32>
        %ne3A_2044 = arith.cmpi ne, %rem3A_2041, %ne3A_2043 : vector<16xi32>
        %lt3A_2045 = arith.constant 0 : i32
        %lt3A_2046 = vector.broadcast %lt3A_2045 : i32 to vector<16xi32>
        %lt3A_2047 = arith.cmpi slt, %rem3A_2041, %lt3A_2046 : vector<16xi32>
        %lt3A_2048 = arith.constant 0 : i32
        %lt3A_2049 = arith.cmpi slt, %select_n3A_2039, %lt3A_2048 : i32
        %ne3A_2050 = vector.broadcast %lt3A_2049 : i1 to vector<16xi1>
        %ne3A_2051 = vector.broadcast %ne3A_2050 : vector<16xi1> to vector<16xi1>
        %ne3A_2052 = arith.xori %lt3A_2047, %ne3A_2051 : vector<16xi1>
        %and3A_2053 = arith.andi %ne3A_2052, %ne3A_2044 : vector<16xi1>
        %add3A_2054 = vector.broadcast %select_n3A_2039 : i32 to vector<16xi32>
        %add3A_2055 = arith.addi %rem3A_2041, %add3A_2054 : vector<16xi32>
        %select_n3A_2056 = arith.select %and3A_2053, %add3A_2055, %rem3A_2041 : vector<16xi1>, vector<16xi32>
        tpu.vector_store_idx %arg9[%select_n3A_2034, %select_n3A_2056, %add3A_1997], %get3A_2003 : memref<8x8x129xf32, #tpu.memory_space<vmem>>[vector<16xi32>, vector<16xi32>, vector<16xi32>], vector<16xf32>,
        %add3A_2057 = arith.constant 16 : i32
        %add3A_2058 = vector.broadcast %add3A_2057 : i32 to vector<16xi32>
        %add3A_2059 = arith.addi %add3A_2058, %iota3A : vector<16xi32>
        %get3A_2060 = arith.index_cast %add3A_1993 : i32 to index
        %get3A_2061 = arith.constant 16 : index
        %get3A_2062 = tpu.vector_load %arg7[%get3A_2060, %get3A_2061] {strides = array<i32>} : memref<128x64xf32, #tpu.memory_space<vmem>>, vector<16xf32>,
        %jit3A_2063 = arith.constant 8 : i32
        %div3A_2064 = vector.broadcast %jit3A_2063 : i32 to vector<16xi32>
        %div3A_2065 = arith.divsi %add3A_2059, %div3A_2064 : vector<16xi32>
        %sign3A_2066 = arith.constant 0 : i32
        %sign3A_2067 = vector.broadcast %sign3A_2066 : i32 to vector<16xi32>
        %sign3A_2068 = arith.cmpi sgt, %add3A_2059, %sign3A_2067 : vector<16xi32>
        %sign3A_2069 = arith.extui %sign3A_2068 : vector<16xi1> to vector<16xi32>
        %sign3A_2070 = arith.constant 0 : i32
        %sign3A_2071 = vector.broadcast %sign3A_2070 : i32 to vector<16xi32>
        %sign3A_2072 = arith.cmpi slt, %add3A_2059, %sign3A_2071 : vector<16xi32>
        %sign3A_2073 = arith.extui %sign3A_2072 : vector<16xi1> to vector<16xi32>
        %sign3A_2074 = arith.subi %sign3A_2069, %sign3A_2073 : vector<16xi32>
        %sign3A_2075 = arith.constant 0 : i32
        %sign3A_2076 = arith.cmpi sgt, %jit3A_2063, %sign3A_2075 : i32
        %sign3A_2077 = arith.extui %sign3A_2076 : i1 to i32
        %sign3A_2078 = arith.constant 0 : i32
        %sign3A_2079 = arith.cmpi slt, %jit3A_2063, %sign3A_2078 : i32
        %sign3A_2080 = arith.extui %sign3A_2079 : i1 to i32
        %sign3A_2081 = arith.subi %sign3A_2077, %sign3A_2080 : i32
        %ne3A_2082 = vector.broadcast %sign3A_2081 : i32 to vector<16xi32>
        %ne3A_2083 = arith.cmpi ne, %sign3A_2074, %ne3A_2082 : vector<16xi32>
        %rem3A_2084 = vector.broadcast %jit3A_2063 : i32 to vector<16xi32>
        %rem3A_2085 = arith.remsi %add3A_2059, %rem3A_2084 : vector<16xi32>
        %ne3A_2086 = arith.constant 0 : i32
        %ne3A_2087 = vector.broadcast %ne3A_2086 : i32 to vector<16xi32>
        %ne3A_2088 = arith.cmpi ne, %rem3A_2085, %ne3A_2087 : vector<16xi32>
        %and3A_2089 = arith.andi %ne3A_2083, %ne3A_2088 : vector<16xi1>
        %sub3A_2090 = arith.constant 1 : i32
        %sub3A_2091 = vector.broadcast %sub3A_2090 : i32 to vector<16xi32>
        %sub3A_2092 = arith.subi %div3A_2065, %sub3A_2091 : vector<16xi32>
        %select_n3A_2093 = arith.select %and3A_2089, %sub3A_2092, %div3A_2065 : vector<16xi1>, vector<16xi32>
        %jit3A_2094 = arith.constant 8 : i32
        %eq3A_2095 = arith.constant 0 : i32
        %eq3A_2096 = arith.cmpi eq, %jit3A_2094, %eq3A_2095 : i32
        %jit3A_2097 = arith.constant 1 : i32
        %select_n3A_2098 = arith.select %eq3A_2096, %jit3A_2097, %jit3A_2094 : i32
        %rem3A_2099 = vector.broadcast %select_n3A_2098 : i32 to vector<16xi32>
        %rem3A_2100 = arith.remsi %add3A_2059, %rem3A_2099 : vector<16xi32>
        %ne3A_2101 = arith.constant 0 : i32
        %ne3A_2102 = vector.broadcast %ne3A_2101 : i32 to vector<16xi32>
        %ne3A_2103 = arith.cmpi ne, %rem3A_2100, %ne3A_2102 : vector<16xi32>
        %lt3A_2104 = arith.constant 0 : i32
        %lt3A_2105 = vector.broadcast %lt3A_2104 : i32 to vector<16xi32>
        %lt3A_2106 = arith.cmpi slt, %rem3A_2100, %lt3A_2105 : vector<16xi32>
        %lt3A_2107 = arith.constant 0 : i32
        %lt3A_2108 = arith.cmpi slt, %select_n3A_2098, %lt3A_2107 : i32
        %ne3A_2109 = vector.broadcast %lt3A_2108 : i1 to vector<16xi1>
        %ne3A_2110 = vector.broadcast %ne3A_2109 : vector<16xi1> to vector<16xi1>
        %ne3A_2111 = arith.xori %lt3A_2106, %ne3A_2110 : vector<16xi1>
        %and3A_2112 = arith.andi %ne3A_2111, %ne3A_2103 : vector<16xi1>
        %add3A_2113 = vector.broadcast %select_n3A_2098 : i32 to vector<16xi32>
        %add3A_2114 = arith.addi %rem3A_2100, %add3A_2113 : vector<16xi32>
        %select_n3A_2115 = arith.select %and3A_2112, %add3A_2114, %rem3A_2100 : vector<16xi1>, vector<16xi32>
        tpu.vector_store_idx %arg9[%select_n3A_2093, %select_n3A_2115, %add3A_1997], %get3A_2062 : memref<8x8x129xf32, #tpu.memory_space<vmem>>[vector<16xi32>, vector<16xi32>, vector<16xi32>], vector<16xf32>,
        %add3A_2116 = arith.constant 32 : i32
        %add3A_2117 = vector.broadcast %add3A_2116 : i32 to vector<16xi32>
        %add3A_2118 = arith.addi %add3A_2117, %iota3A : vector<16xi32>
        %get3A_2119 = arith.index_cast %add3A_1993 : i32 to index
        %get3A_2120 = arith.constant 32 : index
        %get3A_2121 = tpu.vector_load %arg7[%get3A_2119, %get3A_2120] {strides = array<i32>} : memref<128x64xf32, #tpu.memory_space<vmem>>, vector<16xf32>,
        %jit3A_2122 = arith.constant 8 : i32
        %div3A_2123 = vector.broadcast %jit3A_2122 : i32 to vector<16xi32>
        %div3A_2124 = arith.divsi %add3A_2118, %div3A_2123 : vector<16xi32>
        %sign3A_2125 = arith.constant 0 : i32
        %sign3A_2126 = vector.broadcast %sign3A_2125 : i32 to vector<16xi32>
        %sign3A_2127 = arith.cmpi sgt, %add3A_2118, %sign3A_2126 : vector<16xi32>
        %sign3A_2128 = arith.extui %sign3A_2127 : vector<16xi1> to vector<16xi32>
        %sign3A_2129 = arith.constant 0 : i32
        %sign3A_2130 = vector.broadcast %sign3A_2129 : i32 to vector<16xi32>
        %sign3A_2131 = arith.cmpi slt, %add3A_2118, %sign3A_2130 : vector<16xi32>
        %sign3A_2132 = arith.extui %sign3A_2131 : vector<16xi1> to vector<16xi32>
        %sign3A_2133 = arith.subi %sign3A_2128, %sign3A_2132 : vector<16xi32>
        %sign3A_2134 = arith.constant 0 : i32
        %sign3A_2135 = arith.cmpi sgt, %jit3A_2122, %sign3A_2134 : i32
        %sign3A_2136 = arith.extui %sign3A_2135 : i1 to i32
        %sign3A_2137 = arith.constant 0 : i32
        %sign3A_2138 = arith.cmpi slt, %jit3A_2122, %sign3A_2137 : i32
        %sign3A_2139 = arith.extui %sign3A_2138 : i1 to i32
        %sign3A_2140 = arith.subi %sign3A_2136, %sign3A_2139 : i32
        %ne3A_2141 = vector.broadcast %sign3A_2140 : i32 to vector<16xi32>
        %ne3A_2142 = arith.cmpi ne, %sign3A_2133, %ne3A_2141 : vector<16xi32>
        %rem3A_2143 = vector.broadcast %jit3A_2122 : i32 to vector<16xi32>
        %rem3A_2144 = arith.remsi %add3A_2118, %rem3A_2143 : vector<16xi32>
        %ne3A_2145 = arith.constant 0 : i32
        %ne3A_2146 = vector.broadcast %ne3A_2145 : i32 to vector<16xi32>
        %ne3A_2147 = arith.cmpi ne, %rem3A_2144, %ne3A_2146 : vector<16xi32>
        %and3A_2148 = arith.andi %ne3A_2142, %ne3A_2147 : vector<16xi1>
        %sub3A_2149 = arith.constant 1 : i32
        %sub3A_2150 = vector.broadcast %sub3A_2149 : i32 to vector<16xi32>
        %sub3A_2151 = arith.subi %div3A_2124, %sub3A_2150 : vector<16xi32>
        %select_n3A_2152 = arith.select %and3A_2148, %sub3A_2151, %div3A_2124 : vector<16xi1>, vector<16xi32>
        %jit3A_2153 = arith.constant 8 : i32
        %eq3A_2154 = arith.constant 0 : i32
        %eq3A_2155 = arith.cmpi eq, %jit3A_2153, %eq3A_2154 : i32
        %jit3A_2156 = arith.constant 1 : i32
        %select_n3A_2157 = arith.select %eq3A_2155, %jit3A_2156, %jit3A_2153 : i32
        %rem3A_2158 = vector.broadcast %select_n3A_2157 : i32 to vector<16xi32>
        %rem3A_2159 = arith.remsi %add3A_2118, %rem3A_2158 : vector<16xi32>
        %ne3A_2160 = arith.constant 0 : i32
        %ne3A_2161 = vector.broadcast %ne3A_2160 : i32 to vector<16xi32>
        %ne3A_2162 = arith.cmpi ne, %rem3A_2159, %ne3A_2161 : vector<16xi32>
        %lt3A_2163 = arith.constant 0 : i32
        %lt3A_2164 = vector.broadcast %lt3A_2163 : i32 to vector<16xi32>
        %lt3A_2165 = arith.cmpi slt, %rem3A_2159, %lt3A_2164 : vector<16xi32>
        %lt3A_2166 = arith.constant 0 : i32
        %lt3A_2167 = arith.cmpi slt, %select_n3A_2157, %lt3A_2166 : i32
        %ne3A_2168 = vector.broadcast %lt3A_2167 : i1 to vector<16xi1>
        %ne3A_2169 = vector.broadcast %ne3A_2168 : vector<16xi1> to vector<16xi1>
        %ne3A_2170 = arith.xori %lt3A_2165, %ne3A_2169 : vector<16xi1>
        %and3A_2171 = arith.andi %ne3A_2170, %ne3A_2162 : vector<16xi1>
        %add3A_2172 = vector.broadcast %select_n3A_2157 : i32 to vector<16xi32>
        %add3A_2173 = arith.addi %rem3A_2159, %add3A_2172 : vector<16xi32>
        %select_n3A_2174 = arith.select %and3A_2171, %add3A_2173, %rem3A_2159 : vector<16xi1>, vector<16xi32>
        tpu.vector_store_idx %arg9[%select_n3A_2152, %select_n3A_2174, %add3A_1997], %get3A_2121 : memref<8x8x129xf32, #tpu.memory_space<vmem>>[vector<16xi32>, vector<16xi32>, vector<16xi32>], vector<16xf32>,
        %add3A_2175 = arith.constant 48 : i32
        %add3A_2176 = vector.broadcast %add3A_2175 : i32 to vector<16xi32>
        %add3A_2177 = arith.addi %add3A_2176, %iota3A : vector<16xi32>
        %get3A_2178 = arith.index_cast %add3A_1993 : i32 to index
        %get3A_2179 = arith.constant 48 : index
        %get3A_2180 = tpu.vector_load %arg7[%get3A_2178, %get3A_2179] {strides = array<i32>} : memref<128x64xf32, #tpu.memory_space<vmem>>, vector<16xf32>,
        %jit3A_2181 = arith.constant 8 : i32
        %div3A_2182 = vector.broadcast %jit3A_2181 : i32 to vector<16xi32>
        %div3A_2183 = arith.divsi %add3A_2177, %div3A_2182 : vector<16xi32>
        %sign3A_2184 = arith.constant 0 : i32
        %sign3A_2185 = vector.broadcast %sign3A_2184 : i32 to vector<16xi32>
        %sign3A_2186 = arith.cmpi sgt, %add3A_2177, %sign3A_2185 : vector<16xi32>
        %sign3A_2187 = arith.extui %sign3A_2186 : vector<16xi1> to vector<16xi32>
        %sign3A_2188 = arith.constant 0 : i32
        %sign3A_2189 = vector.broadcast %sign3A_2188 : i32 to vector<16xi32>
        %sign3A_2190 = arith.cmpi slt, %add3A_2177, %sign3A_2189 : vector<16xi32>
        %sign3A_2191 = arith.extui %sign3A_2190 : vector<16xi1> to vector<16xi32>
        %sign3A_2192 = arith.subi %sign3A_2187, %sign3A_2191 : vector<16xi32>
        %sign3A_2193 = arith.constant 0 : i32
        %sign3A_2194 = arith.cmpi sgt, %jit3A_2181, %sign3A_2193 : i32
        %sign3A_2195 = arith.extui %sign3A_2194 : i1 to i32
        %sign3A_2196 = arith.constant 0 : i32
        %sign3A_2197 = arith.cmpi slt, %jit3A_2181, %sign3A_2196 : i32
        %sign3A_2198 = arith.extui %sign3A_2197 : i1 to i32
        %sign3A_2199 = arith.subi %sign3A_2195, %sign3A_2198 : i32
        %ne3A_2200 = vector.broadcast %sign3A_2199 : i32 to vector<16xi32>
        %ne3A_2201 = arith.cmpi ne, %sign3A_2192, %ne3A_2200 : vector<16xi32>
        %rem3A_2202 = vector.broadcast %jit3A_2181 : i32 to vector<16xi32>
        %rem3A_2203 = arith.remsi %add3A_2177, %rem3A_2202 : vector<16xi32>
        %ne3A_2204 = arith.constant 0 : i32
        %ne3A_2205 = vector.broadcast %ne3A_2204 : i32 to vector<16xi32>
        %ne3A_2206 = arith.cmpi ne, %rem3A_2203, %ne3A_2205 : vector<16xi32>
        %and3A_2207 = arith.andi %ne3A_2201, %ne3A_2206 : vector<16xi1>
        %sub3A_2208 = arith.constant 1 : i32
        %sub3A_2209 = vector.broadcast %sub3A_2208 : i32 to vector<16xi32>
        %sub3A_2210 = arith.subi %div3A_2183, %sub3A_2209 : vector<16xi32>
        %select_n3A_2211 = arith.select %and3A_2207, %sub3A_2210, %div3A_2183 : vector<16xi1>, vector<16xi32>
        %jit3A_2212 = arith.constant 8 : i32
        %eq3A_2213 = arith.constant 0 : i32
        %eq3A_2214 = arith.cmpi eq, %jit3A_2212, %eq3A_2213 : i32
        %jit3A_2215 = arith.constant 1 : i32
        %select_n3A_2216 = arith.select %eq3A_2214, %jit3A_2215, %jit3A_2212 : i32
        %rem3A_2217 = vector.broadcast %select_n3A_2216 : i32 to vector<16xi32>
        %rem3A_2218 = arith.remsi %add3A_2177, %rem3A_2217 : vector<16xi32>
        %ne3A_2219 = arith.constant 0 : i32
        %ne3A_2220 = vector.broadcast %ne3A_2219 : i32 to vector<16xi32>
        %ne3A_2221 = arith.cmpi ne, %rem3A_2218, %ne3A_2220 : vector<16xi32>
        %lt3A_2222 = arith.constant 0 : i32
        %lt3A_2223 = vector.broadcast %lt3A_2222 : i32 to vector<16xi32>
        %lt3A_2224 = arith.cmpi slt, %rem3A_2218, %lt3A_2223 : vector<16xi32>
        %lt3A_2225 = arith.constant 0 : i32
        %lt3A_2226 = arith.cmpi slt, %select_n3A_2216, %lt3A_2225 : i32
        %ne3A_2227 = vector.broadcast %lt3A_2226 : i1 to vector<16xi1>
        %ne3A_2228 = vector.broadcast %ne3A_2227 : vector<16xi1> to vector<16xi1>
        %ne3A_2229 = arith.xori %lt3A_2224, %ne3A_2228 : vector<16xi1>
        %and3A_2230 = arith.andi %ne3A_2229, %ne3A_2221 : vector<16xi1>
        %add3A_2231 = vector.broadcast %select_n3A_2216 : i32 to vector<16xi32>
        %add3A_2232 = arith.addi %rem3A_2218, %add3A_2231 : vector<16xi32>
        %select_n3A_2233 = arith.select %and3A_2230, %add3A_2232, %rem3A_2218 : vector<16xi1>, vector<16xi32>
        tpu.vector_store_idx %arg9[%select_n3A_2211, %select_n3A_2233, %add3A_1997], %get3A_2180 : memref<8x8x129xf32, #tpu.memory_space<vmem>>[vector<16xi32>, vector<16xi32>, vector<16xi32>], vector<16xf32>,
        %scan3A_2234 = arith.constant 6 : i32
        %scan3A_2235 = arith.addi %scan3A_770, %scan3A_2234 : i32
        %mul3A_2236 = arith.constant 1 : i32
        %mul3A_2237 = arith.muli %scan3A_2235, %mul3A_2236 : i32
        %add3A_2238 = arith.constant 0 : i32
        %add3A_2239 = arith.addi %add3A_2238, %mul3A_2237 : i32
        %broadcast_in_dim3A_2240 = arith.constant 0 : i32
        %broadcast_in_dim3A_2241 = vector.broadcast %broadcast_in_dim3A_2240 : i32 to vector<16xi32>
        %add3A_2242 = vector.broadcast %add3A_2239 : i32 to vector<16xi32>
        %add3A_2243 = arith.addi %broadcast_in_dim3A_2241, %add3A_2242 : vector<16xi32>
        %add3A_2244 = arith.constant 0 : i32
        %add3A_2245 = vector.broadcast %add3A_2244 : i32 to vector<16xi32>
        %add3A_2246 = arith.addi %add3A_2245, %iota3A : vector<16xi32>
        %get3A_2247 = arith.index_cast %add3A_2239 : i32 to index
        %get3A_2248 = arith.constant 0 : index
        %get3A_2249 = tpu.vector_load %arg7[%get3A_2247, %get3A_2248] {strides = array<i32>} : memref<128x64xf32, #tpu.memory_space<vmem>>, vector<16xf32>,
        %jit3A_2250 = arith.constant 8 : i32
        %div3A_2251 = vector.broadcast %jit3A_2250 : i32 to vector<16xi32>
        %div3A_2252 = arith.divsi %add3A_2246, %div3A_2251 : vector<16xi32>
        %sign3A_2253 = arith.constant 0 : i32
        %sign3A_2254 = vector.broadcast %sign3A_2253 : i32 to vector<16xi32>
        %sign3A_2255 = arith.cmpi sgt, %add3A_2246, %sign3A_2254 : vector<16xi32>
        %sign3A_2256 = arith.extui %sign3A_2255 : vector<16xi1> to vector<16xi32>
        %sign3A_2257 = arith.constant 0 : i32
        %sign3A_2258 = vector.broadcast %sign3A_2257 : i32 to vector<16xi32>
        %sign3A_2259 = arith.cmpi slt, %add3A_2246, %sign3A_2258 : vector<16xi32>
        %sign3A_2260 = arith.extui %sign3A_2259 : vector<16xi1> to vector<16xi32>
        %sign3A_2261 = arith.subi %sign3A_2256, %sign3A_2260 : vector<16xi32>
        %sign3A_2262 = arith.constant 0 : i32
        %sign3A_2263 = arith.cmpi sgt, %jit3A_2250, %sign3A_2262 : i32
        %sign3A_2264 = arith.extui %sign3A_2263 : i1 to i32
        %sign3A_2265 = arith.constant 0 : i32
        %sign3A_2266 = arith.cmpi slt, %jit3A_2250, %sign3A_2265 : i32
        %sign3A_2267 = arith.extui %sign3A_2266 : i1 to i32
        %sign3A_2268 = arith.subi %sign3A_2264, %sign3A_2267 : i32
        %ne3A_2269 = vector.broadcast %sign3A_2268 : i32 to vector<16xi32>
        %ne3A_2270 = arith.cmpi ne, %sign3A_2261, %ne3A_2269 : vector<16xi32>
        %rem3A_2271 = vector.broadcast %jit3A_2250 : i32 to vector<16xi32>
        %rem3A_2272 = arith.remsi %add3A_2246, %rem3A_2271 : vector<16xi32>
        %ne3A_2273 = arith.constant 0 : i32
        %ne3A_2274 = vector.broadcast %ne3A_2273 : i32 to vector<16xi32>
        %ne3A_2275 = arith.cmpi ne, %rem3A_2272, %ne3A_2274 : vector<16xi32>
        %and3A_2276 = arith.andi %ne3A_2270, %ne3A_2275 : vector<16xi1>
        %sub3A_2277 = arith.constant 1 : i32
        %sub3A_2278 = vector.broadcast %sub3A_2277 : i32 to vector<16xi32>
        %sub3A_2279 = arith.subi %div3A_2252, %sub3A_2278 : vector<16xi32>
        %select_n3A_2280 = arith.select %and3A_2276, %sub3A_2279, %div3A_2252 : vector<16xi1>, vector<16xi32>
        %jit3A_2281 = arith.constant 8 : i32
        %eq3A_2282 = arith.constant 0 : i32
        %eq3A_2283 = arith.cmpi eq, %jit3A_2281, %eq3A_2282 : i32
        %jit3A_2284 = arith.constant 1 : i32
        %select_n3A_2285 = arith.select %eq3A_2283, %jit3A_2284, %jit3A_2281 : i32
        %rem3A_2286 = vector.broadcast %select_n3A_2285 : i32 to vector<16xi32>
        %rem3A_2287 = arith.remsi %add3A_2246, %rem3A_2286 : vector<16xi32>
        %ne3A_2288 = arith.constant 0 : i32
        %ne3A_2289 = vector.broadcast %ne3A_2288 : i32 to vector<16xi32>
        %ne3A_2290 = arith.cmpi ne, %rem3A_2287, %ne3A_2289 : vector<16xi32>
        %lt3A_2291 = arith.constant 0 : i32
        %lt3A_2292 = vector.broadcast %lt3A_2291 : i32 to vector<16xi32>
        %lt3A_2293 = arith.cmpi slt, %rem3A_2287, %lt3A_2292 : vector<16xi32>
        %lt3A_2294 = arith.constant 0 : i32
        %lt3A_2295 = arith.cmpi slt, %select_n3A_2285, %lt3A_2294 : i32
        %ne3A_2296 = vector.broadcast %lt3A_2295 : i1 to vector<16xi1>
        %ne3A_2297 = vector.broadcast %ne3A_2296 : vector<16xi1> to vector<16xi1>
        %ne3A_2298 = arith.xori %lt3A_2293, %ne3A_2297 : vector<16xi1>
        %and3A_2299 = arith.andi %ne3A_2298, %ne3A_2290 : vector<16xi1>
        %add3A_2300 = vector.broadcast %select_n3A_2285 : i32 to vector<16xi32>
        %add3A_2301 = arith.addi %rem3A_2287, %add3A_2300 : vector<16xi32>
        %select_n3A_2302 = arith.select %and3A_2299, %add3A_2301, %rem3A_2287 : vector<16xi1>, vector<16xi32>
        tpu.vector_store_idx %arg9[%select_n3A_2280, %select_n3A_2302, %add3A_2243], %get3A_2249 : memref<8x8x129xf32, #tpu.memory_space<vmem>>[vector<16xi32>, vector<16xi32>, vector<16xi32>], vector<16xf32>,
        %add3A_2303 = arith.constant 16 : i32
        %add3A_2304 = vector.broadcast %add3A_2303 : i32 to vector<16xi32>
        %add3A_2305 = arith.addi %add3A_2304, %iota3A : vector<16xi32>
        %get3A_2306 = arith.index_cast %add3A_2239 : i32 to index
        %get3A_2307 = arith.constant 16 : index
        %get3A_2308 = tpu.vector_load %arg7[%get3A_2306, %get3A_2307] {strides = array<i32>} : memref<128x64xf32, #tpu.memory_space<vmem>>, vector<16xf32>,
        %jit3A_2309 = arith.constant 8 : i32
        %div3A_2310 = vector.broadcast %jit3A_2309 : i32 to vector<16xi32>
        %div3A_2311 = arith.divsi %add3A_2305, %div3A_2310 : vector<16xi32>
        %sign3A_2312 = arith.constant 0 : i32
        %sign3A_2313 = vector.broadcast %sign3A_2312 : i32 to vector<16xi32>
        %sign3A_2314 = arith.cmpi sgt, %add3A_2305, %sign3A_2313 : vector<16xi32>
        %sign3A_2315 = arith.extui %sign3A_2314 : vector<16xi1> to vector<16xi32>
        %sign3A_2316 = arith.constant 0 : i32
        %sign3A_2317 = vector.broadcast %sign3A_2316 : i32 to vector<16xi32>
        %sign3A_2318 = arith.cmpi slt, %add3A_2305, %sign3A_2317 : vector<16xi32>
        %sign3A_2319 = arith.extui %sign3A_2318 : vector<16xi1> to vector<16xi32>
        %sign3A_2320 = arith.subi %sign3A_2315, %sign3A_2319 : vector<16xi32>
        %sign3A_2321 = arith.constant 0 : i32
        %sign3A_2322 = arith.cmpi sgt, %jit3A_2309, %sign3A_2321 : i32
        %sign3A_2323 = arith.extui %sign3A_2322 : i1 to i32
        %sign3A_2324 = arith.constant 0 : i32
        %sign3A_2325 = arith.cmpi slt, %jit3A_2309, %sign3A_2324 : i32
        %sign3A_2326 = arith.extui %sign3A_2325 : i1 to i32
        %sign3A_2327 = arith.subi %sign3A_2323, %sign3A_2326 : i32
        %ne3A_2328 = vector.broadcast %sign3A_2327 : i32 to vector<16xi32>
        %ne3A_2329 = arith.cmpi ne, %sign3A_2320, %ne3A_2328 : vector<16xi32>
        %rem3A_2330 = vector.broadcast %jit3A_2309 : i32 to vector<16xi32>
        %rem3A_2331 = arith.remsi %add3A_2305, %rem3A_2330 : vector<16xi32>
        %ne3A_2332 = arith.constant 0 : i32
        %ne3A_2333 = vector.broadcast %ne3A_2332 : i32 to vector<16xi32>
        %ne3A_2334 = arith.cmpi ne, %rem3A_2331, %ne3A_2333 : vector<16xi32>
        %and3A_2335 = arith.andi %ne3A_2329, %ne3A_2334 : vector<16xi1>
        %sub3A_2336 = arith.constant 1 : i32
        %sub3A_2337 = vector.broadcast %sub3A_2336 : i32 to vector<16xi32>
        %sub3A_2338 = arith.subi %div3A_2311, %sub3A_2337 : vector<16xi32>
        %select_n3A_2339 = arith.select %and3A_2335, %sub3A_2338, %div3A_2311 : vector<16xi1>, vector<16xi32>
        %jit3A_2340 = arith.constant 8 : i32
        %eq3A_2341 = arith.constant 0 : i32
        %eq3A_2342 = arith.cmpi eq, %jit3A_2340, %eq3A_2341 : i32
        %jit3A_2343 = arith.constant 1 : i32
        %select_n3A_2344 = arith.select %eq3A_2342, %jit3A_2343, %jit3A_2340 : i32
        %rem3A_2345 = vector.broadcast %select_n3A_2344 : i32 to vector<16xi32>
        %rem3A_2346 = arith.remsi %add3A_2305, %rem3A_2345 : vector<16xi32>
        %ne3A_2347 = arith.constant 0 : i32
        %ne3A_2348 = vector.broadcast %ne3A_2347 : i32 to vector<16xi32>
        %ne3A_2349 = arith.cmpi ne, %rem3A_2346, %ne3A_2348 : vector<16xi32>
        %lt3A_2350 = arith.constant 0 : i32
        %lt3A_2351 = vector.broadcast %lt3A_2350 : i32 to vector<16xi32>
        %lt3A_2352 = arith.cmpi slt, %rem3A_2346, %lt3A_2351 : vector<16xi32>
        %lt3A_2353 = arith.constant 0 : i32
        %lt3A_2354 = arith.cmpi slt, %select_n3A_2344, %lt3A_2353 : i32
        %ne3A_2355 = vector.broadcast %lt3A_2354 : i1 to vector<16xi1>
        %ne3A_2356 = vector.broadcast %ne3A_2355 : vector<16xi1> to vector<16xi1>
        %ne3A_2357 = arith.xori %lt3A_2352, %ne3A_2356 : vector<16xi1>
        %and3A_2358 = arith.andi %ne3A_2357, %ne3A_2349 : vector<16xi1>
        %add3A_2359 = vector.broadcast %select_n3A_2344 : i32 to vector<16xi32>
        %add3A_2360 = arith.addi %rem3A_2346, %add3A_2359 : vector<16xi32>
        %select_n3A_2361 = arith.select %and3A_2358, %add3A_2360, %rem3A_2346 : vector<16xi1>, vector<16xi32>
        tpu.vector_store_idx %arg9[%select_n3A_2339, %select_n3A_2361, %add3A_2243], %get3A_2308 : memref<8x8x129xf32, #tpu.memory_space<vmem>>[vector<16xi32>, vector<16xi32>, vector<16xi32>], vector<16xf32>,
        %add3A_2362 = arith.constant 32 : i32
        %add3A_2363 = vector.broadcast %add3A_2362 : i32 to vector<16xi32>
        %add3A_2364 = arith.addi %add3A_2363, %iota3A : vector<16xi32>
        %get3A_2365 = arith.index_cast %add3A_2239 : i32 to index
        %get3A_2366 = arith.constant 32 : index
        %get3A_2367 = tpu.vector_load %arg7[%get3A_2365, %get3A_2366] {strides = array<i32>} : memref<128x64xf32, #tpu.memory_space<vmem>>, vector<16xf32>,
        %jit3A_2368 = arith.constant 8 : i32
        %div3A_2369 = vector.broadcast %jit3A_2368 : i32 to vector<16xi32>
        %div3A_2370 = arith.divsi %add3A_2364, %div3A_2369 : vector<16xi32>
        %sign3A_2371 = arith.constant 0 : i32
        %sign3A_2372 = vector.broadcast %sign3A_2371 : i32 to vector<16xi32>
        %sign3A_2373 = arith.cmpi sgt, %add3A_2364, %sign3A_2372 : vector<16xi32>
        %sign3A_2374 = arith.extui %sign3A_2373 : vector<16xi1> to vector<16xi32>
        %sign3A_2375 = arith.constant 0 : i32
        %sign3A_2376 = vector.broadcast %sign3A_2375 : i32 to vector<16xi32>
        %sign3A_2377 = arith.cmpi slt, %add3A_2364, %sign3A_2376 : vector<16xi32>
        %sign3A_2378 = arith.extui %sign3A_2377 : vector<16xi1> to vector<16xi32>
        %sign3A_2379 = arith.subi %sign3A_2374, %sign3A_2378 : vector<16xi32>
        %sign3A_2380 = arith.constant 0 : i32
        %sign3A_2381 = arith.cmpi sgt, %jit3A_2368, %sign3A_2380 : i32
        %sign3A_2382 = arith.extui %sign3A_2381 : i1 to i32
        %sign3A_2383 = arith.constant 0 : i32
        %sign3A_2384 = arith.cmpi slt, %jit3A_2368, %sign3A_2383 : i32
        %sign3A_2385 = arith.extui %sign3A_2384 : i1 to i32
        %sign3A_2386 = arith.subi %sign3A_2382, %sign3A_2385 : i32
        %ne3A_2387 = vector.broadcast %sign3A_2386 : i32 to vector<16xi32>
        %ne3A_2388 = arith.cmpi ne, %sign3A_2379, %ne3A_2387 : vector<16xi32>
        %rem3A_2389 = vector.broadcast %jit3A_2368 : i32 to vector<16xi32>
        %rem3A_2390 = arith.remsi %add3A_2364, %rem3A_2389 : vector<16xi32>
        %ne3A_2391 = arith.constant 0 : i32
        %ne3A_2392 = vector.broadcast %ne3A_2391 : i32 to vector<16xi32>
        %ne3A_2393 = arith.cmpi ne, %rem3A_2390, %ne3A_2392 : vector<16xi32>
        %and3A_2394 = arith.andi %ne3A_2388, %ne3A_2393 : vector<16xi1>
        %sub3A_2395 = arith.constant 1 : i32
        %sub3A_2396 = vector.broadcast %sub3A_2395 : i32 to vector<16xi32>
        %sub3A_2397 = arith.subi %div3A_2370, %sub3A_2396 : vector<16xi32>
        %select_n3A_2398 = arith.select %and3A_2394, %sub3A_2397, %div3A_2370 : vector<16xi1>, vector<16xi32>
        %jit3A_2399 = arith.constant 8 : i32
        %eq3A_2400 = arith.constant 0 : i32
        %eq3A_2401 = arith.cmpi eq, %jit3A_2399, %eq3A_2400 : i32
        %jit3A_2402 = arith.constant 1 : i32
        %select_n3A_2403 = arith.select %eq3A_2401, %jit3A_2402, %jit3A_2399 : i32
        %rem3A_2404 = vector.broadcast %select_n3A_2403 : i32 to vector<16xi32>
        %rem3A_2405 = arith.remsi %add3A_2364, %rem3A_2404 : vector<16xi32>
        %ne3A_2406 = arith.constant 0 : i32
        %ne3A_2407 = vector.broadcast %ne3A_2406 : i32 to vector<16xi32>
        %ne3A_2408 = arith.cmpi ne, %rem3A_2405, %ne3A_2407 : vector<16xi32>
        %lt3A_2409 = arith.constant 0 : i32
        %lt3A_2410 = vector.broadcast %lt3A_2409 : i32 to vector<16xi32>
        %lt3A_2411 = arith.cmpi slt, %rem3A_2405, %lt3A_2410 : vector<16xi32>
        %lt3A_2412 = arith.constant 0 : i32
        %lt3A_2413 = arith.cmpi slt, %select_n3A_2403, %lt3A_2412 : i32
        %ne3A_2414 = vector.broadcast %lt3A_2413 : i1 to vector<16xi1>
        %ne3A_2415 = vector.broadcast %ne3A_2414 : vector<16xi1> to vector<16xi1>
        %ne3A_2416 = arith.xori %lt3A_2411, %ne3A_2415 : vector<16xi1>
        %and3A_2417 = arith.andi %ne3A_2416, %ne3A_2408 : vector<16xi1>
        %add3A_2418 = vector.broadcast %select_n3A_2403 : i32 to vector<16xi32>
        %add3A_2419 = arith.addi %rem3A_2405, %add3A_2418 : vector<16xi32>
        %select_n3A_2420 = arith.select %and3A_2417, %add3A_2419, %rem3A_2405 : vector<16xi1>, vector<16xi32>
        tpu.vector_store_idx %arg9[%select_n3A_2398, %select_n3A_2420, %add3A_2243], %get3A_2367 : memref<8x8x129xf32, #tpu.memory_space<vmem>>[vector<16xi32>, vector<16xi32>, vector<16xi32>], vector<16xf32>,
        %add3A_2421 = arith.constant 48 : i32
        %add3A_2422 = vector.broadcast %add3A_2421 : i32 to vector<16xi32>
        %add3A_2423 = arith.addi %add3A_2422, %iota3A : vector<16xi32>
        %get3A_2424 = arith.index_cast %add3A_2239 : i32 to index
        %get3A_2425 = arith.constant 48 : index
        %get3A_2426 = tpu.vector_load %arg7[%get3A_2424, %get3A_2425] {strides = array<i32>} : memref<128x64xf32, #tpu.memory_space<vmem>>, vector<16xf32>,
        %jit3A_2427 = arith.constant 8 : i32
        %div3A_2428 = vector.broadcast %jit3A_2427 : i32 to vector<16xi32>
        %div3A_2429 = arith.divsi %add3A_2423, %div3A_2428 : vector<16xi32>
        %sign3A_2430 = arith.constant 0 : i32
        %sign3A_2431 = vector.broadcast %sign3A_2430 : i32 to vector<16xi32>
        %sign3A_2432 = arith.cmpi sgt, %add3A_2423, %sign3A_2431 : vector<16xi32>
        %sign3A_2433 = arith.extui %sign3A_2432 : vector<16xi1> to vector<16xi32>
        %sign3A_2434 = arith.constant 0 : i32
        %sign3A_2435 = vector.broadcast %sign3A_2434 : i32 to vector<16xi32>
        %sign3A_2436 = arith.cmpi slt, %add3A_2423, %sign3A_2435 : vector<16xi32>
        %sign3A_2437 = arith.extui %sign3A_2436 : vector<16xi1> to vector<16xi32>
        %sign3A_2438 = arith.subi %sign3A_2433, %sign3A_2437 : vector<16xi32>
        %sign3A_2439 = arith.constant 0 : i32
        %sign3A_2440 = arith.cmpi sgt, %jit3A_2427, %sign3A_2439 : i32
        %sign3A_2441 = arith.extui %sign3A_2440 : i1 to i32
        %sign3A_2442 = arith.constant 0 : i32
        %sign3A_2443 = arith.cmpi slt, %jit3A_2427, %sign3A_2442 : i32
        %sign3A_2444 = arith.extui %sign3A_2443 : i1 to i32
        %sign3A_2445 = arith.subi %sign3A_2441, %sign3A_2444 : i32
        %ne3A_2446 = vector.broadcast %sign3A_2445 : i32 to vector<16xi32>
        %ne3A_2447 = arith.cmpi ne, %sign3A_2438, %ne3A_2446 : vector<16xi32>
        %rem3A_2448 = vector.broadcast %jit3A_2427 : i32 to vector<16xi32>
        %rem3A_2449 = arith.remsi %add3A_2423, %rem3A_2448 : vector<16xi32>
        %ne3A_2450 = arith.constant 0 : i32
        %ne3A_2451 = vector.broadcast %ne3A_2450 : i32 to vector<16xi32>
        %ne3A_2452 = arith.cmpi ne, %rem3A_2449, %ne3A_2451 : vector<16xi32>
        %and3A_2453 = arith.andi %ne3A_2447, %ne3A_2452 : vector<16xi1>
        %sub3A_2454 = arith.constant 1 : i32
        %sub3A_2455 = vector.broadcast %sub3A_2454 : i32 to vector<16xi32>
        %sub3A_2456 = arith.subi %div3A_2429, %sub3A_2455 : vector<16xi32>
        %select_n3A_2457 = arith.select %and3A_2453, %sub3A_2456, %div3A_2429 : vector<16xi1>, vector<16xi32>
        %jit3A_2458 = arith.constant 8 : i32
        %eq3A_2459 = arith.constant 0 : i32
        %eq3A_2460 = arith.cmpi eq, %jit3A_2458, %eq3A_2459 : i32
        %jit3A_2461 = arith.constant 1 : i32
        %select_n3A_2462 = arith.select %eq3A_2460, %jit3A_2461, %jit3A_2458 : i32
        %rem3A_2463 = vector.broadcast %select_n3A_2462 : i32 to vector<16xi32>
        %rem3A_2464 = arith.remsi %add3A_2423, %rem3A_2463 : vector<16xi32>
        %ne3A_2465 = arith.constant 0 : i32
        %ne3A_2466 = vector.broadcast %ne3A_2465 : i32 to vector<16xi32>
        %ne3A_2467 = arith.cmpi ne, %rem3A_2464, %ne3A_2466 : vector<16xi32>
        %lt3A_2468 = arith.constant 0 : i32
        %lt3A_2469 = vector.broadcast %lt3A_2468 : i32 to vector<16xi32>
        %lt3A_2470 = arith.cmpi slt, %rem3A_2464, %lt3A_2469 : vector<16xi32>
        %lt3A_2471 = arith.constant 0 : i32
        %lt3A_2472 = arith.cmpi slt, %select_n3A_2462, %lt3A_2471 : i32
        %ne3A_2473 = vector.broadcast %lt3A_2472 : i1 to vector<16xi1>
        %ne3A_2474 = vector.broadcast %ne3A_2473 : vector<16xi1> to vector<16xi1>
        %ne3A_2475 = arith.xori %lt3A_2470, %ne3A_2474 : vector<16xi1>
        %and3A_2476 = arith.andi %ne3A_2475, %ne3A_2467 : vector<16xi1>
        %add3A_2477 = vector.broadcast %select_n3A_2462 : i32 to vector<16xi32>
        %add3A_2478 = arith.addi %rem3A_2464, %add3A_2477 : vector<16xi32>
        %select_n3A_2479 = arith.select %and3A_2476, %add3A_2478, %rem3A_2464 : vector<16xi1>, vector<16xi32>
        tpu.vector_store_idx %arg9[%select_n3A_2457, %select_n3A_2479, %add3A_2243], %get3A_2426 : memref<8x8x129xf32, #tpu.memory_space<vmem>>[vector<16xi32>, vector<16xi32>, vector<16xi32>], vector<16xf32>,
        %scan3A_2480 = arith.constant 7 : i32
        %scan3A_2481 = arith.addi %scan3A_770, %scan3A_2480 : i32
        %mul3A_2482 = arith.constant 1 : i32
        %mul3A_2483 = arith.muli %scan3A_2481, %mul3A_2482 : i32
        %add3A_2484 = arith.constant 0 : i32
        %add3A_2485 = arith.addi %add3A_2484, %mul3A_2483 : i32
        %broadcast_in_dim3A_2486 = arith.constant 0 : i32
        %broadcast_in_dim3A_2487 = vector.broadcast %broadcast_in_dim3A_2486 : i32 to vector<16xi32>
        %add3A_2488 = vector.broadcast %add3A_2485 : i32 to vector<16xi32>
        %add3A_2489 = arith.addi %broadcast_in_dim3A_2487, %add3A_2488 : vector<16xi32>
        %add3A_2490 = arith.constant 0 : i32
        %add3A_2491 = vector.broadcast %add3A_2490 : i32 to vector<16xi32>
        %add3A_2492 = arith.addi %add3A_2491, %iota3A : vector<16xi32>
        %get3A_2493 = arith.index_cast %add3A_2485 : i32 to index
        %get3A_2494 = arith.constant 0 : index
        %get3A_2495 = tpu.vector_load %arg7[%get3A_2493, %get3A_2494] {strides = array<i32>} : memref<128x64xf32, #tpu.memory_space<vmem>>, vector<16xf32>,
        %jit3A_2496 = arith.constant 8 : i32
        %div3A_2497 = vector.broadcast %jit3A_2496 : i32 to vector<16xi32>
        %div3A_2498 = arith.divsi %add3A_2492, %div3A_2497 : vector<16xi32>
        %sign3A_2499 = arith.constant 0 : i32
        %sign3A_2500 = vector.broadcast %sign3A_2499 : i32 to vector<16xi32>
        %sign3A_2501 = arith.cmpi sgt, %add3A_2492, %sign3A_2500 : vector<16xi32>
        %sign3A_2502 = arith.extui %sign3A_2501 : vector<16xi1> to vector<16xi32>
        %sign3A_2503 = arith.constant 0 : i32
        %sign3A_2504 = vector.broadcast %sign3A_2503 : i32 to vector<16xi32>
        %sign3A_2505 = arith.cmpi slt, %add3A_2492, %sign3A_2504 : vector<16xi32>
        %sign3A_2506 = arith.extui %sign3A_2505 : vector<16xi1> to vector<16xi32>
        %sign3A_2507 = arith.subi %sign3A_2502, %sign3A_2506 : vector<16xi32>
        %sign3A_2508 = arith.constant 0 : i32
        %sign3A_2509 = arith.cmpi sgt, %jit3A_2496, %sign3A_2508 : i32
        %sign3A_2510 = arith.extui %sign3A_2509 : i1 to i32
        %sign3A_2511 = arith.constant 0 : i32
        %sign3A_2512 = arith.cmpi slt, %jit3A_2496, %sign3A_2511 : i32
        %sign3A_2513 = arith.extui %sign3A_2512 : i1 to i32
        %sign3A_2514 = arith.subi %sign3A_2510, %sign3A_2513 : i32
        %ne3A_2515 = vector.broadcast %sign3A_2514 : i32 to vector<16xi32>
        %ne3A_2516 = arith.cmpi ne, %sign3A_2507, %ne3A_2515 : vector<16xi32>
        %rem3A_2517 = vector.broadcast %jit3A_2496 : i32 to vector<16xi32>
        %rem3A_2518 = arith.remsi %add3A_2492, %rem3A_2517 : vector<16xi32>
        %ne3A_2519 = arith.constant 0 : i32
        %ne3A_2520 = vector.broadcast %ne3A_2519 : i32 to vector<16xi32>
        %ne3A_2521 = arith.cmpi ne, %rem3A_2518, %ne3A_2520 : vector<16xi32>
        %and3A_2522 = arith.andi %ne3A_2516, %ne3A_2521 : vector<16xi1>
        %sub3A_2523 = arith.constant 1 : i32
        %sub3A_2524 = vector.broadcast %sub3A_2523 : i32 to vector<16xi32>
        %sub3A_2525 = arith.subi %div3A_2498, %sub3A_2524 : vector<16xi32>
        %select_n3A_2526 = arith.select %and3A_2522, %sub3A_2525, %div3A_2498 : vector<16xi1>, vector<16xi32>
        %jit3A_2527 = arith.constant 8 : i32
        %eq3A_2528 = arith.constant 0 : i32
        %eq3A_2529 = arith.cmpi eq, %jit3A_2527, %eq3A_2528 : i32
        %jit3A_2530 = arith.constant 1 : i32
        %select_n3A_2531 = arith.select %eq3A_2529, %jit3A_2530, %jit3A_2527 : i32
        %rem3A_2532 = vector.broadcast %select_n3A_2531 : i32 to vector<16xi32>
        %rem3A_2533 = arith.remsi %add3A_2492, %rem3A_2532 : vector<16xi32>
        %ne3A_2534 = arith.constant 0 : i32
        %ne3A_2535 = vector.broadcast %ne3A_2534 : i32 to vector<16xi32>
        %ne3A_2536 = arith.cmpi ne, %rem3A_2533, %ne3A_2535 : vector<16xi32>
        %lt3A_2537 = arith.constant 0 : i32
        %lt3A_2538 = vector.broadcast %lt3A_2537 : i32 to vector<16xi32>
        %lt3A_2539 = arith.cmpi slt, %rem3A_2533, %lt3A_2538 : vector<16xi32>
        %lt3A_2540 = arith.constant 0 : i32
        %lt3A_2541 = arith.cmpi slt, %select_n3A_2531, %lt3A_2540 : i32
        %ne3A_2542 = vector.broadcast %lt3A_2541 : i1 to vector<16xi1>
        %ne3A_2543 = vector.broadcast %ne3A_2542 : vector<16xi1> to vector<16xi1>
        %ne3A_2544 = arith.xori %lt3A_2539, %ne3A_2543 : vector<16xi1>
        %and3A_2545 = arith.andi %ne3A_2544, %ne3A_2536 : vector<16xi1>
        %add3A_2546 = vector.broadcast %select_n3A_2531 : i32 to vector<16xi32>
        %add3A_2547 = arith.addi %rem3A_2533, %add3A_2546 : vector<16xi32>
        %select_n3A_2548 = arith.select %and3A_2545, %add3A_2547, %rem3A_2533 : vector<16xi1>, vector<16xi32>
        tpu.vector_store_idx %arg9[%select_n3A_2526, %select_n3A_2548, %add3A_2489], %get3A_2495 : memref<8x8x129xf32, #tpu.memory_space<vmem>>[vector<16xi32>, vector<16xi32>, vector<16xi32>], vector<16xf32>,
        %add3A_2549 = arith.constant 16 : i32
        %add3A_2550 = vector.broadcast %add3A_2549 : i32 to vector<16xi32>
        %add3A_2551 = arith.addi %add3A_2550, %iota3A : vector<16xi32>
        %get3A_2552 = arith.index_cast %add3A_2485 : i32 to index
        %get3A_2553 = arith.constant 16 : index
        %get3A_2554 = tpu.vector_load %arg7[%get3A_2552, %get3A_2553] {strides = array<i32>} : memref<128x64xf32, #tpu.memory_space<vmem>>, vector<16xf32>,
        %jit3A_2555 = arith.constant 8 : i32
        %div3A_2556 = vector.broadcast %jit3A_2555 : i32 to vector<16xi32>
        %div3A_2557 = arith.divsi %add3A_2551, %div3A_2556 : vector<16xi32>
        %sign3A_2558 = arith.constant 0 : i32
        %sign3A_2559 = vector.broadcast %sign3A_2558 : i32 to vector<16xi32>
        %sign3A_2560 = arith.cmpi sgt, %add3A_2551, %sign3A_2559 : vector<16xi32>
        %sign3A_2561 = arith.extui %sign3A_2560 : vector<16xi1> to vector<16xi32>
        %sign3A_2562 = arith.constant 0 : i32
        %sign3A_2563 = vector.broadcast %sign3A_2562 : i32 to vector<16xi32>
        %sign3A_2564 = arith.cmpi slt, %add3A_2551, %sign3A_2563 : vector<16xi32>
        %sign3A_2565 = arith.extui %sign3A_2564 : vector<16xi1> to vector<16xi32>
        %sign3A_2566 = arith.subi %sign3A_2561, %sign3A_2565 : vector<16xi32>
        %sign3A_2567 = arith.constant 0 : i32
        %sign3A_2568 = arith.cmpi sgt, %jit3A_2555, %sign3A_2567 : i32
        %sign3A_2569 = arith.extui %sign3A_2568 : i1 to i32
        %sign3A_2570 = arith.constant 0 : i32
        %sign3A_2571 = arith.cmpi slt, %jit3A_2555, %sign3A_2570 : i32
        %sign3A_2572 = arith.extui %sign3A_2571 : i1 to i32
        %sign3A_2573 = arith.subi %sign3A_2569, %sign3A_2572 : i32
        %ne3A_2574 = vector.broadcast %sign3A_2573 : i32 to vector<16xi32>
        %ne3A_2575 = arith.cmpi ne, %sign3A_2566, %ne3A_2574 : vector<16xi32>
        %rem3A_2576 = vector.broadcast %jit3A_2555 : i32 to vector<16xi32>
        %rem3A_2577 = arith.remsi %add3A_2551, %rem3A_2576 : vector<16xi32>
        %ne3A_2578 = arith.constant 0 : i32
        %ne3A_2579 = vector.broadcast %ne3A_2578 : i32 to vector<16xi32>
        %ne3A_2580 = arith.cmpi ne, %rem3A_2577, %ne3A_2579 : vector<16xi32>
        %and3A_2581 = arith.andi %ne3A_2575, %ne3A_2580 : vector<16xi1>
        %sub3A_2582 = arith.constant 1 : i32
        %sub3A_2583 = vector.broadcast %sub3A_2582 : i32 to vector<16xi32>
        %sub3A_2584 = arith.subi %div3A_2557, %sub3A_2583 : vector<16xi32>
        %select_n3A_2585 = arith.select %and3A_2581, %sub3A_2584, %div3A_2557 : vector<16xi1>, vector<16xi32>
        %jit3A_2586 = arith.constant 8 : i32
        %eq3A_2587 = arith.constant 0 : i32
        %eq3A_2588 = arith.cmpi eq, %jit3A_2586, %eq3A_2587 : i32
        %jit3A_2589 = arith.constant 1 : i32
        %select_n3A_2590 = arith.select %eq3A_2588, %jit3A_2589, %jit3A_2586 : i32
        %rem3A_2591 = vector.broadcast %select_n3A_2590 : i32 to vector<16xi32>
        %rem3A_2592 = arith.remsi %add3A_2551, %rem3A_2591 : vector<16xi32>
        %ne3A_2593 = arith.constant 0 : i32
        %ne3A_2594 = vector.broadcast %ne3A_2593 : i32 to vector<16xi32>
        %ne3A_2595 = arith.cmpi ne, %rem3A_2592, %ne3A_2594 : vector<16xi32>
        %lt3A_2596 = arith.constant 0 : i32
        %lt3A_2597 = vector.broadcast %lt3A_2596 : i32 to vector<16xi32>
        %lt3A_2598 = arith.cmpi slt, %rem3A_2592, %lt3A_2597 : vector<16xi32>
        %lt3A_2599 = arith.constant 0 : i32
        %lt3A_2600 = arith.cmpi slt, %select_n3A_2590, %lt3A_2599 : i32
        %ne3A_2601 = vector.broadcast %lt3A_2600 : i1 to vector<16xi1>
        %ne3A_2602 = vector.broadcast %ne3A_2601 : vector<16xi1> to vector<16xi1>
        %ne3A_2603 = arith.xori %lt3A_2598, %ne3A_2602 : vector<16xi1>
        %and3A_2604 = arith.andi %ne3A_2603, %ne3A_2595 : vector<16xi1>
        %add3A_2605 = vector.broadcast %select_n3A_2590 : i32 to vector<16xi32>
        %add3A_2606 = arith.addi %rem3A_2592, %add3A_2605 : vector<16xi32>
        %select_n3A_2607 = arith.select %and3A_2604, %add3A_2606, %rem3A_2592 : vector<16xi1>, vector<16xi32>
        tpu.vector_store_idx %arg9[%select_n3A_2585, %select_n3A_2607, %add3A_2489], %get3A_2554 : memref<8x8x129xf32, #tpu.memory_space<vmem>>[vector<16xi32>, vector<16xi32>, vector<16xi32>], vector<16xf32>,
        %add3A_2608 = arith.constant 32 : i32
        %add3A_2609 = vector.broadcast %add3A_2608 : i32 to vector<16xi32>
        %add3A_2610 = arith.addi %add3A_2609, %iota3A : vector<16xi32>
        %get3A_2611 = arith.index_cast %add3A_2485 : i32 to index
        %get3A_2612 = arith.constant 32 : index
        %get3A_2613 = tpu.vector_load %arg7[%get3A_2611, %get3A_2612] {strides = array<i32>} : memref<128x64xf32, #tpu.memory_space<vmem>>, vector<16xf32>,
        %jit3A_2614 = arith.constant 8 : i32
        %div3A_2615 = vector.broadcast %jit3A_2614 : i32 to vector<16xi32>
        %div3A_2616 = arith.divsi %add3A_2610, %div3A_2615 : vector<16xi32>
        %sign3A_2617 = arith.constant 0 : i32
        %sign3A_2618 = vector.broadcast %sign3A_2617 : i32 to vector<16xi32>
        %sign3A_2619 = arith.cmpi sgt, %add3A_2610, %sign3A_2618 : vector<16xi32>
        %sign3A_2620 = arith.extui %sign3A_2619 : vector<16xi1> to vector<16xi32>
        %sign3A_2621 = arith.constant 0 : i32
        %sign3A_2622 = vector.broadcast %sign3A_2621 : i32 to vector<16xi32>
        %sign3A_2623 = arith.cmpi slt, %add3A_2610, %sign3A_2622 : vector<16xi32>
        %sign3A_2624 = arith.extui %sign3A_2623 : vector<16xi1> to vector<16xi32>
        %sign3A_2625 = arith.subi %sign3A_2620, %sign3A_2624 : vector<16xi32>
        %sign3A_2626 = arith.constant 0 : i32
        %sign3A_2627 = arith.cmpi sgt, %jit3A_2614, %sign3A_2626 : i32
        %sign3A_2628 = arith.extui %sign3A_2627 : i1 to i32
        %sign3A_2629 = arith.constant 0 : i32
        %sign3A_2630 = arith.cmpi slt, %jit3A_2614, %sign3A_2629 : i32
        %sign3A_2631 = arith.extui %sign3A_2630 : i1 to i32
        %sign3A_2632 = arith.subi %sign3A_2628, %sign3A_2631 : i32
        %ne3A_2633 = vector.broadcast %sign3A_2632 : i32 to vector<16xi32>
        %ne3A_2634 = arith.cmpi ne, %sign3A_2625, %ne3A_2633 : vector<16xi32>
        %rem3A_2635 = vector.broadcast %jit3A_2614 : i32 to vector<16xi32>
        %rem3A_2636 = arith.remsi %add3A_2610, %rem3A_2635 : vector<16xi32>
        %ne3A_2637 = arith.constant 0 : i32
        %ne3A_2638 = vector.broadcast %ne3A_2637 : i32 to vector<16xi32>
        %ne3A_2639 = arith.cmpi ne, %rem3A_2636, %ne3A_2638 : vector<16xi32>
        %and3A_2640 = arith.andi %ne3A_2634, %ne3A_2639 : vector<16xi1>
        %sub3A_2641 = arith.constant 1 : i32
        %sub3A_2642 = vector.broadcast %sub3A_2641 : i32 to vector<16xi32>
        %sub3A_2643 = arith.subi %div3A_2616, %sub3A_2642 : vector<16xi32>
        %select_n3A_2644 = arith.select %and3A_2640, %sub3A_2643, %div3A_2616 : vector<16xi1>, vector<16xi32>
        %jit3A_2645 = arith.constant 8 : i32
        %eq3A_2646 = arith.constant 0 : i32
        %eq3A_2647 = arith.cmpi eq, %jit3A_2645, %eq3A_2646 : i32
        %jit3A_2648 = arith.constant 1 : i32
        %select_n3A_2649 = arith.select %eq3A_2647, %jit3A_2648, %jit3A_2645 : i32
        %rem3A_2650 = vector.broadcast %select_n3A_2649 : i32 to vector<16xi32>
        %rem3A_2651 = arith.remsi %add3A_2610, %rem3A_2650 : vector<16xi32>
        %ne3A_2652 = arith.constant 0 : i32
        %ne3A_2653 = vector.broadcast %ne3A_2652 : i32 to vector<16xi32>
        %ne3A_2654 = arith.cmpi ne, %rem3A_2651, %ne3A_2653 : vector<16xi32>
        %lt3A_2655 = arith.constant 0 : i32
        %lt3A_2656 = vector.broadcast %lt3A_2655 : i32 to vector<16xi32>
        %lt3A_2657 = arith.cmpi slt, %rem3A_2651, %lt3A_2656 : vector<16xi32>
        %lt3A_2658 = arith.constant 0 : i32
        %lt3A_2659 = arith.cmpi slt, %select_n3A_2649, %lt3A_2658 : i32
        %ne3A_2660 = vector.broadcast %lt3A_2659 : i1 to vector<16xi1>
        %ne3A_2661 = vector.broadcast %ne3A_2660 : vector<16xi1> to vector<16xi1>
        %ne3A_2662 = arith.xori %lt3A_2657, %ne3A_2661 : vector<16xi1>
        %and3A_2663 = arith.andi %ne3A_2662, %ne3A_2654 : vector<16xi1>
        %add3A_2664 = vector.broadcast %select_n3A_2649 : i32 to vector<16xi32>
        %add3A_2665 = arith.addi %rem3A_2651, %add3A_2664 : vector<16xi32>
        %select_n3A_2666 = arith.select %and3A_2663, %add3A_2665, %rem3A_2651 : vector<16xi1>, vector<16xi32>
        tpu.vector_store_idx %arg9[%select_n3A_2644, %select_n3A_2666, %add3A_2489], %get3A_2613 : memref<8x8x129xf32, #tpu.memory_space<vmem>>[vector<16xi32>, vector<16xi32>, vector<16xi32>], vector<16xf32>,
        %add3A_2667 = arith.constant 48 : i32
        %add3A_2668 = vector.broadcast %add3A_2667 : i32 to vector<16xi32>
        %add3A_2669 = arith.addi %add3A_2668, %iota3A : vector<16xi32>
        %get3A_2670 = arith.index_cast %add3A_2485 : i32 to index
        %get3A_2671 = arith.constant 48 : index
        %get3A_2672 = tpu.vector_load %arg7[%get3A_2670, %get3A_2671] {strides = array<i32>} : memref<128x64xf32, #tpu.memory_space<vmem>>, vector<16xf32>,
        %jit3A_2673 = arith.constant 8 : i32
        %div3A_2674 = vector.broadcast %jit3A_2673 : i32 to vector<16xi32>
        %div3A_2675 = arith.divsi %add3A_2669, %div3A_2674 : vector<16xi32>
        %sign3A_2676 = arith.constant 0 : i32
        %sign3A_2677 = vector.broadcast %sign3A_2676 : i32 to vector<16xi32>
        %sign3A_2678 = arith.cmpi sgt, %add3A_2669, %sign3A_2677 : vector<16xi32>
        %sign3A_2679 = arith.extui %sign3A_2678 : vector<16xi1> to vector<16xi32>
        %sign3A_2680 = arith.constant 0 : i32
        %sign3A_2681 = vector.broadcast %sign3A_2680 : i32 to vector<16xi32>
        %sign3A_2682 = arith.cmpi slt, %add3A_2669, %sign3A_2681 : vector<16xi32>
        %sign3A_2683 = arith.extui %sign3A_2682 : vector<16xi1> to vector<16xi32>
        %sign3A_2684 = arith.subi %sign3A_2679, %sign3A_2683 : vector<16xi32>
        %sign3A_2685 = arith.constant 0 : i32
        %sign3A_2686 = arith.cmpi sgt, %jit3A_2673, %sign3A_2685 : i32
        %sign3A_2687 = arith.extui %sign3A_2686 : i1 to i32
        %sign3A_2688 = arith.constant 0 : i32
        %sign3A_2689 = arith.cmpi slt, %jit3A_2673, %sign3A_2688 : i32
        %sign3A_2690 = arith.extui %sign3A_2689 : i1 to i32
        %sign3A_2691 = arith.subi %sign3A_2687, %sign3A_2690 : i32
        %ne3A_2692 = vector.broadcast %sign3A_2691 : i32 to vector<16xi32>
        %ne3A_2693 = arith.cmpi ne, %sign3A_2684, %ne3A_2692 : vector<16xi32>
        %rem3A_2694 = vector.broadcast %jit3A_2673 : i32 to vector<16xi32>
        %rem3A_2695 = arith.remsi %add3A_2669, %rem3A_2694 : vector<16xi32>
        %ne3A_2696 = arith.constant 0 : i32
        %ne3A_2697 = vector.broadcast %ne3A_2696 : i32 to vector<16xi32>
        %ne3A_2698 = arith.cmpi ne, %rem3A_2695, %ne3A_2697 : vector<16xi32>
        %and3A_2699 = arith.andi %ne3A_2693, %ne3A_2698 : vector<16xi1>
        %sub3A_2700 = arith.constant 1 : i32
        %sub3A_2701 = vector.broadcast %sub3A_2700 : i32 to vector<16xi32>
        %sub3A_2702 = arith.subi %div3A_2675, %sub3A_2701 : vector<16xi32>
        %select_n3A_2703 = arith.select %and3A_2699, %sub3A_2702, %div3A_2675 : vector<16xi1>, vector<16xi32>
        %jit3A_2704 = arith.constant 8 : i32
        %eq3A_2705 = arith.constant 0 : i32
        %eq3A_2706 = arith.cmpi eq, %jit3A_2704, %eq3A_2705 : i32
        %jit3A_2707 = arith.constant 1 : i32
        %select_n3A_2708 = arith.select %eq3A_2706, %jit3A_2707, %jit3A_2704 : i32
        %rem3A_2709 = vector.broadcast %select_n3A_2708 : i32 to vector<16xi32>
        %rem3A_2710 = arith.remsi %add3A_2669, %rem3A_2709 : vector<16xi32>
        %ne3A_2711 = arith.constant 0 : i32
        %ne3A_2712 = vector.broadcast %ne3A_2711 : i32 to vector<16xi32>
        %ne3A_2713 = arith.cmpi ne, %rem3A_2710, %ne3A_2712 : vector<16xi32>
        %lt3A_2714 = arith.constant 0 : i32
        %lt3A_2715 = vector.broadcast %lt3A_2714 : i32 to vector<16xi32>
        %lt3A_2716 = arith.cmpi slt, %rem3A_2710, %lt3A_2715 : vector<16xi32>
        %lt3A_2717 = arith.constant 0 : i32
        %lt3A_2718 = arith.cmpi slt, %select_n3A_2708, %lt3A_2717 : i32
        %ne3A_2719 = vector.broadcast %lt3A_2718 : i1 to vector<16xi1>
        %ne3A_2720 = vector.broadcast %ne3A_2719 : vector<16xi1> to vector<16xi1>
        %ne3A_2721 = arith.xori %lt3A_2716, %ne3A_2720 : vector<16xi1>
        %and3A_2722 = arith.andi %ne3A_2721, %ne3A_2713 : vector<16xi1>
        %add3A_2723 = vector.broadcast %select_n3A_2708 : i32 to vector<16xi32>
        %add3A_2724 = arith.addi %rem3A_2710, %add3A_2723 : vector<16xi32>
        %select_n3A_2725 = arith.select %and3A_2722, %add3A_2724, %rem3A_2710 : vector<16xi1>, vector<16xi32>
        tpu.vector_store_idx %arg9[%select_n3A_2703, %select_n3A_2725, %add3A_2489], %get3A_2672 : memref<8x8x129xf32, #tpu.memory_space<vmem>>[vector<16xi32>, vector<16xi32>, vector<16xi32>], vector<16xf32>,
      }
      %scan3A_594 = arith.constant 128 : i32
      %dma_start3A_595 = arith.constant 0 : i32
      %dma_start3A_596 = arith.constant 0 : i32
      %dma_start3A_597 = arith.constant 1 : i32
      %dma_start3A_598 = arith.constant 0 : i32
      %dma_start3A_599 = arith.constant 0 : i32
      %dma_start3A_600 = tpu.memref_slice %arg9[%dma_start3A_595, %dma_start3A_598, %dma_start3A_599] : memref<8x8x129xf32, #tpu.memory_space<vmem>> -> memref<1x8x128xf32, #tpu.memory_space<vmem>>
      %dma_start3A_601 = tpu.memref_squeeze %dma_start3A_600 : memref<1x8x128xf32, #tpu.memory_space<vmem>> -> memref<8x128xf32, #tpu.memory_space<vmem>>
      %dma_start3A_602 = arith.constant 0 : i32
      %dma_start3A_603 = arith.constant 0 : i32
      %dma_start3A_604 = tpu.memref_slice %arg4[%add3A_575, %dma_start3A_596, %add3A, %dma_start3A_602, %dma_start3A_603] : memref<200x8x32x8x128xf32, #tpu.memory_space<hbm>> -> memref<1x1x1x8x128xf32, #tpu.memory_space<hbm>>
      %dma_start3A_605 = tpu.memref_squeeze %dma_start3A_604 : memref<1x1x1x8x128xf32, #tpu.memory_space<hbm>> -> memref<8x128xf32, #tpu.memory_space<hbm>>
      %dma_start3A_606 = tpu.memref_slice %arg11[%dma_start3A_597] : memref<2x!tpu.dma_semaphore, #tpu.memory_space<semaphore_mem>> -> memref<1x!tpu.dma_semaphore, #tpu.memory_space<semaphore_mem>>
      %dma_start3A_607 = tpu.memref_squeeze %dma_start3A_606 : memref<1x!tpu.dma_semaphore, #tpu.memory_space<semaphore_mem>> -> memref<!tpu.dma_semaphore, #tpu.memory_space<semaphore_mem>>
      %dma_start3A_608 = arith.constant 0 : i32
      %dma_start3A_609 = arith.constant 0 : i32
      %dma_start3A_610 = tpu.memref_slice %arg4[%add3A_575, %dma_start3A_596, %add3A, %dma_start3A_608, %dma_start3A_609] : memref<200x8x32x8x128xf32, #tpu.memory_space<hbm>> -> memref<1x1x1x8x128xf32, #tpu.memory_space<hbm>>
      %dma_start3A_611 = tpu.memref_squeeze %dma_start3A_610 : memref<1x1x1x8x128xf32, #tpu.memory_space<hbm>> -> memref<8x128xf32, #tpu.memory_space<hbm>>
      %dma_start3A_612 = arith.constant 0 : i32
      %dma_start3A_613 = arith.constant 0 : i32
      %dma_start3A_614 = tpu.memref_slice %arg9[%dma_start3A_595, %dma_start3A_612, %dma_start3A_613] : memref<8x8x129xf32, #tpu.memory_space<vmem>> -> memref<1x8x128xf32, #tpu.memory_space<vmem>>
      %dma_start3A_615 = tpu.memref_squeeze %dma_start3A_614 : memref<1x8x128xf32, #tpu.memory_space<vmem>> -> memref<8x128xf32, #tpu.memory_space<vmem>>
      tpu.enqueue_dma source(%dma_start3A_615 : memref<8x128xf32, #tpu.memory_space<vmem>>) target(%dma_start3A_611 : memref<8x128xf32, #tpu.memory_space<hbm>>) target_semaphore(%dma_start3A_607 : memref<!tpu.dma_semaphore, #tpu.memory_space<semaphore_mem>>)
      %dma_start3A_616 = arith.constant 1 : i32
      %dma_start3A_617 = arith.constant 1 : i32
      %dma_start3A_618 = arith.constant 1 : i32
      %dma_start3A_619 = arith.constant 0 : i32
      %dma_start3A_620 = arith.constant 0 : i32
      %dma_start3A_621 = tpu.memref_slice %arg9[%dma_start3A_616, %dma_start3A_619, %dma_start3A_620] : memref<8x8x129xf32, #tpu.memory_space<vmem>> -> memref<1x8x128xf32, #tpu.memory_space<vmem>>
      %dma_start3A_622 = tpu.memref_squeeze %dma_start3A_621 : memref<1x8x128xf32, #tpu.memory_space<vmem>> -> memref<8x128xf32, #tpu.memory_space<vmem>>
      %dma_start3A_623 = arith.constant 0 : i32
      %dma_start3A_624 = arith.constant 0 : i32
      %dma_start3A_625 = tpu.memref_slice %arg4[%add3A_575, %dma_start3A_617, %add3A, %dma_start3A_623, %dma_start3A_624] : memref<200x8x32x8x128xf32, #tpu.memory_space<hbm>> -> memref<1x1x1x8x128xf32, #tpu.memory_space<hbm>>
      %dma_start3A_626 = tpu.memref_squeeze %dma_start3A_625 : memref<1x1x1x8x128xf32, #tpu.memory_space<hbm>> -> memref<8x128xf32, #tpu.memory_space<hbm>>
      %dma_start3A_627 = tpu.memref_slice %arg11[%dma_start3A_618] : memref<2x!tpu.dma_semaphore, #tpu.memory_space<semaphore_mem>> -> memref<1x!tpu.dma_semaphore, #tpu.memory_space<semaphore_mem>>
      %dma_start3A_628 = tpu.memref_squeeze %dma_start3A_627 : memref<1x!tpu.dma_semaphore, #tpu.memory_space<semaphore_mem>> -> memref<!tpu.dma_semaphore, #tpu.memory_space<semaphore_mem>>
      %dma_start3A_629 = arith.constant 0 : i32
      %dma_start3A_630 = arith.constant 0 : i32
      %dma_start3A_631 = tpu.memref_slice %arg4[%add3A_575, %dma_start3A_617, %add3A, %dma_start3A_629, %dma_start3A_630] : memref<200x8x32x8x128xf32, #tpu.memory_space<hbm>> -> memref<1x1x1x8x128xf32, #tpu.memory_space<hbm>>
      %dma_start3A_632 = tpu.memref_squeeze %dma_start3A_631 : memref<1x1x1x8x128xf32, #tpu.memory_space<hbm>> -> memref<8x128xf32, #tpu.memory_space<hbm>>
      %dma_start3A_633 = arith.constant 0 : i32
      %dma_start3A_634 = arith.constant 0 : i32
      %dma_start3A_635 = tpu.memref_slice %arg9[%dma_start3A_616, %dma_start3A_633, %dma_start3A_634] : memref<8x8x129xf32, #tpu.memory_space<vmem>> -> memref<1x8x128xf32, #tpu.memory_space<vmem>>
      %dma_start3A_636 = tpu.memref_squeeze %dma_start3A_635 : memref<1x8x128xf32, #tpu.memory_space<vmem>> -> memref<8x128xf32, #tpu.memory_space<vmem>>
      tpu.enqueue_dma source(%dma_start3A_636 : memref<8x128xf32, #tpu.memory_space<vmem>>) target(%dma_start3A_632 : memref<8x128xf32, #tpu.memory_space<hbm>>) target_semaphore(%dma_start3A_628 : memref<!tpu.dma_semaphore, #tpu.memory_space<semaphore_mem>>)
      %dma_start3A_637 = arith.constant 2 : i32
      %dma_start3A_638 = arith.constant 2 : i32
      %dma_start3A_639 = arith.constant 1 : i32
      %dma_start3A_640 = arith.constant 0 : i32
      %dma_start3A_641 = arith.constant 0 : i32
      %dma_start3A_642 = tpu.memref_slice %arg9[%dma_start3A_637, %dma_start3A_640, %dma_start3A_641] : memref<8x8x129xf32, #tpu.memory_space<vmem>> -> memref<1x8x128xf32, #tpu.memory_space<vmem>>
      %dma_start3A_643 = tpu.memref_squeeze %dma_start3A_642 : memref<1x8x128xf32, #tpu.memory_space<vmem>> -> memref<8x128xf32, #tpu.memory_space<vmem>>
      %dma_start3A_644 = arith.constant 0 : i32
      %dma_start3A_645 = arith.constant 0 : i32
      %dma_start3A_646 = tpu.memref_slice %arg4[%add3A_575, %dma_start3A_638, %add3A, %dma_start3A_644, %dma_start3A_645] : memref<200x8x32x8x128xf32, #tpu.memory_space<hbm>> -> memref<1x1x1x8x128xf32, #tpu.memory_space<hbm>>
      %dma_start3A_647 = tpu.memref_squeeze %dma_start3A_646 : memref<1x1x1x8x128xf32, #tpu.memory_space<hbm>> -> memref<8x128xf32, #tpu.memory_space<hbm>>
      %dma_start3A_648 = tpu.memref_slice %arg11[%dma_start3A_639] : memref<2x!tpu.dma_semaphore, #tpu.memory_space<semaphore_mem>> -> memref<1x!tpu.dma_semaphore, #tpu.memory_space<semaphore_mem>>
      %dma_start3A_649 = tpu.memref_squeeze %dma_start3A_648 : memref<1x!tpu.dma_semaphore, #tpu.memory_space<semaphore_mem>> -> memref<!tpu.dma_semaphore, #tpu.memory_space<semaphore_mem>>
      %dma_start3A_650 = arith.constant 0 : i32
      %dma_start3A_651 = arith.constant 0 : i32
      %dma_start3A_652 = tpu.memref_slice %arg4[%add3A_575, %dma_start3A_638, %add3A, %dma_start3A_650, %dma_start3A_651] : memref<200x8x32x8x128xf32, #tpu.memory_space<hbm>> -> memref<1x1x1x8x128xf32, #tpu.memory_space<hbm>>
      %dma_start3A_653 = tpu.memref_squeeze %dma_start3A_652 : memref<1x1x1x8x128xf32, #tpu.memory_space<hbm>> -> memref<8x128xf32, #tpu.memory_space<hbm>>
      %dma_start3A_654 = arith.constant 0 : i32
      %dma_start3A_655 = arith.constant 0 : i32
      %dma_start3A_656 = tpu.memref_slice %arg9[%dma_start3A_637, %dma_start3A_654, %dma_start3A_655] : memref<8x8x129xf32, #tpu.memory_space<vmem>> -> memref<1x8x128xf32, #tpu.memory_space<vmem>>
      %dma_start3A_657 = tpu.memref_squeeze %dma_start3A_656 : memref<1x8x128xf32, #tpu.memory_space<vmem>> -> memref<8x128xf32, #tpu.memory_space<vmem>>
      tpu.enqueue_dma source(%dma_start3A_657 : memref<8x128xf32, #tpu.memory_space<vmem>>) target(%dma_start3A_653 : memref<8x128xf32, #tpu.memory_space<hbm>>) target_semaphore(%dma_start3A_649 : memref<!tpu.dma_semaphore, #tpu.memory_space<semaphore_mem>>)
      %dma_start3A_658 = arith.constant 3 : i32
      %dma_start3A_659 = arith.constant 3 : i32
      %dma_start3A_660 = arith.constant 1 : i32
      %dma_start3A_661 = arith.constant 0 : i32
      %dma_start3A_662 = arith.constant 0 : i32
      %dma_start3A_663 = tpu.memref_slice %arg9[%dma_start3A_658, %dma_start3A_661, %dma_start3A_662] : memref<8x8x129xf32, #tpu.memory_space<vmem>> -> memref<1x8x128xf32, #tpu.memory_space<vmem>>
      %dma_start3A_664 = tpu.memref_squeeze %dma_start3A_663 : memref<1x8x128xf32, #tpu.memory_space<vmem>> -> memref<8x128xf32, #tpu.memory_space<vmem>>
      %dma_start3A_665 = arith.constant 0 : i32
      %dma_start3A_666 = arith.constant 0 : i32
      %dma_start3A_667 = tpu.memref_slice %arg4[%add3A_575, %dma_start3A_659, %add3A, %dma_start3A_665, %dma_start3A_666] : memref<200x8x32x8x128xf32, #tpu.memory_space<hbm>> -> memref<1x1x1x8x128xf32, #tpu.memory_space<hbm>>
      %dma_start3A_668 = tpu.memref_squeeze %dma_start3A_667 : memref<1x1x1x8x128xf32, #tpu.memory_space<hbm>> -> memref<8x128xf32, #tpu.memory_space<hbm>>
      %dma_start3A_669 = tpu.memref_slice %arg11[%dma_start3A_660] : memref<2x!tpu.dma_semaphore, #tpu.memory_space<semaphore_mem>> -> memref<1x!tpu.dma_semaphore, #tpu.memory_space<semaphore_mem>>
      %dma_start3A_670 = tpu.memref_squeeze %dma_start3A_669 : memref<1x!tpu.dma_semaphore, #tpu.memory_space<semaphore_mem>> -> memref<!tpu.dma_semaphore, #tpu.memory_space<semaphore_mem>>
      %dma_start3A_671 = arith.constant 0 : i32
      %dma_start3A_672 = arith.constant 0 : i32
      %dma_start3A_673 = tpu.memref_slice %arg4[%add3A_575, %dma_start3A_659, %add3A, %dma_start3A_671, %dma_start3A_672] : memref<200x8x32x8x128xf32, #tpu.memory_space<hbm>> -> memref<1x1x1x8x128xf32, #tpu.memory_space<hbm>>
      %dma_start3A_674 = tpu.memref_squeeze %dma_start3A_673 : memref<1x1x1x8x128xf32, #tpu.memory_space<hbm>> -> memref<8x128xf32, #tpu.memory_space<hbm>>
      %dma_start3A_675 = arith.constant 0 : i32
      %dma_start3A_676 = arith.constant 0 : i32
      %dma_start3A_677 = tpu.memref_slice %arg9[%dma_start3A_658, %dma_start3A_675, %dma_start3A_676] : memref<8x8x129xf32, #tpu.memory_space<vmem>> -> memref<1x8x128xf32, #tpu.memory_space<vmem>>
      %dma_start3A_678 = tpu.memref_squeeze %dma_start3A_677 : memref<1x8x128xf32, #tpu.memory_space<vmem>> -> memref<8x128xf32, #tpu.memory_space<vmem>>
      tpu.enqueue_dma source(%dma_start3A_678 : memref<8x128xf32, #tpu.memory_space<vmem>>) target(%dma_start3A_674 : memref<8x128xf32, #tpu.memory_space<hbm>>) target_semaphore(%dma_start3A_670 : memref<!tpu.dma_semaphore, #tpu.memory_space<semaphore_mem>>)
      %dma_start3A_679 = arith.constant 4 : i32
      %dma_start3A_680 = arith.constant 4 : i32
      %dma_start3A_681 = arith.constant 1 : i32
      %dma_start3A_682 = arith.constant 0 : i32
      %dma_start3A_683 = arith.constant 0 : i32
      %dma_start3A_684 = tpu.memref_slice %arg9[%dma_start3A_679, %dma_start3A_682, %dma_start3A_683] : memref<8x8x129xf32, #tpu.memory_space<vmem>> -> memref<1x8x128xf32, #tpu.memory_space<vmem>>
      %dma_start3A_685 = tpu.memref_squeeze %dma_start3A_684 : memref<1x8x128xf32, #tpu.memory_space<vmem>> -> memref<8x128xf32, #tpu.memory_space<vmem>>
      %dma_start3A_686 = arith.constant 0 : i32
      %dma_start3A_687 = arith.constant 0 : i32
      %dma_start3A_688 = tpu.memref_slice %arg4[%add3A_575, %dma_start3A_680, %add3A, %dma_start3A_686, %dma_start3A_687] : memref<200x8x32x8x128xf32, #tpu.memory_space<hbm>> -> memref<1x1x1x8x128xf32, #tpu.memory_space<hbm>>
      %dma_start3A_689 = tpu.memref_squeeze %dma_start3A_688 : memref<1x1x1x8x128xf32, #tpu.memory_space<hbm>> -> memref<8x128xf32, #tpu.memory_space<hbm>>
      %dma_start3A_690 = tpu.memref_slice %arg11[%dma_start3A_681] : memref<2x!tpu.dma_semaphore, #tpu.memory_space<semaphore_mem>> -> memref<1x!tpu.dma_semaphore, #tpu.memory_space<semaphore_mem>>
      %dma_start3A_691 = tpu.memref_squeeze %dma_start3A_690 : memref<1x!tpu.dma_semaphore, #tpu.memory_space<semaphore_mem>> -> memref<!tpu.dma_semaphore, #tpu.memory_space<semaphore_mem>>
      %dma_start3A_692 = arith.constant 0 : i32
      %dma_start3A_693 = arith.constant 0 : i32
      %dma_start3A_694 = tpu.memref_slice %arg4[%add3A_575, %dma_start3A_680, %add3A, %dma_start3A_692, %dma_start3A_693] : memref<200x8x32x8x128xf32, #tpu.memory_space<hbm>> -> memref<1x1x1x8x128xf32, #tpu.memory_space<hbm>>
      %dma_start3A_695 = tpu.memref_squeeze %dma_start3A_694 : memref<1x1x1x8x128xf32, #tpu.memory_space<hbm>> -> memref<8x128xf32, #tpu.memory_space<hbm>>
      %dma_start3A_696 = arith.constant 0 : i32
      %dma_start3A_697 = arith.constant 0 : i32
      %dma_start3A_698 = tpu.memref_slice %arg9[%dma_start3A_679, %dma_start3A_696, %dma_start3A_697] : memref<8x8x129xf32, #tpu.memory_space<vmem>> -> memref<1x8x128xf32, #tpu.memory_space<vmem>>
      %dma_start3A_699 = tpu.memref_squeeze %dma_start3A_698 : memref<1x8x128xf32, #tpu.memory_space<vmem>> -> memref<8x128xf32, #tpu.memory_space<vmem>>
      tpu.enqueue_dma source(%dma_start3A_699 : memref<8x128xf32, #tpu.memory_space<vmem>>) target(%dma_start3A_695 : memref<8x128xf32, #tpu.memory_space<hbm>>) target_semaphore(%dma_start3A_691 : memref<!tpu.dma_semaphore, #tpu.memory_space<semaphore_mem>>)
      %dma_start3A_700 = arith.constant 5 : i32
      %dma_start3A_701 = arith.constant 5 : i32
      %dma_start3A_702 = arith.constant 1 : i32
      %dma_start3A_703 = arith.constant 0 : i32
      %dma_start3A_704 = arith.constant 0 : i32
      %dma_start3A_705 = tpu.memref_slice %arg9[%dma_start3A_700, %dma_start3A_703, %dma_start3A_704] : memref<8x8x129xf32, #tpu.memory_space<vmem>> -> memref<1x8x128xf32, #tpu.memory_space<vmem>>
      %dma_start3A_706 = tpu.memref_squeeze %dma_start3A_705 : memref<1x8x128xf32, #tpu.memory_space<vmem>> -> memref<8x128xf32, #tpu.memory_space<vmem>>
      %dma_start3A_707 = arith.constant 0 : i32
      %dma_start3A_708 = arith.constant 0 : i32
      %dma_start3A_709 = tpu.memref_slice %arg4[%add3A_575, %dma_start3A_701, %add3A, %dma_start3A_707, %dma_start3A_708] : memref<200x8x32x8x128xf32, #tpu.memory_space<hbm>> -> memref<1x1x1x8x128xf32, #tpu.memory_space<hbm>>
      %dma_start3A_710 = tpu.memref_squeeze %dma_start3A_709 : memref<1x1x1x8x128xf32, #tpu.memory_space<hbm>> -> memref<8x128xf32, #tpu.memory_space<hbm>>
      %dma_start3A_711 = tpu.memref_slice %arg11[%dma_start3A_702] : memref<2x!tpu.dma_semaphore, #tpu.memory_space<semaphore_mem>> -> memref<1x!tpu.dma_semaphore, #tpu.memory_space<semaphore_mem>>
      %dma_start3A_712 = tpu.memref_squeeze %dma_start3A_711 : memref<1x!tpu.dma_semaphore, #tpu.memory_space<semaphore_mem>> -> memref<!tpu.dma_semaphore, #tpu.memory_space<semaphore_mem>>
      %dma_start3A_713 = arith.constant 0 : i32
      %dma_start3A_714 = arith.constant 0 : i32
      %dma_start3A_715 = tpu.memref_slice %arg4[%add3A_575, %dma_start3A_701, %add3A, %dma_start3A_713, %dma_start3A_714] : memref<200x8x32x8x128xf32, #tpu.memory_space<hbm>> -> memref<1x1x1x8x128xf32, #tpu.memory_space<hbm>>
      %dma_start3A_716 = tpu.memref_squeeze %dma_start3A_715 : memref<1x1x1x8x128xf32, #tpu.memory_space<hbm>> -> memref<8x128xf32, #tpu.memory_space<hbm>>
      %dma_start3A_717 = arith.constant 0 : i32
      %dma_start3A_718 = arith.constant 0 : i32
      %dma_start3A_719 = tpu.memref_slice %arg9[%dma_start3A_700, %dma_start3A_717, %dma_start3A_718] : memref<8x8x129xf32, #tpu.memory_space<vmem>> -> memref<1x8x128xf32, #tpu.memory_space<vmem>>
      %dma_start3A_720 = tpu.memref_squeeze %dma_start3A_719 : memref<1x8x128xf32, #tpu.memory_space<vmem>> -> memref<8x128xf32, #tpu.memory_space<vmem>>
      tpu.enqueue_dma source(%dma_start3A_720 : memref<8x128xf32, #tpu.memory_space<vmem>>) target(%dma_start3A_716 : memref<8x128xf32, #tpu.memory_space<hbm>>) target_semaphore(%dma_start3A_712 : memref<!tpu.dma_semaphore, #tpu.memory_space<semaphore_mem>>)
      %dma_start3A_721 = arith.constant 6 : i32
      %dma_start3A_722 = arith.constant 6 : i32
      %dma_start3A_723 = arith.constant 1 : i32
      %dma_start3A_724 = arith.constant 0 : i32
      %dma_start3A_725 = arith.constant 0 : i32
      %dma_start3A_726 = tpu.memref_slice %arg9[%dma_start3A_721, %dma_start3A_724, %dma_start3A_725] : memref<8x8x129xf32, #tpu.memory_space<vmem>> -> memref<1x8x128xf32, #tpu.memory_space<vmem>>
      %dma_start3A_727 = tpu.memref_squeeze %dma_start3A_726 : memref<1x8x128xf32, #tpu.memory_space<vmem>> -> memref<8x128xf32, #tpu.memory_space<vmem>>
      %dma_start3A_728 = arith.constant 0 : i32
      %dma_start3A_729 = arith.constant 0 : i32
      %dma_start3A_730 = tpu.memref_slice %arg4[%add3A_575, %dma_start3A_722, %add3A, %dma_start3A_728, %dma_start3A_729] : memref<200x8x32x8x128xf32, #tpu.memory_space<hbm>> -> memref<1x1x1x8x128xf32, #tpu.memory_space<hbm>>
      %dma_start3A_731 = tpu.memref_squeeze %dma_start3A_730 : memref<1x1x1x8x128xf32, #tpu.memory_space<hbm>> -> memref<8x128xf32, #tpu.memory_space<hbm>>
      %dma_start3A_732 = tpu.memref_slice %arg11[%dma_start3A_723] : memref<2x!tpu.dma_semaphore, #tpu.memory_space<semaphore_mem>> -> memref<1x!tpu.dma_semaphore, #tpu.memory_space<semaphore_mem>>
      %dma_start3A_733 = tpu.memref_squeeze %dma_start3A_732 : memref<1x!tpu.dma_semaphore, #tpu.memory_space<semaphore_mem>> -> memref<!tpu.dma_semaphore, #tpu.memory_space<semaphore_mem>>
      %dma_start3A_734 = arith.constant 0 : i32
      %dma_start3A_735 = arith.constant 0 : i32
      %dma_start3A_736 = tpu.memref_slice %arg4[%add3A_575, %dma_start3A_722, %add3A, %dma_start3A_734, %dma_start3A_735] : memref<200x8x32x8x128xf32, #tpu.memory_space<hbm>> -> memref<1x1x1x8x128xf32, #tpu.memory_space<hbm>>
      %dma_start3A_737 = tpu.memref_squeeze %dma_start3A_736 : memref<1x1x1x8x128xf32, #tpu.memory_space<hbm>> -> memref<8x128xf32, #tpu.memory_space<hbm>>
      %dma_start3A_738 = arith.constant 0 : i32
      %dma_start3A_739 = arith.constant 0 : i32
      %dma_start3A_740 = tpu.memref_slice %arg9[%dma_start3A_721, %dma_start3A_738, %dma_start3A_739] : memref<8x8x129xf32, #tpu.memory_space<vmem>> -> memref<1x8x128xf32, #tpu.memory_space<vmem>>
      %dma_start3A_741 = tpu.memref_squeeze %dma_start3A_740 : memref<1x8x128xf32, #tpu.memory_space<vmem>> -> memref<8x128xf32, #tpu.memory_space<vmem>>
      tpu.enqueue_dma source(%dma_start3A_741 : memref<8x128xf32, #tpu.memory_space<vmem>>) target(%dma_start3A_737 : memref<8x128xf32, #tpu.memory_space<hbm>>) target_semaphore(%dma_start3A_733 : memref<!tpu.dma_semaphore, #tpu.memory_space<semaphore_mem>>)
      %dma_start3A_742 = arith.constant 7 : i32
      %dma_start3A_743 = arith.constant 7 : i32
      %dma_start3A_744 = arith.constant 1 : i32
      %dma_start3A_745 = arith.constant 0 : i32
      %dma_start3A_746 = arith.constant 0 : i32
      %dma_start3A_747 = tpu.memref_slice %arg9[%dma_start3A_742, %dma_start3A_745, %dma_start3A_746] : memref<8x8x129xf32, #tpu.memory_space<vmem>> -> memref<1x8x128xf32, #tpu.memory_space<vmem>>
      %dma_start3A_748 = tpu.memref_squeeze %dma_start3A_747 : memref<1x8x128xf32, #tpu.memory_space<vmem>> -> memref<8x128xf32, #tpu.memory_space<vmem>>
      %dma_start3A_749 = arith.constant 0 : i32
      %dma_start3A_750 = arith.constant 0 : i32
      %dma_start3A_751 = tpu.memref_slice %arg4[%add3A_575, %dma_start3A_743, %add3A, %dma_start3A_749, %dma_start3A_750] : memref<200x8x32x8x128xf32, #tpu.memory_space<hbm>> -> memref<1x1x1x8x128xf32, #tpu.memory_space<hbm>>
      %dma_start3A_752 = tpu.memref_squeeze %dma_start3A_751 : memref<1x1x1x8x128xf32, #tpu.memory_space<hbm>> -> memref<8x128xf32, #tpu.memory_space<hbm>>
      %dma_start3A_753 = tpu.memref_slice %arg11[%dma_start3A_744] : memref<2x!tpu.dma_semaphore, #tpu.memory_space<semaphore_mem>> -> memref<1x!tpu.dma_semaphore, #tpu.memory_space<semaphore_mem>>
      %dma_start3A_754 = tpu.memref_squeeze %dma_start3A_753 : memref<1x!tpu.dma_semaphore, #tpu.memory_space<semaphore_mem>> -> memref<!tpu.dma_semaphore, #tpu.memory_space<semaphore_mem>>
      %dma_start3A_755 = arith.constant 0 : i32
      %dma_start3A_756 = arith.constant 0 : i32
      %dma_start3A_757 = tpu.memref_slice %arg4[%add3A_575, %dma_start3A_743, %add3A, %dma_start3A_755, %dma_start3A_756] : memref<200x8x32x8x128xf32, #tpu.memory_space<hbm>> -> memref<1x1x1x8x128xf32, #tpu.memory_space<hbm>>
      %dma_start3A_758 = tpu.memref_squeeze %dma_start3A_757 : memref<1x1x1x8x128xf32, #tpu.memory_space<hbm>> -> memref<8x128xf32, #tpu.memory_space<hbm>>
      %dma_start3A_759 = arith.constant 0 : i32
      %dma_start3A_760 = arith.constant 0 : i32
      %dma_start3A_761 = tpu.memref_slice %arg9[%dma_start3A_742, %dma_start3A_759, %dma_start3A_760] : memref<8x8x129xf32, #tpu.memory_space<vmem>> -> memref<1x8x128xf32, #tpu.memory_space<vmem>>
      %dma_start3A_762 = tpu.memref_squeeze %dma_start3A_761 : memref<1x8x128xf32, #tpu.memory_space<vmem>> -> memref<8x128xf32, #tpu.memory_space<vmem>>
      tpu.enqueue_dma source(%dma_start3A_762 : memref<8x128xf32, #tpu.memory_space<vmem>>) target(%dma_start3A_758 : memref<8x128xf32, #tpu.memory_space<hbm>>) target_semaphore(%dma_start3A_754 : memref<!tpu.dma_semaphore, #tpu.memory_space<semaphore_mem>>)
      %add3A_763 = arith.constant 2 : i32
      %add3A_764 = arith.addi %add3A_575, %add3A_763 : i32
      %lt3A_765 = arith.constant 200 : i32
      %lt3A_766 = arith.cmpi slt, %add3A_764, %lt3A_765 : i32
      %convert_element_type3A_767 = arith.extui %lt3A_766 : i1 to i32
      %cond3A_768 = arith.constant 0 : i32
      %cond3A_769 = arith.cmpi ne, %convert_element_type3A_767, %cond3A_768 : i32
      scf.if %cond3A_769 {
        %add3A_770 = arith.constant 2 : i32
        %add3A_771 = arith.addi %add3A_575, %add3A_770 : i32
        %dma_start3A_772 = arith.constant 1 : i32
        %dma_start3A_773 = arith.constant 0 : i32
        %dma_start3A_774 = tpu.memref_slice %arg5[%add3A_771, %dma_start3A_773] : memref<200x128xi32, #tpu.memory_space<vmem>> -> memref<1x128xi32, #tpu.memory_space<vmem>>
        %dma_start3A_775 = tpu.memref_squeeze %dma_start3A_774 : memref<1x128xi32, #tpu.memory_space<vmem>> -> memref<128xi32, #tpu.memory_space<vmem>>
        %dma_start3A_776 = arith.constant 0 : i32
        %dma_start3A_777 = arith.constant 0 : i32
        %dma_start3A_778 = tpu.memref_slice %arg3[%dma_start3A_776, %dma_start3A_777] : memref<1000000x64xf32, #tpu.memory_space<hbm>> -> memref<1000000x64xf32, #tpu.memory_space<hbm>>
        %dma_start3A_779 = tpu.memref_slice %arg10[%dma_start3A_772] : memref<2x!tpu.dma_semaphore, #tpu.memory_space<semaphore_mem>> -> memref<1x!tpu.dma_semaphore, #tpu.memory_space<semaphore_mem>>
        %dma_start3A_780 = tpu.memref_squeeze %dma_start3A_779 : memref<1x!tpu.dma_semaphore, #tpu.memory_space<semaphore_mem>> -> memref<!tpu.dma_semaphore, #tpu.memory_space<semaphore_mem>>
        tpu.enqueue_indirect_dma source(%dma_start3A_778 : memref<1000000x64xf32, #tpu.memory_space<hbm>>) target(%arg7 : memref<128x64xf32, #tpu.memory_space<vmem>>) offsets(%dma_start3A_775 : memref<128xi32, #tpu.memory_space<vmem>>) semaphore(%dma_start3A_780 : memref<!tpu.dma_semaphore, #tpu.memory_space<semaphore_mem>>)
      } else {
      }
    }
    %scan3A_25 = arith.constant 100 : i32
    %dma_wait3A = arith.constant 0 : i32
    %dma_wait3A_26 = arith.constant 198 : i32
    %dma_wait3A_27 = arith.constant 0 : i32
    %dma_wait3A_28 = arith.constant 0 : i32
    %dma_wait3A_29 = arith.constant 0 : i32
    %dma_wait3A_30 = arith.constant 0 : i32
    %dma_wait3A_31 = tpu.memref_slice %arg8[%dma_wait3A, %dma_wait3A_29, %dma_wait3A_30] : memref<8x8x129xf32, #tpu.memory_space<vmem>> -> memref<1x8x128xf32, #tpu.memory_space<vmem>>
    %dma_wait3A_32 = tpu.memref_squeeze %dma_wait3A_31 : memref<1x8x128xf32, #tpu.memory_space<vmem>> -> memref<8x128xf32, #tpu.memory_space<vmem>>
    %dma_wait3A_33 = arith.constant 0 : i32
    %dma_wait3A_34 = arith.constant 0 : i32
    %dma_wait3A_35 = tpu.memref_slice %arg4[%dma_wait3A_26, %dma_wait3A_27, %add3A, %dma_wait3A_33, %dma_wait3A_34] : memref<200x8x32x8x128xf32, #tpu.memory_space<hbm>> -> memref<1x1x1x8x128xf32, #tpu.memory_space<hbm>>
    %dma_wait3A_36 = tpu.memref_squeeze %dma_wait3A_35 : memref<1x1x1x8x128xf32, #tpu.memory_space<hbm>> -> memref<8x128xf32, #tpu.memory_space<hbm>>
    %dma_wait3A_37 = tpu.memref_slice %arg11[%dma_wait3A_28] : memref<2x!tpu.dma_semaphore, #tpu.memory_space<semaphore_mem>> -> memref<1x!tpu.dma_semaphore, #tpu.memory_space<semaphore_mem>>
    %dma_wait3A_38 = tpu.memref_squeeze %dma_wait3A_37 : memref<1x!tpu.dma_semaphore, #tpu.memory_space<semaphore_mem>> -> memref<!tpu.dma_semaphore, #tpu.memory_space<semaphore_mem>>
    %dma_wait3A_39 = arith.constant 0 : i32
    %dma_wait3A_40 = arith.constant 0 : i32
    %dma_wait3A_41 = tpu.memref_slice %arg4[%dma_wait3A_26, %dma_wait3A_27, %add3A, %dma_wait3A_39, %dma_wait3A_40] : memref<200x8x32x8x128xf32, #tpu.memory_space<hbm>> -> memref<1x1x1x8x128xf32, #tpu.memory_space<hbm>>
    %dma_wait3A_42 = tpu.memref_squeeze %dma_wait3A_41 : memref<1x1x1x8x128xf32, #tpu.memory_space<hbm>> -> memref<8x128xf32, #tpu.memory_space<hbm>>
    %dma_wait3A_43 = arith.constant 0 : i32
    %dma_wait3A_44 = arith.constant 0 : i32
    %dma_wait3A_45 = tpu.memref_slice %arg8[%dma_wait3A, %dma_wait3A_43, %dma_wait3A_44] : memref<8x8x129xf32, #tpu.memory_space<vmem>> -> memref<1x8x128xf32, #tpu.memory_space<vmem>>
    %dma_wait3A_46 = tpu.memref_squeeze %dma_wait3A_45 : memref<1x8x128xf32, #tpu.memory_space<vmem>> -> memref<8x128xf32, #tpu.memory_space<vmem>>
    tpu.wait_dma2 semaphore(%dma_wait3A_38 : memref<!tpu.dma_semaphore, #tpu.memory_space<semaphore_mem>>) src(%dma_wait3A_46 : memref<8x128xf32, #tpu.memory_space<vmem>>) dst(%dma_wait3A_42 : memref<8x128xf32, #tpu.memory_space<hbm>>)
    %dma_wait3A_47 = arith.constant 1 : i32
    %dma_wait3A_48 = arith.constant 198 : i32
    %dma_wait3A_49 = arith.constant 1 : i32
    %dma_wait3A_50 = arith.constant 0 : i32
    %dma_wait3A_51 = arith.constant 0 : i32
    %dma_wait3A_52 = arith.constant 0 : i32
    %dma_wait3A_53 = tpu.memref_slice %arg8[%dma_wait3A_47, %dma_wait3A_51, %dma_wait3A_52] : memref<8x8x129xf32, #tpu.memory_space<vmem>> -> memref<1x8x128xf32, #tpu.memory_space<vmem>>
    %dma_wait3A_54 = tpu.memref_squeeze %dma_wait3A_53 : memref<1x8x128xf32, #tpu.memory_space<vmem>> -> memref<8x128xf32, #tpu.memory_space<vmem>>
    %dma_wait3A_55 = arith.constant 0 : i32
    %dma_wait3A_56 = arith.constant 0 : i32
    %dma_wait3A_57 = tpu.memref_slice %arg4[%dma_wait3A_48, %dma_wait3A_49, %add3A, %dma_wait3A_55, %dma_wait3A_56] : memref<200x8x32x8x128xf32, #tpu.memory_space<hbm>> -> memref<1x1x1x8x128xf32, #tpu.memory_space<hbm>>
    %dma_wait3A_58 = tpu.memref_squeeze %dma_wait3A_57 : memref<1x1x1x8x128xf32, #tpu.memory_space<hbm>> -> memref<8x128xf32, #tpu.memory_space<hbm>>
    %dma_wait3A_59 = tpu.memref_slice %arg11[%dma_wait3A_50] : memref<2x!tpu.dma_semaphore, #tpu.memory_space<semaphore_mem>> -> memref<1x!tpu.dma_semaphore, #tpu.memory_space<semaphore_mem>>
    %dma_wait3A_60 = tpu.memref_squeeze %dma_wait3A_59 : memref<1x!tpu.dma_semaphore, #tpu.memory_space<semaphore_mem>> -> memref<!tpu.dma_semaphore, #tpu.memory_space<semaphore_mem>>
    %dma_wait3A_61 = arith.constant 0 : i32
    %dma_wait3A_62 = arith.constant 0 : i32
    %dma_wait3A_63 = tpu.memref_slice %arg4[%dma_wait3A_48, %dma_wait3A_49, %add3A, %dma_wait3A_61, %dma_wait3A_62] : memref<200x8x32x8x128xf32, #tpu.memory_space<hbm>> -> memref<1x1x1x8x128xf32, #tpu.memory_space<hbm>>
    %dma_wait3A_64 = tpu.memref_squeeze %dma_wait3A_63 : memref<1x1x1x8x128xf32, #tpu.memory_space<hbm>> -> memref<8x128xf32, #tpu.memory_space<hbm>>
    %dma_wait3A_65 = arith.constant 0 : i32
    %dma_wait3A_66 = arith.constant 0 : i32
    %dma_wait3A_67 = tpu.memref_slice %arg8[%dma_wait3A_47, %dma_wait3A_65, %dma_wait3A_66] : memref<8x8x129xf32, #tpu.memory_space<vmem>> -> memref<1x8x128xf32, #tpu.memory_space<vmem>>
    %dma_wait3A_68 = tpu.memref_squeeze %dma_wait3A_67 : memref<1x8x128xf32, #tpu.memory_space<vmem>> -> memref<8x128xf32, #tpu.memory_space<vmem>>
    tpu.wait_dma2 semaphore(%dma_wait3A_60 : memref<!tpu.dma_semaphore, #tpu.memory_space<semaphore_mem>>) src(%dma_wait3A_68 : memref<8x128xf32, #tpu.memory_space<vmem>>) dst(%dma_wait3A_64 : memref<8x128xf32, #tpu.memory_space<hbm>>)
    %dma_wait3A_69 = arith.constant 2 : i32
    %dma_wait3A_70 = arith.constant 198 : i32
    %dma_wait3A_71 = arith.constant 2 : i32
    %dma_wait3A_72 = arith.constant 0 : i32
    %dma_wait3A_73 = arith.constant 0 : i32
    %dma_wait3A_74 = arith.constant 0 : i32
    %dma_wait3A_75 = tpu.memref_slice %arg8[%dma_wait3A_69, %dma_wait3A_73, %dma_wait3A_74] : memref<8x8x129xf32, #tpu.memory_space<vmem>> -> memref<1x8x128xf32, #tpu.memory_space<vmem>>
    %dma_wait3A_76 = tpu.memref_squeeze %dma_wait3A_75 : memref<1x8x128xf32, #tpu.memory_space<vmem>> -> memref<8x128xf32, #tpu.memory_space<vmem>>
    %dma_wait3A_77 = arith.constant 0 : i32
    %dma_wait3A_78 = arith.constant 0 : i32
    %dma_wait3A_79 = tpu.memref_slice %arg4[%dma_wait3A_70, %dma_wait3A_71, %add3A, %dma_wait3A_77, %dma_wait3A_78] : memref<200x8x32x8x128xf32, #tpu.memory_space<hbm>> -> memref<1x1x1x8x128xf32, #tpu.memory_space<hbm>>
    %dma_wait3A_80 = tpu.memref_squeeze %dma_wait3A_79 : memref<1x1x1x8x128xf32, #tpu.memory_space<hbm>> -> memref<8x128xf32, #tpu.memory_space<hbm>>
    %dma_wait3A_81 = tpu.memref_slice %arg11[%dma_wait3A_72] : memref<2x!tpu.dma_semaphore, #tpu.memory_space<semaphore_mem>> -> memref<1x!tpu.dma_semaphore, #tpu.memory_space<semaphore_mem>>
    %dma_wait3A_82 = tpu.memref_squeeze %dma_wait3A_81 : memref<1x!tpu.dma_semaphore, #tpu.memory_space<semaphore_mem>> -> memref<!tpu.dma_semaphore, #tpu.memory_space<semaphore_mem>>
    %dma_wait3A_83 = arith.constant 0 : i32
    %dma_wait3A_84 = arith.constant 0 : i32
    %dma_wait3A_85 = tpu.memref_slice %arg4[%dma_wait3A_70, %dma_wait3A_71, %add3A, %dma_wait3A_83, %dma_wait3A_84] : memref<200x8x32x8x128xf32, #tpu.memory_space<hbm>> -> memref<1x1x1x8x128xf32, #tpu.memory_space<hbm>>
    %dma_wait3A_86 = tpu.memref_squeeze %dma_wait3A_85 : memref<1x1x1x8x128xf32, #tpu.memory_space<hbm>> -> memref<8x128xf32, #tpu.memory_space<hbm>>
    %dma_wait3A_87 = arith.constant 0 : i32
    %dma_wait3A_88 = arith.constant 0 : i32
    %dma_wait3A_89 = tpu.memref_slice %arg8[%dma_wait3A_69, %dma_wait3A_87, %dma_wait3A_88] : memref<8x8x129xf32, #tpu.memory_space<vmem>> -> memref<1x8x128xf32, #tpu.memory_space<vmem>>
    %dma_wait3A_90 = tpu.memref_squeeze %dma_wait3A_89 : memref<1x8x128xf32, #tpu.memory_space<vmem>> -> memref<8x128xf32, #tpu.memory_space<vmem>>
    tpu.wait_dma2 semaphore(%dma_wait3A_82 : memref<!tpu.dma_semaphore, #tpu.memory_space<semaphore_mem>>) src(%dma_wait3A_90 : memref<8x128xf32, #tpu.memory_space<vmem>>) dst(%dma_wait3A_86 : memref<8x128xf32, #tpu.memory_space<hbm>>)
    %dma_wait3A_91 = arith.constant 3 : i32
    %dma_wait3A_92 = arith.constant 198 : i32
    %dma_wait3A_93 = arith.constant 3 : i32
    %dma_wait3A_94 = arith.constant 0 : i32
    %dma_wait3A_95 = arith.constant 0 : i32
    %dma_wait3A_96 = arith.constant 0 : i32
    %dma_wait3A_97 = tpu.memref_slice %arg8[%dma_wait3A_91, %dma_wait3A_95, %dma_wait3A_96] : memref<8x8x129xf32, #tpu.memory_space<vmem>> -> memref<1x8x128xf32, #tpu.memory_space<vmem>>
    %dma_wait3A_98 = tpu.memref_squeeze %dma_wait3A_97 : memref<1x8x128xf32, #tpu.memory_space<vmem>> -> memref<8x128xf32, #tpu.memory_space<vmem>>
    %dma_wait3A_99 = arith.constant 0 : i32
    %dma_wait3A_100 = arith.constant 0 : i32
    %dma_wait3A_101 = tpu.memref_slice %arg4[%dma_wait3A_92, %dma_wait3A_93, %add3A, %dma_wait3A_99, %dma_wait3A_100] : memref<200x8x32x8x128xf32, #tpu.memory_space<hbm>> -> memref<1x1x1x8x128xf32, #tpu.memory_space<hbm>>
    %dma_wait3A_102 = tpu.memref_squeeze %dma_wait3A_101 : memref<1x1x1x8x128xf32, #tpu.memory_space<hbm>> -> memref<8x128xf32, #tpu.memory_space<hbm>>
    %dma_wait3A_103 = tpu.memref_slice %arg11[%dma_wait3A_94] : memref<2x!tpu.dma_semaphore, #tpu.memory_space<semaphore_mem>> -> memref<1x!tpu.dma_semaphore, #tpu.memory_space<semaphore_mem>>
    %dma_wait3A_104 = tpu.memref_squeeze %dma_wait3A_103 : memref<1x!tpu.dma_semaphore, #tpu.memory_space<semaphore_mem>> -> memref<!tpu.dma_semaphore, #tpu.memory_space<semaphore_mem>>
    %dma_wait3A_105 = arith.constant 0 : i32
    %dma_wait3A_106 = arith.constant 0 : i32
    %dma_wait3A_107 = tpu.memref_slice %arg4[%dma_wait3A_92, %dma_wait3A_93, %add3A, %dma_wait3A_105, %dma_wait3A_106] : memref<200x8x32x8x128xf32, #tpu.memory_space<hbm>> -> memref<1x1x1x8x128xf32, #tpu.memory_space<hbm>>
    %dma_wait3A_108 = tpu.memref_squeeze %dma_wait3A_107 : memref<1x1x1x8x128xf32, #tpu.memory_space<hbm>> -> memref<8x128xf32, #tpu.memory_space<hbm>>
    %dma_wait3A_109 = arith.constant 0 : i32
    %dma_wait3A_110 = arith.constant 0 : i32
    %dma_wait3A_111 = tpu.memref_slice %arg8[%dma_wait3A_91, %dma_wait3A_109, %dma_wait3A_110] : memref<8x8x129xf32, #tpu.memory_space<vmem>> -> memref<1x8x128xf32, #tpu.memory_space<vmem>>
    %dma_wait3A_112 = tpu.memref_squeeze %dma_wait3A_111 : memref<1x8x128xf32, #tpu.memory_space<vmem>> -> memref<8x128xf32, #tpu.memory_space<vmem>>
    tpu.wait_dma2 semaphore(%dma_wait3A_104 : memref<!tpu.dma_semaphore, #tpu.memory_space<semaphore_mem>>) src(%dma_wait3A_112 : memref<8x128xf32, #tpu.memory_space<vmem>>) dst(%dma_wait3A_108 : memref<8x128xf32, #tpu.memory_space<hbm>>)
    %dma_wait3A_113 = arith.constant 4 : i32
    %dma_wait3A_114 = arith.constant 198 : i32
    %dma_wait3A_115 = arith.constant 4 : i32
    %dma_wait3A_116 = arith.constant 0 : i32
    %dma_wait3A_117 = arith.constant 0 : i32
    %dma_wait3A_118 = arith.constant 0 : i32
    %dma_wait3A_119 = tpu.memref_slice %arg8[%dma_wait3A_113, %dma_wait3A_117, %dma_wait3A_118] : memref<8x8x129xf32, #tpu.memory_space<vmem>> -> memref<1x8x128xf32, #tpu.memory_space<vmem>>
    %dma_wait3A_120 = tpu.memref_squeeze %dma_wait3A_119 : memref<1x8x128xf32, #tpu.memory_space<vmem>> -> memref<8x128xf32, #tpu.memory_space<vmem>>
    %dma_wait3A_121 = arith.constant 0 : i32
    %dma_wait3A_122 = arith.constant 0 : i32
    %dma_wait3A_123 = tpu.memref_slice %arg4[%dma_wait3A_114, %dma_wait3A_115, %add3A, %dma_wait3A_121, %dma_wait3A_122] : memref<200x8x32x8x128xf32, #tpu.memory_space<hbm>> -> memref<1x1x1x8x128xf32, #tpu.memory_space<hbm>>
    %dma_wait3A_124 = tpu.memref_squeeze %dma_wait3A_123 : memref<1x1x1x8x128xf32, #tpu.memory_space<hbm>> -> memref<8x128xf32, #tpu.memory_space<hbm>>
    %dma_wait3A_125 = tpu.memref_slice %arg11[%dma_wait3A_116] : memref<2x!tpu.dma_semaphore, #tpu.memory_space<semaphore_mem>> -> memref<1x!tpu.dma_semaphore, #tpu.memory_space<semaphore_mem>>
    %dma_wait3A_126 = tpu.memref_squeeze %dma_wait3A_125 : memref<1x!tpu.dma_semaphore, #tpu.memory_space<semaphore_mem>> -> memref<!tpu.dma_semaphore, #tpu.memory_space<semaphore_mem>>
    %dma_wait3A_127 = arith.constant 0 : i32
    %dma_wait3A_128 = arith.constant 0 : i32
    %dma_wait3A_129 = tpu.memref_slice %arg4[%dma_wait3A_114, %dma_wait3A_115, %add3A, %dma_wait3A_127, %dma_wait3A_128] : memref<200x8x32x8x128xf32, #tpu.memory_space<hbm>> -> memref<1x1x1x8x128xf32, #tpu.memory_space<hbm>>
    %dma_wait3A_130 = tpu.memref_squeeze %dma_wait3A_129 : memref<1x1x1x8x128xf32, #tpu.memory_space<hbm>> -> memref<8x128xf32, #tpu.memory_space<hbm>>
    %dma_wait3A_131 = arith.constant 0 : i32
    %dma_wait3A_132 = arith.constant 0 : i32
    %dma_wait3A_133 = tpu.memref_slice %arg8[%dma_wait3A_113, %dma_wait3A_131, %dma_wait3A_132] : memref<8x8x129xf32, #tpu.memory_space<vmem>> -> memref<1x8x128xf32, #tpu.memory_space<vmem>>
    %dma_wait3A_134 = tpu.memref_squeeze %dma_wait3A_133 : memref<1x8x128xf32, #tpu.memory_space<vmem>> -> memref<8x128xf32, #tpu.memory_space<vmem>>
    tpu.wait_dma2 semaphore(%dma_wait3A_126 : memref<!tpu.dma_semaphore, #tpu.memory_space<semaphore_mem>>) src(%dma_wait3A_134 : memref<8x128xf32, #tpu.memory_space<vmem>>) dst(%dma_wait3A_130 : memref<8x128xf32, #tpu.memory_space<hbm>>)
    %dma_wait3A_135 = arith.constant 5 : i32
    %dma_wait3A_136 = arith.constant 198 : i32
    %dma_wait3A_137 = arith.constant 5 : i32
    %dma_wait3A_138 = arith.constant 0 : i32
    %dma_wait3A_139 = arith.constant 0 : i32
    %dma_wait3A_140 = arith.constant 0 : i32
    %dma_wait3A_141 = tpu.memref_slice %arg8[%dma_wait3A_135, %dma_wait3A_139, %dma_wait3A_140] : memref<8x8x129xf32, #tpu.memory_space<vmem>> -> memref<1x8x128xf32, #tpu.memory_space<vmem>>
    %dma_wait3A_142 = tpu.memref_squeeze %dma_wait3A_141 : memref<1x8x128xf32, #tpu.memory_space<vmem>> -> memref<8x128xf32, #tpu.memory_space<vmem>>
    %dma_wait3A_143 = arith.constant 0 : i32
    %dma_wait3A_144 = arith.constant 0 : i32
    %dma_wait3A_145 = tpu.memref_slice %arg4[%dma_wait3A_136, %dma_wait3A_137, %add3A, %dma_wait3A_143, %dma_wait3A_144] : memref<200x8x32x8x128xf32, #tpu.memory_space<hbm>> -> memref<1x1x1x8x128xf32, #tpu.memory_space<hbm>>
    %dma_wait3A_146 = tpu.memref_squeeze %dma_wait3A_145 : memref<1x1x1x8x128xf32, #tpu.memory_space<hbm>> -> memref<8x128xf32, #tpu.memory_space<hbm>>
    %dma_wait3A_147 = tpu.memref_slice %arg11[%dma_wait3A_138] : memref<2x!tpu.dma_semaphore, #tpu.memory_space<semaphore_mem>> -> memref<1x!tpu.dma_semaphore, #tpu.memory_space<semaphore_mem>>
    %dma_wait3A_148 = tpu.memref_squeeze %dma_wait3A_147 : memref<1x!tpu.dma_semaphore, #tpu.memory_space<semaphore_mem>> -> memref<!tpu.dma_semaphore, #tpu.memory_space<semaphore_mem>>
    %dma_wait3A_149 = arith.constant 0 : i32
    %dma_wait3A_150 = arith.constant 0 : i32
    %dma_wait3A_151 = tpu.memref_slice %arg4[%dma_wait3A_136, %dma_wait3A_137, %add3A, %dma_wait3A_149, %dma_wait3A_150] : memref<200x8x32x8x128xf32, #tpu.memory_space<hbm>> -> memref<1x1x1x8x128xf32, #tpu.memory_space<hbm>>
    %dma_wait3A_152 = tpu.memref_squeeze %dma_wait3A_151 : memref<1x1x1x8x128xf32, #tpu.memory_space<hbm>> -> memref<8x128xf32, #tpu.memory_space<hbm>>
    %dma_wait3A_153 = arith.constant 0 : i32
    %dma_wait3A_154 = arith.constant 0 : i32
    %dma_wait3A_155 = tpu.memref_slice %arg8[%dma_wait3A_135, %dma_wait3A_153, %dma_wait3A_154] : memref<8x8x129xf32, #tpu.memory_space<vmem>> -> memref<1x8x128xf32, #tpu.memory_space<vmem>>
    %dma_wait3A_156 = tpu.memref_squeeze %dma_wait3A_155 : memref<1x8x128xf32, #tpu.memory_space<vmem>> -> memref<8x128xf32, #tpu.memory_space<vmem>>
    tpu.wait_dma2 semaphore(%dma_wait3A_148 : memref<!tpu.dma_semaphore, #tpu.memory_space<semaphore_mem>>) src(%dma_wait3A_156 : memref<8x128xf32, #tpu.memory_space<vmem>>) dst(%dma_wait3A_152 : memref<8x128xf32, #tpu.memory_space<hbm>>)
    %dma_wait3A_157 = arith.constant 6 : i32
    %dma_wait3A_158 = arith.constant 198 : i32
    %dma_wait3A_159 = arith.constant 6 : i32
    %dma_wait3A_160 = arith.constant 0 : i32
    %dma_wait3A_161 = arith.constant 0 : i32
    %dma_wait3A_162 = arith.constant 0 : i32
    %dma_wait3A_163 = tpu.memref_slice %arg8[%dma_wait3A_157, %dma_wait3A_161, %dma_wait3A_162] : memref<8x8x129xf32, #tpu.memory_space<vmem>> -> memref<1x8x128xf32, #tpu.memory_space<vmem>>
    %dma_wait3A_164 = tpu.memref_squeeze %dma_wait3A_163 : memref<1x8x128xf32, #tpu.memory_space<vmem>> -> memref<8x128xf32, #tpu.memory_space<vmem>>
    %dma_wait3A_165 = arith.constant 0 : i32
    %dma_wait3A_166 = arith.constant 0 : i32
    %dma_wait3A_167 = tpu.memref_slice %arg4[%dma_wait3A_158, %dma_wait3A_159, %add3A, %dma_wait3A_165, %dma_wait3A_166] : memref<200x8x32x8x128xf32, #tpu.memory_space<hbm>> -> memref<1x1x1x8x128xf32, #tpu.memory_space<hbm>>
    %dma_wait3A_168 = tpu.memref_squeeze %dma_wait3A_167 : memref<1x1x1x8x128xf32, #tpu.memory_space<hbm>> -> memref<8x128xf32, #tpu.memory_space<hbm>>
    %dma_wait3A_169 = tpu.memref_slice %arg11[%dma_wait3A_160] : memref<2x!tpu.dma_semaphore, #tpu.memory_space<semaphore_mem>> -> memref<1x!tpu.dma_semaphore, #tpu.memory_space<semaphore_mem>>
    %dma_wait3A_170 = tpu.memref_squeeze %dma_wait3A_169 : memref<1x!tpu.dma_semaphore, #tpu.memory_space<semaphore_mem>> -> memref<!tpu.dma_semaphore, #tpu.memory_space<semaphore_mem>>
    %dma_wait3A_171 = arith.constant 0 : i32
    %dma_wait3A_172 = arith.constant 0 : i32
    %dma_wait3A_173 = tpu.memref_slice %arg4[%dma_wait3A_158, %dma_wait3A_159, %add3A, %dma_wait3A_171, %dma_wait3A_172] : memref<200x8x32x8x128xf32, #tpu.memory_space<hbm>> -> memref<1x1x1x8x128xf32, #tpu.memory_space<hbm>>
    %dma_wait3A_174 = tpu.memref_squeeze %dma_wait3A_173 : memref<1x1x1x8x128xf32, #tpu.memory_space<hbm>> -> memref<8x128xf32, #tpu.memory_space<hbm>>
    %dma_wait3A_175 = arith.constant 0 : i32
    %dma_wait3A_176 = arith.constant 0 : i32
    %dma_wait3A_177 = tpu.memref_slice %arg8[%dma_wait3A_157, %dma_wait3A_175, %dma_wait3A_176] : memref<8x8x129xf32, #tpu.memory_space<vmem>> -> memref<1x8x128xf32, #tpu.memory_space<vmem>>
    %dma_wait3A_178 = tpu.memref_squeeze %dma_wait3A_177 : memref<1x8x128xf32, #tpu.memory_space<vmem>> -> memref<8x128xf32, #tpu.memory_space<vmem>>
    tpu.wait_dma2 semaphore(%dma_wait3A_170 : memref<!tpu.dma_semaphore, #tpu.memory_space<semaphore_mem>>) src(%dma_wait3A_178 : memref<8x128xf32, #tpu.memory_space<vmem>>) dst(%dma_wait3A_174 : memref<8x128xf32, #tpu.memory_space<hbm>>)
    %dma_wait3A_179 = arith.constant 7 : i32
    %dma_wait3A_180 = arith.constant 198 : i32
    %dma_wait3A_181 = arith.constant 7 : i32
    %dma_wait3A_182 = arith.constant 0 : i32
    %dma_wait3A_183 = arith.constant 0 : i32
    %dma_wait3A_184 = arith.constant 0 : i32
    %dma_wait3A_185 = tpu.memref_slice %arg8[%dma_wait3A_179, %dma_wait3A_183, %dma_wait3A_184] : memref<8x8x129xf32, #tpu.memory_space<vmem>> -> memref<1x8x128xf32, #tpu.memory_space<vmem>>
    %dma_wait3A_186 = tpu.memref_squeeze %dma_wait3A_185 : memref<1x8x128xf32, #tpu.memory_space<vmem>> -> memref<8x128xf32, #tpu.memory_space<vmem>>
    %dma_wait3A_187 = arith.constant 0 : i32
    %dma_wait3A_188 = arith.constant 0 : i32
    %dma_wait3A_189 = tpu.memref_slice %arg4[%dma_wait3A_180, %dma_wait3A_181, %add3A, %dma_wait3A_187, %dma_wait3A_188] : memref<200x8x32x8x128xf32, #tpu.memory_space<hbm>> -> memref<1x1x1x8x128xf32, #tpu.memory_space<hbm>>
    %dma_wait3A_190 = tpu.memref_squeeze %dma_wait3A_189 : memref<1x1x1x8x128xf32, #tpu.memory_space<hbm>> -> memref<8x128xf32, #tpu.memory_space<hbm>>
    %dma_wait3A_191 = tpu.memref_slice %arg11[%dma_wait3A_182] : memref<2x!tpu.dma_semaphore, #tpu.memory_space<semaphore_mem>> -> memref<1x!tpu.dma_semaphore, #tpu.memory_space<semaphore_mem>>
    %dma_wait3A_192 = tpu.memref_squeeze %dma_wait3A_191 : memref<1x!tpu.dma_semaphore, #tpu.memory_space<semaphore_mem>> -> memref<!tpu.dma_semaphore, #tpu.memory_space<semaphore_mem>>
    %dma_wait3A_193 = arith.constant 0 : i32
    %dma_wait3A_194 = arith.constant 0 : i32
    %dma_wait3A_195 = tpu.memref_slice %arg4[%dma_wait3A_180, %dma_wait3A_181, %add3A, %dma_wait3A_193, %dma_wait3A_194] : memref<200x8x32x8x128xf32, #tpu.memory_space<hbm>> -> memref<1x1x1x8x128xf32, #tpu.memory_space<hbm>>
    %dma_wait3A_196 = tpu.memref_squeeze %dma_wait3A_195 : memref<1x1x1x8x128xf32, #tpu.memory_space<hbm>> -> memref<8x128xf32, #tpu.memory_space<hbm>>
    %dma_wait3A_197 = arith.constant 0 : i32
    %dma_wait3A_198 = arith.constant 0 : i32
    %dma_wait3A_199 = tpu.memref_slice %arg8[%dma_wait3A_179, %dma_wait3A_197, %dma_wait3A_198] : memref<8x8x129xf32, #tpu.memory_space<vmem>> -> memref<1x8x128xf32, #tpu.memory_space<vmem>>
    %dma_wait3A_200 = tpu.memref_squeeze %dma_wait3A_199 : memref<1x8x128xf32, #tpu.memory_space<vmem>> -> memref<8x128xf32, #tpu.memory_space<vmem>>
    tpu.wait_dma2 semaphore(%dma_wait3A_192 : memref<!tpu.dma_semaphore, #tpu.memory_space<semaphore_mem>>) src(%dma_wait3A_200 : memref<8x128xf32, #tpu.memory_space<vmem>>) dst(%dma_wait3A_196 : memref<8x128xf32, #tpu.memory_space<hbm>>)
    %dma_wait3A_201 = arith.constant 0 : i32
    %dma_wait3A_202 = arith.constant 199 : i32
    %dma_wait3A_203 = arith.constant 0 : i32
    %dma_wait3A_204 = arith.constant 1 : i32
    %dma_wait3A_205 = arith.constant 0 : i32
    %dma_wait3A_206 = arith.constant 0 : i32
    %dma_wait3A_207 = tpu.memref_slice %arg9[%dma_wait3A_201, %dma_wait3A_205, %dma_wait3A_206] : memref<8x8x129xf32, #tpu.memory_space<vmem>> -> memref<1x8x128xf32, #tpu.memory_space<vmem>>
    %dma_wait3A_208 = tpu.memref_squeeze %dma_wait3A_207 : memref<1x8x128xf32, #tpu.memory_space<vmem>> -> memref<8x128xf32, #tpu.memory_space<vmem>>
    %dma_wait3A_209 = arith.constant 0 : i32
    %dma_wait3A_210 = arith.constant 0 : i32
    %dma_wait3A_211 = tpu.memref_slice %arg4[%dma_wait3A_202, %dma_wait3A_203, %add3A, %dma_wait3A_209, %dma_wait3A_210] : memref<200x8x32x8x128xf32, #tpu.memory_space<hbm>> -> memref<1x1x1x8x128xf32, #tpu.memory_space<hbm>>
    %dma_wait3A_212 = tpu.memref_squeeze %dma_wait3A_211 : memref<1x1x1x8x128xf32, #tpu.memory_space<hbm>> -> memref<8x128xf32, #tpu.memory_space<hbm>>
    %dma_wait3A_213 = tpu.memref_slice %arg11[%dma_wait3A_204] : memref<2x!tpu.dma_semaphore, #tpu.memory_space<semaphore_mem>> -> memref<1x!tpu.dma_semaphore, #tpu.memory_space<semaphore_mem>>
    %dma_wait3A_214 = tpu.memref_squeeze %dma_wait3A_213 : memref<1x!tpu.dma_semaphore, #tpu.memory_space<semaphore_mem>> -> memref<!tpu.dma_semaphore, #tpu.memory_space<semaphore_mem>>
    %dma_wait3A_215 = arith.constant 0 : i32
    %dma_wait3A_216 = arith.constant 0 : i32
    %dma_wait3A_217 = tpu.memref_slice %arg4[%dma_wait3A_202, %dma_wait3A_203, %add3A, %dma_wait3A_215, %dma_wait3A_216] : memref<200x8x32x8x128xf32, #tpu.memory_space<hbm>> -> memref<1x1x1x8x128xf32, #tpu.memory_space<hbm>>
    %dma_wait3A_218 = tpu.memref_squeeze %dma_wait3A_217 : memref<1x1x1x8x128xf32, #tpu.memory_space<hbm>> -> memref<8x128xf32, #tpu.memory_space<hbm>>
    %dma_wait3A_219 = arith.constant 0 : i32
    %dma_wait3A_220 = arith.constant 0 : i32
    %dma_wait3A_221 = tpu.memref_slice %arg9[%dma_wait3A_201, %dma_wait3A_219, %dma_wait3A_220] : memref<8x8x129xf32, #tpu.memory_space<vmem>> -> memref<1x8x128xf32, #tpu.memory_space<vmem>>
    %dma_wait3A_222 = tpu.memref_squeeze %dma_wait3A_221 : memref<1x8x128xf32, #tpu.memory_space<vmem>> -> memref<8x128xf32, #tpu.memory_space<vmem>>
    tpu.wait_dma2 semaphore(%dma_wait3A_214 : memref<!tpu.dma_semaphore, #tpu.memory_space<semaphore_mem>>) src(%dma_wait3A_222 : memref<8x128xf32, #tpu.memory_space<vmem>>) dst(%dma_wait3A_218 : memref<8x128xf32, #tpu.memory_space<hbm>>)
    %dma_wait3A_223 = arith.constant 1 : i32
    %dma_wait3A_224 = arith.constant 199 : i32
    %dma_wait3A_225 = arith.constant 1 : i32
    %dma_wait3A_226 = arith.constant 1 : i32
    %dma_wait3A_227 = arith.constant 0 : i32
    %dma_wait3A_228 = arith.constant 0 : i32
    %dma_wait3A_229 = tpu.memref_slice %arg9[%dma_wait3A_223, %dma_wait3A_227, %dma_wait3A_228] : memref<8x8x129xf32, #tpu.memory_space<vmem>> -> memref<1x8x128xf32, #tpu.memory_space<vmem>>
    %dma_wait3A_230 = tpu.memref_squeeze %dma_wait3A_229 : memref<1x8x128xf32, #tpu.memory_space<vmem>> -> memref<8x128xf32, #tpu.memory_space<vmem>>
    %dma_wait3A_231 = arith.constant 0 : i32
    %dma_wait3A_232 = arith.constant 0 : i32
    %dma_wait3A_233 = tpu.memref_slice %arg4[%dma_wait3A_224, %dma_wait3A_225, %add3A, %dma_wait3A_231, %dma_wait3A_232] : memref<200x8x32x8x128xf32, #tpu.memory_space<hbm>> -> memref<1x1x1x8x128xf32, #tpu.memory_space<hbm>>
    %dma_wait3A_234 = tpu.memref_squeeze %dma_wait3A_233 : memref<1x1x1x8x128xf32, #tpu.memory_space<hbm>> -> memref<8x128xf32, #tpu.memory_space<hbm>>
    %dma_wait3A_235 = tpu.memref_slice %arg11[%dma_wait3A_226] : memref<2x!tpu.dma_semaphore, #tpu.memory_space<semaphore_mem>> -> memref<1x!tpu.dma_semaphore, #tpu.memory_space<semaphore_mem>>
    %dma_wait3A_236 = tpu.memref_squeeze %dma_wait3A_235 : memref<1x!tpu.dma_semaphore, #tpu.memory_space<semaphore_mem>> -> memref<!tpu.dma_semaphore, #tpu.memory_space<semaphore_mem>>
    %dma_wait3A_237 = arith.constant 0 : i32
    %dma_wait3A_238 = arith.constant 0 : i32
    %dma_wait3A_239 = tpu.memref_slice %arg4[%dma_wait3A_224, %dma_wait3A_225, %add3A, %dma_wait3A_237, %dma_wait3A_238] : memref<200x8x32x8x128xf32, #tpu.memory_space<hbm>> -> memref<1x1x1x8x128xf32, #tpu.memory_space<hbm>>
    %dma_wait3A_240 = tpu.memref_squeeze %dma_wait3A_239 : memref<1x1x1x8x128xf32, #tpu.memory_space<hbm>> -> memref<8x128xf32, #tpu.memory_space<hbm>>
    %dma_wait3A_241 = arith.constant 0 : i32
    %dma_wait3A_242 = arith.constant 0 : i32
    %dma_wait3A_243 = tpu.memref_slice %arg9[%dma_wait3A_223, %dma_wait3A_241, %dma_wait3A_242] : memref<8x8x129xf32, #tpu.memory_space<vmem>> -> memref<1x8x128xf32, #tpu.memory_space<vmem>>
    %dma_wait3A_244 = tpu.memref_squeeze %dma_wait3A_243 : memref<1x8x128xf32, #tpu.memory_space<vmem>> -> memref<8x128xf32, #tpu.memory_space<vmem>>
    tpu.wait_dma2 semaphore(%dma_wait3A_236 : memref<!tpu.dma_semaphore, #tpu.memory_space<semaphore_mem>>) src(%dma_wait3A_244 : memref<8x128xf32, #tpu.memory_space<vmem>>) dst(%dma_wait3A_240 : memref<8x128xf32, #tpu.memory_space<hbm>>)
    %dma_wait3A_245 = arith.constant 2 : i32
    %dma_wait3A_246 = arith.constant 199 : i32
    %dma_wait3A_247 = arith.constant 2 : i32
    %dma_wait3A_248 = arith.constant 1 : i32
    %dma_wait3A_249 = arith.constant 0 : i32
    %dma_wait3A_250 = arith.constant 0 : i32
    %dma_wait3A_251 = tpu.memref_slice %arg9[%dma_wait3A_245, %dma_wait3A_249, %dma_wait3A_250] : memref<8x8x129xf32, #tpu.memory_space<vmem>> -> memref<1x8x128xf32, #tpu.memory_space<vmem>>
    %dma_wait3A_252 = tpu.memref_squeeze %dma_wait3A_251 : memref<1x8x128xf32, #tpu.memory_space<vmem>> -> memref<8x128xf32, #tpu.memory_space<vmem>>
    %dma_wait3A_253 = arith.constant 0 : i32
    %dma_wait3A_254 = arith.constant 0 : i32
    %dma_wait3A_255 = tpu.memref_slice %arg4[%dma_wait3A_246, %dma_wait3A_247, %add3A, %dma_wait3A_253, %dma_wait3A_254] : memref<200x8x32x8x128xf32, #tpu.memory_space<hbm>> -> memref<1x1x1x8x128xf32, #tpu.memory_space<hbm>>
    %dma_wait3A_256 = tpu.memref_squeeze %dma_wait3A_255 : memref<1x1x1x8x128xf32, #tpu.memory_space<hbm>> -> memref<8x128xf32, #tpu.memory_space<hbm>>
    %dma_wait3A_257 = tpu.memref_slice %arg11[%dma_wait3A_248] : memref<2x!tpu.dma_semaphore, #tpu.memory_space<semaphore_mem>> -> memref<1x!tpu.dma_semaphore, #tpu.memory_space<semaphore_mem>>
    %dma_wait3A_258 = tpu.memref_squeeze %dma_wait3A_257 : memref<1x!tpu.dma_semaphore, #tpu.memory_space<semaphore_mem>> -> memref<!tpu.dma_semaphore, #tpu.memory_space<semaphore_mem>>
    %dma_wait3A_259 = arith.constant 0 : i32
    %dma_wait3A_260 = arith.constant 0 : i32
    %dma_wait3A_261 = tpu.memref_slice %arg4[%dma_wait3A_246, %dma_wait3A_247, %add3A, %dma_wait3A_259, %dma_wait3A_260] : memref<200x8x32x8x128xf32, #tpu.memory_space<hbm>> -> memref<1x1x1x8x128xf32, #tpu.memory_space<hbm>>
    %dma_wait3A_262 = tpu.memref_squeeze %dma_wait3A_261 : memref<1x1x1x8x128xf32, #tpu.memory_space<hbm>> -> memref<8x128xf32, #tpu.memory_space<hbm>>
    %dma_wait3A_263 = arith.constant 0 : i32
    %dma_wait3A_264 = arith.constant 0 : i32
    %dma_wait3A_265 = tpu.memref_slice %arg9[%dma_wait3A_245, %dma_wait3A_263, %dma_wait3A_264] : memref<8x8x129xf32, #tpu.memory_space<vmem>> -> memref<1x8x128xf32, #tpu.memory_space<vmem>>
    %dma_wait3A_266 = tpu.memref_squeeze %dma_wait3A_265 : memref<1x8x128xf32, #tpu.memory_space<vmem>> -> memref<8x128xf32, #tpu.memory_space<vmem>>
    tpu.wait_dma2 semaphore(%dma_wait3A_258 : memref<!tpu.dma_semaphore, #tpu.memory_space<semaphore_mem>>) src(%dma_wait3A_266 : memref<8x128xf32, #tpu.memory_space<vmem>>) dst(%dma_wait3A_262 : memref<8x128xf32, #tpu.memory_space<hbm>>)
    %dma_wait3A_267 = arith.constant 3 : i32
    %dma_wait3A_268 = arith.constant 199 : i32
    %dma_wait3A_269 = arith.constant 3 : i32
    %dma_wait3A_270 = arith.constant 1 : i32
    %dma_wait3A_271 = arith.constant 0 : i32
    %dma_wait3A_272 = arith.constant 0 : i32
    %dma_wait3A_273 = tpu.memref_slice %arg9[%dma_wait3A_267, %dma_wait3A_271, %dma_wait3A_272] : memref<8x8x129xf32, #tpu.memory_space<vmem>> -> memref<1x8x128xf32, #tpu.memory_space<vmem>>
    %dma_wait3A_274 = tpu.memref_squeeze %dma_wait3A_273 : memref<1x8x128xf32, #tpu.memory_space<vmem>> -> memref<8x128xf32, #tpu.memory_space<vmem>>
    %dma_wait3A_275 = arith.constant 0 : i32
    %dma_wait3A_276 = arith.constant 0 : i32
    %dma_wait3A_277 = tpu.memref_slice %arg4[%dma_wait3A_268, %dma_wait3A_269, %add3A, %dma_wait3A_275, %dma_wait3A_276] : memref<200x8x32x8x128xf32, #tpu.memory_space<hbm>> -> memref<1x1x1x8x128xf32, #tpu.memory_space<hbm>>
    %dma_wait3A_278 = tpu.memref_squeeze %dma_wait3A_277 : memref<1x1x1x8x128xf32, #tpu.memory_space<hbm>> -> memref<8x128xf32, #tpu.memory_space<hbm>>
    %dma_wait3A_279 = tpu.memref_slice %arg11[%dma_wait3A_270] : memref<2x!tpu.dma_semaphore, #tpu.memory_space<semaphore_mem>> -> memref<1x!tpu.dma_semaphore, #tpu.memory_space<semaphore_mem>>
    %dma_wait3A_280 = tpu.memref_squeeze %dma_wait3A_279 : memref<1x!tpu.dma_semaphore, #tpu.memory_space<semaphore_mem>> -> memref<!tpu.dma_semaphore, #tpu.memory_space<semaphore_mem>>
    %dma_wait3A_281 = arith.constant 0 : i32
    %dma_wait3A_282 = arith.constant 0 : i32
    %dma_wait3A_283 = tpu.memref_slice %arg4[%dma_wait3A_268, %dma_wait3A_269, %add3A, %dma_wait3A_281, %dma_wait3A_282] : memref<200x8x32x8x128xf32, #tpu.memory_space<hbm>> -> memref<1x1x1x8x128xf32, #tpu.memory_space<hbm>>
    %dma_wait3A_284 = tpu.memref_squeeze %dma_wait3A_283 : memref<1x1x1x8x128xf32, #tpu.memory_space<hbm>> -> memref<8x128xf32, #tpu.memory_space<hbm>>
    %dma_wait3A_285 = arith.constant 0 : i32
    %dma_wait3A_286 = arith.constant 0 : i32
    %dma_wait3A_287 = tpu.memref_slice %arg9[%dma_wait3A_267, %dma_wait3A_285, %dma_wait3A_286] : memref<8x8x129xf32, #tpu.memory_space<vmem>> -> memref<1x8x128xf32, #tpu.memory_space<vmem>>
    %dma_wait3A_288 = tpu.memref_squeeze %dma_wait3A_287 : memref<1x8x128xf32, #tpu.memory_space<vmem>> -> memref<8x128xf32, #tpu.memory_space<vmem>>
    tpu.wait_dma2 semaphore(%dma_wait3A_280 : memref<!tpu.dma_semaphore, #tpu.memory_space<semaphore_mem>>) src(%dma_wait3A_288 : memref<8x128xf32, #tpu.memory_space<vmem>>) dst(%dma_wait3A_284 : memref<8x128xf32, #tpu.memory_space<hbm>>)
    %dma_wait3A_289 = arith.constant 4 : i32
    %dma_wait3A_290 = arith.constant 199 : i32
    %dma_wait3A_291 = arith.constant 4 : i32
    %dma_wait3A_292 = arith.constant 1 : i32
    %dma_wait3A_293 = arith.constant 0 : i32
    %dma_wait3A_294 = arith.constant 0 : i32
    %dma_wait3A_295 = tpu.memref_slice %arg9[%dma_wait3A_289, %dma_wait3A_293, %dma_wait3A_294] : memref<8x8x129xf32, #tpu.memory_space<vmem>> -> memref<1x8x128xf32, #tpu.memory_space<vmem>>
    %dma_wait3A_296 = tpu.memref_squeeze %dma_wait3A_295 : memref<1x8x128xf32, #tpu.memory_space<vmem>> -> memref<8x128xf32, #tpu.memory_space<vmem>>
    %dma_wait3A_297 = arith.constant 0 : i32
    %dma_wait3A_298 = arith.constant 0 : i32
    %dma_wait3A_299 = tpu.memref_slice %arg4[%dma_wait3A_290, %dma_wait3A_291, %add3A, %dma_wait3A_297, %dma_wait3A_298] : memref<200x8x32x8x128xf32, #tpu.memory_space<hbm>> -> memref<1x1x1x8x128xf32, #tpu.memory_space<hbm>>
    %dma_wait3A_300 = tpu.memref_squeeze %dma_wait3A_299 : memref<1x1x1x8x128xf32, #tpu.memory_space<hbm>> -> memref<8x128xf32, #tpu.memory_space<hbm>>
    %dma_wait3A_301 = tpu.memref_slice %arg11[%dma_wait3A_292] : memref<2x!tpu.dma_semaphore, #tpu.memory_space<semaphore_mem>> -> memref<1x!tpu.dma_semaphore, #tpu.memory_space<semaphore_mem>>
    %dma_wait3A_302 = tpu.memref_squeeze %dma_wait3A_301 : memref<1x!tpu.dma_semaphore, #tpu.memory_space<semaphore_mem>> -> memref<!tpu.dma_semaphore, #tpu.memory_space<semaphore_mem>>
    %dma_wait3A_303 = arith.constant 0 : i32
    %dma_wait3A_304 = arith.constant 0 : i32
    %dma_wait3A_305 = tpu.memref_slice %arg4[%dma_wait3A_290, %dma_wait3A_291, %add3A, %dma_wait3A_303, %dma_wait3A_304] : memref<200x8x32x8x128xf32, #tpu.memory_space<hbm>> -> memref<1x1x1x8x128xf32, #tpu.memory_space<hbm>>
    %dma_wait3A_306 = tpu.memref_squeeze %dma_wait3A_305 : memref<1x1x1x8x128xf32, #tpu.memory_space<hbm>> -> memref<8x128xf32, #tpu.memory_space<hbm>>
    %dma_wait3A_307 = arith.constant 0 : i32
    %dma_wait3A_308 = arith.constant 0 : i32
    %dma_wait3A_309 = tpu.memref_slice %arg9[%dma_wait3A_289, %dma_wait3A_307, %dma_wait3A_308] : memref<8x8x129xf32, #tpu.memory_space<vmem>> -> memref<1x8x128xf32, #tpu.memory_space<vmem>>
    %dma_wait3A_310 = tpu.memref_squeeze %dma_wait3A_309 : memref<1x8x128xf32, #tpu.memory_space<vmem>> -> memref<8x128xf32, #tpu.memory_space<vmem>>
    tpu.wait_dma2 semaphore(%dma_wait3A_302 : memref<!tpu.dma_semaphore, #tpu.memory_space<semaphore_mem>>) src(%dma_wait3A_310 : memref<8x128xf32, #tpu.memory_space<vmem>>) dst(%dma_wait3A_306 : memref<8x128xf32, #tpu.memory_space<hbm>>)
    %dma_wait3A_311 = arith.constant 5 : i32
    %dma_wait3A_312 = arith.constant 199 : i32
    %dma_wait3A_313 = arith.constant 5 : i32
    %dma_wait3A_314 = arith.constant 1 : i32
    %dma_wait3A_315 = arith.constant 0 : i32
    %dma_wait3A_316 = arith.constant 0 : i32
    %dma_wait3A_317 = tpu.memref_slice %arg9[%dma_wait3A_311, %dma_wait3A_315, %dma_wait3A_316] : memref<8x8x129xf32, #tpu.memory_space<vmem>> -> memref<1x8x128xf32, #tpu.memory_space<vmem>>
    %dma_wait3A_318 = tpu.memref_squeeze %dma_wait3A_317 : memref<1x8x128xf32, #tpu.memory_space<vmem>> -> memref<8x128xf32, #tpu.memory_space<vmem>>
    %dma_wait3A_319 = arith.constant 0 : i32
    %dma_wait3A_320 = arith.constant 0 : i32
    %dma_wait3A_321 = tpu.memref_slice %arg4[%dma_wait3A_312, %dma_wait3A_313, %add3A, %dma_wait3A_319, %dma_wait3A_320] : memref<200x8x32x8x128xf32, #tpu.memory_space<hbm>> -> memref<1x1x1x8x128xf32, #tpu.memory_space<hbm>>
    %dma_wait3A_322 = tpu.memref_squeeze %dma_wait3A_321 : memref<1x1x1x8x128xf32, #tpu.memory_space<hbm>> -> memref<8x128xf32, #tpu.memory_space<hbm>>
    %dma_wait3A_323 = tpu.memref_slice %arg11[%dma_wait3A_314] : memref<2x!tpu.dma_semaphore, #tpu.memory_space<semaphore_mem>> -> memref<1x!tpu.dma_semaphore, #tpu.memory_space<semaphore_mem>>
    %dma_wait3A_324 = tpu.memref_squeeze %dma_wait3A_323 : memref<1x!tpu.dma_semaphore, #tpu.memory_space<semaphore_mem>> -> memref<!tpu.dma_semaphore, #tpu.memory_space<semaphore_mem>>
    %dma_wait3A_325 = arith.constant 0 : i32
    %dma_wait3A_326 = arith.constant 0 : i32
    %dma_wait3A_327 = tpu.memref_slice %arg4[%dma_wait3A_312, %dma_wait3A_313, %add3A, %dma_wait3A_325, %dma_wait3A_326] : memref<200x8x32x8x128xf32, #tpu.memory_space<hbm>> -> memref<1x1x1x8x128xf32, #tpu.memory_space<hbm>>
    %dma_wait3A_328 = tpu.memref_squeeze %dma_wait3A_327 : memref<1x1x1x8x128xf32, #tpu.memory_space<hbm>> -> memref<8x128xf32, #tpu.memory_space<hbm>>
    %dma_wait3A_329 = arith.constant 0 : i32
    %dma_wait3A_330 = arith.constant 0 : i32
    %dma_wait3A_331 = tpu.memref_slice %arg9[%dma_wait3A_311, %dma_wait3A_329, %dma_wait3A_330] : memref<8x8x129xf32, #tpu.memory_space<vmem>> -> memref<1x8x128xf32, #tpu.memory_space<vmem>>
    %dma_wait3A_332 = tpu.memref_squeeze %dma_wait3A_331 : memref<1x8x128xf32, #tpu.memory_space<vmem>> -> memref<8x128xf32, #tpu.memory_space<vmem>>
    tpu.wait_dma2 semaphore(%dma_wait3A_324 : memref<!tpu.dma_semaphore, #tpu.memory_space<semaphore_mem>>) src(%dma_wait3A_332 : memref<8x128xf32, #tpu.memory_space<vmem>>) dst(%dma_wait3A_328 : memref<8x128xf32, #tpu.memory_space<hbm>>)
    %dma_wait3A_333 = arith.constant 6 : i32
    %dma_wait3A_334 = arith.constant 199 : i32
    %dma_wait3A_335 = arith.constant 6 : i32
    %dma_wait3A_336 = arith.constant 1 : i32
    %dma_wait3A_337 = arith.constant 0 : i32
    %dma_wait3A_338 = arith.constant 0 : i32
    %dma_wait3A_339 = tpu.memref_slice %arg9[%dma_wait3A_333, %dma_wait3A_337, %dma_wait3A_338] : memref<8x8x129xf32, #tpu.memory_space<vmem>> -> memref<1x8x128xf32, #tpu.memory_space<vmem>>
    %dma_wait3A_340 = tpu.memref_squeeze %dma_wait3A_339 : memref<1x8x128xf32, #tpu.memory_space<vmem>> -> memref<8x128xf32, #tpu.memory_space<vmem>>
    %dma_wait3A_341 = arith.constant 0 : i32
    %dma_wait3A_342 = arith.constant 0 : i32
    %dma_wait3A_343 = tpu.memref_slice %arg4[%dma_wait3A_334, %dma_wait3A_335, %add3A, %dma_wait3A_341, %dma_wait3A_342] : memref<200x8x32x8x128xf32, #tpu.memory_space<hbm>> -> memref<1x1x1x8x128xf32, #tpu.memory_space<hbm>>
    %dma_wait3A_344 = tpu.memref_squeeze %dma_wait3A_343 : memref<1x1x1x8x128xf32, #tpu.memory_space<hbm>> -> memref<8x128xf32, #tpu.memory_space<hbm>>
    %dma_wait3A_345 = tpu.memref_slice %arg11[%dma_wait3A_336] : memref<2x!tpu.dma_semaphore, #tpu.memory_space<semaphore_mem>> -> memref<1x!tpu.dma_semaphore, #tpu.memory_space<semaphore_mem>>
    %dma_wait3A_346 = tpu.memref_squeeze %dma_wait3A_345 : memref<1x!tpu.dma_semaphore, #tpu.memory_space<semaphore_mem>> -> memref<!tpu.dma_semaphore, #tpu.memory_space<semaphore_mem>>
    %dma_wait3A_347 = arith.constant 0 : i32
    %dma_wait3A_348 = arith.constant 0 : i32
    %dma_wait3A_349 = tpu.memref_slice %arg4[%dma_wait3A_334, %dma_wait3A_335, %add3A, %dma_wait3A_347, %dma_wait3A_348] : memref<200x8x32x8x128xf32, #tpu.memory_space<hbm>> -> memref<1x1x1x8x128xf32, #tpu.memory_space<hbm>>
    %dma_wait3A_350 = tpu.memref_squeeze %dma_wait3A_349 : memref<1x1x1x8x128xf32, #tpu.memory_space<hbm>> -> memref<8x128xf32, #tpu.memory_space<hbm>>
    %dma_wait3A_351 = arith.constant 0 : i32
    %dma_wait3A_352 = arith.constant 0 : i32
    %dma_wait3A_353 = tpu.memref_slice %arg9[%dma_wait3A_333, %dma_wait3A_351, %dma_wait3A_352] : memref<8x8x129xf32, #tpu.memory_space<vmem>> -> memref<1x8x128xf32, #tpu.memory_space<vmem>>
    %dma_wait3A_354 = tpu.memref_squeeze %dma_wait3A_353 : memref<1x8x128xf32, #tpu.memory_space<vmem>> -> memref<8x128xf32, #tpu.memory_space<vmem>>
    tpu.wait_dma2 semaphore(%dma_wait3A_346 : memref<!tpu.dma_semaphore, #tpu.memory_space<semaphore_mem>>) src(%dma_wait3A_354 : memref<8x128xf32, #tpu.memory_space<vmem>>) dst(%dma_wait3A_350 : memref<8x128xf32, #tpu.memory_space<hbm>>)
    %dma_wait3A_355 = arith.constant 7 : i32
    %dma_wait3A_356 = arith.constant 199 : i32
    %dma_wait3A_357 = arith.constant 7 : i32
    %dma_wait3A_358 = arith.constant 1 : i32
    %dma_wait3A_359 = arith.constant 0 : i32
    %dma_wait3A_360 = arith.constant 0 : i32
    %dma_wait3A_361 = tpu.memref_slice %arg9[%dma_wait3A_355, %dma_wait3A_359, %dma_wait3A_360] : memref<8x8x129xf32, #tpu.memory_space<vmem>> -> memref<1x8x128xf32, #tpu.memory_space<vmem>>
    %dma_wait3A_362 = tpu.memref_squeeze %dma_wait3A_361 : memref<1x8x128xf32, #tpu.memory_space<vmem>> -> memref<8x128xf32, #tpu.memory_space<vmem>>
    %dma_wait3A_363 = arith.constant 0 : i32
    %dma_wait3A_364 = arith.constant 0 : i32
    %dma_wait3A_365 = tpu.memref_slice %arg4[%dma_wait3A_356, %dma_wait3A_357, %add3A, %dma_wait3A_363, %dma_wait3A_364] : memref<200x8x32x8x128xf32, #tpu.memory_space<hbm>> -> memref<1x1x1x8x128xf32, #tpu.memory_space<hbm>>
    %dma_wait3A_366 = tpu.memref_squeeze %dma_wait3A_365 : memref<1x1x1x8x128xf32, #tpu.memory_space<hbm>> -> memref<8x128xf32, #tpu.memory_space<hbm>>
    %dma_wait3A_367 = tpu.memref_slice %arg11[%dma_wait3A_358] : memref<2x!tpu.dma_semaphore, #tpu.memory_space<semaphore_mem>> -> memref<1x!tpu.dma_semaphore, #tpu.memory_space<semaphore_mem>>
    %dma_wait3A_368 = tpu.memref_squeeze %dma_wait3A_367 : memref<1x!tpu.dma_semaphore, #tpu.memory_space<semaphore_mem>> -> memref<!tpu.dma_semaphore, #tpu.memory_space<semaphore_mem>>
    %dma_wait3A_369 = arith.constant 0 : i32
    %dma_wait3A_370 = arith.constant 0 : i32
    %dma_wait3A_371 = tpu.memref_slice %arg4[%dma_wait3A_356, %dma_wait3A_357, %add3A, %dma_wait3A_369, %dma_wait3A_370] : memref<200x8x32x8x128xf32, #tpu.memory_space<hbm>> -> memref<1x1x1x8x128xf32, #tpu.memory_space<hbm>>
    %dma_wait3A_372 = tpu.memref_squeeze %dma_wait3A_371 : memref<1x1x1x8x128xf32, #tpu.memory_space<hbm>> -> memref<8x128xf32, #tpu.memory_space<hbm>>
    %dma_wait3A_373 = arith.constant 0 : i32
    %dma_wait3A_374 = arith.constant 0 : i32
    %dma_wait3A_375 = tpu.memref_slice %arg9[%dma_wait3A_355, %dma_wait3A_373, %dma_wait3A_374] : memref<8x8x129xf32, #tpu.memory_space<vmem>> -> memref<1x8x128xf32, #tpu.memory_space<vmem>>
    %dma_wait3A_376 = tpu.memref_squeeze %dma_wait3A_375 : memref<1x8x128xf32, #tpu.memory_space<vmem>> -> memref<8x128xf32, #tpu.memory_space<vmem>>
    tpu.wait_dma2 semaphore(%dma_wait3A_368 : memref<!tpu.dma_semaphore, #tpu.memory_space<semaphore_mem>>) src(%dma_wait3A_376 : memref<8x128xf32, #tpu.memory_space<vmem>>) dst(%dma_wait3A_372 : memref<8x128xf32, #tpu.memory_space<hbm>>)
    return
  }
}

</mosaic_0001>

<sc_bundles>
// kernel: kernel.3.cloned.1.call-start
scs
__scs_entry_jumppad:
0x0: {  	(pc) =	sbr.rel $0x88, $3  }
0x1: {  	(tag) =	ssettag $0x0;
	lr =	simm.s32 $0x1  }
0x2: {  	[smem:$0x3F9F] =	sst lr;
	_ =	strace $0xD0000000  }
0x3: {  	_ = 	snop  }
0x4: {  	_ = 	snop  }
0x5: {  	_ = 	snop  }
0x6: {  	_ = 	snop  }
0x7: {  	_ = 	snop  }
__scs_overlays_trampoline_lowered:
0x8: {  	[smem:$0x3FAE] =	sst s0  }
0x9: {  	[smem:$0x3FAF] =	sst s1  }
0xa: {  	[smem:$0x3FB0] =	sst s2  }
0xb: {  	[smem:$0x3FB1] =	sst s3  }
0xc: {  	[smem:$0x3FB2] =	sst s4  }
0xd: {  	[smem:$0x3FB3] =	sst s5  }
0xe: {  	[smem:$0x3FB4] =	sst s6  }
0xf: {  	[smem:$0x3FB5] =	sst s7  }
0x10: {  	[smem:$0x3FB6] =	sst s8  }
0x11: {  	[smem:$0x3FB7] =	sst s9;
	s0 =	simm.s32 @!p0 $0x0  }
0x12: {  	s1 =	sld [smem:$0x3F9D];
	s0 =	simm.s32 @p0 $0x1  }
0x13: {  	[smem:$0x3FB8] =	sst s0;
	s0 =	simm.s32 @!p1 $0x0  }
0x14: {  	s2 =	sld [smem:$0x3F9C];
	s0 =	simm.s32 @p1 $0x1  }
0x15: {  	[smem:$0x3FB9] =	sst s0;
	s0 =	simm.s32 @!p2 $0x0  }
0x16: {  	s3 =	sld [smem:$0x3FDB];
	s0 =	simm.s32 @p2 $0x1  }
0x17: {  	s4 =	simm.s32 $0x1BF5;
	[smem:$0x3FBB] =	sst s0  }
0x18: {  	s0 =	sld [smem:$0x3F9E];
	_ =	swait.ge [sflag:s4], $0x0  }
0x19: {  	s7 =	sld [smem:$0x3F9F]  }
0x1a: {  	s8 =	sadd.s32 $0xFFFFE003, lr  }
0x1b: {  	s9 =	sadd.s32 $0xFFFFFEF7, lr;
	s5 =	simm.s32 $0xFFFFFFFF;
	p2 =	slt.u32 s8, $0xFFFFF086  }
0x1c: {  	p1 =	slt.u32 s9, $0xF7A;
	s5 =	simm.s32 @!p2 $0x0  }
0x1d: {  	s5 =	simm.s32 @p1 $0x1;
	p0 =	seq.s32 s7, s2  }
0x1e: {  	s7 =	smul.u32 @!p0 $0xF7A, s2;
	p2 =	seq.s32 @!p0 s5, $0x0  }
0x1f: {  	s9 =	smul.u32 $0xF7A, s1;
	s8 =	simm.s32 @!p0 $0x1BF5;
	p2 =	por !p2, p0  }
0x20: {  	[sflag:s8] =	ssyncset.s32 @!p0 $0xFFFFF086;
	s6 =	sadd.s32 @!p0 s3, s7;
	s7 =	simm.s32 @!p0 $0x108  }
0x21: {  	s3 =	sadd.s32 s3, s9;
	s6 =	sadd.s32 @!p0 $0x88, s6;
	s7 =	simm.s32 @p2 $0x1082  }
0x22: {  	[simem:s7], [sflag:s8] =	dma.local @!p0 [hbm:s6], $0xF7A  }
0x23: {  	s9 =	sor.u32 $0xD0000000, s2;
	s6 =	simm.s32 $0x108;
	_ =	swait.ge @!p0 [sflag:s8], $0x0  }
0x24: {  	s3 =	sadd.s32 $0x88, s3;
	s6 =	simm.s32 @!p1 $0x1082;
	[sflag:s4] =	ssyncset.s32 $0xFFFFF086  }
0x25: {  	[simem:s6], [sflag:s4] =	dma.local [hbm:s3], $0xF7A  }
0x26: {  	[smem:$0x3F9F] =	sst s1;
	(tag) =	ssettag s2;
	_ =	strace s9  }
0x27: {  	s1 =	sld [smem:$0x3FAF]  }
0x28: {  	s2 =	sld [smem:$0x3FB0]  }
0x29: {  	s4 =	sld [smem:$0x3FB2]  }
0x2a: {  	p0 =	seq.s32 s5, $0x0;
	s5 =	sld [smem:$0x3FB3]  }
0x2b: {  	s6 =	sld [smem:$0x3FB4]  }
0x2c: {  	s7 =	sld [smem:$0x3FB5]  }
0x2d: {  	s3 =	simm.s32 $0x108;
	s8 =	sld [smem:$0x3FB6]  }
0x2e: {  	s3 =	simm.s32 @!p0 $0x1082;
	s9 =	sld [smem:$0x3FB7]  }
0x2f: {  	lr =	sadd.s32 s0, s3;
	s0 =	sld [smem:$0x3FAE]  }
0x30: {  	s3 =	sld [smem:$0x3FB1]  }
0x31: {  	[smem:$0x3FBA] =	sst s10  }
0x32: {  	s10 =	sld [smem:$0x3FB8];
	_ =	sdelay $0x3  }
0x33: {  	p0 =	seq.s32 s10, $0x1;
	s10 =	sld [smem:$0x3FBA];
	_ =	sdelay $0x3  }
0x34: {  	[smem:$0x3FBA] =	sst s10  }
0x35: {  	s10 =	sld [smem:$0x3FB9];
	_ =	sdelay $0x3  }
0x36: {  	p1 =	seq.s32 s10, $0x1;
	s10 =	sld [smem:$0x3FBA];
	_ =	sdelay $0x3  }
0x37: {  	[smem:$0x3FBA] =	sst s10  }
0x38: {  	s10 =	sld [smem:$0x3FBB]  }
0x39: {  	_ = 	snop;
	(pc) =	sbr.ind lr, $3  }
0x3a: {  	_ = 	snop  }
0x3b: {  	_ = 	snop  }
0x3c: {  	p2 =	seq.s32 s10, $0x1;
	s10 =	sld [smem:$0x3FBA]  }
0x3d: {  	_ =	shalt  }
0x3e: {  	_ =	shalt  }
0x3f: {  	_ =	shalt  }
0x40: {  	_ =	shalt  }
0x41: {  	_ =	shalt  }
0x42: {  	_ =	shalt  }
0x43: {  	_ =	shalt  }
0x44: {  	_ =	shalt  }
0x45: {  	_ =	shalt  }
0x46: {  	_ =	shalt  }
0x47: {  	_ =	shalt  }
0x48: {  	_ =	shalt  }
0x49: {  	_ =	shalt  }
0x4a: {  	_ =	shalt  }
0x4b: {  	_ =	shalt  }
0x4c: {  	_ =	shalt  }
0x4d: {  	_ =	shalt  }
0x4e: {  	_ =	shalt  }
0x4f: {  	_ =	shalt  }
0x50: {  	_ =	shalt  }
0x51: {  	_ =	shalt  }
0x52: {  	_ =	shalt  }
0x53: {  	_ =	shalt  }
0x54: {  	_ =	shalt  }
0x55: {  	_ =	shalt  }
0x56: {  	_ =	shalt  }
0x57: {  	_ =	shalt  }
0x58: {  	_ =	shalt  }
0x59: {  	_ =	shalt  }
0x5a: {  	_ =	shalt  }
0x5b: {  	_ =	shalt  }
0x5c: {  	_ =	shalt  }
0x5d: {  	_ =	shalt  }
0x5e: {  	_ =	shalt  }
0x5f: {  	_ =	shalt  }
0x60: {  	_ =	shalt  }
0x61: {  	_ =	shalt  }
0x62: {  	_ =	shalt  }
0x63: {  	_ =	shalt  }
0x64: {  	_ =	shalt  }
0x65: {  	_ =	shalt  }
0x66: {  	_ =	shalt  }
0x67: {  	_ =	shalt  }
0x68: {  	_ =	shalt  }
0x69: {  	_ =	shalt  }
0x6a: {  	_ =	shalt  }
0x6b: {  	_ =	shalt  }
0x6c: {  	_ =	shalt  }
0x6d: {  	_ =	shalt  }
0x6e: {  	_ =	shalt  }
0x6f: {  	_ =	shalt  }
0x70: {  	_ =	shalt  }
0x71: {  	_ =	shalt  }
0x72: {  	_ =	shalt  }
0x73: {  	_ =	shalt  }
0x74: {  	_ =	shalt  }
0x75: {  	_ =	shalt  }
0x76: {  	_ =	shalt  }
0x77: {  	_ =	shalt  }
0x78: {  	_ =	shalt  }
0x79: {  	_ =	shalt  }
0x7a: {  	_ =	shalt  }
0x7b: {  	_ =	shalt  }
0x7c: {  	_ =	shalt  }
0x7d: {  	_ =	shalt  }
0x7e: {  	_ =	shalt  }
0x7f: {  	_ =	shalt  }
0x80: {  	_ =	shalt  }
0x81: {  	_ =	shalt  }
0x82: {  	_ =	shalt  }
0x83: {  	_ =	shalt  }
0x84: {  	_ =	shalt  }
0x85: {  	_ =	shalt  }
0x86: {  	_ =	shalt  }
0x87: {  	_ =	shalt  }
.Lfunc_end0:
.L_simem_size_0:
called_computation_lowered:
.L_overlay_start_0:
0x88: {  	s2 =	sld [smem:$0x3FD9]  }
0x89: {  	s3 =	sld [smem:$0x3FFE];
	_ =	sdelay $0x1  }
0x8a: {  	s1 =	srdreg.scid  }
0x8b: {  	s0 =	sand.u32 $0x1, s1  }
0x8c: {  	s17 =	sshll.u32 s0, $0xA;
	s2 =	sadd.s32 s3, s2  }
0x8d: {  	s2 =	sadd.s32 s2, s17  }
0x8e: {  	[smem:$0x3FC6] =	sst s2  }
0x8f: {  	_ = 	snop  }
0x90: {  	s2 =	sld [smem:$0x3FD0];
	(tm) =	ssettm $0x1  }
0x91: {  	s18 =	sld [smem:$0x3FFB];
	_ =	sdelay $0x3  }
0x92: {  	_ =	strace s18  }
0x93: {  	s3 =	sld [smem:$0x3FFC];
	_ =	sdelay $0x3  }
0x94: {  	_ =	strace s3  }
0x95: {  	s3 =	sld [smem:$0x3FFD];
	_ =	sdelay $0x3  }
0x96: {  	_ =	strace s3  }
0x97: {  	_ =	strace $0x8FFFFFFF  }
0x98: {  	s19 =	sld [smem:$0x3FDB];
	_ =	sdelay $0x1  }
0x99: {  	s4 =	simm.s32 $_scs_section_size  }
0x9a: {  	s5 =	simm.s32 $_size__tile_overlayer_lowered;
	s6 =	simm.s32 $_tile_overlayer_lowered  }
0x9b: {  	s22 =	simm.s32 $0x1BFF;
	s21 =	sshll.u32 s6, $0x1;
	s3 =	sadd.s32 s4, s19  }
0x9c: {  	s7 =	simm.s32 $0x0;
	s20 =	sshll.u32 s5, $0x1;
	s5 =	sadd.s32 s21, s3  }
0x9d: {  	[timem:s7], [sflag:s22] =	dma.local [hbm:s5], s20  }
0x9e: {  	_ =	swait.ge [sflag:s22], s20  }
0x9f: {  	s4 =	ssub.s32 $0x0, s20;
	[sflag:s22] =	ssyncset.done $0x0  }
0xa0: {  	[sflag:s22] =	ssyncadd.s32 s4;
	_ =	sdelay $0x1  }
0xa1: {  	s23 =	simm.s32 $0x1B8B  }
0xa2: {  	_ =	swait.ge [sflag:s23], $0x1  }
0xa3: {  	[sflag:s23] =	ssyncset.done $0x0  }
0xa4: {  	s25 =	simm.s32 $0x1B8E;
	s24 =	sld [smem:$0x3FFE];
	[sflag:s23] =	ssyncadd.s32 $0xFFFFFFFF  }
0xa5: {  	s26 =	simm.s32 $execute0_lowered;
	[smem:$0x3FD2] =	sst s25  }
0xa6: {  	s5 =	sshll.u32 s26, $0x1;
	_ =	strace $0x80000046;
	[dreg:$0x1] =	wrdreg $0xFFFFFFFF  }
0xa7: {  	s28 =	simm.s32 $_size_execute0_lowered;
	s3 =	sadd.s32 s3, s5;
	[dreg:$0x0] =	wrdreg $0x0  }
0xa8: {  	s5 =	sshll.u32 s28, $0x1;
	[dreg:$0x2] =	wrdreg s3  }
0xa9: {  	[dreg:$0x3] =	wrdreg s5  }
0xaa: {  	[dreg:$0x4] =	wrdreg $0xC0  }
0xab: {  	_ =	task [dreg:s7], $0x5FFFF  }
0xac: {  	[dreg:$0x1] =	wrdreg $0xFFFFFFFF  }
0xad: {  	[dreg:$0x0] =	wrdreg $0x60  }
0xae: {  	[dreg:$0x2] =	wrdreg s24  }
0xaf: {  	[dreg:$0x3] =	wrdreg s2  }
0xb0: {  	[dreg:$0x4] =	wrdreg $0x9  }
0xb1: {  	_ =	task.clear_ibuf [dreg:s7], $0x5FFFF;
	_ =	strace $0x90000046  }
0xb2: {  	s29 =	simm.s32 $0x9;
	_ =	strace $0x80000048  }
0xb3: {  	_ =	swait.ge [sflag:s29], $0x1  }
0xb4: {  	[sflag:s29] =	ssyncadd.s32 $0xFFFFFFFF  }
0xb5: {  	_ =	strace $0x90000048  }
0xb6: {  	_ =	sfence  }
0xb7: {  	s30 =	sld [smem:$0x0];
	_ =	sdelay $0x2  }
0xb8: {  	s31 =	sshll.u32 s1, $0xD;
	s1 =	sshrl.u32 s1, $0x2  }
0xb9: {  	s3 =	sand.u32 $0x4000, s31;
	s1 =	sadd.s32 s1, s30  }
0xba: {  	s0 =	sor.u32 s3, s0;
	s1 =	sshll.u32 s1, $0x11  }
0xbb: {  	s0 =	sor.u32 s1, s0  }
0xbc: {  	s0 =	sadd.s32 $0x8F2B, s0  }
0xbd: {  	[sflag:s0] =	ssyncadd.remote.s32 $0x1  }
0xbe: {  	_ =	sfence.sel $0xFFFF  }
0xbf: {  	[dreg:$0x0] =	wrdreg $0xFFFFFFFF;
	(pc) =	sbr.abs _section_cstart, $3  }
0xc0: {  	[dreg:$0x1] =	wrdreg $0xFFFFFFFF  }
0xc1: {  	_ =	task.clear_ibuf [dreg:s7], $0x2FFFF;
	_ =	strace $0x9FFFFFFF  }
0xc2: {  	(tm) =	ssettm $0x7FFFFFFF  }
0xc3: {  	_ =	shalt  }
tec
execute0_lowered:
.L_overlay_start_1:
0x0: {  	(tag) =	ssettag $0x1  }
0x1: {  	s0 =	rddreg [dreg:$0x0]  }
0x2: {  	s21 =	rddreg [dreg:$0x1]  }
0x3: {  	s1 =	srdreg.scid;
	s2 =	stileid.u32;
	s3 =	simm.s32 $0x0;
	v0 =	vlaneseq.u32  }
0x4: {  	s23 =	simm.s32 $0x80;
	s29 =	simm.s32 $0x1;
	s30 =	simm.s32 $0xA400;
	v0 =	vmul.u32 $0x88, v0  }
0x5: {  	s24 =	simm.s32 $0x2;
	s22 =	simm.s32 $0xC600;
	v1 =	vimm.s32 $0x0;
	vm0 =	vcmask $0x300;
	s1 =	sand.u32 $0x1, s1  }
0x6: {  	s2 =	sshll.u32 s2, $0x1;
	[smem:$0x7FF] =	sst s3;
	s7 =	sadd.s32 $0x1000, s21;
	v1 =	vsel vm0, $0x3, v1;
	v2 =	vadd.s32 $0x880, v0  }
0x7: {  	s8 =	sadd.s32 $0x2000, s21;
	s9 =	sadd.s32 $0x3000, s21;
	s10 =	sadd.s32 $0x4000, s21;
	v3 =	vadd.s32 $0x1100, v0;
	v4 =	vadd.s32 $0x1980, v0;
	v5 =	vor.u32 $0x1, v0  }
0x8: {  	s11 =	sadd.s32 $0x5000, s21;
	s12 =	sadd.s32 $0x6000, s21;
	s13 =	sadd.s32 $0x7000, s21;
	v6 =	vadd.s32 $0x881, v0;
	v7 =	vadd.s32 $0x1101, v0;
	v8 =	vadd.s32 $0x1981, v0  }
0x9: {  	s14 =	sadd.s32 $0x8000, s21;
	s15 =	sadd.s32 $0x9000, s21;
	s16 =	sadd.s32 $0xA000, s21;
	v9 =	vor.u32 $0x2, v0;
	v10 =	vadd.s32 $0x882, v0;
	v11 =	vadd.s32 $0x1102, v0  }
0xa: {  	s17 =	sadd.s32 $0xB000, s21;
	s18 =	sadd.s32 $0xC000, s21;
	s19 =	sadd.s32 $0xD000, s21;
	v12 =	vadd.s32 $0x1982, v0;
	v13 =	vor.u32 $0x3, v0;
	v14 =	vadd.s32 $0x883, v0  }
0xb: {  	s20 =	sadd.s32 $0xE000, s21;
	s21 =	sadd.s32 $0xF000, s21;
	s2 =	sor.u32 s1, s2;
	v15 =	vadd.s32 $0x1103, v0;
	v16 =	vadd.s32 $0x1983, v0;
	v17 =	vor.u32 $0x4, v0  }
.Ltmp0:
0xc: {  	s1 =	ssub.s32 $0x2, s1;
	s4 =	sshll.u32 s2, $0x4;
	v18 =	vadd.s32 $0x884, v0;
	v19 =	vadd.s32 $0x1104, v0;
	v20 =	vadd.s32 $0x1984, v0;
	(pc) =	sbr.rel .LBB2_1-.Ltmp0, $4  }
0xd: {  	_ =	strace $0x80000047;
	s5 =	sshrl.u32 s1, $0x1;
	v21 =	vor.u32 $0x5, v0;
	v22 =	vadd.s32 $0x885, v0;
	v23 =	vadd.s32 $0x1105, v0;
	s6 =	sadd.s32 s4, s0  }
0xe: {  	v24 =	vadd.s32 $0x1985, v0;
	v25 =	vor.u32 $0x6, v0;
	v26 =	vadd.s32 $0x886, v0;
	s4 =	sadd.s32 $0xF42A00, s0;
	s28 =	ssub.s32 s1, s5;
	s31 =	sadd.s32 $0x600, s6  }
0xf: {  	v27 =	vadd.s32 $0x1106, v0;
	v28 =	vadd.s32 $0x1986, v0;
	v29 =	vor.u32 $0x7, v0;
	s5 =	simm.s32 $0x4;
	s0 =	smax.u32 s28, $0x1;
	[dreg:$0x3] =	wrdreg s31  }
0x10: {  	v30 =	vadd.s32 $0x887, v0;
	v31 =	vadd.s32 $0x1107, v0;
	v32 =	vadd.s32 $0x1987, v0;
	s1 =	simm.s32 $0x0;
	s6 =	sshll.u32 s2, $0x7;
	[dreg:$0x4] =	wrdreg s0  }
.LBB2_12:
0x11: {  	s0 =	simm.s32 $0x3  }
0x12: {  	_ =	swait.ge [sflag:s0], $0x400  }
0x13: {  	[sflag:s0] =	ssyncset.done $0x0  }
0x14: {  	[sflag:s0] =	ssyncadd.s32 $0xFFFFFC00  }
0x15: {  	_ =	swait.ge [sflag:s0], $0x400  }
0x16: {  	[sflag:s0] =	ssyncset.done $0x0  }
0x17: {  	[sflag:s0] =	ssyncadd.s32 $0xFFFFFC00  }
0x18: {  	_ =	swait.ge [sflag:s0], $0x400  }
0x19: {  	[sflag:s0] =	ssyncset.done $0x0  }
0x1a: {  	[sflag:s0] =	ssyncadd.s32 $0xFFFFFC00  }
0x1b: {  	_ =	swait.ge [sflag:s0], $0x400  }
0x1c: {  	[sflag:s0] =	ssyncset.done $0x0  }
0x1d: {  	[sflag:s0] =	ssyncadd.s32 $0xFFFFFC00  }
0x1e: {  	_ =	swait.ge [sflag:s0], $0x400  }
0x1f: {  	[sflag:s0] =	ssyncset.done $0x0  }
0x20: {  	[sflag:s0] =	ssyncadd.s32 $0xFFFFFC00  }
0x21: {  	_ =	swait.ge [sflag:s0], $0x400  }
0x22: {  	[sflag:s0] =	ssyncset.done $0x0  }
0x23: {  	[sflag:s0] =	ssyncadd.s32 $0xFFFFFC00  }
0x24: {  	_ =	swait.ge [sflag:s0], $0x400  }
0x25: {  	[sflag:s0] =	ssyncset.done $0x0  }
0x26: {  	[sflag:s0] =	ssyncadd.s32 $0xFFFFFC00  }
0x27: {  	_ =	swait.ge [sflag:s0], $0x400  }
0x28: {  	[sflag:s0] =	ssyncset.done $0x0  }
0x29: {  	[sflag:s0] =	ssyncadd.s32 $0xFFFFFC00  }
0x2a: {  	_ =	swait.ge [sflag:s5], $0x400  }
0x2b: {  	[sflag:s5] =	ssyncset.done $0x0  }
0x2c: {  	[sflag:s5] =	ssyncadd.s32 $0xFFFFFC00  }
0x2d: {  	_ =	swait.ge [sflag:s5], $0x400  }
0x2e: {  	[sflag:s5] =	ssyncset.done $0x0  }
0x2f: {  	[sflag:s5] =	ssyncadd.s32 $0xFFFFFC00  }
0x30: {  	_ =	swait.ge [sflag:s5], $0x400  }
0x31: {  	[sflag:s5] =	ssyncset.done $0x0  }
0x32: {  	[sflag:s5] =	ssyncadd.s32 $0xFFFFFC00  }
0x33: {  	_ =	swait.ge [sflag:s5], $0x400  }
0x34: {  	[sflag:s5] =	ssyncset.done $0x0  }
0x35: {  	[sflag:s5] =	ssyncadd.s32 $0xFFFFFC00  }
0x36: {  	_ =	swait.ge [sflag:s5], $0x400  }
0x37: {  	[sflag:s5] =	ssyncset.done $0x0  }
0x38: {  	[sflag:s5] =	ssyncadd.s32 $0xFFFFFC00  }
0x39: {  	_ =	swait.ge [sflag:s5], $0x400  }
0x3a: {  	[sflag:s5] =	ssyncset.done $0x0  }
0x3b: {  	[sflag:s5] =	ssyncadd.s32 $0xFFFFFC00  }
0x3c: {  	_ =	swait.ge [sflag:s5], $0x400  }
0x3d: {  	[sflag:s5] =	ssyncset.done $0x0  }
0x3e: {  	[sflag:s5] =	ssyncadd.s32 $0xFFFFFC00  }
0x3f: {  	_ =	swait.ge [sflag:s5], $0x400  }
0x40: {  	s1 =	rddreg [dreg:$0x5]  }
0x41: {  	s31 =	rddreg [dreg:$0x4];
	s1 =	sadd.s32 $0x1, s1  }
0x42: {  	p0 =	sne.s32 s1, s31  }
.Ltmp1:
0x43: {  	_ = 	snop;
	(pc) =	sbr.rel @!p0 .LBB2_13-.Ltmp1, $3  }
0x44: {  	_ =	sdelay $0x1  }
0x45: {  	[sflag:s5] =	ssyncset.done $0x0  }
0x46: {  	[sflag:s5] =	ssyncadd.s32 $0xFFFFFC00  }
.LBB2_1:
0x47: {  	[dreg:$0x5] =	wrdreg s1  }
0x48: {  	s0 =	rddreg [dreg:$0x3];
	s25 =	simm.s32 $0x1000;
	s26 =	simm.s32 $0x5  }
0x49: {  	[tilespmem:s3], [sflag:$0x5] =	stream.strided.gather [hbm4b:s0+s23], $0x6400, s25, s23, $0x38;
	[tilespmem:$0xE800] =	vst v63  }
0x4a: {  	_ =	swait.ge [sflag:s26], $0x6400  }
0x4b: {  	[sflag:s26] =	ssyncset.done $0x0  }
0x4c: {  	s28 =	simm.s32 $0x6400;
	[sflag:s26] =	ssyncadd.s32 $0xFFFF9C00  }
0x4d: {  	[tilespmem:s28], [sflag:$0x1] =	stream.indirect.gather [hbm4b:s4+s23], $0x40, s3, s23, $0xb8;
	[tilespmem:$0xE800] =	vst v63  }
0x4e: {  	s31 =	simm.s32 $0x8400;
	s25 =	simm.s32 $0x0  }
0x4f: {  	[tilespmem:s31], [sflag:$0x2] =	stream.indirect.gather [hbm4b:s4+s23], $0x40, s23, s23, $0xb8;
	[tilespmem:$0xE800] =	vst v63  }
.LBB2_2:
0x50: {  	_ =	swait.ge [sflag:s29], $0x2000  }
0x51: {  	p0 =	seq.s32 s25, $0x0;
	[sflag:s29] =	ssyncset.done $0x0  }
0x52: {  	s0 =	simm.s32 @!p0 $0x3;
	[sflag:s29] =	ssyncadd.s32 $0xFFFFE000  }
0x53: {  	_ =	swait.ge @!p0 [sflag:s0], $0x400  }
0x54: {  	[sflag:s0] =	ssyncset.done @!p0 $0x0  }
0x55: {  	[sflag:s0] =	ssyncadd.s32 @!p0 $0xFFFFFC00  }
0x56: {  	_ =	swait.ge @!p0 [sflag:s0], $0x400  }
0x57: {  	[sflag:s0] =	ssyncset.done @!p0 $0x0  }
0x58: {  	[sflag:s0] =	ssyncadd.s32 @!p0 $0xFFFFFC00  }
0x59: {  	_ =	swait.ge @!p0 [sflag:s0], $0x400  }
0x5a: {  	[sflag:s0] =	ssyncset.done @!p0 $0x0  }
0x5b: {  	[sflag:s0] =	ssyncadd.s32 @!p0 $0xFFFFFC00  }
0x5c: {  	_ =	swait.ge @!p0 [sflag:s0], $0x400  }
0x5d: {  	[sflag:s0] =	ssyncset.done @!p0 $0x0  }
0x5e: {  	[sflag:s0] =	ssyncadd.s32 @!p0 $0xFFFFFC00  }
0x5f: {  	_ =	swait.ge @!p0 [sflag:s0], $0x400  }
0x60: {  	[sflag:s0] =	ssyncset.done @!p0 $0x0  }
0x61: {  	[sflag:s0] =	ssyncadd.s32 @!p0 $0xFFFFFC00  }
0x62: {  	_ =	swait.ge @!p0 [sflag:s0], $0x400  }
0x63: {  	[sflag:s0] =	ssyncset.done @!p0 $0x0  }
0x64: {  	[sflag:s0] =	ssyncadd.s32 @!p0 $0xFFFFFC00  }
0x65: {  	s2 =	simm.s32 $0x0;
	_ =	swait.ge @!p0 [sflag:s0], $0x400  }
0x66: {  	v33 =	vmov s2;
	[sflag:s0] =	ssyncset.done @!p0 $0x0  }
0x67: {  	v33 =	vshrl.u32 v33, $0x3;
	[sflag:s0] =	ssyncadd.s32 @!p0 $0xFFFFFC00  }
0x68: {  	v33 =	vshll.u32 v33, v1;
	_ =	swait.ge @!p0 [sflag:s0], $0x400  }
0x69: {  	v33 =	vbroadcast v33, $0x0;
	[sflag:s0] =	ssyncset.done @!p0 $0x0  }
0x6a: {  	s2 =	simm.s32 $0x6500;
	[sflag:s0] =	ssyncadd.s32 @!p0 $0xFFFFFC00  }
0x6b: {  	v35 =	vadd.s32 v0, v33;
	v34 =	vld [tilespmem:s2+$0xFFFFFF00];
	_ =	sdelay $0x4  }
0x6c: {  	[tilespmem:v35+s30+$0x0] =	vst.idx.msk $0xffff, v34  }
0x6d: {  	v56 =	vadd.s32 v2, v33;
	v34 =	vld [tilespmem:s2+$0xFFFFFF10];
	_ =	sdelay $0x4  }
0x6e: {  	[tilespmem:v56+s30+$0x0] =	vst.idx.msk $0xffff, v34  }
0x6f: {  	v57 =	vadd.s32 v3, v33;
	v34 =	vld [tilespmem:s2+$0xFFFFFF20];
	_ =	sdelay $0x4  }
0x70: {  	[tilespmem:v57+s30+$0x0] =	vst.idx.msk $0xffff, v34  }
0x71: {  	s26 =	simm.s32 $0x1;
	v33 =	vadd.s32 v4, v33;
	v34 =	vld [tilespmem:s2+$0xFFFFFF30]  }
0x72: {  	v58 =	vmov s26  }
0x73: {  	v35 =	vshrl.u32 v58, $0x3  }
0x74: {  	v35 =	vshll.u32 v35, v1  }
0x75: {  	v35 =	vbroadcast v35, $0x0  }
0x76: {  	[tilespmem:v33+s30+$0x0] =	vst.idx.msk $0xffff, v34  }
0x77: {  	v59 =	vadd.s32 v5, v35;
	v33 =	vld [tilespmem:s2+$0xFFFFFF40];
	_ =	sdelay $0x4  }
0x78: {  	[tilespmem:v59+s30+$0x0] =	vst.idx.msk $0xffff, v33  }
0x79: {  	v60 =	vadd.s32 v6, v35;
	v33 =	vld [tilespmem:s2+$0xFFFFFF50];
	_ =	sdelay $0x4  }
0x7a: {  	[tilespmem:v60+s30+$0x0] =	vst.idx.msk $0xffff, v33  }
0x7b: {  	v61 =	vadd.s32 v7, v35;
	v33 =	vld [tilespmem:s2+$0xFFFFFF60];
	_ =	sdelay $0x4  }
0x7c: {  	[tilespmem:v61+s30+$0x0] =	vst.idx.msk $0xffff, v33  }
0x7d: {  	s1 =	simm.s32 $0x2;
	v62 =	vadd.s32 v8, v35;
	v33 =	vld [tilespmem:s2+$0xFFFFFF70]  }
0x7e: {  	v63 =	vmov s1  }
0x7f: {  	v35 =	vshrl.u32 v63, $0x3  }
0x80: {  	v35 =	vshll.u32 v35, v1  }
0x81: {  	v35 =	vbroadcast v35, $0x0  }
0x82: {  	[tilespmem:v62+s30+$0x0] =	vst.idx.msk $0xffff, v33  }
0x83: {  	v36 =	vadd.s32 v9, v35;
	v33 =	vld [tilespmem:s2+$0xFFFFFF80];
	_ =	sdelay $0x4  }
0x84: {  	[tilespmem:v36+s30+$0x0] =	vst.idx.msk $0xffff, v33  }
0x85: {  	v37 =	vadd.s32 v10, v35;
	v33 =	vld [tilespmem:s2+$0xFFFFFF90];
	_ =	sdelay $0x4  }
0x86: {  	[tilespmem:v37+s30+$0x0] =	vst.idx.msk $0xffff, v33  }
0x87: {  	v38 =	vadd.s32 v11, v35;
	v33 =	vld [tilespmem:s2+$0xFFFFFFA0];
	_ =	sdelay $0x4  }
0x88: {  	[tilespmem:v38+s30+$0x0] =	vst.idx.msk $0xffff, v33  }
0x89: {  	s26 =	simm.s32 $0x3;
	v39 =	vadd.s32 v12, v35;
	v33 =	vld [tilespmem:s2+$0xFFFFFFB0]  }
0x8a: {  	v40 =	vmov s26  }
0x8b: {  	v35 =	vshrl.u32 v40, $0x3  }
0x8c: {  	v35 =	vshll.u32 v35, v1  }
0x8d: {  	v35 =	vbroadcast v35, $0x0  }
0x8e: {  	[tilespmem:v39+s30+$0x0] =	vst.idx.msk $0xffff, v33  }
0x8f: {  	v41 =	vadd.s32 v13, v35;
	v33 =	vld [tilespmem:s2+$0xFFFFFFC0];
	_ =	sdelay $0x4  }
0x90: {  	[tilespmem:v41+s30+$0x0] =	vst.idx.msk $0xffff, v33  }
0x91: {  	v42 =	vadd.s32 v14, v35;
	v33 =	vld [tilespmem:s2+$0xFFFFFFD0];
	_ =	sdelay $0x4  }
0x92: {  	[tilespmem:v42+s30+$0x0] =	vst.idx.msk $0xffff, v33  }
0x93: {  	v43 =	vadd.s32 v15, v35;
	v33 =	vld [tilespmem:s2+$0xFFFFFFE0];
	_ =	sdelay $0x4  }
0x94: {  	[tilespmem:v43+s30+$0x0] =	vst.idx.msk $0xffff, v33  }
0x95: {  	s1 =	simm.s32 $0x4;
	v44 =	vadd.s32 v16, v35;
	v33 =	vld [tilespmem:s2+$0xFFFFFFF0]  }
0x96: {  	v45 =	vmov s1  }
0x97: {  	v35 =	vshrl.u32 v45, $0x3  }
0x98: {  	v35 =	vshll.u32 v35, v1  }
0x99: {  	v35 =	vbroadcast v35, $0x0  }
0x9a: {  	[tilespmem:v44+s30+$0x0] =	vst.idx.msk $0xffff, v33  }
0x9b: {  	v46 =	vadd.s32 v17, v35;
	v33 =	vld [tilespmem:s2+$0x0];
	_ =	sdelay $0x4  }
0x9c: {  	[tilespmem:v46+s30+$0x0] =	vst.idx.msk $0xffff, v33  }
0x9d: {  	v47 =	vadd.s32 v18, v35;
	v33 =	vld [tilespmem:s2+$0x10];
	_ =	sdelay $0x4  }
0x9e: {  	[tilespmem:v47+s30+$0x0] =	vst.idx.msk $0xffff, v33  }
0x9f: {  	v48 =	vadd.s32 v19, v35;
	v33 =	vld [tilespmem:s2+$0x20];
	_ =	sdelay $0x4  }
0xa0: {  	[tilespmem:v48+s30+$0x0] =	vst.idx.msk $0xffff, v33  }
0xa1: {  	s26 =	simm.s32 $0x5;
	v49 =	vadd.s32 v20, v35;
	v33 =	vld [tilespmem:s2+$0x30]  }
0xa2: {  	v50 =	vmov s26  }
0xa3: {  	v35 =	vshrl.u32 v50, $0x3  }
0xa4: {  	v35 =	vshll.u32 v35, v1  }
0xa5: {  	v35 =	vbroadcast v35, $0x0  }
0xa6: {  	[tilespmem:v49+s30+$0x0] =	vst.idx.msk $0xffff, v33  }
0xa7: {  	v51 =	vadd.s32 v21, v35;
	v33 =	vld [tilespmem:s2+$0x40];
	_ =	sdelay $0x4  }
0xa8: {  	[tilespmem:v51+s30+$0x0] =	vst.idx.msk $0xffff, v33  }
0xa9: {  	v52 =	vadd.s32 v22, v35;
	v33 =	vld [tilespmem:s2+$0x50];
	_ =	sdelay $0x4  }
0xaa: {  	[tilespmem:v52+s30+$0x0] =	vst.idx.msk $0xffff, v33  }
0xab: {  	v53 =	vadd.s32 v23, v35;
	v33 =	vld [tilespmem:s2+$0x60];
	_ =	sdelay $0x4  }
0xac: {  	[tilespmem:v53+s30+$0x0] =	vst.idx.msk $0xffff, v33  }
0xad: {  	s1 =	simm.s32 $0x6;
	v54 =	vadd.s32 v24, v35;
	v33 =	vld [tilespmem:s2+$0x70]  }
0xae: {  	v55 =	vmov s1  }
0xaf: {  	v35 =	vshrl.u32 v55, $0x3  }
0xb0: {  	v35 =	vshll.u32 v35, v1  }
0xb1: {  	v35 =	vbroadcast v35, $0x0  }
0xb2: {  	[tilespmem:v54+s30+$0x0] =	vst.idx.msk $0xffff, v33  }
0xb3: {  	v56 =	vadd.s32 v25, v35;
	v33 =	vld [tilespmem:s2+$0x80];
	_ =	sdelay $0x4  }
0xb4: {  	[tilespmem:v56+s30+$0x0] =	vst.idx.msk $0xffff, v33  }
0xb5: {  	v57 =	vadd.s32 v26, v35;
	v33 =	vld [tilespmem:s2+$0x90];
	_ =	sdelay $0x4  }
0xb6: {  	[tilespmem:v57+s30+$0x0] =	vst.idx.msk $0xffff, v33  }
0xb7: {  	v58 =	vadd.s32 v27, v35;
	v33 =	vld [tilespmem:s2+$0xA0];
	_ =	sdelay $0x4  }
0xb8: {  	[tilespmem:v58+s30+$0x0] =	vst.idx.msk $0xffff, v33  }
0xb9: {  	s26 =	simm.s32 $0x7;
	v59 =	vadd.s32 v28, v35;
	v33 =	vld [tilespmem:s2+$0xB0]  }
0xba: {  	v60 =	vmov s26  }
0xbb: {  	v35 =	vshrl.u32 v60, $0x3  }
0xbc: {  	v35 =	vshll.u32 v35, v1  }
0xbd: {  	v35 =	vbroadcast v35, $0x0  }
0xbe: {  	[tilespmem:v59+s30+$0x0] =	vst.idx.msk $0xffff, v33  }
0xbf: {  	v61 =	vadd.s32 v29, v35;
	v33 =	vld [tilespmem:s2+$0xC0];
	_ =	sdelay $0x4  }
0xc0: {  	[tilespmem:v61+s30+$0x0] =	vst.idx.msk $0xffff, v33  }
0xc1: {  	v62 =	vadd.s32 v30, v35;
	v33 =	vld [tilespmem:s2+$0xD0];
	_ =	sdelay $0x4  }
0xc2: {  	[tilespmem:v62+s30+$0x0] =	vst.idx.msk $0xffff, v33  }
0xc3: {  	v63 =	vadd.s32 v31, v35;
	v33 =	vld [tilespmem:s2+$0xE0];
	_ =	sdelay $0x4  }
0xc4: {  	[tilespmem:v63+s30+$0x0] =	vst.idx.msk $0xffff, v33  }
0xc5: {  	s28 =	simm.s32 $0x8;
	v34 =	vadd.s32 v32, v35;
	v33 =	vld [tilespmem:s2+$0xF0]  }
0xc6: {  	s31 =	simm.s32 $0x10;
	s26 =	sshll.u32 s25, $0xA;
	v35 =	vmov s28  }
.LBB2_3:
0xc7: {  	p1 =	slt.u32 s31, $0x78;
	v35 =	vshrl.u32 v35, $0x3  }
0xc8: {  	v35 =	vshll.u32 v35, v1  }
0xc9: {  	v35 =	vbroadcast v35, $0x0  }
0xca: {  	s2 =	sadd.s32 $0x200, s2;
	[tilespmem:v34+s30+$0x0] =	vst.idx.msk $0xffff, v33  }
0xcb: {  	v33 =	vld [tilespmem:s2+$0xFFFFFF00];
	v34 =	vadd.s32 v0, v35;
	_ =	sdelay $0x4  }
0xcc: {  	[tilespmem:v34+s30+$0x0] =	vst.idx.msk $0xffff, v33  }
0xcd: {  	v34 =	vadd.s32 v2, v35;
	v33 =	vld [tilespmem:s2+$0xFFFFFF10];
	_ =	sdelay $0x4  }
0xce: {  	[tilespmem:v34+s30+$0x0] =	vst.idx.msk $0xffff, v33  }
0xcf: {  	v34 =	vadd.s32 v3, v35;
	v33 =	vld [tilespmem:s2+$0xFFFFFF20];
	_ =	sdelay $0x4  }
0xd0: {  	[tilespmem:v34+s30+$0x0] =	vst.idx.msk $0xffff, v33  }
0xd1: {  	s0 =	sadd.s32 $0x1, s28;
	v34 =	vadd.s32 v4, v35;
	v33 =	vld [tilespmem:s2+$0xFFFFFF30]  }
0xd2: {  	v35 =	vmov s0  }
0xd3: {  	v35 =	vshrl.u32 v35, $0x3  }
0xd4: {  	v35 =	vshll.u32 v35, v1  }
0xd5: {  	v35 =	vbroadcast v35, $0x0  }
0xd6: {  	[tilespmem:v34+s30+$0x0] =	vst.idx.msk $0xffff, v33  }
0xd7: {  	v34 =	vadd.s32 v5, v35;
	v33 =	vld [tilespmem:s2+$0xFFFFFF40];
	_ =	sdelay $0x4  }
0xd8: {  	[tilespmem:v34+s30+$0x0] =	vst.idx.msk $0xffff, v33  }
0xd9: {  	v34 =	vadd.s32 v6, v35;
	v33 =	vld [tilespmem:s2+$0xFFFFFF50];
	_ =	sdelay $0x4  }
0xda: {  	[tilespmem:v34+s30+$0x0] =	vst.idx.msk $0xffff, v33  }
0xdb: {  	v34 =	vadd.s32 v7, v35;
	v33 =	vld [tilespmem:s2+$0xFFFFFF60];
	_ =	sdelay $0x4  }
0xdc: {  	[tilespmem:v34+s30+$0x0] =	vst.idx.msk $0xffff, v33  }
0xdd: {  	s0 =	sadd.s32 $0x2, s28;
	v34 =	vadd.s32 v8, v35;
	v33 =	vld [tilespmem:s2+$0xFFFFFF70]  }
0xde: {  	v35 =	vmov s0  }
0xdf: {  	v35 =	vshrl.u32 v35, $0x3  }
0xe0: {  	v35 =	vshll.u32 v35, v1  }
0xe1: {  	v35 =	vbroadcast v35, $0x0  }
0xe2: {  	[tilespmem:v34+s30+$0x0] =	vst.idx.msk $0xffff, v33  }
0xe3: {  	v34 =	vadd.s32 v9, v35;
	v33 =	vld [tilespmem:s2+$0xFFFFFF80];
	_ =	sdelay $0x4  }
0xe4: {  	[tilespmem:v34+s30+$0x0] =	vst.idx.msk $0xffff, v33  }
0xe5: {  	v34 =	vadd.s32 v10, v35;
	v33 =	vld [tilespmem:s2+$0xFFFFFF90];
	_ =	sdelay $0x4  }
0xe6: {  	[tilespmem:v34+s30+$0x0] =	vst.idx.msk $0xffff, v33  }
0xe7: {  	v34 =	vadd.s32 v11, v35;
	v33 =	vld [tilespmem:s2+$0xFFFFFFA0];
	_ =	sdelay $0x4  }
0xe8: {  	[tilespmem:v34+s30+$0x0] =	vst.idx.msk $0xffff, v33  }
0xe9: {  	s0 =	sadd.s32 $0x3, s28;
	v34 =	vadd.s32 v12, v35;
	v33 =	vld [tilespmem:s2+$0xFFFFFFB0]  }
0xea: {  	v35 =	vmov s0  }
0xeb: {  	v35 =	vshrl.u32 v35, $0x3  }
0xec: {  	v35 =	vshll.u32 v35, v1  }
0xed: {  	v35 =	vbroadcast v35, $0x0  }
0xee: {  	[tilespmem:v34+s30+$0x0] =	vst.idx.msk $0xffff, v33  }
0xef: {  	v34 =	vadd.s32 v13, v35;
	v33 =	vld [tilespmem:s2+$0xFFFFFFC0];
	_ =	sdelay $0x4  }
0xf0: {  	[tilespmem:v34+s30+$0x0] =	vst.idx.msk $0xffff, v33  }
0xf1: {  	v34 =	vadd.s32 v14, v35;
	v33 =	vld [tilespmem:s2+$0xFFFFFFD0];
	_ =	sdelay $0x4  }
0xf2: {  	[tilespmem:v34+s30+$0x0] =	vst.idx.msk $0xffff, v33  }
0xf3: {  	v34 =	vadd.s32 v15, v35;
	v33 =	vld [tilespmem:s2+$0xFFFFFFE0];
	_ =	sdelay $0x4  }
0xf4: {  	[tilespmem:v34+s30+$0x0] =	vst.idx.msk $0xffff, v33  }
0xf5: {  	s0 =	sadd.s32 $0x4, s28;
	v34 =	vadd.s32 v16, v35;
	v33 =	vld [tilespmem:s2+$0xFFFFFFF0]  }
0xf6: {  	v35 =	vmov s0  }
0xf7: {  	v35 =	vshrl.u32 v35, $0x3  }
0xf8: {  	v35 =	vshll.u32 v35, v1  }
0xf9: {  	v35 =	vbroadcast v35, $0x0  }
0xfa: {  	[tilespmem:v34+s30+$0x0] =	vst.idx.msk $0xffff, v33  }
0xfb: {  	v34 =	vadd.s32 v17, v35;
	v33 =	vld [tilespmem:s2+$0x0];
	_ =	sdelay $0x4  }
0xfc: {  	[tilespmem:v34+s30+$0x0] =	vst.idx.msk $0xffff, v33  }
0xfd: {  	v34 =	vadd.s32 v18, v35;
	v33 =	vld [tilespmem:s2+$0x10];
	_ =	sdelay $0x4  }
0xfe: {  	[tilespmem:v34+s30+$0x0] =	vst.idx.msk $0xffff, v33  }
0xff: {  	v34 =	vadd.s32 v19, v35;
	v33 =	vld [tilespmem:s2+$0x20];
	_ =	sdelay $0x4  }
0x100: {  	[tilespmem:v34+s30+$0x0] =	vst.idx.msk $0xffff, v33  }
0x101: {  	s0 =	sadd.s32 $0x5, s28;
	v34 =	vadd.s32 v20, v35;
	v33 =	vld [tilespmem:s2+$0x30]  }
0x102: {  	v35 =	vmov s0  }
0x103: {  	v35 =	vshrl.u32 v35, $0x3  }
0x104: {  	v35 =	vshll.u32 v35, v1  }
0x105: {  	v35 =	vbroadcast v35, $0x0  }
0x106: {  	[tilespmem:v34+s30+$0x0] =	vst.idx.msk $0xffff, v33  }
0x107: {  	v34 =	vadd.s32 v21, v35;
	v33 =	vld [tilespmem:s2+$0x40];
	_ =	sdelay $0x4  }
0x108: {  	[tilespmem:v34+s30+$0x0] =	vst.idx.msk $0xffff, v33  }
0x109: {  	v34 =	vadd.s32 v22, v35;
	v33 =	vld [tilespmem:s2+$0x50];
	_ =	sdelay $0x4  }
0x10a: {  	[tilespmem:v34+s30+$0x0] =	vst.idx.msk $0xffff, v33  }
0x10b: {  	v34 =	vadd.s32 v23, v35;
	v33 =	vld [tilespmem:s2+$0x60];
	_ =	sdelay $0x4  }
0x10c: {  	[tilespmem:v34+s30+$0x0] =	vst.idx.msk $0xffff, v33  }
0x10d: {  	s0 =	sadd.s32 $0x6, s28;
	v34 =	vadd.s32 v24, v35;
	v33 =	vld [tilespmem:s2+$0x70]  }
0x10e: {  	v35 =	vmov s0  }
0x10f: {  	v35 =	vshrl.u32 v35, $0x3  }
0x110: {  	v35 =	vshll.u32 v35, v1  }
0x111: {  	v35 =	vbroadcast v35, $0x0  }
0x112: {  	[tilespmem:v34+s30+$0x0] =	vst.idx.msk $0xffff, v33  }
0x113: {  	v34 =	vadd.s32 v25, v35;
	v33 =	vld [tilespmem:s2+$0x80];
	_ =	sdelay $0x4  }
0x114: {  	[tilespmem:v34+s30+$0x0] =	vst.idx.msk $0xffff, v33  }
0x115: {  	v34 =	vadd.s32 v26, v35;
	v33 =	vld [tilespmem:s2+$0x90];
	_ =	sdelay $0x4  }
0x116: {  	[tilespmem:v34+s30+$0x0] =	vst.idx.msk $0xffff, v33  }
0x117: {  	v34 =	vadd.s32 v27, v35;
	v33 =	vld [tilespmem:s2+$0xA0];
	_ =	sdelay $0x4  }
0x118: {  	[tilespmem:v34+s30+$0x0] =	vst.idx.msk $0xffff, v33  }
0x119: {  	s0 =	sadd.s32 $0x7, s28;
	s28 =	smov.u32 s31;
	v34 =	vadd.s32 v28, v35;
	v33 =	vld [tilespmem:s2+$0xB0]  }
0x11a: {  	v35 =	vmov s0  }
0x11b: {  	v35 =	vshrl.u32 v35, $0x3  }
0x11c: {  	v35 =	vshll.u32 v35, v1  }
0x11d: {  	v35 =	vbroadcast v35, $0x0  }
0x11e: {  	[tilespmem:v34+s30+$0x0] =	vst.idx.msk $0xffff, v33  }
0x11f: {  	v34 =	vadd.s32 v29, v35;
	v33 =	vld [tilespmem:s2+$0xC0];
	_ =	sdelay $0x4  }
0x120: {  	[tilespmem:v34+s30+$0x0] =	vst.idx.msk $0xffff, v33  }
0x121: {  	v34 =	vadd.s32 v30, v35;
	v33 =	vld [tilespmem:s2+$0xD0];
	_ =	sdelay $0x4  }
0x122: {  	[tilespmem:v34+s30+$0x0] =	vst.idx.msk $0xffff, v33  }
0x123: {  	v34 =	vadd.s32 v31, v35;
	v33 =	vld [tilespmem:s2+$0xE0];
	_ =	sdelay $0x2  }
.Ltmp2:
0x124: {  	(pc) =	sbr.rel @p1 .LBB2_3-.Ltmp2, $4  }
0x125: {  	_ = 	snop  }
0x126: {  	[tilespmem:v34+s30+$0x0] =	vst.idx.msk $0xffff, v33  }
0x127: {  	v34 =	vadd.s32 v32, v35;
	v33 =	vld [tilespmem:s2+$0xF0]  }
0x128: {  	s31 =	sadd.s32 $0x8, s31;
	v35 =	vmov s28  }
0x129: {  	_ = 	snop  }
0x12a: {  	v35 =	vshrl.u32 v35, $0x3  }
0x12b: {  	v35 =	vshll.u32 v35, v1  }
0x12c: {  	v35 =	vbroadcast v35, $0x0  }
0x12d: {  	s0 =	sadd.s32 $0x200, s2;
	[tilespmem:v34+s30+$0x0] =	vst.idx.msk $0xffff, v33  }
0x12e: {  	v33 =	vld [tilespmem:s0+$0xFFFFFF00];
	v53 =	vadd.s32 v0, v35;
	_ =	sdelay $0x4  }
0x12f: {  	[tilespmem:v53+s30+$0x0] =	vst.idx.msk $0xffff, v33  }
0x130: {  	v54 =	vadd.s32 v2, v35;
	v33 =	vld [tilespmem:s0+$0xFFFFFF10];
	_ =	sdelay $0x4  }
0x131: {  	[tilespmem:v54+s30+$0x0] =	vst.idx.msk $0xffff, v33  }
0x132: {  	v55 =	vadd.s32 v3, v35;
	v33 =	vld [tilespmem:s0+$0xFFFFFF20];
	_ =	sdelay $0x4  }
0x133: {  	[tilespmem:v55+s30+$0x0] =	vst.idx.msk $0xffff, v33  }
0x134: {  	s1 =	sadd.s32 $0x1, s28;
	v56 =	vadd.s32 v4, v35;
	v33 =	vld [tilespmem:s0+$0xFFFFFF30]  }
0x135: {  	v57 =	vmov s1  }
0x136: {  	v35 =	vshrl.u32 v57, $0x3  }
0x137: {  	v35 =	vshll.u32 v35, v1  }
0x138: {  	v35 =	vbroadcast v35, $0x0  }
0x139: {  	[tilespmem:v56+s30+$0x0] =	vst.idx.msk $0xffff, v33  }
0x13a: {  	v58 =	vadd.s32 v5, v35;
	v33 =	vld [tilespmem:s0+$0xFFFFFF40];
	_ =	sdelay $0x4  }
0x13b: {  	[tilespmem:v58+s30+$0x0] =	vst.idx.msk $0xffff, v33  }
0x13c: {  	v59 =	vadd.s32 v6, v35;
	v33 =	vld [tilespmem:s0+$0xFFFFFF50];
	_ =	sdelay $0x4  }
0x13d: {  	[tilespmem:v59+s30+$0x0] =	vst.idx.msk $0xffff, v33  }
0x13e: {  	v60 =	vadd.s32 v7, v35;
	v33 =	vld [tilespmem:s0+$0xFFFFFF60];
	_ =	sdelay $0x4  }
0x13f: {  	[tilespmem:v60+s30+$0x0] =	vst.idx.msk $0xffff, v33  }
0x140: {  	s31 =	sadd.s32 $0x2, s28;
	v61 =	vadd.s32 v8, v35;
	v33 =	vld [tilespmem:s0+$0xFFFFFF70]  }
0x141: {  	v62 =	vmov s31  }
0x142: {  	v35 =	vshrl.u32 v62, $0x3  }
0x143: {  	v35 =	vshll.u32 v35, v1  }
0x144: {  	v35 =	vbroadcast v35, $0x0  }
0x145: {  	[tilespmem:v61+s30+$0x0] =	vst.idx.msk $0xffff, v33  }
0x146: {  	v63 =	vadd.s32 v9, v35;
	v33 =	vld [tilespmem:s0+$0xFFFFFF80];
	_ =	sdelay $0x4  }
0x147: {  	[tilespmem:v63+s30+$0x0] =	vst.idx.msk $0xffff, v33  }
0x148: {  	v36 =	vadd.s32 v10, v35;
	v33 =	vld [tilespmem:s0+$0xFFFFFF90];
	_ =	sdelay $0x4  }
0x149: {  	[tilespmem:v36+s30+$0x0] =	vst.idx.msk $0xffff, v33  }
0x14a: {  	v37 =	vadd.s32 v11, v35;
	v33 =	vld [tilespmem:s0+$0xFFFFFFA0];
	_ =	sdelay $0x4  }
0x14b: {  	[tilespmem:v37+s30+$0x0] =	vst.idx.msk $0xffff, v33  }
0x14c: {  	s1 =	sadd.s32 $0x3, s28;
	v38 =	vadd.s32 v12, v35;
	v33 =	vld [tilespmem:s0+$0xFFFFFFB0]  }
0x14d: {  	v39 =	vmov s1  }
0x14e: {  	v35 =	vshrl.u32 v39, $0x3  }
0x14f: {  	v35 =	vshll.u32 v35, v1  }
0x150: {  	v35 =	vbroadcast v35, $0x0  }
0x151: {  	[tilespmem:v38+s30+$0x0] =	vst.idx.msk $0xffff, v33  }
0x152: {  	v40 =	vadd.s32 v13, v35;
	v33 =	vld [tilespmem:s0+$0xFFFFFFC0];
	_ =	sdelay $0x4  }
0x153: {  	[tilespmem:v40+s30+$0x0] =	vst.idx.msk $0xffff, v33  }
0x154: {  	v41 =	vadd.s32 v14, v35;
	v33 =	vld [tilespmem:s0+$0xFFFFFFD0];
	_ =	sdelay $0x4  }
0x155: {  	[tilespmem:v41+s30+$0x0] =	vst.idx.msk $0xffff, v33  }
0x156: {  	v42 =	vadd.s32 v15, v35;
	v33 =	vld [tilespmem:s0+$0xFFFFFFE0];
	_ =	sdelay $0x4  }
0x157: {  	[tilespmem:v42+s30+$0x0] =	vst.idx.msk $0xffff, v33  }
0x158: {  	s31 =	sadd.s32 $0x4, s28;
	v43 =	vadd.s32 v16, v35;
	v33 =	vld [tilespmem:s0+$0xFFFFFFF0]  }
0x159: {  	v44 =	vmov s31  }
0x15a: {  	v35 =	vshrl.u32 v44, $0x3  }
0x15b: {  	v35 =	vshll.u32 v35, v1  }
0x15c: {  	v35 =	vbroadcast v35, $0x0  }
0x15d: {  	[tilespmem:v43+s30+$0x0] =	vst.idx.msk $0xffff, v33  }
0x15e: {  	v45 =	vadd.s32 v17, v35;
	v33 =	vld [tilespmem:s0+$0x0];
	_ =	sdelay $0x4  }
0x15f: {  	[tilespmem:v45+s30+$0x0] =	vst.idx.msk $0xffff, v33  }
0x160: {  	v46 =	vadd.s32 v18, v35;
	v33 =	vld [tilespmem:s0+$0x10];
	_ =	sdelay $0x4  }
0x161: {  	[tilespmem:v46+s30+$0x0] =	vst.idx.msk $0xffff, v33  }
0x162: {  	v47 =	vadd.s32 v19, v35;
	v33 =	vld [tilespmem:s0+$0x20];
	_ =	sdelay $0x4  }
0x163: {  	[tilespmem:v47+s30+$0x0] =	vst.idx.msk $0xffff, v33  }
0x164: {  	s1 =	sadd.s32 $0x5, s28;
	v48 =	vadd.s32 v20, v35;
	v33 =	vld [tilespmem:s0+$0x30]  }
0x165: {  	v49 =	vmov s1  }
0x166: {  	v35 =	vshrl.u32 v49, $0x3  }
0x167: {  	v35 =	vshll.u32 v35, v1  }
0x168: {  	v35 =	vbroadcast v35, $0x0  }
0x169: {  	[tilespmem:v48+s30+$0x0] =	vst.idx.msk $0xffff, v33  }
0x16a: {  	v50 =	vadd.s32 v21, v35;
	v33 =	vld [tilespmem:s0+$0x40];
	_ =	sdelay $0x4  }
0x16b: {  	[tilespmem:v50+s30+$0x0] =	vst.idx.msk $0xffff, v33  }
0x16c: {  	v51 =	vadd.s32 v22, v35;
	v33 =	vld [tilespmem:s0+$0x50];
	_ =	sdelay $0x4  }
0x16d: {  	[tilespmem:v51+s30+$0x0] =	vst.idx.msk $0xffff, v33  }
0x16e: {  	v52 =	vadd.s32 v23, v35;
	v33 =	vld [tilespmem:s0+$0x60];
	_ =	sdelay $0x4  }
0x16f: {  	[tilespmem:v52+s30+$0x0] =	vst.idx.msk $0xffff, v33  }
0x170: {  	s31 =	sadd.s32 $0x6, s28;
	v53 =	vadd.s32 v24, v35;
	v33 =	vld [tilespmem:s0+$0x70]  }
0x171: {  	v54 =	vmov s31  }
0x172: {  	v35 =	vshrl.u32 v54, $0x3  }
0x173: {  	v35 =	vshll.u32 v35, v1  }
0x174: {  	v35 =	vbroadcast v35, $0x0  }
0x175: {  	[tilespmem:v53+s30+$0x0] =	vst.idx.msk $0xffff, v33  }
0x176: {  	v55 =	vadd.s32 v25, v35;
	v33 =	vld [tilespmem:s0+$0x80];
	_ =	sdelay $0x4  }
0x177: {  	[tilespmem:v55+s30+$0x0] =	vst.idx.msk $0xffff, v33  }
0x178: {  	v56 =	vadd.s32 v26, v35;
	v33 =	vld [tilespmem:s0+$0x90];
	_ =	sdelay $0x4  }
0x179: {  	[tilespmem:v56+s30+$0x0] =	vst.idx.msk $0xffff, v33  }
0x17a: {  	v57 =	vadd.s32 v27, v35;
	v33 =	vld [tilespmem:s0+$0xA0];
	_ =	sdelay $0x4  }
0x17b: {  	[tilespmem:v57+s30+$0x0] =	vst.idx.msk $0xffff, v33  }
0x17c: {  	s1 =	sadd.s32 $0x7, s28;
	v58 =	vadd.s32 v28, v35;
	v33 =	vld [tilespmem:s0+$0xB0]  }
0x17d: {  	v59 =	vmov s1  }
0x17e: {  	v35 =	vshrl.u32 v59, $0x3  }
0x17f: {  	v35 =	vshll.u32 v35, v1  }
0x180: {  	v35 =	vbroadcast v35, $0x0  }
0x181: {  	[tilespmem:v58+s30+$0x0] =	vst.idx.msk $0xffff, v33  }
0x182: {  	v60 =	vadd.s32 v29, v35;
	v33 =	vld [tilespmem:s0+$0xC0];
	_ =	sdelay $0x4  }
0x183: {  	[tilespmem:v60+s30+$0x0] =	vst.idx.msk $0xffff, v33  }
0x184: {  	v61 =	vadd.s32 v30, v35;
	v33 =	vld [tilespmem:s0+$0xD0];
	_ =	sdelay $0x4  }
0x185: {  	[tilespmem:v61+s30+$0x0] =	vst.idx.msk $0xffff, v33  }
0x186: {  	v62 =	vadd.s32 v31, v35;
	v33 =	vld [tilespmem:s0+$0xE0];
	_ =	sdelay $0x4  }
0x187: {  	[tilespmem:v62+s30+$0x0] =	vst.idx.msk $0xffff, v33  }
0x188: {  	v63 =	vadd.s32 v32, v35;
	v33 =	vld [tilespmem:s0+$0xF0];
	_ =	sdelay $0x2  }
0x189: {  	s2 =	sshll.u32 s25, $0x10  }
0x18a: {  	s2 =	sor.u32 s6, s2;
	s28 =	rddreg [dreg:$0x1]  }
0x18b: {  	s0 =	sadd.s32 s28, s2;
	[tilespmem:v63+s30+$0x0] =	vst.idx.msk $0xffff, v33  }
0x18c: {  	[hbm4b:s0+s3] =	stream.linear.scatter [tilespmem:s30], [sflag:$0x3], $0x80, $0x38;
	[tilespmem:$0xE800] =	vst v63  }
0x18d: {  	s1 =	simm.s32 $0xA488;
	s31 =	sadd.s32 $0x10, s0  }
0x18e: {  	[hbm4b:s31+s3] =	stream.linear.scatter [tilespmem:s1], [sflag:$0x3], $0x80, $0x38;
	[tilespmem:$0xE800] =	vst v63  }
0x18f: {  	s1 =	sadd.s32 $0x20, s0;
	s31 =	simm.s32 $0xA510  }
0x190: {  	[hbm4b:s1+s3] =	stream.linear.scatter [tilespmem:s31], [sflag:$0x3], $0x80, $0x38;
	[tilespmem:$0xE800] =	vst v63  }
0x191: {  	s1 =	sadd.s32 $0x30, s0;
	s31 =	simm.s32 $0xA598  }
0x192: {  	[hbm4b:s1+s3] =	stream.linear.scatter [tilespmem:s31], [sflag:$0x3], $0x80, $0x38;
	[tilespmem:$0xE800] =	vst v63  }
0x193: {  	s1 =	sadd.s32 $0x40, s0;
	s31 =	simm.s32 $0xA620  }
0x194: {  	[hbm4b:s1+s3] =	stream.linear.scatter [tilespmem:s31], [sflag:$0x3], $0x80, $0x38;
	[tilespmem:$0xE800] =	vst v63  }
0x195: {  	s1 =	sadd.s32 $0x50, s0;
	s31 =	simm.s32 $0xA6A8  }
0x196: {  	[hbm4b:s1+s3] =	stream.linear.scatter [tilespmem:s31], [sflag:$0x3], $0x80, $0x38;
	[tilespmem:$0xE800] =	vst v63  }
0x197: {  	s1 =	sadd.s32 $0x60, s0;
	s31 =	simm.s32 $0xA730  }
0x198: {  	[hbm4b:s1+s3] =	stream.linear.scatter [tilespmem:s31], [sflag:$0x3], $0x80, $0x38;
	[tilespmem:$0xE800] =	vst v63  }
0x199: {  	s28 =	simm.s32 $0xA7B8;
	s0 =	sadd.s32 $0x70, s0  }
0x19a: {  	[hbm4b:s0+s3] =	stream.linear.scatter [tilespmem:s28], [sflag:$0x3], $0x80, $0x38;
	[tilespmem:$0xE800] =	vst v63  }
0x19b: {  	s31 =	simm.s32 $0xA840;
	s0 =	sadd.s32 s2, s7  }
0x19c: {  	[hbm4b:s0+s3] =	stream.linear.scatter [tilespmem:s31], [sflag:$0x3], $0x80, $0x38;
	[tilespmem:$0xE800] =	vst v63  }
0x19d: {  	s1 =	sadd.s32 $0x10, s0;
	s31 =	simm.s32 $0xA8C8  }
0x19e: {  	[hbm4b:s1+s3] =	stream.linear.scatter [tilespmem:s31], [sflag:$0x3], $0x80, $0x38;
	[tilespmem:$0xE800] =	vst v63  }
0x19f: {  	s1 =	sadd.s32 $0x20, s0;
	s31 =	simm.s32 $0xA950  }
0x1a0: {  	[hbm4b:s1+s3] =	stream.linear.scatter [tilespmem:s31], [sflag:$0x3], $0x80, $0x38;
	[tilespmem:$0xE800] =	vst v63  }
0x1a1: {  	s1 =	sadd.s32 $0x30, s0;
	s31 =	simm.s32 $0xA9D8  }
0x1a2: {  	[hbm4b:s1+s3] =	stream.linear.scatter [tilespmem:s31], [sflag:$0x3], $0x80, $0x38;
	[tilespmem:$0xE800] =	vst v63  }
0x1a3: {  	s1 =	sadd.s32 $0x40, s0;
	s31 =	simm.s32 $0xAA60  }
0x1a4: {  	[hbm4b:s1+s3] =	stream.linear.scatter [tilespmem:s31], [sflag:$0x3], $0x80, $0x38;
	[tilespmem:$0xE800] =	vst v63  }
0x1a5: {  	s1 =	sadd.s32 $0x50, s0;
	s31 =	simm.s32 $0xAAE8  }
0x1a6: {  	[hbm4b:s1+s3] =	stream.linear.scatter [tilespmem:s31], [sflag:$0x3], $0x80, $0x38;
	[tilespmem:$0xE800] =	vst v63  }
0x1a7: {  	s1 =	sadd.s32 $0x60, s0;
	s31 =	simm.s32 $0xAB70  }
0x1a8: {  	[hbm4b:s1+s3] =	stream.linear.scatter [tilespmem:s31], [sflag:$0x3], $0x80, $0x38;
	[tilespmem:$0xE800] =	vst v63  }
0x1a9: {  	s28 =	simm.s32 $0xABF8;
	s0 =	sadd.s32 $0x70, s0  }
0x1aa: {  	[hbm4b:s0+s3] =	stream.linear.scatter [tilespmem:s28], [sflag:$0x3], $0x80, $0x38;
	[tilespmem:$0xE800] =	vst v63  }
0x1ab: {  	s31 =	simm.s32 $0xAC80;
	s0 =	sadd.s32 s2, s8  }
0x1ac: {  	[hbm4b:s0+s3] =	stream.linear.scatter [tilespmem:s31], [sflag:$0x3], $0x80, $0x38;
	[tilespmem:$0xE800] =	vst v63  }
0x1ad: {  	s1 =	sadd.s32 $0x10, s0;
	s31 =	simm.s32 $0xAD08  }
0x1ae: {  	[hbm4b:s1+s3] =	stream.linear.scatter [tilespmem:s31], [sflag:$0x3], $0x80, $0x38;
	[tilespmem:$0xE800] =	vst v63  }
0x1af: {  	s1 =	sadd.s32 $0x20, s0;
	s31 =	simm.s32 $0xAD90  }
0x1b0: {  	[hbm4b:s1+s3] =	stream.linear.scatter [tilespmem:s31], [sflag:$0x3], $0x80, $0x38;
	[tilespmem:$0xE800] =	vst v63  }
0x1b1: {  	s1 =	sadd.s32 $0x30, s0;
	s31 =	simm.s32 $0xAE18  }
0x1b2: {  	[hbm4b:s1+s3] =	stream.linear.scatter [tilespmem:s31], [sflag:$0x3], $0x80, $0x38;
	[tilespmem:$0xE800] =	vst v63  }
0x1b3: {  	s1 =	sadd.s32 $0x40, s0;
	s31 =	simm.s32 $0xAEA0  }
0x1b4: {  	[hbm4b:s1+s3] =	stream.linear.scatter [tilespmem:s31], [sflag:$0x3], $0x80, $0x38;
	[tilespmem:$0xE800] =	vst v63  }
0x1b5: {  	s1 =	sadd.s32 $0x50, s0;
	s31 =	simm.s32 $0xAF28  }
0x1b6: {  	[hbm4b:s1+s3] =	stream.linear.scatter [tilespmem:s31], [sflag:$0x3], $0x80, $0x38;
	[tilespmem:$0xE800] =	vst v63  }
0x1b7: {  	s1 =	sadd.s32 $0x60, s0;
	s31 =	simm.s32 $0xAFB0  }
0x1b8: {  	[hbm4b:s1+s3] =	stream.linear.scatter [tilespmem:s31], [sflag:$0x3], $0x80, $0x38;
	[tilespmem:$0xE800] =	vst v63  }
0x1b9: {  	s28 =	simm.s32 $0xB038;
	s0 =	sadd.s32 $0x70, s0  }
0x1ba: {  	[hbm4b:s0+s3] =	stream.linear.scatter [tilespmem:s28], [sflag:$0x3], $0x80, $0x38;
	[tilespmem:$0xE800] =	vst v63  }
0x1bb: {  	s31 =	simm.s32 $0xB0C0;
	s0 =	sadd.s32 s2, s9  }
0x1bc: {  	[hbm4b:s0+s3] =	stream.linear.scatter [tilespmem:s31], [sflag:$0x3], $0x80, $0x38;
	[tilespmem:$0xE800] =	vst v63  }
0x1bd: {  	s1 =	sadd.s32 $0x10, s0;
	s31 =	simm.s32 $0xB148  }
0x1be: {  	[hbm4b:s1+s3] =	stream.linear.scatter [tilespmem:s31], [sflag:$0x3], $0x80, $0x38;
	[tilespmem:$0xE800] =	vst v63  }
0x1bf: {  	s1 =	sadd.s32 $0x20, s0;
	s31 =	simm.s32 $0xB1D0  }
0x1c0: {  	[hbm4b:s1+s3] =	stream.linear.scatter [tilespmem:s31], [sflag:$0x3], $0x80, $0x38;
	[tilespmem:$0xE800] =	vst v63  }
0x1c1: {  	s1 =	sadd.s32 $0x30, s0;
	s31 =	simm.s32 $0xB258  }
0x1c2: {  	[hbm4b:s1+s3] =	stream.linear.scatter [tilespmem:s31], [sflag:$0x3], $0x80, $0x38;
	[tilespmem:$0xE800] =	vst v63  }
0x1c3: {  	s1 =	sadd.s32 $0x40, s0;
	s31 =	simm.s32 $0xB2E0  }
0x1c4: {  	[hbm4b:s1+s3] =	stream.linear.scatter [tilespmem:s31], [sflag:$0x3], $0x80, $0x38;
	[tilespmem:$0xE800] =	vst v63  }
0x1c5: {  	s1 =	sadd.s32 $0x50, s0;
	s31 =	simm.s32 $0xB368  }
0x1c6: {  	[hbm4b:s1+s3] =	stream.linear.scatter [tilespmem:s31], [sflag:$0x3], $0x80, $0x38;
	[tilespmem:$0xE800] =	vst v63  }
0x1c7: {  	s1 =	sadd.s32 $0x60, s0;
	s31 =	simm.s32 $0xB3F0  }
0x1c8: {  	[hbm4b:s1+s3] =	stream.linear.scatter [tilespmem:s31], [sflag:$0x3], $0x80, $0x38;
	[tilespmem:$0xE800] =	vst v63  }
0x1c9: {  	s28 =	simm.s32 $0xB478;
	s0 =	sadd.s32 $0x70, s0  }
0x1ca: {  	[hbm4b:s0+s3] =	stream.linear.scatter [tilespmem:s28], [sflag:$0x3], $0x80, $0x38;
	[tilespmem:$0xE800] =	vst v63  }
0x1cb: {  	s31 =	simm.s32 $0xB500;
	s0 =	sadd.s32 s2, s10  }
0x1cc: {  	[hbm4b:s0+s3] =	stream.linear.scatter [tilespmem:s31], [sflag:$0x3], $0x80, $0x38;
	[tilespmem:$0xE800] =	vst v63  }
0x1cd: {  	s1 =	sadd.s32 $0x10, s0;
	s31 =	simm.s32 $0xB588  }
0x1ce: {  	[hbm4b:s1+s3] =	stream.linear.scatter [tilespmem:s31], [sflag:$0x3], $0x80, $0x38;
	[tilespmem:$0xE800] =	vst v63  }
0x1cf: {  	s1 =	sadd.s32 $0x20, s0;
	s31 =	simm.s32 $0xB610  }
0x1d0: {  	[hbm4b:s1+s3] =	stream.linear.scatter [tilespmem:s31], [sflag:$0x3], $0x80, $0x38;
	[tilespmem:$0xE800] =	vst v63  }
0x1d1: {  	s1 =	sadd.s32 $0x30, s0;
	s31 =	simm.s32 $0xB698  }
0x1d2: {  	[hbm4b:s1+s3] =	stream.linear.scatter [tilespmem:s31], [sflag:$0x3], $0x80, $0x38;
	[tilespmem:$0xE800] =	vst v63  }
0x1d3: {  	s1 =	sadd.s32 $0x40, s0;
	s31 =	simm.s32 $0xB720  }
0x1d4: {  	[hbm4b:s1+s3] =	stream.linear.scatter [tilespmem:s31], [sflag:$0x3], $0x80, $0x38;
	[tilespmem:$0xE800] =	vst v63  }
0x1d5: {  	s1 =	sadd.s32 $0x50, s0;
	s31 =	simm.s32 $0xB7A8  }
0x1d6: {  	[hbm4b:s1+s3] =	stream.linear.scatter [tilespmem:s31], [sflag:$0x3], $0x80, $0x38;
	[tilespmem:$0xE800] =	vst v63  }
0x1d7: {  	s1 =	sadd.s32 $0x60, s0;
	s31 =	simm.s32 $0xB830  }
0x1d8: {  	[hbm4b:s1+s3] =	stream.linear.scatter [tilespmem:s31], [sflag:$0x3], $0x80, $0x38;
	[tilespmem:$0xE800] =	vst v63  }
0x1d9: {  	s28 =	simm.s32 $0xB8B8;
	s0 =	sadd.s32 $0x70, s0  }
0x1da: {  	[hbm4b:s0+s3] =	stream.linear.scatter [tilespmem:s28], [sflag:$0x3], $0x80, $0x38;
	[tilespmem:$0xE800] =	vst v63  }
0x1db: {  	s31 =	simm.s32 $0xB940;
	s0 =	sadd.s32 s2, s11  }
0x1dc: {  	[hbm4b:s0+s3] =	stream.linear.scatter [tilespmem:s31], [sflag:$0x3], $0x80, $0x38;
	[tilespmem:$0xE800] =	vst v63  }
0x1dd: {  	s1 =	sadd.s32 $0x10, s0;
	s31 =	simm.s32 $0xB9C8  }
0x1de: {  	[hbm4b:s1+s3] =	stream.linear.scatter [tilespmem:s31], [sflag:$0x3], $0x80, $0x38;
	[tilespmem:$0xE800] =	vst v63  }
0x1df: {  	s1 =	sadd.s32 $0x20, s0;
	s31 =	simm.s32 $0xBA50  }
0x1e0: {  	[hbm4b:s1+s3] =	stream.linear.scatter [tilespmem:s31], [sflag:$0x3], $0x80, $0x38;
	[tilespmem:$0xE800] =	vst v63  }
0x1e1: {  	s1 =	sadd.s32 $0x30, s0;
	s31 =	simm.s32 $0xBAD8  }
0x1e2: {  	[hbm4b:s1+s3] =	stream.linear.scatter [tilespmem:s31], [sflag:$0x3], $0x80, $0x38;
	[tilespmem:$0xE800] =	vst v63  }
0x1e3: {  	s1 =	sadd.s32 $0x40, s0;
	s31 =	simm.s32 $0xBB60  }
0x1e4: {  	[hbm4b:s1+s3] =	stream.linear.scatter [tilespmem:s31], [sflag:$0x3], $0x80, $0x38;
	[tilespmem:$0xE800] =	vst v63  }
0x1e5: {  	s1 =	sadd.s32 $0x50, s0;
	s31 =	simm.s32 $0xBBE8  }
0x1e6: {  	[hbm4b:s1+s3] =	stream.linear.scatter [tilespmem:s31], [sflag:$0x3], $0x80, $0x38;
	[tilespmem:$0xE800] =	vst v63  }
0x1e7: {  	s1 =	sadd.s32 $0x60, s0;
	s31 =	simm.s32 $0xBC70  }
0x1e8: {  	[hbm4b:s1+s3] =	stream.linear.scatter [tilespmem:s31], [sflag:$0x3], $0x80, $0x38;
	[tilespmem:$0xE800] =	vst v63  }
0x1e9: {  	s28 =	simm.s32 $0xBCF8;
	s0 =	sadd.s32 $0x70, s0  }
0x1ea: {  	[hbm4b:s0+s3] =	stream.linear.scatter [tilespmem:s28], [sflag:$0x3], $0x80, $0x38;
	[tilespmem:$0xE800] =	vst v63  }
0x1eb: {  	s31 =	simm.s32 $0xBD80;
	s0 =	sadd.s32 s2, s12  }
0x1ec: {  	[hbm4b:s0+s3] =	stream.linear.scatter [tilespmem:s31], [sflag:$0x3], $0x80, $0x38;
	[tilespmem:$0xE800] =	vst v63  }
0x1ed: {  	s1 =	sadd.s32 $0x10, s0;
	s31 =	simm.s32 $0xBE08  }
0x1ee: {  	[hbm4b:s1+s3] =	stream.linear.scatter [tilespmem:s31], [sflag:$0x3], $0x80, $0x38;
	[tilespmem:$0xE800] =	vst v63  }
0x1ef: {  	s1 =	sadd.s32 $0x20, s0;
	s31 =	simm.s32 $0xBE90  }
0x1f0: {  	[hbm4b:s1+s3] =	stream.linear.scatter [tilespmem:s31], [sflag:$0x3], $0x80, $0x38;
	[tilespmem:$0xE800] =	vst v63  }
0x1f1: {  	s1 =	sadd.s32 $0x30, s0;
	s31 =	simm.s32 $0xBF18  }
0x1f2: {  	[hbm4b:s1+s3] =	stream.linear.scatter [tilespmem:s31], [sflag:$0x3], $0x80, $0x38;
	[tilespmem:$0xE800] =	vst v63  }
0x1f3: {  	s1 =	sadd.s32 $0x40, s0;
	s31 =	simm.s32 $0xBFA0  }
0x1f4: {  	[hbm4b:s1+s3] =	stream.linear.scatter [tilespmem:s31], [sflag:$0x3], $0x80, $0x38;
	[tilespmem:$0xE800] =	vst v63  }
0x1f5: {  	s1 =	sadd.s32 $0x50, s0;
	s31 =	simm.s32 $0xC028  }
0x1f6: {  	[hbm4b:s1+s3] =	stream.linear.scatter [tilespmem:s31], [sflag:$0x3], $0x80, $0x38;
	[tilespmem:$0xE800] =	vst v63  }
0x1f7: {  	s1 =	sadd.s32 $0x60, s0;
	s31 =	simm.s32 $0xC0B0  }
0x1f8: {  	[hbm4b:s1+s3] =	stream.linear.scatter [tilespmem:s31], [sflag:$0x3], $0x80, $0x38;
	[tilespmem:$0xE800] =	vst v63  }
0x1f9: {  	s28 =	simm.s32 $0xC138;
	s0 =	sadd.s32 $0x70, s0  }
0x1fa: {  	[hbm4b:s0+s3] =	stream.linear.scatter [tilespmem:s28], [sflag:$0x3], $0x80, $0x38;
	[tilespmem:$0xE800] =	vst v63  }
0x1fb: {  	s31 =	simm.s32 $0xC1C0;
	s0 =	sadd.s32 s2, s13  }
0x1fc: {  	[hbm4b:s0+s3] =	stream.linear.scatter [tilespmem:s31], [sflag:$0x3], $0x80, $0x38;
	[tilespmem:$0xE800] =	vst v63  }
0x1fd: {  	s1 =	sadd.s32 $0x10, s0;
	s31 =	simm.s32 $0xC248  }
0x1fe: {  	[hbm4b:s1+s3] =	stream.linear.scatter [tilespmem:s31], [sflag:$0x3], $0x80, $0x38;
	[tilespmem:$0xE800] =	vst v63  }
0x1ff: {  	s1 =	sadd.s32 $0x20, s0;
	s31 =	simm.s32 $0xC2D0  }
0x200: {  	[hbm4b:s1+s3] =	stream.linear.scatter [tilespmem:s31], [sflag:$0x3], $0x80, $0x38;
	[tilespmem:$0xE800] =	vst v63  }
0x201: {  	s1 =	sadd.s32 $0x30, s0;
	s31 =	simm.s32 $0xC358  }
0x202: {  	[hbm4b:s1+s3] =	stream.linear.scatter [tilespmem:s31], [sflag:$0x3], $0x80, $0x38;
	[tilespmem:$0xE800] =	vst v63  }
0x203: {  	s1 =	sadd.s32 $0x40, s0;
	s31 =	simm.s32 $0xC3E0  }
0x204: {  	[hbm4b:s1+s3] =	stream.linear.scatter [tilespmem:s31], [sflag:$0x3], $0x80, $0x38;
	[tilespmem:$0xE800] =	vst v63  }
0x205: {  	p1 =	sne.s32 s25, $0x63;
	s1 =	sadd.s32 $0x50, s0;
	s31 =	simm.s32 $0xC468  }
0x206: {  	[hbm4b:s1+s3] =	stream.linear.scatter [tilespmem:s31], [sflag:$0x3], $0x80, $0x38;
	[tilespmem:$0xE800] =	vst v63  }
.Ltmp3:
0x207: {  	_ = 	snop;
	(pc) =	sbr.rel @p1 .LBB2_6-.Ltmp3, $4  }
0x208: {  	s1 =	sadd.s32 $0x60, s0;
	s31 =	simm.s32 $0xC4F0  }
0x209: {  	[hbm4b:s1+s3] =	stream.linear.scatter [tilespmem:s31], [sflag:$0x3], $0x80, $0x38;
	[tilespmem:$0xE800] =	vst v63  }
0x20a: {  	s0 =	sadd.s32 $0x70, s0;
	s31 =	simm.s32 $0xC578  }
0x20b: {  	[hbm4b:s0+s3] =	stream.linear.scatter [tilespmem:s31], [sflag:$0x3], $0x80, $0x38;
	[tilespmem:$0xE800] =	vst v63  }
.Ltmp4:
0x20c: {  	(pc) =	sbr.rel .LBB2_7-.Ltmp4, $4  }
0x20d: {  	_ = 	snop  }
0x20e: {  	_ =	swait.ge [sflag:s24], $0x2000  }
0x20f: {  	[sflag:s24] =	ssyncset.done $0x0  }
0x210: {  	[sflag:s24] =	ssyncadd.s32 $0xFFFFE000  }
.LBB2_6:
0x211: {  	s0 =	sshrl.u32 s26, $0x2  }
.Ltmp5:
0x212: {  	s1 =	simm.s32 $0x6400;
	s0 =	sadd.s32 $0x100, s0;
	(pc) =	sbr.rel @p0 .LBB2_8-.Ltmp5, $4  }
0x213: {  	[tilespmem:s1], [sflag:$0x1] =	stream.indirect.gather [hbm4b:s4+s23], $0x40, s0, s23, $0xb8;
	[tilespmem:$0xE800] =	vst v63  }
0x214: {  	_ =	swait.ge [sflag:s24], $0x2000  }
0x215: {  	[sflag:s24] =	ssyncset.done $0x0  }
0x216: {  	[sflag:s24] =	ssyncadd.s32 $0xFFFFE000  }
.LBB2_7:
0x217: {  	_ =	swait.ge [sflag:s5], $0x400  }
0x218: {  	[sflag:s5] =	ssyncset.done $0x0  }
0x219: {  	[sflag:s5] =	ssyncadd.s32 $0xFFFFFC00  }
0x21a: {  	_ =	swait.ge [sflag:s5], $0x400  }
0x21b: {  	[sflag:s5] =	ssyncset.done $0x0  }
0x21c: {  	[sflag:s5] =	ssyncadd.s32 $0xFFFFFC00  }
0x21d: {  	_ =	swait.ge [sflag:s5], $0x400  }
0x21e: {  	[sflag:s5] =	ssyncset.done $0x0  }
0x21f: {  	[sflag:s5] =	ssyncadd.s32 $0xFFFFFC00  }
0x220: {  	_ =	swait.ge [sflag:s5], $0x400  }
0x221: {  	[sflag:s5] =	ssyncset.done $0x0  }
0x222: {  	[sflag:s5] =	ssyncadd.s32 $0xFFFFFC00  }
0x223: {  	_ =	swait.ge [sflag:s5], $0x400  }
0x224: {  	[sflag:s5] =	ssyncset.done $0x0  }
0x225: {  	[sflag:s5] =	ssyncadd.s32 $0xFFFFFC00  }
0x226: {  	_ =	swait.ge [sflag:s5], $0x400  }
0x227: {  	[sflag:s5] =	ssyncset.done $0x0  }
0x228: {  	[sflag:s5] =	ssyncadd.s32 $0xFFFFFC00  }
0x229: {  	_ =	swait.ge [sflag:s5], $0x400  }
0x22a: {  	[sflag:s5] =	ssyncset.done $0x0  }
0x22b: {  	[sflag:s5] =	ssyncadd.s32 $0xFFFFFC00  }
0x22c: {  	_ =	swait.ge [sflag:s5], $0x400  }
0x22d: {  	[sflag:s5] =	ssyncset.done $0x0  }
0x22e: {  	[sflag:s5] =	ssyncadd.s32 $0xFFFFFC00  }
.LBB2_8:
0x22f: {  	s0 =	simm.s32 $0x0  }
0x230: {  	v33 =	vmov s0  }
0x231: {  	v33 =	vshrl.u32 v33, $0x3  }
0x232: {  	v33 =	vshll.u32 v33, v1  }
0x233: {  	v33 =	vbroadcast v33, $0x0  }
0x234: {  	s28 =	simm.s32 $0x8500  }
0x235: {  	v34 =	vld [tilespmem:s28+$0xFFFFFF00];
	v35 =	vadd.s32 v0, v33;
	_ =	sdelay $0x4  }
0x236: {  	[tilespmem:v35+s22+$0x0] =	vst.idx.msk $0xffff, v34  }
0x237: {  	v56 =	vadd.s32 v2, v33;
	v34 =	vld [tilespmem:s28+$0xFFFFFF10];
	_ =	sdelay $0x4  }
0x238: {  	[tilespmem:v56+s22+$0x0] =	vst.idx.msk $0xffff, v34  }
0x239: {  	v57 =	vadd.s32 v3, v33;
	v34 =	vld [tilespmem:s28+$0xFFFFFF20];
	_ =	sdelay $0x4  }
0x23a: {  	[tilespmem:v57+s22+$0x0] =	vst.idx.msk $0xffff, v34  }
0x23b: {  	s1 =	simm.s32 $0x1;
	v33 =	vadd.s32 v4, v33;
	v34 =	vld [tilespmem:s28+$0xFFFFFF30]  }
0x23c: {  	v58 =	vmov s1  }
0x23d: {  	v35 =	vshrl.u32 v58, $0x3  }
0x23e: {  	v35 =	vshll.u32 v35, v1  }
0x23f: {  	v35 =	vbroadcast v35, $0x0  }
0x240: {  	[tilespmem:v33+s22+$0x0] =	vst.idx.msk $0xffff, v34  }
0x241: {  	v59 =	vadd.s32 v5, v35;
	v33 =	vld [tilespmem:s28+$0xFFFFFF40];
	_ =	sdelay $0x4  }
0x242: {  	[tilespmem:v59+s22+$0x0] =	vst.idx.msk $0xffff, v33  }
0x243: {  	v60 =	vadd.s32 v6, v35;
	v33 =	vld [tilespmem:s28+$0xFFFFFF50];
	_ =	sdelay $0x4  }
0x244: {  	[tilespmem:v60+s22+$0x0] =	vst.idx.msk $0xffff, v33  }
0x245: {  	v61 =	vadd.s32 v7, v35;
	v33 =	vld [tilespmem:s28+$0xFFFFFF60];
	_ =	sdelay $0x4  }
0x246: {  	[tilespmem:v61+s22+$0x0] =	vst.idx.msk $0xffff, v33  }
0x247: {  	s1 =	simm.s32 $0x2;
	v62 =	vadd.s32 v8, v35;
	v33 =	vld [tilespmem:s28+$0xFFFFFF70]  }
0x248: {  	v63 =	vmov s1  }
0x249: {  	v35 =	vshrl.u32 v63, $0x3  }
0x24a: {  	v35 =	vshll.u32 v35, v1  }
0x24b: {  	v35 =	vbroadcast v35, $0x0  }
0x24c: {  	[tilespmem:v62+s22+$0x0] =	vst.idx.msk $0xffff, v33  }
0x24d: {  	v36 =	vadd.s32 v9, v35;
	v33 =	vld [tilespmem:s28+$0xFFFFFF80];
	_ =	sdelay $0x4  }
0x24e: {  	[tilespmem:v36+s22+$0x0] =	vst.idx.msk $0xffff, v33  }
0x24f: {  	v37 =	vadd.s32 v10, v35;
	v33 =	vld [tilespmem:s28+$0xFFFFFF90];
	_ =	sdelay $0x4  }
0x250: {  	[tilespmem:v37+s22+$0x0] =	vst.idx.msk $0xffff, v33  }
0x251: {  	v38 =	vadd.s32 v11, v35;
	v33 =	vld [tilespmem:s28+$0xFFFFFFA0];
	_ =	sdelay $0x4  }
0x252: {  	[tilespmem:v38+s22+$0x0] =	vst.idx.msk $0xffff, v33  }
0x253: {  	s1 =	simm.s32 $0x3;
	v39 =	vadd.s32 v12, v35;
	v33 =	vld [tilespmem:s28+$0xFFFFFFB0]  }
0x254: {  	v40 =	vmov s1  }
0x255: {  	v35 =	vshrl.u32 v40, $0x3  }
0x256: {  	v35 =	vshll.u32 v35, v1  }
0x257: {  	v35 =	vbroadcast v35, $0x0  }
0x258: {  	[tilespmem:v39+s22+$0x0] =	vst.idx.msk $0xffff, v33  }
0x259: {  	v41 =	vadd.s32 v13, v35;
	v33 =	vld [tilespmem:s28+$0xFFFFFFC0];
	_ =	sdelay $0x4  }
0x25a: {  	[tilespmem:v41+s22+$0x0] =	vst.idx.msk $0xffff, v33  }
0x25b: {  	v42 =	vadd.s32 v14, v35;
	v33 =	vld [tilespmem:s28+$0xFFFFFFD0];
	_ =	sdelay $0x4  }
0x25c: {  	[tilespmem:v42+s22+$0x0] =	vst.idx.msk $0xffff, v33  }
0x25d: {  	v43 =	vadd.s32 v15, v35;
	v33 =	vld [tilespmem:s28+$0xFFFFFFE0];
	_ =	sdelay $0x4  }
0x25e: {  	[tilespmem:v43+s22+$0x0] =	vst.idx.msk $0xffff, v33  }
0x25f: {  	s1 =	simm.s32 $0x4;
	v44 =	vadd.s32 v16, v35;
	v33 =	vld [tilespmem:s28+$0xFFFFFFF0]  }
0x260: {  	v45 =	vmov s1  }
0x261: {  	v35 =	vshrl.u32 v45, $0x3  }
0x262: {  	v35 =	vshll.u32 v35, v1  }
0x263: {  	v35 =	vbroadcast v35, $0x0  }
0x264: {  	[tilespmem:v44+s22+$0x0] =	vst.idx.msk $0xffff, v33  }
0x265: {  	v46 =	vadd.s32 v17, v35;
	v33 =	vld [tilespmem:s28+$0x0];
	_ =	sdelay $0x4  }
0x266: {  	[tilespmem:v46+s22+$0x0] =	vst.idx.msk $0xffff, v33  }
0x267: {  	v47 =	vadd.s32 v18, v35;
	v33 =	vld [tilespmem:s28+$0x10];
	_ =	sdelay $0x4  }
0x268: {  	[tilespmem:v47+s22+$0x0] =	vst.idx.msk $0xffff, v33  }
0x269: {  	v48 =	vadd.s32 v19, v35;
	v33 =	vld [tilespmem:s28+$0x20];
	_ =	sdelay $0x4  }
0x26a: {  	[tilespmem:v48+s22+$0x0] =	vst.idx.msk $0xffff, v33  }
0x26b: {  	s1 =	simm.s32 $0x5;
	v49 =	vadd.s32 v20, v35;
	v33 =	vld [tilespmem:s28+$0x30]  }
0x26c: {  	v50 =	vmov s1  }
0x26d: {  	v35 =	vshrl.u32 v50, $0x3  }
0x26e: {  	v35 =	vshll.u32 v35, v1  }
0x26f: {  	v35 =	vbroadcast v35, $0x0  }
0x270: {  	[tilespmem:v49+s22+$0x0] =	vst.idx.msk $0xffff, v33  }
0x271: {  	v51 =	vadd.s32 v21, v35;
	v33 =	vld [tilespmem:s28+$0x40];
	_ =	sdelay $0x4  }
0x272: {  	[tilespmem:v51+s22+$0x0] =	vst.idx.msk $0xffff, v33  }
0x273: {  	v52 =	vadd.s32 v22, v35;
	v33 =	vld [tilespmem:s28+$0x50];
	_ =	sdelay $0x4  }
0x274: {  	[tilespmem:v52+s22+$0x0] =	vst.idx.msk $0xffff, v33  }
0x275: {  	v53 =	vadd.s32 v23, v35;
	v33 =	vld [tilespmem:s28+$0x60];
	_ =	sdelay $0x4  }
0x276: {  	[tilespmem:v53+s22+$0x0] =	vst.idx.msk $0xffff, v33  }
0x277: {  	s1 =	simm.s32 $0x6;
	v54 =	vadd.s32 v24, v35;
	v33 =	vld [tilespmem:s28+$0x70]  }
0x278: {  	v55 =	vmov s1  }
0x279: {  	v35 =	vshrl.u32 v55, $0x3  }
0x27a: {  	v35 =	vshll.u32 v35, v1  }
0x27b: {  	v35 =	vbroadcast v35, $0x0  }
0x27c: {  	[tilespmem:v54+s22+$0x0] =	vst.idx.msk $0xffff, v33  }
0x27d: {  	v56 =	vadd.s32 v25, v35;
	v33 =	vld [tilespmem:s28+$0x80];
	_ =	sdelay $0x4  }
0x27e: {  	[tilespmem:v56+s22+$0x0] =	vst.idx.msk $0xffff, v33  }
0x27f: {  	v57 =	vadd.s32 v26, v35;
	v33 =	vld [tilespmem:s28+$0x90];
	_ =	sdelay $0x4  }
0x280: {  	[tilespmem:v57+s22+$0x0] =	vst.idx.msk $0xffff, v33  }
0x281: {  	v58 =	vadd.s32 v27, v35;
	v33 =	vld [tilespmem:s28+$0xA0];
	_ =	sdelay $0x4  }
0x282: {  	[tilespmem:v58+s22+$0x0] =	vst.idx.msk $0xffff, v33  }
0x283: {  	s1 =	simm.s32 $0x7;
	v59 =	vadd.s32 v28, v35;
	v33 =	vld [tilespmem:s28+$0xB0]  }
0x284: {  	v60 =	vmov s1  }
0x285: {  	v35 =	vshrl.u32 v60, $0x3  }
0x286: {  	v35 =	vshll.u32 v35, v1  }
0x287: {  	v35 =	vbroadcast v35, $0x0  }
0x288: {  	[tilespmem:v59+s22+$0x0] =	vst.idx.msk $0xffff, v33  }
0x289: {  	v61 =	vadd.s32 v29, v35;
	v33 =	vld [tilespmem:s28+$0xC0];
	_ =	sdelay $0x4  }
0x28a: {  	[tilespmem:v61+s22+$0x0] =	vst.idx.msk $0xffff, v33  }
0x28b: {  	v62 =	vadd.s32 v30, v35;
	v33 =	vld [tilespmem:s28+$0xD0];
	_ =	sdelay $0x4  }
0x28c: {  	[tilespmem:v62+s22+$0x0] =	vst.idx.msk $0xffff, v33  }
0x28d: {  	v63 =	vadd.s32 v31, v35;
	v33 =	vld [tilespmem:s28+$0xE0];
	_ =	sdelay $0x4  }
0x28e: {  	[tilespmem:v63+s22+$0x0] =	vst.idx.msk $0xffff, v33  }
0x28f: {  	s31 =	simm.s32 $0x8;
	v34 =	vadd.s32 v32, v35;
	v33 =	vld [tilespmem:s28+$0xF0]  }
0x290: {  	s0 =	simm.s32 $0x10;
	v35 =	vmov s31  }
.LBB2_9:
0x291: {  	p0 =	slt.u32 s0, $0x78;
	v35 =	vshrl.u32 v35, $0x3  }
0x292: {  	v35 =	vshll.u32 v35, v1  }
0x293: {  	v35 =	vbroadcast v35, $0x0  }
0x294: {  	s28 =	sadd.s32 $0x200, s28;
	[tilespmem:v34+s22+$0x0] =	vst.idx.msk $0xffff, v33  }
0x295: {  	v33 =	vld [tilespmem:s28+$0xFFFFFF00];
	v34 =	vadd.s32 v0, v35;
	_ =	sdelay $0x4  }
0x296: {  	[tilespmem:v34+s22+$0x0] =	vst.idx.msk $0xffff, v33  }
0x297: {  	v34 =	vadd.s32 v2, v35;
	v33 =	vld [tilespmem:s28+$0xFFFFFF10];
	_ =	sdelay $0x4  }
0x298: {  	[tilespmem:v34+s22+$0x0] =	vst.idx.msk $0xffff, v33  }
0x299: {  	v34 =	vadd.s32 v3, v35;
	v33 =	vld [tilespmem:s28+$0xFFFFFF20];
	_ =	sdelay $0x4  }
0x29a: {  	[tilespmem:v34+s22+$0x0] =	vst.idx.msk $0xffff, v33  }
0x29b: {  	s1 =	sadd.s32 $0x1, s31;
	v34 =	vadd.s32 v4, v35;
	v33 =	vld [tilespmem:s28+$0xFFFFFF30]  }
0x29c: {  	v35 =	vmov s1  }
0x29d: {  	v35 =	vshrl.u32 v35, $0x3  }
0x29e: {  	v35 =	vshll.u32 v35, v1  }
0x29f: {  	v35 =	vbroadcast v35, $0x0  }
0x2a0: {  	[tilespmem:v34+s22+$0x0] =	vst.idx.msk $0xffff, v33  }
0x2a1: {  	v34 =	vadd.s32 v5, v35;
	v33 =	vld [tilespmem:s28+$0xFFFFFF40];
	_ =	sdelay $0x4  }
0x2a2: {  	[tilespmem:v34+s22+$0x0] =	vst.idx.msk $0xffff, v33  }
0x2a3: {  	v34 =	vadd.s32 v6, v35;
	v33 =	vld [tilespmem:s28+$0xFFFFFF50];
	_ =	sdelay $0x4  }
0x2a4: {  	[tilespmem:v34+s22+$0x0] =	vst.idx.msk $0xffff, v33  }
0x2a5: {  	v34 =	vadd.s32 v7, v35;
	v33 =	vld [tilespmem:s28+$0xFFFFFF60];
	_ =	sdelay $0x4  }
0x2a6: {  	[tilespmem:v34+s22+$0x0] =	vst.idx.msk $0xffff, v33  }
0x2a7: {  	s1 =	sadd.s32 $0x2, s31;
	v34 =	vadd.s32 v8, v35;
	v33 =	vld [tilespmem:s28+$0xFFFFFF70]  }
0x2a8: {  	v35 =	vmov s1  }
0x2a9: {  	v35 =	vshrl.u32 v35, $0x3  }
0x2aa: {  	v35 =	vshll.u32 v35, v1  }
0x2ab: {  	v35 =	vbroadcast v35, $0x0  }
0x2ac: {  	[tilespmem:v34+s22+$0x0] =	vst.idx.msk $0xffff, v33  }
0x2ad: {  	v34 =	vadd.s32 v9, v35;
	v33 =	vld [tilespmem:s28+$0xFFFFFF80];
	_ =	sdelay $0x4  }
0x2ae: {  	[tilespmem:v34+s22+$0x0] =	vst.idx.msk $0xffff, v33  }
0x2af: {  	v34 =	vadd.s32 v10, v35;
	v33 =	vld [tilespmem:s28+$0xFFFFFF90];
	_ =	sdelay $0x4  }
0x2b0: {  	[tilespmem:v34+s22+$0x0] =	vst.idx.msk $0xffff, v33  }
0x2b1: {  	v34 =	vadd.s32 v11, v35;
	v33 =	vld [tilespmem:s28+$0xFFFFFFA0];
	_ =	sdelay $0x4  }
0x2b2: {  	[tilespmem:v34+s22+$0x0] =	vst.idx.msk $0xffff, v33  }
0x2b3: {  	s1 =	sadd.s32 $0x3, s31;
	v34 =	vadd.s32 v12, v35;
	v33 =	vld [tilespmem:s28+$0xFFFFFFB0]  }
0x2b4: {  	v35 =	vmov s1  }
0x2b5: {  	v35 =	vshrl.u32 v35, $0x3  }
0x2b6: {  	v35 =	vshll.u32 v35, v1  }
0x2b7: {  	v35 =	vbroadcast v35, $0x0  }
0x2b8: {  	[tilespmem:v34+s22+$0x0] =	vst.idx.msk $0xffff, v33  }
0x2b9: {  	v34 =	vadd.s32 v13, v35;
	v33 =	vld [tilespmem:s28+$0xFFFFFFC0];
	_ =	sdelay $0x4  }
0x2ba: {  	[tilespmem:v34+s22+$0x0] =	vst.idx.msk $0xffff, v33  }
0x2bb: {  	v34 =	vadd.s32 v14, v35;
	v33 =	vld [tilespmem:s28+$0xFFFFFFD0];
	_ =	sdelay $0x4  }
0x2bc: {  	[tilespmem:v34+s22+$0x0] =	vst.idx.msk $0xffff, v33  }
0x2bd: {  	v34 =	vadd.s32 v15, v35;
	v33 =	vld [tilespmem:s28+$0xFFFFFFE0];
	_ =	sdelay $0x4  }
0x2be: {  	[tilespmem:v34+s22+$0x0] =	vst.idx.msk $0xffff, v33  }
0x2bf: {  	s1 =	sadd.s32 $0x4, s31;
	v34 =	vadd.s32 v16, v35;
	v33 =	vld [tilespmem:s28+$0xFFFFFFF0]  }
0x2c0: {  	v35 =	vmov s1  }
0x2c1: {  	v35 =	vshrl.u32 v35, $0x3  }
0x2c2: {  	v35 =	vshll.u32 v35, v1  }
0x2c3: {  	v35 =	vbroadcast v35, $0x0  }
0x2c4: {  	[tilespmem:v34+s22+$0x0] =	vst.idx.msk $0xffff, v33  }
0x2c5: {  	v34 =	vadd.s32 v17, v35;
	v33 =	vld [tilespmem:s28+$0x0];
	_ =	sdelay $0x4  }
0x2c6: {  	[tilespmem:v34+s22+$0x0] =	vst.idx.msk $0xffff, v33  }
0x2c7: {  	v34 =	vadd.s32 v18, v35;
	v33 =	vld [tilespmem:s28+$0x10];
	_ =	sdelay $0x4  }
0x2c8: {  	[tilespmem:v34+s22+$0x0] =	vst.idx.msk $0xffff, v33  }
0x2c9: {  	v34 =	vadd.s32 v19, v35;
	v33 =	vld [tilespmem:s28+$0x20];
	_ =	sdelay $0x4  }
0x2ca: {  	[tilespmem:v34+s22+$0x0] =	vst.idx.msk $0xffff, v33  }
0x2cb: {  	s1 =	sadd.s32 $0x5, s31;
	v34 =	vadd.s32 v20, v35;
	v33 =	vld [tilespmem:s28+$0x30]  }
0x2cc: {  	v35 =	vmov s1  }
0x2cd: {  	v35 =	vshrl.u32 v35, $0x3  }
0x2ce: {  	v35 =	vshll.u32 v35, v1  }
0x2cf: {  	v35 =	vbroadcast v35, $0x0  }
0x2d0: {  	[tilespmem:v34+s22+$0x0] =	vst.idx.msk $0xffff, v33  }
0x2d1: {  	v34 =	vadd.s32 v21, v35;
	v33 =	vld [tilespmem:s28+$0x40];
	_ =	sdelay $0x4  }
0x2d2: {  	[tilespmem:v34+s22+$0x0] =	vst.idx.msk $0xffff, v33  }
0x2d3: {  	v34 =	vadd.s32 v22, v35;
	v33 =	vld [tilespmem:s28+$0x50];
	_ =	sdelay $0x4  }
0x2d4: {  	[tilespmem:v34+s22+$0x0] =	vst.idx.msk $0xffff, v33  }
0x2d5: {  	v34 =	vadd.s32 v23, v35;
	v33 =	vld [tilespmem:s28+$0x60];
	_ =	sdelay $0x4  }
0x2d6: {  	[tilespmem:v34+s22+$0x0] =	vst.idx.msk $0xffff, v33  }
0x2d7: {  	s1 =	sadd.s32 $0x6, s31;
	v34 =	vadd.s32 v24, v35;
	v33 =	vld [tilespmem:s28+$0x70]  }
0x2d8: {  	v35 =	vmov s1  }
0x2d9: {  	v35 =	vshrl.u32 v35, $0x3  }
0x2da: {  	v35 =	vshll.u32 v35, v1  }
0x2db: {  	v35 =	vbroadcast v35, $0x0  }
0x2dc: {  	[tilespmem:v34+s22+$0x0] =	vst.idx.msk $0xffff, v33  }
0x2dd: {  	v34 =	vadd.s32 v25, v35;
	v33 =	vld [tilespmem:s28+$0x80];
	_ =	sdelay $0x4  }
0x2de: {  	[tilespmem:v34+s22+$0x0] =	vst.idx.msk $0xffff, v33  }
0x2df: {  	v34 =	vadd.s32 v26, v35;
	v33 =	vld [tilespmem:s28+$0x90];
	_ =	sdelay $0x4  }
0x2e0: {  	[tilespmem:v34+s22+$0x0] =	vst.idx.msk $0xffff, v33  }
0x2e1: {  	v34 =	vadd.s32 v27, v35;
	v33 =	vld [tilespmem:s28+$0xA0];
	_ =	sdelay $0x4  }
0x2e2: {  	[tilespmem:v34+s22+$0x0] =	vst.idx.msk $0xffff, v33  }
0x2e3: {  	s1 =	sadd.s32 $0x7, s31;
	s31 =	smov.u32 s0;
	v34 =	vadd.s32 v28, v35;
	v33 =	vld [tilespmem:s28+$0xB0]  }
0x2e4: {  	v35 =	vmov s1  }
0x2e5: {  	v35 =	vshrl.u32 v35, $0x3  }
0x2e6: {  	v35 =	vshll.u32 v35, v1  }
0x2e7: {  	v35 =	vbroadcast v35, $0x0  }
0x2e8: {  	[tilespmem:v34+s22+$0x0] =	vst.idx.msk $0xffff, v33  }
0x2e9: {  	v34 =	vadd.s32 v29, v35;
	v33 =	vld [tilespmem:s28+$0xC0];
	_ =	sdelay $0x4  }
0x2ea: {  	[tilespmem:v34+s22+$0x0] =	vst.idx.msk $0xffff, v33  }
0x2eb: {  	v34 =	vadd.s32 v30, v35;
	v33 =	vld [tilespmem:s28+$0xD0];
	_ =	sdelay $0x4  }
0x2ec: {  	[tilespmem:v34+s22+$0x0] =	vst.idx.msk $0xffff, v33  }
0x2ed: {  	v34 =	vadd.s32 v31, v35;
	v33 =	vld [tilespmem:s28+$0xE0];
	_ =	sdelay $0x2  }
.Ltmp6:
0x2ee: {  	(pc) =	sbr.rel @p0 .LBB2_9-.Ltmp6, $4  }
0x2ef: {  	_ = 	snop  }
0x2f0: {  	[tilespmem:v34+s22+$0x0] =	vst.idx.msk $0xffff, v33  }
0x2f1: {  	v34 =	vadd.s32 v32, v35;
	v33 =	vld [tilespmem:s28+$0xF0]  }
0x2f2: {  	s0 =	sadd.s32 $0x8, s0;
	v35 =	vmov s31  }
0x2f3: {  	_ = 	snop  }
0x2f4: {  	v35 =	vshrl.u32 v35, $0x3  }
0x2f5: {  	v35 =	vshll.u32 v35, v1  }
0x2f6: {  	v35 =	vbroadcast v35, $0x0  }
0x2f7: {  	s0 =	sadd.s32 $0x200, s28;
	[tilespmem:v34+s22+$0x0] =	vst.idx.msk $0xffff, v33  }
0x2f8: {  	v33 =	vld [tilespmem:s0+$0xFFFFFF00];
	v53 =	vadd.s32 v0, v35;
	_ =	sdelay $0x4  }
0x2f9: {  	[tilespmem:v53+s22+$0x0] =	vst.idx.msk $0xffff, v33  }
0x2fa: {  	v54 =	vadd.s32 v2, v35;
	v33 =	vld [tilespmem:s0+$0xFFFFFF10];
	_ =	sdelay $0x4  }
0x2fb: {  	[tilespmem:v54+s22+$0x0] =	vst.idx.msk $0xffff, v33  }
0x2fc: {  	v55 =	vadd.s32 v3, v35;
	v33 =	vld [tilespmem:s0+$0xFFFFFF20];
	_ =	sdelay $0x4  }
0x2fd: {  	[tilespmem:v55+s22+$0x0] =	vst.idx.msk $0xffff, v33  }
0x2fe: {  	s1 =	sadd.s32 $0x1, s31;
	v56 =	vadd.s32 v4, v35;
	v33 =	vld [tilespmem:s0+$0xFFFFFF30]  }
0x2ff: {  	v57 =	vmov s1  }
0x300: {  	v35 =	vshrl.u32 v57, $0x3  }
0x301: {  	v35 =	vshll.u32 v35, v1  }
0x302: {  	v35 =	vbroadcast v35, $0x0  }
0x303: {  	[tilespmem:v56+s22+$0x0] =	vst.idx.msk $0xffff, v33  }
0x304: {  	v58 =	vadd.s32 v5, v35;
	v33 =	vld [tilespmem:s0+$0xFFFFFF40];
	_ =	sdelay $0x4  }
0x305: {  	[tilespmem:v58+s22+$0x0] =	vst.idx.msk $0xffff, v33  }
0x306: {  	v59 =	vadd.s32 v6, v35;
	v33 =	vld [tilespmem:s0+$0xFFFFFF50];
	_ =	sdelay $0x4  }
0x307: {  	[tilespmem:v59+s22+$0x0] =	vst.idx.msk $0xffff, v33  }
0x308: {  	v60 =	vadd.s32 v7, v35;
	v33 =	vld [tilespmem:s0+$0xFFFFFF60];
	_ =	sdelay $0x4  }
0x309: {  	[tilespmem:v60+s22+$0x0] =	vst.idx.msk $0xffff, v33  }
0x30a: {  	s28 =	sadd.s32 $0x2, s31;
	v61 =	vadd.s32 v8, v35;
	v33 =	vld [tilespmem:s0+$0xFFFFFF70]  }
0x30b: {  	v62 =	vmov s28  }
0x30c: {  	v35 =	vshrl.u32 v62, $0x3  }
0x30d: {  	v35 =	vshll.u32 v35, v1  }
0x30e: {  	v35 =	vbroadcast v35, $0x0  }
0x30f: {  	[tilespmem:v61+s22+$0x0] =	vst.idx.msk $0xffff, v33  }
0x310: {  	v63 =	vadd.s32 v9, v35;
	v33 =	vld [tilespmem:s0+$0xFFFFFF80];
	_ =	sdelay $0x4  }
0x311: {  	[tilespmem:v63+s22+$0x0] =	vst.idx.msk $0xffff, v33  }
0x312: {  	v36 =	vadd.s32 v10, v35;
	v33 =	vld [tilespmem:s0+$0xFFFFFF90];
	_ =	sdelay $0x4  }
0x313: {  	[tilespmem:v36+s22+$0x0] =	vst.idx.msk $0xffff, v33  }
0x314: {  	v37 =	vadd.s32 v11, v35;
	v33 =	vld [tilespmem:s0+$0xFFFFFFA0];
	_ =	sdelay $0x4  }
0x315: {  	[tilespmem:v37+s22+$0x0] =	vst.idx.msk $0xffff, v33  }
0x316: {  	s28 =	sadd.s32 $0x3, s31;
	v38 =	vadd.s32 v12, v35;
	v33 =	vld [tilespmem:s0+$0xFFFFFFB0]  }
0x317: {  	v39 =	vmov s28  }
0x318: {  	v35 =	vshrl.u32 v39, $0x3  }
0x319: {  	v35 =	vshll.u32 v35, v1  }
0x31a: {  	v35 =	vbroadcast v35, $0x0  }
0x31b: {  	[tilespmem:v38+s22+$0x0] =	vst.idx.msk $0xffff, v33  }
0x31c: {  	v40 =	vadd.s32 v13, v35;
	v33 =	vld [tilespmem:s0+$0xFFFFFFC0];
	_ =	sdelay $0x4  }
0x31d: {  	[tilespmem:v40+s22+$0x0] =	vst.idx.msk $0xffff, v33  }
0x31e: {  	v41 =	vadd.s32 v14, v35;
	v33 =	vld [tilespmem:s0+$0xFFFFFFD0];
	_ =	sdelay $0x4  }
0x31f: {  	[tilespmem:v41+s22+$0x0] =	vst.idx.msk $0xffff, v33  }
0x320: {  	v42 =	vadd.s32 v15, v35;
	v33 =	vld [tilespmem:s0+$0xFFFFFFE0];
	_ =	sdelay $0x4  }
0x321: {  	[tilespmem:v42+s22+$0x0] =	vst.idx.msk $0xffff, v33  }
0x322: {  	s28 =	sadd.s32 $0x4, s31;
	v43 =	vadd.s32 v16, v35;
	v33 =	vld [tilespmem:s0+$0xFFFFFFF0]  }
0x323: {  	v44 =	vmov s28  }
0x324: {  	v35 =	vshrl.u32 v44, $0x3  }
0x325: {  	v35 =	vshll.u32 v35, v1  }
0x326: {  	v35 =	vbroadcast v35, $0x0  }
0x327: {  	[tilespmem:v43+s22+$0x0] =	vst.idx.msk $0xffff, v33  }
0x328: {  	v45 =	vadd.s32 v17, v35;
	v33 =	vld [tilespmem:s0+$0x0];
	_ =	sdelay $0x4  }
0x329: {  	[tilespmem:v45+s22+$0x0] =	vst.idx.msk $0xffff, v33  }
0x32a: {  	v46 =	vadd.s32 v18, v35;
	v33 =	vld [tilespmem:s0+$0x10];
	_ =	sdelay $0x4  }
0x32b: {  	[tilespmem:v46+s22+$0x0] =	vst.idx.msk $0xffff, v33  }
0x32c: {  	v47 =	vadd.s32 v19, v35;
	v33 =	vld [tilespmem:s0+$0x20];
	_ =	sdelay $0x4  }
0x32d: {  	[tilespmem:v47+s22+$0x0] =	vst.idx.msk $0xffff, v33  }
0x32e: {  	s28 =	sadd.s32 $0x5, s31;
	v48 =	vadd.s32 v20, v35;
	v33 =	vld [tilespmem:s0+$0x30]  }
0x32f: {  	v49 =	vmov s28  }
0x330: {  	v35 =	vshrl.u32 v49, $0x3  }
0x331: {  	v35 =	vshll.u32 v35, v1  }
0x332: {  	v35 =	vbroadcast v35, $0x0  }
0x333: {  	[tilespmem:v48+s22+$0x0] =	vst.idx.msk $0xffff, v33  }
0x334: {  	v50 =	vadd.s32 v21, v35;
	v33 =	vld [tilespmem:s0+$0x40];
	_ =	sdelay $0x4  }
0x335: {  	[tilespmem:v50+s22+$0x0] =	vst.idx.msk $0xffff, v33  }
0x336: {  	v51 =	vadd.s32 v22, v35;
	v33 =	vld [tilespmem:s0+$0x50];
	_ =	sdelay $0x4  }
0x337: {  	[tilespmem:v51+s22+$0x0] =	vst.idx.msk $0xffff, v33  }
0x338: {  	v52 =	vadd.s32 v23, v35;
	v33 =	vld [tilespmem:s0+$0x60];
	_ =	sdelay $0x4  }
0x339: {  	[tilespmem:v52+s22+$0x0] =	vst.idx.msk $0xffff, v33  }
0x33a: {  	s28 =	sadd.s32 $0x6, s31;
	v53 =	vadd.s32 v24, v35;
	v33 =	vld [tilespmem:s0+$0x70]  }
0x33b: {  	v54 =	vmov s28  }
0x33c: {  	v35 =	vshrl.u32 v54, $0x3  }
0x33d: {  	v35 =	vshll.u32 v35, v1  }
0x33e: {  	v35 =	vbroadcast v35, $0x0  }
0x33f: {  	[tilespmem:v53+s22+$0x0] =	vst.idx.msk $0xffff, v33  }
0x340: {  	v55 =	vadd.s32 v25, v35;
	v33 =	vld [tilespmem:s0+$0x80];
	_ =	sdelay $0x4  }
0x341: {  	[tilespmem:v55+s22+$0x0] =	vst.idx.msk $0xffff, v33  }
0x342: {  	v56 =	vadd.s32 v26, v35;
	v33 =	vld [tilespmem:s0+$0x90];
	_ =	sdelay $0x4  }
0x343: {  	[tilespmem:v56+s22+$0x0] =	vst.idx.msk $0xffff, v33  }
0x344: {  	v57 =	vadd.s32 v27, v35;
	v33 =	vld [tilespmem:s0+$0xA0];
	_ =	sdelay $0x4  }
0x345: {  	[tilespmem:v57+s22+$0x0] =	vst.idx.msk $0xffff, v33  }
0x346: {  	s28 =	sadd.s32 $0x7, s31;
	v58 =	vadd.s32 v28, v35;
	v33 =	vld [tilespmem:s0+$0xB0]  }
0x347: {  	v59 =	vmov s28  }
0x348: {  	v35 =	vshrl.u32 v59, $0x3  }
0x349: {  	v35 =	vshll.u32 v35, v1  }
0x34a: {  	v35 =	vbroadcast v35, $0x0  }
0x34b: {  	[tilespmem:v58+s22+$0x0] =	vst.idx.msk $0xffff, v33  }
0x34c: {  	v60 =	vadd.s32 v29, v35;
	v33 =	vld [tilespmem:s0+$0xC0];
	_ =	sdelay $0x4  }
0x34d: {  	[tilespmem:v60+s22+$0x0] =	vst.idx.msk $0xffff, v33  }
0x34e: {  	v61 =	vadd.s32 v30, v35;
	v33 =	vld [tilespmem:s0+$0xD0];
	_ =	sdelay $0x4  }
0x34f: {  	[tilespmem:v61+s22+$0x0] =	vst.idx.msk $0xffff, v33  }
0x350: {  	v62 =	vadd.s32 v31, v35;
	v33 =	vld [tilespmem:s0+$0xE0];
	_ =	sdelay $0x4  }
0x351: {  	[tilespmem:v62+s22+$0x0] =	vst.idx.msk $0xffff, v33  }
0x352: {  	v63 =	vadd.s32 v32, v35;
	v33 =	vld [tilespmem:s0+$0xF0];
	_ =	sdelay $0x4  }
0x353: {  	s0 =	sadd.s32 s2, s14;
	[tilespmem:v63+s22+$0x0] =	vst.idx.msk $0xffff, v33  }
0x354: {  	[hbm4b:s0+s3] =	stream.linear.scatter [tilespmem:s22], [sflag:$0x4], $0x80, $0x38;
	[tilespmem:$0xE800] =	vst v63  }
0x355: {  	s31 =	simm.s32 $0xC688;
	s1 =	sadd.s32 $0x10, s0  }
0x356: {  	[hbm4b:s1+s3] =	stream.linear.scatter [tilespmem:s31], [sflag:$0x4], $0x80, $0x38;
	[tilespmem:$0xE800] =	vst v63  }
0x357: {  	s1 =	sadd.s32 $0x20, s0;
	s31 =	simm.s32 $0xC710  }
0x358: {  	[hbm4b:s1+s3] =	stream.linear.scatter [tilespmem:s31], [sflag:$0x4], $0x80, $0x38;
	[tilespmem:$0xE800] =	vst v63  }
0x359: {  	s1 =	sadd.s32 $0x30, s0;
	s31 =	simm.s32 $0xC798  }
0x35a: {  	[hbm4b:s1+s3] =	stream.linear.scatter [tilespmem:s31], [sflag:$0x4], $0x80, $0x38;
	[tilespmem:$0xE800] =	vst v63  }
0x35b: {  	s1 =	sadd.s32 $0x40, s0;
	s31 =	simm.s32 $0xC820  }
0x35c: {  	[hbm4b:s1+s3] =	stream.linear.scatter [tilespmem:s31], [sflag:$0x4], $0x80, $0x38;
	[tilespmem:$0xE800] =	vst v63  }
0x35d: {  	s1 =	sadd.s32 $0x50, s0;
	s31 =	simm.s32 $0xC8A8  }
0x35e: {  	[hbm4b:s1+s3] =	stream.linear.scatter [tilespmem:s31], [sflag:$0x4], $0x80, $0x38;
	[tilespmem:$0xE800] =	vst v63  }
0x35f: {  	s1 =	sadd.s32 $0x60, s0;
	s31 =	simm.s32 $0xC930  }
0x360: {  	[hbm4b:s1+s3] =	stream.linear.scatter [tilespmem:s31], [sflag:$0x4], $0x80, $0x38;
	[tilespmem:$0xE800] =	vst v63  }
0x361: {  	s0 =	sadd.s32 $0x70, s0;
	s31 =	simm.s32 $0xC9B8  }
0x362: {  	[hbm4b:s0+s3] =	stream.linear.scatter [tilespmem:s31], [sflag:$0x4], $0x80, $0x38;
	[tilespmem:$0xE800] =	vst v63  }
0x363: {  	s28 =	simm.s32 $0xCA40;
	s0 =	sadd.s32 s2, s15  }
0x364: {  	[hbm4b:s0+s3] =	stream.linear.scatter [tilespmem:s28], [sflag:$0x4], $0x80, $0x38;
	[tilespmem:$0xE800] =	vst v63  }
0x365: {  	s31 =	simm.s32 $0xCAC8;
	s1 =	sadd.s32 $0x10, s0  }
0x366: {  	[hbm4b:s1+s3] =	stream.linear.scatter [tilespmem:s31], [sflag:$0x4], $0x80, $0x38;
	[tilespmem:$0xE800] =	vst v63  }
0x367: {  	s1 =	sadd.s32 $0x20, s0;
	s31 =	simm.s32 $0xCB50  }
0x368: {  	[hbm4b:s1+s3] =	stream.linear.scatter [tilespmem:s31], [sflag:$0x4], $0x80, $0x38;
	[tilespmem:$0xE800] =	vst v63  }
0x369: {  	s1 =	sadd.s32 $0x30, s0;
	s31 =	simm.s32 $0xCBD8  }
0x36a: {  	[hbm4b:s1+s3] =	stream.linear.scatter [tilespmem:s31], [sflag:$0x4], $0x80, $0x38;
	[tilespmem:$0xE800] =	vst v63  }
0x36b: {  	s1 =	sadd.s32 $0x40, s0;
	s31 =	simm.s32 $0xCC60  }
0x36c: {  	[hbm4b:s1+s3] =	stream.linear.scatter [tilespmem:s31], [sflag:$0x4], $0x80, $0x38;
	[tilespmem:$0xE800] =	vst v63  }
0x36d: {  	s1 =	sadd.s32 $0x50, s0;
	s31 =	simm.s32 $0xCCE8  }
0x36e: {  	[hbm4b:s1+s3] =	stream.linear.scatter [tilespmem:s31], [sflag:$0x4], $0x80, $0x38;
	[tilespmem:$0xE800] =	vst v63  }
0x36f: {  	s1 =	sadd.s32 $0x60, s0;
	s31 =	simm.s32 $0xCD70  }
0x370: {  	[hbm4b:s1+s3] =	stream.linear.scatter [tilespmem:s31], [sflag:$0x4], $0x80, $0x38;
	[tilespmem:$0xE800] =	vst v63  }
0x371: {  	s0 =	sadd.s32 $0x70, s0;
	s31 =	simm.s32 $0xCDF8  }
0x372: {  	[hbm4b:s0+s3] =	stream.linear.scatter [tilespmem:s31], [sflag:$0x4], $0x80, $0x38;
	[tilespmem:$0xE800] =	vst v63  }
0x373: {  	s28 =	simm.s32 $0xCE80;
	s0 =	sadd.s32 s2, s16  }
0x374: {  	[hbm4b:s0+s3] =	stream.linear.scatter [tilespmem:s28], [sflag:$0x4], $0x80, $0x38;
	[tilespmem:$0xE800] =	vst v63  }
0x375: {  	s31 =	simm.s32 $0xCF08;
	s1 =	sadd.s32 $0x10, s0  }
0x376: {  	[hbm4b:s1+s3] =	stream.linear.scatter [tilespmem:s31], [sflag:$0x4], $0x80, $0x38;
	[tilespmem:$0xE800] =	vst v63  }
0x377: {  	s1 =	sadd.s32 $0x20, s0;
	s31 =	simm.s32 $0xCF90  }
0x378: {  	[hbm4b:s1+s3] =	stream.linear.scatter [tilespmem:s31], [sflag:$0x4], $0x80, $0x38;
	[tilespmem:$0xE800] =	vst v63  }
0x379: {  	s1 =	sadd.s32 $0x30, s0;
	s31 =	simm.s32 $0xD018  }
0x37a: {  	[hbm4b:s1+s3] =	stream.linear.scatter [tilespmem:s31], [sflag:$0x4], $0x80, $0x38;
	[tilespmem:$0xE800] =	vst v63  }
0x37b: {  	s1 =	sadd.s32 $0x40, s0;
	s31 =	simm.s32 $0xD0A0  }
0x37c: {  	[hbm4b:s1+s3] =	stream.linear.scatter [tilespmem:s31], [sflag:$0x4], $0x80, $0x38;
	[tilespmem:$0xE800] =	vst v63  }
0x37d: {  	s1 =	sadd.s32 $0x50, s0;
	s31 =	simm.s32 $0xD128  }
0x37e: {  	[hbm4b:s1+s3] =	stream.linear.scatter [tilespmem:s31], [sflag:$0x4], $0x80, $0x38;
	[tilespmem:$0xE800] =	vst v63  }
0x37f: {  	s1 =	sadd.s32 $0x60, s0;
	s31 =	simm.s32 $0xD1B0  }
0x380: {  	[hbm4b:s1+s3] =	stream.linear.scatter [tilespmem:s31], [sflag:$0x4], $0x80, $0x38;
	[tilespmem:$0xE800] =	vst v63  }
0x381: {  	s0 =	sadd.s32 $0x70, s0;
	s31 =	simm.s32 $0xD238  }
0x382: {  	[hbm4b:s0+s3] =	stream.linear.scatter [tilespmem:s31], [sflag:$0x4], $0x80, $0x38;
	[tilespmem:$0xE800] =	vst v63  }
0x383: {  	s28 =	simm.s32 $0xD2C0;
	s0 =	sadd.s32 s2, s17  }
0x384: {  	[hbm4b:s0+s3] =	stream.linear.scatter [tilespmem:s28], [sflag:$0x4], $0x80, $0x38;
	[tilespmem:$0xE800] =	vst v63  }
0x385: {  	s31 =	simm.s32 $0xD348;
	s1 =	sadd.s32 $0x10, s0  }
0x386: {  	[hbm4b:s1+s3] =	stream.linear.scatter [tilespmem:s31], [sflag:$0x4], $0x80, $0x38;
	[tilespmem:$0xE800] =	vst v63  }
0x387: {  	s1 =	sadd.s32 $0x20, s0;
	s31 =	simm.s32 $0xD3D0  }
0x388: {  	[hbm4b:s1+s3] =	stream.linear.scatter [tilespmem:s31], [sflag:$0x4], $0x80, $0x38;
	[tilespmem:$0xE800] =	vst v63  }
0x389: {  	s1 =	sadd.s32 $0x30, s0;
	s31 =	simm.s32 $0xD458  }
0x38a: {  	[hbm4b:s1+s3] =	stream.linear.scatter [tilespmem:s31], [sflag:$0x4], $0x80, $0x38;
	[tilespmem:$0xE800] =	vst v63  }
0x38b: {  	s1 =	sadd.s32 $0x40, s0;
	s31 =	simm.s32 $0xD4E0  }
0x38c: {  	[hbm4b:s1+s3] =	stream.linear.scatter [tilespmem:s31], [sflag:$0x4], $0x80, $0x38;
	[tilespmem:$0xE800] =	vst v63  }
0x38d: {  	s1 =	sadd.s32 $0x50, s0;
	s31 =	simm.s32 $0xD568  }
0x38e: {  	[hbm4b:s1+s3] =	stream.linear.scatter [tilespmem:s31], [sflag:$0x4], $0x80, $0x38;
	[tilespmem:$0xE800] =	vst v63  }
0x38f: {  	s1 =	sadd.s32 $0x60, s0;
	s31 =	simm.s32 $0xD5F0  }
0x390: {  	[hbm4b:s1+s3] =	stream.linear.scatter [tilespmem:s31], [sflag:$0x4], $0x80, $0x38;
	[tilespmem:$0xE800] =	vst v63  }
0x391: {  	s0 =	sadd.s32 $0x70, s0;
	s31 =	simm.s32 $0xD678  }
0x392: {  	[hbm4b:s0+s3] =	stream.linear.scatter [tilespmem:s31], [sflag:$0x4], $0x80, $0x38;
	[tilespmem:$0xE800] =	vst v63  }
0x393: {  	s28 =	simm.s32 $0xD700;
	s0 =	sadd.s32 s2, s18  }
0x394: {  	[hbm4b:s0+s3] =	stream.linear.scatter [tilespmem:s28], [sflag:$0x4], $0x80, $0x38;
	[tilespmem:$0xE800] =	vst v63  }
0x395: {  	s31 =	simm.s32 $0xD788;
	s1 =	sadd.s32 $0x10, s0  }
0x396: {  	[hbm4b:s1+s3] =	stream.linear.scatter [tilespmem:s31], [sflag:$0x4], $0x80, $0x38;
	[tilespmem:$0xE800] =	vst v63  }
0x397: {  	s1 =	sadd.s32 $0x20, s0;
	s31 =	simm.s32 $0xD810  }
0x398: {  	[hbm4b:s1+s3] =	stream.linear.scatter [tilespmem:s31], [sflag:$0x4], $0x80, $0x38;
	[tilespmem:$0xE800] =	vst v63  }
0x399: {  	s1 =	sadd.s32 $0x30, s0;
	s31 =	simm.s32 $0xD898  }
0x39a: {  	[hbm4b:s1+s3] =	stream.linear.scatter [tilespmem:s31], [sflag:$0x4], $0x80, $0x38;
	[tilespmem:$0xE800] =	vst v63  }
0x39b: {  	s1 =	sadd.s32 $0x40, s0;
	s31 =	simm.s32 $0xD920  }
0x39c: {  	[hbm4b:s1+s3] =	stream.linear.scatter [tilespmem:s31], [sflag:$0x4], $0x80, $0x38;
	[tilespmem:$0xE800] =	vst v63  }
0x39d: {  	s1 =	sadd.s32 $0x50, s0;
	s31 =	simm.s32 $0xD9A8  }
0x39e: {  	[hbm4b:s1+s3] =	stream.linear.scatter [tilespmem:s31], [sflag:$0x4], $0x80, $0x38;
	[tilespmem:$0xE800] =	vst v63  }
0x39f: {  	s1 =	sadd.s32 $0x60, s0;
	s31 =	simm.s32 $0xDA30  }
0x3a0: {  	[hbm4b:s1+s3] =	stream.linear.scatter [tilespmem:s31], [sflag:$0x4], $0x80, $0x38;
	[tilespmem:$0xE800] =	vst v63  }
0x3a1: {  	s0 =	sadd.s32 $0x70, s0;
	s31 =	simm.s32 $0xDAB8  }
0x3a2: {  	[hbm4b:s0+s3] =	stream.linear.scatter [tilespmem:s31], [sflag:$0x4], $0x80, $0x38;
	[tilespmem:$0xE800] =	vst v63  }
0x3a3: {  	s28 =	simm.s32 $0xDB40;
	s0 =	sadd.s32 s2, s19  }
0x3a4: {  	[hbm4b:s0+s3] =	stream.linear.scatter [tilespmem:s28], [sflag:$0x4], $0x80, $0x38;
	[tilespmem:$0xE800] =	vst v63  }
0x3a5: {  	s31 =	simm.s32 $0xDBC8;
	s1 =	sadd.s32 $0x10, s0  }
0x3a6: {  	[hbm4b:s1+s3] =	stream.linear.scatter [tilespmem:s31], [sflag:$0x4], $0x80, $0x38;
	[tilespmem:$0xE800] =	vst v63  }
0x3a7: {  	s1 =	sadd.s32 $0x20, s0;
	s31 =	simm.s32 $0xDC50  }
0x3a8: {  	[hbm4b:s1+s3] =	stream.linear.scatter [tilespmem:s31], [sflag:$0x4], $0x80, $0x38;
	[tilespmem:$0xE800] =	vst v63  }
0x3a9: {  	s1 =	sadd.s32 $0x30, s0;
	s31 =	simm.s32 $0xDCD8  }
0x3aa: {  	[hbm4b:s1+s3] =	stream.linear.scatter [tilespmem:s31], [sflag:$0x4], $0x80, $0x38;
	[tilespmem:$0xE800] =	vst v63  }
0x3ab: {  	s1 =	sadd.s32 $0x40, s0;
	s31 =	simm.s32 $0xDD60  }
0x3ac: {  	[hbm4b:s1+s3] =	stream.linear.scatter [tilespmem:s31], [sflag:$0x4], $0x80, $0x38;
	[tilespmem:$0xE800] =	vst v63  }
0x3ad: {  	s1 =	sadd.s32 $0x50, s0;
	s31 =	simm.s32 $0xDDE8  }
0x3ae: {  	[hbm4b:s1+s3] =	stream.linear.scatter [tilespmem:s31], [sflag:$0x4], $0x80, $0x38;
	[tilespmem:$0xE800] =	vst v63  }
0x3af: {  	s1 =	sadd.s32 $0x60, s0;
	s31 =	simm.s32 $0xDE70  }
0x3b0: {  	[hbm4b:s1+s3] =	stream.linear.scatter [tilespmem:s31], [sflag:$0x4], $0x80, $0x38;
	[tilespmem:$0xE800] =	vst v63  }
0x3b1: {  	s0 =	sadd.s32 $0x70, s0;
	s31 =	simm.s32 $0xDEF8  }
0x3b2: {  	[hbm4b:s0+s3] =	stream.linear.scatter [tilespmem:s31], [sflag:$0x4], $0x80, $0x38;
	[tilespmem:$0xE800] =	vst v63  }
0x3b3: {  	s28 =	simm.s32 $0xDF80;
	s0 =	sadd.s32 s2, s20  }
0x3b4: {  	[hbm4b:s0+s3] =	stream.linear.scatter [tilespmem:s28], [sflag:$0x4], $0x80, $0x38;
	[tilespmem:$0xE800] =	vst v63  }
0x3b5: {  	s31 =	simm.s32 $0xE008;
	s1 =	sadd.s32 $0x10, s0  }
0x3b6: {  	[hbm4b:s1+s3] =	stream.linear.scatter [tilespmem:s31], [sflag:$0x4], $0x80, $0x38;
	[tilespmem:$0xE800] =	vst v63  }
0x3b7: {  	s1 =	sadd.s32 $0x20, s0;
	s31 =	simm.s32 $0xE090  }
0x3b8: {  	[hbm4b:s1+s3] =	stream.linear.scatter [tilespmem:s31], [sflag:$0x4], $0x80, $0x38;
	[tilespmem:$0xE800] =	vst v63  }
0x3b9: {  	s1 =	sadd.s32 $0x30, s0;
	s31 =	simm.s32 $0xE118  }
0x3ba: {  	[hbm4b:s1+s3] =	stream.linear.scatter [tilespmem:s31], [sflag:$0x4], $0x80, $0x38;
	[tilespmem:$0xE800] =	vst v63  }
0x3bb: {  	s1 =	sadd.s32 $0x40, s0;
	s31 =	simm.s32 $0xE1A0  }
0x3bc: {  	[hbm4b:s1+s3] =	stream.linear.scatter [tilespmem:s31], [sflag:$0x4], $0x80, $0x38;
	[tilespmem:$0xE800] =	vst v63  }
0x3bd: {  	s1 =	sadd.s32 $0x50, s0;
	s31 =	simm.s32 $0xE228  }
0x3be: {  	[hbm4b:s1+s3] =	stream.linear.scatter [tilespmem:s31], [sflag:$0x4], $0x80, $0x38;
	[tilespmem:$0xE800] =	vst v63  }
0x3bf: {  	s1 =	sadd.s32 $0x60, s0;
	s31 =	simm.s32 $0xE2B0  }
0x3c0: {  	[hbm4b:s1+s3] =	stream.linear.scatter [tilespmem:s31], [sflag:$0x4], $0x80, $0x38;
	[tilespmem:$0xE800] =	vst v63  }
0x3c1: {  	s0 =	sadd.s32 $0x70, s0;
	s31 =	simm.s32 $0xE338  }
0x3c2: {  	[hbm4b:s0+s3] =	stream.linear.scatter [tilespmem:s31], [sflag:$0x4], $0x80, $0x38;
	[tilespmem:$0xE800] =	vst v63  }
0x3c3: {  	s0 =	sadd.s32 s2, s21;
	s2 =	simm.s32 $0xE3C0  }
0x3c4: {  	[hbm4b:s0+s3] =	stream.linear.scatter [tilespmem:s2], [sflag:$0x4], $0x80, $0x38;
	[tilespmem:$0xE800] =	vst v63  }
0x3c5: {  	s31 =	simm.s32 $0xE448;
	s28 =	sadd.s32 $0x10, s0  }
0x3c6: {  	[hbm4b:s28+s3] =	stream.linear.scatter [tilespmem:s31], [sflag:$0x4], $0x80, $0x38;
	[tilespmem:$0xE800] =	vst v63  }
0x3c7: {  	s28 =	sadd.s32 $0x20, s0;
	s31 =	simm.s32 $0xE4D0  }
0x3c8: {  	[hbm4b:s28+s3] =	stream.linear.scatter [tilespmem:s31], [sflag:$0x4], $0x80, $0x38;
	[tilespmem:$0xE800] =	vst v63  }
0x3c9: {  	s28 =	sadd.s32 $0x30, s0;
	s31 =	simm.s32 $0xE558  }
0x3ca: {  	[hbm4b:s28+s3] =	stream.linear.scatter [tilespmem:s31], [sflag:$0x4], $0x80, $0x38;
	[tilespmem:$0xE800] =	vst v63  }
0x3cb: {  	s28 =	sadd.s32 $0x40, s0;
	s31 =	simm.s32 $0xE5E0  }
0x3cc: {  	[hbm4b:s28+s3] =	stream.linear.scatter [tilespmem:s31], [sflag:$0x4], $0x80, $0x38;
	[tilespmem:$0xE800] =	vst v63  }
0x3cd: {  	p0 =	seq.s32 s25, $0x63;
	s28 =	sadd.s32 $0x50, s0;
	s31 =	simm.s32 $0xE668  }
0x3ce: {  	[hbm4b:s28+s3] =	stream.linear.scatter [tilespmem:s31], [sflag:$0x4], $0x80, $0x38;
	[tilespmem:$0xE800] =	vst v63  }
.Ltmp7:
0x3cf: {  	_ = 	snop;
	(pc) =	sbr.rel @p0 .LBB2_12-.Ltmp7, $4  }
0x3d0: {  	s2 =	sadd.s32 $0x60, s0;
	s28 =	simm.s32 $0xE6F0  }
0x3d1: {  	[hbm4b:s2+s3] =	stream.linear.scatter [tilespmem:s28], [sflag:$0x4], $0x80, $0x38;
	[tilespmem:$0xE800] =	vst v63  }
0x3d2: {  	s0 =	sadd.s32 $0x70, s0;
	s31 =	simm.s32 $0xE778  }
0x3d3: {  	[hbm4b:s0+s3] =	stream.linear.scatter [tilespmem:s31], [sflag:$0x4], $0x80, $0x38;
	[tilespmem:$0xE800] =	vst v63  }
.Ltmp8:
0x3d4: {  	(pc) =	sbr.rel .LBB2_2-.Ltmp8, $4  }
0x3d5: {  	_ = 	snop  }
0x3d6: {  	s0 =	sshrl.u32 s26, $0x2  }
0x3d7: {  	s1 =	simm.s32 $0x8400;
	s25 =	sadd.s32 $0x1, s25;
	s0 =	sadd.s32 $0x180, s0  }
0x3d8: {  	[tilespmem:s1], [sflag:$0x2] =	stream.indirect.gather [hbm4b:s4+s23], $0x40, s0, s23, $0xb8;
	[tilespmem:$0xE800] =	vst v63  }
.LBB2_13:
0x3d9: {  	_ =	sfence.sel $0x180000  }
0x3da: {  	[bflag:$0x0] =	sbarrier.arrive $0xFFFF  }
0x3db: {  	_ =	strace $0x90000047  }
0x3dc: {  	s0 =	stileid.u32;
	[bflag:$0x2] =	sbarrier.arrive $0xFFFF  }
0x3dd: {  	p0 =	sne.s32 s0, $0x0;
	s0 =	rddreg [dreg:$0x2]  }
0x3de: {  	s0 =	sadd.s32 @!p0 $0x100000, s0  }
0x3df: {  	[sflag:s0] =	ssyncadd.tile.s32 @!p0 $0x1;
	_ =	shalt  }
.Lfunc_end2:
_tile_overlayer_lowered:
.L_overlay_start_2:
0x3e0: {  	(tag) =	ssettag $0x2  }
0x3e1: {  	s0 =	rddreg [dreg:$0x0];
	s2 =	stileid.u32  }
0x3e2: {  	s1 =	rddreg [dreg:$0x1];
	p0 =	sne.s32 s2, $0x0  }
0x3e3: {  	s3 =	rddreg [dreg:$0x2];
	[bflag:$0x3] =	sbarrier.arrive $0xFFFF;
	s2 =	simm.s32 @!p0 $0x1C05  }
0x3e4: {  	[timem:s3], [sflag:s2] =	dma.local @!p0 [hbm:s0], s1  }
0x3e5: {  	s0 =	simm.s32 @!p0 $0x5  }
0x3e6: {  	_ =	swait.ge @!p0 [sflag:s0], s1  }
0x3e7: {  	s1 =	ssub.s32 @!p0 $0x0, s1;
	[sflag:s0] =	ssyncset.done @!p0 $0x0  }
0x3e8: {  	[sflag:s0] =	ssyncadd.s32 @!p0 s1  }
0x3e9: {  	[bflag:$0x3] =	sbarrier.arrive $0xFFFF  }
0x3ea: {  	_ =	shalt  }

</sc_bundles>
